<compile_context>
chip_gen: v7x
topology: tpu7x:2x2x1
jax: 0.10.2.dev20260603
libtpu: 0.0.44.dev20260713+nightly
codegen_flags: <defaults>
</compile_context>

<pallas_src>
import functools

import jax
import jax.numpy as jnp
from jax import lax
from jax.experimental import pallas as pl
from jax.experimental.pallas import tpu as pltpu
from jax.experimental.pallas import tpu_sc as plsc

SEQ = 2048
D = 768
WDIM = 20
NWIN = 8
NSPAN = NWIN * SEQ - (NWIN * (NWIN - 1)) // 2
OUTD = 2 * D + WDIM
R = 64
CHUNKS_PER_WORKER = 8


def _build():
    info = plsc.get_sparse_core_info()
    nc = info.num_cores

    mesh = plsc.VectorSubcoreMesh(core_axis_name="c", subcore_axis_name="s")

    @functools.partial(
        pl.kernel,
        mesh=mesh,
        out_type=jax.ShapeDtypeStruct((NSPAN, OUTD), jnp.float32),
        scratch_types=[
            pltpu.VMEM_SHARED((SEQ, D), jnp.float32),
            pltpu.VMEM((R, WDIM), jnp.float32),
            pltpu.SemaphoreType.DMA,
            pltpu.SemaphoreType.DMA,
        ],
        compiler_params=pltpu.CompilerParams(use_tc_tiling_on_sc=False),
    )
    def k(x_hbm, swe_hbm, out_hbm, xs, wbuf, sem, fill_sem):
        cid = lax.axis_index("c")
        sid = lax.axis_index("s")
        wid = sid * nc + cid
        wi = wid // 4
        q = wid % 4
        n = SEQ - wi
        off = SEQ * wi - (wi * (wi - 1)) // 2
        b = wi + 1 - (wi >= 5).astype(jnp.int32)

        fills = [
            pltpu.make_async_copy(
                swe_hbm.at[pl.ds(b, 1), :], wbuf.at[pl.ds(r, 1), :], fill_sem
            )
            for r in range(R)
        ]
        for cp in fills:
            cp.start()

        @pl.when(sid == 0)
        def _stage():
            pltpu.sync_copy(x_hbm, xs)

        plsc.subcore_barrier()

        copies = []
        for t in range(CHUNKS_PER_WORKER):
            c = q * CHUNKS_PER_WORKER + t
            j0 = jnp.minimum(c * R, n - R)
            j1 = j0 + wi
            r0 = off + j0
            copies.append(pltpu.make_async_copy(
                xs.at[pl.ds(j0, R), :],
                out_hbm.at[pl.ds(r0, R), pl.ds(0, D)], sem))
            copies.append(pltpu.make_async_copy(
                xs.at[pl.ds(j1, R), :],
                out_hbm.at[pl.ds(r0, R), pl.ds(D, D)], sem))
        for cp in copies:
            cp.start()
        for cp in fills:
            cp.wait()
        for t in range(CHUNKS_PER_WORKER):
            c = q * CHUNKS_PER_WORKER + t
            j0 = jnp.minimum(c * R, n - R)
            r0 = off + j0
            copies.append(pltpu.make_async_copy(
                wbuf, out_hbm.at[pl.ds(r0, R), pl.ds(2 * D, WDIM)], sem))
            copies[-1].start()
        for cp in copies:
            cp.wait()

    return k


def kernel(x, span_width_embedding, batch_max_seq_len):
    del batch_max_seq_len
    x2 = x.reshape(SEQ, D)
    out = _build()(x2, span_width_embedding)
    return out.reshape(1, NSPAN, OUTD)

# --- scband reference (transcript-rebuilt; emitter-appended) ---
"""Pipeline reference for scband-span-representation-84911503442051 (READ-ONLY COPY).

The authoritative reference and input builder live on the scoring server;
editing this copy changes nothing except your own understanding.
"""

import jax, jax.numpy as jnp
import numpy as np

BUCKET_BINS = [0, 1, 2, 3, 4, 5, 7, 8, 15, 16, 31, 32, 63, 64]
SPAN_MAX_LEN = 8
SPAN_WIDTH_DIM = 20


def _bucket(width):
    # em = [ix for ix, v in enumerate(bucket_bins) if width >= v][-1]
    return [ix for ix, v in enumerate(BUCKET_BINS) if width >= v][-1]


def setup_inputs(seed: int = 0) -> dict:
    key = jax.random.key(seed)
    k1, k2 = jax.random.split(key)
    x = jax.random.normal(k1, (1, 2048, 768), dtype=jnp.float32)
    span_width_embedding = jax.random.normal(k2, (len(BUCKET_BINS), SPAN_WIDTH_DIM), dtype=jnp.float32) * 0.02
    return {"x": x, "span_width_embedding": span_width_embedding, "batch_max_seq_len": 2048}


def _span_indices(batch_max_seq_len):
    max_window = min(batch_max_seq_len, SPAN_MAX_LEN)
    starts, ends, buckets = [], [], []
    for window in range(1, max_window + 1):
        n = batch_max_seq_len - window + 1
        s = np.arange(n, dtype=np.int64)
        starts.append(s)
        ends.append(s + window)
        buckets.append(np.full(n, _bucket(window), dtype=np.int64))
    return (np.concatenate(starts), np.concatenate(ends), np.concatenate(buckets))


def reference(x, span_width_embedding, batch_max_seq_len):
    # use_dep_span=False, sapn_use_dep=False path of SpanRepresentation.forward
    batch_size = x.shape[0]
    static_max_seq_len = x.shape[1]
    starts_np, ends_np, buckets_np = _span_indices(static_max_seq_len)
    starts = jnp.asarray(starts_np)
    ends = jnp.asarray(ends_np)
    buckets = jnp.asarray(buckets_np)
    zero_residual = (jnp.asarray(batch_max_seq_len) - static_max_seq_len).astype(starts.dtype)
    starts = starts + zero_residual
    x_start = jnp.take(x, starts, axis=1)           # x[:, s[0], :] per span -> [B, Ns, d]
    x_end = jnp.take(x, ends - 1, axis=1)           # x[:, s[1]-1, :] per span -> [B, Ns, d]
    w_emb = jnp.take(span_width_embedding, buckets, axis=0)  # bucket_embedding per span -> [Ns, wdim]
    w_emb = jnp.broadcast_to(w_emb[None, :, :], (batch_size,) + w_emb.shape)  # repeat over batch
    span_r = jnp.concatenate([x_start, x_end, w_emb], axis=2)  # torch.stack(spans, dim=1)
    return span_r

if __name__ == "__main__":
    import jax
    _d = setup_inputs()
    print(jax.jit(kernel)(*tuple(_d.values())))

</pallas_src>

<mosaic_0001>
#map = affine_map<(d0, d1) -> (0, 0)>
module attributes {stable_mosaic.version = 14 : i64} {
  func.func @k(%arg0: i32, %arg1: i32, %arg2: memref<2048x768xf32, #tpu.memory_space<hbm>>, %arg3: memref<14x20xf32, #tpu.memory_space<hbm>>, %arg4: memref<16356x1556xf32, #tpu.memory_space<hbm>>, %arg5: memref<2048x768xf32, #tpu.memory_space<vmem_shared>>, %arg6: memref<64x20xf32, #tpu.memory_space<vmem>>, %arg7: memref<!tpu.dma_semaphore, #tpu.memory_space<semaphore_mem>>, %arg8: memref<!tpu.dma_semaphore, #tpu.memory_space<semaphore_mem>>) attributes {dimension_semantics = [#tpu.dimension_semantics<core_parallel>, #tpu.dimension_semantics<subcore_parallel>], iteration_bounds = array<i64: 2, 16>, scalar_prefetch = 0 : i64, scratch_operands = 4 : i64, tpu.core_type = #tpu.core_type<sc_vector_subcore>, window_params = [{transform_indices = #map}, {transform_indices = #map}, {transform_indices = #map}]} {
    %mul3A = arith.constant 2 : i32
    %mul3A_0 = arith.muli %arg1, %mul3A : i32
    %add3A = arith.addi %mul3A_0, %arg0 : i32
    %jit3A = arith.constant 4 : i32
    %div3A = arith.divsi %add3A, %jit3A : i32
    %sign3A = arith.constant 0 : i32
    %sign3A_1 = arith.cmpi sgt, %add3A, %sign3A : i32
    %sign3A_2 = arith.extui %sign3A_1 : i1 to i32
    %sign3A_3 = arith.constant 0 : i32
    %sign3A_4 = arith.cmpi slt, %add3A, %sign3A_3 : i32
    %sign3A_5 = arith.extui %sign3A_4 : i1 to i32
    %sign3A_6 = arith.subi %sign3A_2, %sign3A_5 : i32
    %sign3A_7 = arith.constant 0 : i32
    %sign3A_8 = arith.cmpi sgt, %jit3A, %sign3A_7 : i32
    %sign3A_9 = arith.extui %sign3A_8 : i1 to i32
    %sign3A_10 = arith.constant 0 : i32
    %sign3A_11 = arith.cmpi slt, %jit3A, %sign3A_10 : i32
    %sign3A_12 = arith.extui %sign3A_11 : i1 to i32
    %sign3A_13 = arith.subi %sign3A_9, %sign3A_12 : i32
    %ne3A = arith.cmpi ne, %sign3A_6, %sign3A_13 : i32
    %rem3A = arith.remsi %add3A, %jit3A : i32
    %ne3A_14 = arith.constant 0 : i32
    %ne3A_15 = arith.cmpi ne, %rem3A, %ne3A_14 : i32
    %and3A = arith.andi %ne3A, %ne3A_15 : i1
    %sub3A = arith.constant 1 : i32
    %sub3A_16 = arith.subi %div3A, %sub3A : i32
    %select_n3A = arith.select %and3A, %sub3A_16, %div3A : i32
    %jit3A_17 = arith.constant 4 : i32
    %eq3A = arith.constant 0 : i32
    %eq3A_18 = arith.cmpi eq, %jit3A_17, %eq3A : i32
    %jit3A_19 = arith.constant 1 : i32
    %select_n3A_20 = arith.select %eq3A_18, %jit3A_19, %jit3A_17 : i32
    %rem3A_21 = arith.remsi %add3A, %select_n3A_20 : i32
    %ne3A_22 = arith.constant 0 : i32
    %ne3A_23 = arith.cmpi ne, %rem3A_21, %ne3A_22 : i32
    %lt3A = arith.constant 0 : i32
    %lt3A_24 = arith.cmpi slt, %rem3A_21, %lt3A : i32
    %lt3A_25 = arith.constant 0 : i32
    %lt3A_26 = arith.cmpi slt, %select_n3A_20, %lt3A_25 : i32
    %ne3A_27 = arith.xori %lt3A_24, %lt3A_26 : i1
    %and3A_28 = arith.andi %ne3A_27, %ne3A_23 : i1
    %add3A_29 = arith.addi %rem3A_21, %select_n3A_20 : i32
    %select_n3A_30 = arith.select %and3A_28, %add3A_29, %rem3A_21 : i32
    %sub3A_31 = arith.constant 2048 : i32
    %sub3A_32 = arith.subi %sub3A_31, %select_n3A : i32
    %mul3A_33 = arith.constant 2048 : i32
    %mul3A_34 = arith.muli %mul3A_33, %select_n3A : i32
    %sub3A_35 = arith.constant 1 : i32
    %sub3A_36 = arith.subi %select_n3A, %sub3A_35 : i32
    %mul3A_37 = arith.muli %select_n3A, %sub3A_36 : i32
    %jit3A_38 = arith.constant 2 : i32
    %div3A_39 = arith.divsi %mul3A_37, %jit3A_38 : i32
    %sign3A_40 = arith.constant 0 : i32
    %sign3A_41 = arith.cmpi sgt, %mul3A_37, %sign3A_40 : i32
    %sign3A_42 = arith.extui %sign3A_41 : i1 to i32
    %sign3A_43 = arith.constant 0 : i32
    %sign3A_44 = arith.cmpi slt, %mul3A_37, %sign3A_43 : i32
    %sign3A_45 = arith.extui %sign3A_44 : i1 to i32
    %sign3A_46 = arith.subi %sign3A_42, %sign3A_45 : i32
    %sign3A_47 = arith.constant 0 : i32
    %sign3A_48 = arith.cmpi sgt, %jit3A_38, %sign3A_47 : i32
    %sign3A_49 = arith.extui %sign3A_48 : i1 to i32
    %sign3A_50 = arith.constant 0 : i32
    %sign3A_51 = arith.cmpi slt, %jit3A_38, %sign3A_50 : i32
    %sign3A_52 = arith.extui %sign3A_51 : i1 to i32
    %sign3A_53 = arith.subi %sign3A_49, %sign3A_52 : i32
    %ne3A_54 = arith.cmpi ne, %sign3A_46, %sign3A_53 : i32
    %rem3A_55 = arith.remsi %mul3A_37, %jit3A_38 : i32
    %ne3A_56 = arith.constant 0 : i32
    %ne3A_57 = arith.cmpi ne, %rem3A_55, %ne3A_56 : i32
    %and3A_58 = arith.andi %ne3A_54, %ne3A_57 : i1
    %sub3A_59 = arith.constant 1 : i32
    %sub3A_60 = arith.subi %div3A_39, %sub3A_59 : i32
    %select_n3A_61 = arith.select %and3A_58, %sub3A_60, %div3A_39 : i32
    %sub3A_62 = arith.subi %mul3A_34, %select_n3A_61 : i32
    %add3A_63 = arith.constant 1 : i32
    %add3A_64 = arith.addi %select_n3A, %add3A_63 : i32
    %ge3A = arith.constant 5 : i32
    %ge3A_65 = arith.cmpi sge, %select_n3A, %ge3A : i32
    %convert_element_type3A = arith.extui %ge3A_65 : i1 to i32
    %sub3A_66 = arith.subi %add3A_64, %convert_element_type3A : i32
    %dma_start3A = arith.constant 0 : i32
    %dma_start3A_67 = arith.constant 0 : i32
    %dma_start3A_68 = tpu.memref_slice %arg6[%dma_start3A, %dma_start3A_67] : memref<64x20xf32, #tpu.memory_space<vmem>> -> memref<1x20xf32, #tpu.memory_space<vmem>>
    %dma_start3A_69 = arith.constant 0 : i32
    %dma_start3A_70 = tpu.memref_slice %arg3[%sub3A_66, %dma_start3A_69] : memref<14x20xf32, #tpu.memory_space<hbm>> -> memref<1x20xf32, #tpu.memory_space<hbm>>
    %dma_start3A_71 = arith.constant 0 : i32
    %dma_start3A_72 = arith.constant 0 : i32
    %dma_start3A_73 = tpu.memref_slice %arg6[%dma_start3A_71, %dma_start3A_72] : memref<64x20xf32, #tpu.memory_space<vmem>> -> memref<1x20xf32, #tpu.memory_space<vmem>>
    %dma_start3A_74 = arith.constant 0 : i32
    %dma_start3A_75 = tpu.memref_slice %arg3[%sub3A_66, %dma_start3A_74] : memref<14x20xf32, #tpu.memory_space<hbm>> -> memref<1x20xf32, #tpu.memory_space<hbm>>
    tpu.enqueue_dma source(%dma_start3A_75 : memref<1x20xf32, #tpu.memory_space<hbm>>) target(%dma_start3A_73 : memref<1x20xf32, #tpu.memory_space<vmem>>) target_semaphore(%arg8 : memref<!tpu.dma_semaphore, #tpu.memory_space<semaphore_mem>>)
    %dma_start3A_76 = arith.constant 1 : i32
    %dma_start3A_77 = arith.constant 0 : i32
    %dma_start3A_78 = tpu.memref_slice %arg6[%dma_start3A_76, %dma_start3A_77] : memref<64x20xf32, #tpu.memory_space<vmem>> -> memref<1x20xf32, #tpu.memory_space<vmem>>
    %dma_start3A_79 = arith.constant 0 : i32
    %dma_start3A_80 = tpu.memref_slice %arg3[%sub3A_66, %dma_start3A_79] : memref<14x20xf32, #tpu.memory_space<hbm>> -> memref<1x20xf32, #tpu.memory_space<hbm>>
    %dma_start3A_81 = arith.constant 1 : i32
    %dma_start3A_82 = arith.constant 0 : i32
    %dma_start3A_83 = tpu.memref_slice %arg6[%dma_start3A_81, %dma_start3A_82] : memref<64x20xf32, #tpu.memory_space<vmem>> -> memref<1x20xf32, #tpu.memory_space<vmem>>
    %dma_start3A_84 = arith.constant 0 : i32
    %dma_start3A_85 = tpu.memref_slice %arg3[%sub3A_66, %dma_start3A_84] : memref<14x20xf32, #tpu.memory_space<hbm>> -> memref<1x20xf32, #tpu.memory_space<hbm>>
    tpu.enqueue_dma source(%dma_start3A_85 : memref<1x20xf32, #tpu.memory_space<hbm>>) target(%dma_start3A_83 : memref<1x20xf32, #tpu.memory_space<vmem>>) target_semaphore(%arg8 : memref<!tpu.dma_semaphore, #tpu.memory_space<semaphore_mem>>)
    %dma_start3A_86 = arith.constant 2 : i32
    %dma_start3A_87 = arith.constant 0 : i32
    %dma_start3A_88 = tpu.memref_slice %arg6[%dma_start3A_86, %dma_start3A_87] : memref<64x20xf32, #tpu.memory_space<vmem>> -> memref<1x20xf32, #tpu.memory_space<vmem>>
    %dma_start3A_89 = arith.constant 0 : i32
    %dma_start3A_90 = tpu.memref_slice %arg3[%sub3A_66, %dma_start3A_89] : memref<14x20xf32, #tpu.memory_space<hbm>> -> memref<1x20xf32, #tpu.memory_space<hbm>>
    %dma_start3A_91 = arith.constant 2 : i32
    %dma_start3A_92 = arith.constant 0 : i32
    %dma_start3A_93 = tpu.memref_slice %arg6[%dma_start3A_91, %dma_start3A_92] : memref<64x20xf32, #tpu.memory_space<vmem>> -> memref<1x20xf32, #tpu.memory_space<vmem>>
    %dma_start3A_94 = arith.constant 0 : i32
    %dma_start3A_95 = tpu.memref_slice %arg3[%sub3A_66, %dma_start3A_94] : memref<14x20xf32, #tpu.memory_space<hbm>> -> memref<1x20xf32, #tpu.memory_space<hbm>>
    tpu.enqueue_dma source(%dma_start3A_95 : memref<1x20xf32, #tpu.memory_space<hbm>>) target(%dma_start3A_93 : memref<1x20xf32, #tpu.memory_space<vmem>>) target_semaphore(%arg8 : memref<!tpu.dma_semaphore, #tpu.memory_space<semaphore_mem>>)
    %dma_start3A_96 = arith.constant 3 : i32
    %dma_start3A_97 = arith.constant 0 : i32
    %dma_start3A_98 = tpu.memref_slice %arg6[%dma_start3A_96, %dma_start3A_97] : memref<64x20xf32, #tpu.memory_space<vmem>> -> memref<1x20xf32, #tpu.memory_space<vmem>>
    %dma_start3A_99 = arith.constant 0 : i32
    %dma_start3A_100 = tpu.memref_slice %arg3[%sub3A_66, %dma_start3A_99] : memref<14x20xf32, #tpu.memory_space<hbm>> -> memref<1x20xf32, #tpu.memory_space<hbm>>
    %dma_start3A_101 = arith.constant 3 : i32
    %dma_start3A_102 = arith.constant 0 : i32
    %dma_start3A_103 = tpu.memref_slice %arg6[%dma_start3A_101, %dma_start3A_102] : memref<64x20xf32, #tpu.memory_space<vmem>> -> memref<1x20xf32, #tpu.memory_space<vmem>>
    %dma_start3A_104 = arith.constant 0 : i32
    %dma_start3A_105 = tpu.memref_slice %arg3[%sub3A_66, %dma_start3A_104] : memref<14x20xf32, #tpu.memory_space<hbm>> -> memref<1x20xf32, #tpu.memory_space<hbm>>
    tpu.enqueue_dma source(%dma_start3A_105 : memref<1x20xf32, #tpu.memory_space<hbm>>) target(%dma_start3A_103 : memref<1x20xf32, #tpu.memory_space<vmem>>) target_semaphore(%arg8 : memref<!tpu.dma_semaphore, #tpu.memory_space<semaphore_mem>>)
    %dma_start3A_106 = arith.constant 4 : i32
    %dma_start3A_107 = arith.constant 0 : i32
    %dma_start3A_108 = tpu.memref_slice %arg6[%dma_start3A_106, %dma_start3A_107] : memref<64x20xf32, #tpu.memory_space<vmem>> -> memref<1x20xf32, #tpu.memory_space<vmem>>
    %dma_start3A_109 = arith.constant 0 : i32
    %dma_start3A_110 = tpu.memref_slice %arg3[%sub3A_66, %dma_start3A_109] : memref<14x20xf32, #tpu.memory_space<hbm>> -> memref<1x20xf32, #tpu.memory_space<hbm>>
    %dma_start3A_111 = arith.constant 4 : i32
    %dma_start3A_112 = arith.constant 0 : i32
    %dma_start3A_113 = tpu.memref_slice %arg6[%dma_start3A_111, %dma_start3A_112] : memref<64x20xf32, #tpu.memory_space<vmem>> -> memref<1x20xf32, #tpu.memory_space<vmem>>
    %dma_start3A_114 = arith.constant 0 : i32
    %dma_start3A_115 = tpu.memref_slice %arg3[%sub3A_66, %dma_start3A_114] : memref<14x20xf32, #tpu.memory_space<hbm>> -> memref<1x20xf32, #tpu.memory_space<hbm>>
    tpu.enqueue_dma source(%dma_start3A_115 : memref<1x20xf32, #tpu.memory_space<hbm>>) target(%dma_start3A_113 : memref<1x20xf32, #tpu.memory_space<vmem>>) target_semaphore(%arg8 : memref<!tpu.dma_semaphore, #tpu.memory_space<semaphore_mem>>)
    %dma_start3A_116 = arith.constant 5 : i32
    %dma_start3A_117 = arith.constant 0 : i32
    %dma_start3A_118 = tpu.memref_slice %arg6[%dma_start3A_116, %dma_start3A_117] : memref<64x20xf32, #tpu.memory_space<vmem>> -> memref<1x20xf32, #tpu.memory_space<vmem>>
    %dma_start3A_119 = arith.constant 0 : i32
    %dma_start3A_120 = tpu.memref_slice %arg3[%sub3A_66, %dma_start3A_119] : memref<14x20xf32, #tpu.memory_space<hbm>> -> memref<1x20xf32, #tpu.memory_space<hbm>>
    %dma_start3A_121 = arith.constant 5 : i32
    %dma_start3A_122 = arith.constant 0 : i32
    %dma_start3A_123 = tpu.memref_slice %arg6[%dma_start3A_121, %dma_start3A_122] : memref<64x20xf32, #tpu.memory_space<vmem>> -> memref<1x20xf32, #tpu.memory_space<vmem>>
    %dma_start3A_124 = arith.constant 0 : i32
    %dma_start3A_125 = tpu.memref_slice %arg3[%sub3A_66, %dma_start3A_124] : memref<14x20xf32, #tpu.memory_space<hbm>> -> memref<1x20xf32, #tpu.memory_space<hbm>>
    tpu.enqueue_dma source(%dma_start3A_125 : memref<1x20xf32, #tpu.memory_space<hbm>>) target(%dma_start3A_123 : memref<1x20xf32, #tpu.memory_space<vmem>>) target_semaphore(%arg8 : memref<!tpu.dma_semaphore, #tpu.memory_space<semaphore_mem>>)
    %dma_start3A_126 = arith.constant 6 : i32
    %dma_start3A_127 = arith.constant 0 : i32
    %dma_start3A_128 = tpu.memref_slice %arg6[%dma_start3A_126, %dma_start3A_127] : memref<64x20xf32, #tpu.memory_space<vmem>> -> memref<1x20xf32, #tpu.memory_space<vmem>>
    %dma_start3A_129 = arith.constant 0 : i32
    %dma_start3A_130 = tpu.memref_slice %arg3[%sub3A_66, %dma_start3A_129] : memref<14x20xf32, #tpu.memory_space<hbm>> -> memref<1x20xf32, #tpu.memory_space<hbm>>
    %dma_start3A_131 = arith.constant 6 : i32
    %dma_start3A_132 = arith.constant 0 : i32
    %dma_start3A_133 = tpu.memref_slice %arg6[%dma_start3A_131, %dma_start3A_132] : memref<64x20xf32, #tpu.memory_space<vmem>> -> memref<1x20xf32, #tpu.memory_space<vmem>>
    %dma_start3A_134 = arith.constant 0 : i32
    %dma_start3A_135 = tpu.memref_slice %arg3[%sub3A_66, %dma_start3A_134] : memref<14x20xf32, #tpu.memory_space<hbm>> -> memref<1x20xf32, #tpu.memory_space<hbm>>
    tpu.enqueue_dma source(%dma_start3A_135 : memref<1x20xf32, #tpu.memory_space<hbm>>) target(%dma_start3A_133 : memref<1x20xf32, #tpu.memory_space<vmem>>) target_semaphore(%arg8 : memref<!tpu.dma_semaphore, #tpu.memory_space<semaphore_mem>>)
    %dma_start3A_136 = arith.constant 7 : i32
    %dma_start3A_137 = arith.constant 0 : i32
    %dma_start3A_138 = tpu.memref_slice %arg6[%dma_start3A_136, %dma_start3A_137] : memref<64x20xf32, #tpu.memory_space<vmem>> -> memref<1x20xf32, #tpu.memory_space<vmem>>
    %dma_start3A_139 = arith.constant 0 : i32
    %dma_start3A_140 = tpu.memref_slice %arg3[%sub3A_66, %dma_start3A_139] : memref<14x20xf32, #tpu.memory_space<hbm>> -> memref<1x20xf32, #tpu.memory_space<hbm>>
    %dma_start3A_141 = arith.constant 7 : i32
    %dma_start3A_142 = arith.constant 0 : i32
    %dma_start3A_143 = tpu.memref_slice %arg6[%dma_start3A_141, %dma_start3A_142] : memref<64x20xf32, #tpu.memory_space<vmem>> -> memref<1x20xf32, #tpu.memory_space<vmem>>
    %dma_start3A_144 = arith.constant 0 : i32
    %dma_start3A_145 = tpu.memref_slice %arg3[%sub3A_66, %dma_start3A_144] : memref<14x20xf32, #tpu.memory_space<hbm>> -> memref<1x20xf32, #tpu.memory_space<hbm>>
    tpu.enqueue_dma source(%dma_start3A_145 : memref<1x20xf32, #tpu.memory_space<hbm>>) target(%dma_start3A_143 : memref<1x20xf32, #tpu.memory_space<vmem>>) target_semaphore(%arg8 : memref<!tpu.dma_semaphore, #tpu.memory_space<semaphore_mem>>)
    %dma_start3A_146 = arith.constant 8 : i32
    %dma_start3A_147 = arith.constant 0 : i32
    %dma_start3A_148 = tpu.memref_slice %arg6[%dma_start3A_146, %dma_start3A_147] : memref<64x20xf32, #tpu.memory_space<vmem>> -> memref<1x20xf32, #tpu.memory_space<vmem>>
    %dma_start3A_149 = arith.constant 0 : i32
    %dma_start3A_150 = tpu.memref_slice %arg3[%sub3A_66, %dma_start3A_149] : memref<14x20xf32, #tpu.memory_space<hbm>> -> memref<1x20xf32, #tpu.memory_space<hbm>>
    %dma_start3A_151 = arith.constant 8 : i32
    %dma_start3A_152 = arith.constant 0 : i32
    %dma_start3A_153 = tpu.memref_slice %arg6[%dma_start3A_151, %dma_start3A_152] : memref<64x20xf32, #tpu.memory_space<vmem>> -> memref<1x20xf32, #tpu.memory_space<vmem>>
    %dma_start3A_154 = arith.constant 0 : i32
    %dma_start3A_155 = tpu.memref_slice %arg3[%sub3A_66, %dma_start3A_154] : memref<14x20xf32, #tpu.memory_space<hbm>> -> memref<1x20xf32, #tpu.memory_space<hbm>>
    tpu.enqueue_dma source(%dma_start3A_155 : memref<1x20xf32, #tpu.memory_space<hbm>>) target(%dma_start3A_153 : memref<1x20xf32, #tpu.memory_space<vmem>>) target_semaphore(%arg8 : memref<!tpu.dma_semaphore, #tpu.memory_space<semaphore_mem>>)
    %dma_start3A_156 = arith.constant 9 : i32
    %dma_start3A_157 = arith.constant 0 : i32
    %dma_start3A_158 = tpu.memref_slice %arg6[%dma_start3A_156, %dma_start3A_157] : memref<64x20xf32, #tpu.memory_space<vmem>> -> memref<1x20xf32, #tpu.memory_space<vmem>>
    %dma_start3A_159 = arith.constant 0 : i32
    %dma_start3A_160 = tpu.memref_slice %arg3[%sub3A_66, %dma_start3A_159] : memref<14x20xf32, #tpu.memory_space<hbm>> -> memref<1x20xf32, #tpu.memory_space<hbm>>
    %dma_start3A_161 = arith.constant 9 : i32
    %dma_start3A_162 = arith.constant 0 : i32
    %dma_start3A_163 = tpu.memref_slice %arg6[%dma_start3A_161, %dma_start3A_162] : memref<64x20xf32, #tpu.memory_space<vmem>> -> memref<1x20xf32, #tpu.memory_space<vmem>>
    %dma_start3A_164 = arith.constant 0 : i32
    %dma_start3A_165 = tpu.memref_slice %arg3[%sub3A_66, %dma_start3A_164] : memref<14x20xf32, #tpu.memory_space<hbm>> -> memref<1x20xf32, #tpu.memory_space<hbm>>
    tpu.enqueue_dma source(%dma_start3A_165 : memref<1x20xf32, #tpu.memory_space<hbm>>) target(%dma_start3A_163 : memref<1x20xf32, #tpu.memory_space<vmem>>) target_semaphore(%arg8 : memref<!tpu.dma_semaphore, #tpu.memory_space<semaphore_mem>>)
    %dma_start3A_166 = arith.constant 10 : i32
    %dma_start3A_167 = arith.constant 0 : i32
    %dma_start3A_168 = tpu.memref_slice %arg6[%dma_start3A_166, %dma_start3A_167] : memref<64x20xf32, #tpu.memory_space<vmem>> -> memref<1x20xf32, #tpu.memory_space<vmem>>
    %dma_start3A_169 = arith.constant 0 : i32
    %dma_start3A_170 = tpu.memref_slice %arg3[%sub3A_66, %dma_start3A_169] : memref<14x20xf32, #tpu.memory_space<hbm>> -> memref<1x20xf32, #tpu.memory_space<hbm>>
    %dma_start3A_171 = arith.constant 10 : i32
    %dma_start3A_172 = arith.constant 0 : i32
    %dma_start3A_173 = tpu.memref_slice %arg6[%dma_start3A_171, %dma_start3A_172] : memref<64x20xf32, #tpu.memory_space<vmem>> -> memref<1x20xf32, #tpu.memory_space<vmem>>
    %dma_start3A_174 = arith.constant 0 : i32
    %dma_start3A_175 = tpu.memref_slice %arg3[%sub3A_66, %dma_start3A_174] : memref<14x20xf32, #tpu.memory_space<hbm>> -> memref<1x20xf32, #tpu.memory_space<hbm>>
    tpu.enqueue_dma source(%dma_start3A_175 : memref<1x20xf32, #tpu.memory_space<hbm>>) target(%dma_start3A_173 : memref<1x20xf32, #tpu.memory_space<vmem>>) target_semaphore(%arg8 : memref<!tpu.dma_semaphore, #tpu.memory_space<semaphore_mem>>)
    %dma_start3A_176 = arith.constant 11 : i32
    %dma_start3A_177 = arith.constant 0 : i32
    %dma_start3A_178 = tpu.memref_slice %arg6[%dma_start3A_176, %dma_start3A_177] : memref<64x20xf32, #tpu.memory_space<vmem>> -> memref<1x20xf32, #tpu.memory_space<vmem>>
    %dma_start3A_179 = arith.constant 0 : i32
    %dma_start3A_180 = tpu.memref_slice %arg3[%sub3A_66, %dma_start3A_179] : memref<14x20xf32, #tpu.memory_space<hbm>> -> memref<1x20xf32, #tpu.memory_space<hbm>>
    %dma_start3A_181 = arith.constant 11 : i32
    %dma_start3A_182 = arith.constant 0 : i32
    %dma_start3A_183 = tpu.memref_slice %arg6[%dma_start3A_181, %dma_start3A_182] : memref<64x20xf32, #tpu.memory_space<vmem>> -> memref<1x20xf32, #tpu.memory_space<vmem>>
    %dma_start3A_184 = arith.constant 0 : i32
    %dma_start3A_185 = tpu.memref_slice %arg3[%sub3A_66, %dma_start3A_184] : memref<14x20xf32, #tpu.memory_space<hbm>> -> memref<1x20xf32, #tpu.memory_space<hbm>>
    tpu.enqueue_dma source(%dma_start3A_185 : memref<1x20xf32, #tpu.memory_space<hbm>>) target(%dma_start3A_183 : memref<1x20xf32, #tpu.memory_space<vmem>>) target_semaphore(%arg8 : memref<!tpu.dma_semaphore, #tpu.memory_space<semaphore_mem>>)
    %dma_start3A_186 = arith.constant 12 : i32
    %dma_start3A_187 = arith.constant 0 : i32
    %dma_start3A_188 = tpu.memref_slice %arg6[%dma_start3A_186, %dma_start3A_187] : memref<64x20xf32, #tpu.memory_space<vmem>> -> memref<1x20xf32, #tpu.memory_space<vmem>>
    %dma_start3A_189 = arith.constant 0 : i32
    %dma_start3A_190 = tpu.memref_slice %arg3[%sub3A_66, %dma_start3A_189] : memref<14x20xf32, #tpu.memory_space<hbm>> -> memref<1x20xf32, #tpu.memory_space<hbm>>
    %dma_start3A_191 = arith.constant 12 : i32
    %dma_start3A_192 = arith.constant 0 : i32
    %dma_start3A_193 = tpu.memref_slice %arg6[%dma_start3A_191, %dma_start3A_192] : memref<64x20xf32, #tpu.memory_space<vmem>> -> memref<1x20xf32, #tpu.memory_space<vmem>>
    %dma_start3A_194 = arith.constant 0 : i32
    %dma_start3A_195 = tpu.memref_slice %arg3[%sub3A_66, %dma_start3A_194] : memref<14x20xf32, #tpu.memory_space<hbm>> -> memref<1x20xf32, #tpu.memory_space<hbm>>
    tpu.enqueue_dma source(%dma_start3A_195 : memref<1x20xf32, #tpu.memory_space<hbm>>) target(%dma_start3A_193 : memref<1x20xf32, #tpu.memory_space<vmem>>) target_semaphore(%arg8 : memref<!tpu.dma_semaphore, #tpu.memory_space<semaphore_mem>>)
    %dma_start3A_196 = arith.constant 13 : i32
    %dma_start3A_197 = arith.constant 0 : i32
    %dma_start3A_198 = tpu.memref_slice %arg6[%dma_start3A_196, %dma_start3A_197] : memref<64x20xf32, #tpu.memory_space<vmem>> -> memref<1x20xf32, #tpu.memory_space<vmem>>
    %dma_start3A_199 = arith.constant 0 : i32
    %dma_start3A_200 = tpu.memref_slice %arg3[%sub3A_66, %dma_start3A_199] : memref<14x20xf32, #tpu.memory_space<hbm>> -> memref<1x20xf32, #tpu.memory_space<hbm>>
    %dma_start3A_201 = arith.constant 13 : i32
    %dma_start3A_202 = arith.constant 0 : i32
    %dma_start3A_203 = tpu.memref_slice %arg6[%dma_start3A_201, %dma_start3A_202] : memref<64x20xf32, #tpu.memory_space<vmem>> -> memref<1x20xf32, #tpu.memory_space<vmem>>
    %dma_start3A_204 = arith.constant 0 : i32
    %dma_start3A_205 = tpu.memref_slice %arg3[%sub3A_66, %dma_start3A_204] : memref<14x20xf32, #tpu.memory_space<hbm>> -> memref<1x20xf32, #tpu.memory_space<hbm>>
    tpu.enqueue_dma source(%dma_start3A_205 : memref<1x20xf32, #tpu.memory_space<hbm>>) target(%dma_start3A_203 : memref<1x20xf32, #tpu.memory_space<vmem>>) target_semaphore(%arg8 : memref<!tpu.dma_semaphore, #tpu.memory_space<semaphore_mem>>)
    %dma_start3A_206 = arith.constant 14 : i32
    %dma_start3A_207 = arith.constant 0 : i32
    %dma_start3A_208 = tpu.memref_slice %arg6[%dma_start3A_206, %dma_start3A_207] : memref<64x20xf32, #tpu.memory_space<vmem>> -> memref<1x20xf32, #tpu.memory_space<vmem>>
    %dma_start3A_209 = arith.constant 0 : i32
    %dma_start3A_210 = tpu.memref_slice %arg3[%sub3A_66, %dma_start3A_209] : memref<14x20xf32, #tpu.memory_space<hbm>> -> memref<1x20xf32, #tpu.memory_space<hbm>>
    %dma_start3A_211 = arith.constant 14 : i32
    %dma_start3A_212 = arith.constant 0 : i32
    %dma_start3A_213 = tpu.memref_slice %arg6[%dma_start3A_211, %dma_start3A_212] : memref<64x20xf32, #tpu.memory_space<vmem>> -> memref<1x20xf32, #tpu.memory_space<vmem>>
    %dma_start3A_214 = arith.constant 0 : i32
    %dma_start3A_215 = tpu.memref_slice %arg3[%sub3A_66, %dma_start3A_214] : memref<14x20xf32, #tpu.memory_space<hbm>> -> memref<1x20xf32, #tpu.memory_space<hbm>>
    tpu.enqueue_dma source(%dma_start3A_215 : memref<1x20xf32, #tpu.memory_space<hbm>>) target(%dma_start3A_213 : memref<1x20xf32, #tpu.memory_space<vmem>>) target_semaphore(%arg8 : memref<!tpu.dma_semaphore, #tpu.memory_space<semaphore_mem>>)
    %dma_start3A_216 = arith.constant 15 : i32
    %dma_start3A_217 = arith.constant 0 : i32
    %dma_start3A_218 = tpu.memref_slice %arg6[%dma_start3A_216, %dma_start3A_217] : memref<64x20xf32, #tpu.memory_space<vmem>> -> memref<1x20xf32, #tpu.memory_space<vmem>>
    %dma_start3A_219 = arith.constant 0 : i32
    %dma_start3A_220 = tpu.memref_slice %arg3[%sub3A_66, %dma_start3A_219] : memref<14x20xf32, #tpu.memory_space<hbm>> -> memref<1x20xf32, #tpu.memory_space<hbm>>
    %dma_start3A_221 = arith.constant 15 : i32
    %dma_start3A_222 = arith.constant 0 : i32
    %dma_start3A_223 = tpu.memref_slice %arg6[%dma_start3A_221, %dma_start3A_222] : memref<64x20xf32, #tpu.memory_space<vmem>> -> memref<1x20xf32, #tpu.memory_space<vmem>>
    %dma_start3A_224 = arith.constant 0 : i32
    %dma_start3A_225 = tpu.memref_slice %arg3[%sub3A_66, %dma_start3A_224] : memref<14x20xf32, #tpu.memory_space<hbm>> -> memref<1x20xf32, #tpu.memory_space<hbm>>
    tpu.enqueue_dma source(%dma_start3A_225 : memref<1x20xf32, #tpu.memory_space<hbm>>) target(%dma_start3A_223 : memref<1x20xf32, #tpu.memory_space<vmem>>) target_semaphore(%arg8 : memref<!tpu.dma_semaphore, #tpu.memory_space<semaphore_mem>>)
    %dma_start3A_226 = arith.constant 16 : i32
    %dma_start3A_227 = arith.constant 0 : i32
    %dma_start3A_228 = tpu.memref_slice %arg6[%dma_start3A_226, %dma_start3A_227] : memref<64x20xf32, #tpu.memory_space<vmem>> -> memref<1x20xf32, #tpu.memory_space<vmem>>
    %dma_start3A_229 = arith.constant 0 : i32
    %dma_start3A_230 = tpu.memref_slice %arg3[%sub3A_66, %dma_start3A_229] : memref<14x20xf32, #tpu.memory_space<hbm>> -> memref<1x20xf32, #tpu.memory_space<hbm>>
    %dma_start3A_231 = arith.constant 16 : i32
    %dma_start3A_232 = arith.constant 0 : i32
    %dma_start3A_233 = tpu.memref_slice %arg6[%dma_start3A_231, %dma_start3A_232] : memref<64x20xf32, #tpu.memory_space<vmem>> -> memref<1x20xf32, #tpu.memory_space<vmem>>
    %dma_start3A_234 = arith.constant 0 : i32
    %dma_start3A_235 = tpu.memref_slice %arg3[%sub3A_66, %dma_start3A_234] : memref<14x20xf32, #tpu.memory_space<hbm>> -> memref<1x20xf32, #tpu.memory_space<hbm>>
    tpu.enqueue_dma source(%dma_start3A_235 : memref<1x20xf32, #tpu.memory_space<hbm>>) target(%dma_start3A_233 : memref<1x20xf32, #tpu.memory_space<vmem>>) target_semaphore(%arg8 : memref<!tpu.dma_semaphore, #tpu.memory_space<semaphore_mem>>)
    %dma_start3A_236 = arith.constant 17 : i32
    %dma_start3A_237 = arith.constant 0 : i32
    %dma_start3A_238 = tpu.memref_slice %arg6[%dma_start3A_236, %dma_start3A_237] : memref<64x20xf32, #tpu.memory_space<vmem>> -> memref<1x20xf32, #tpu.memory_space<vmem>>
    %dma_start3A_239 = arith.constant 0 : i32
    %dma_start3A_240 = tpu.memref_slice %arg3[%sub3A_66, %dma_start3A_239] : memref<14x20xf32, #tpu.memory_space<hbm>> -> memref<1x20xf32, #tpu.memory_space<hbm>>
    %dma_start3A_241 = arith.constant 17 : i32
    %dma_start3A_242 = arith.constant 0 : i32
    %dma_start3A_243 = tpu.memref_slice %arg6[%dma_start3A_241, %dma_start3A_242] : memref<64x20xf32, #tpu.memory_space<vmem>> -> memref<1x20xf32, #tpu.memory_space<vmem>>
    %dma_start3A_244 = arith.constant 0 : i32
    %dma_start3A_245 = tpu.memref_slice %arg3[%sub3A_66, %dma_start3A_244] : memref<14x20xf32, #tpu.memory_space<hbm>> -> memref<1x20xf32, #tpu.memory_space<hbm>>
    tpu.enqueue_dma source(%dma_start3A_245 : memref<1x20xf32, #tpu.memory_space<hbm>>) target(%dma_start3A_243 : memref<1x20xf32, #tpu.memory_space<vmem>>) target_semaphore(%arg8 : memref<!tpu.dma_semaphore, #tpu.memory_space<semaphore_mem>>)
    %dma_start3A_246 = arith.constant 18 : i32
    %dma_start3A_247 = arith.constant 0 : i32
    %dma_start3A_248 = tpu.memref_slice %arg6[%dma_start3A_246, %dma_start3A_247] : memref<64x20xf32, #tpu.memory_space<vmem>> -> memref<1x20xf32, #tpu.memory_space<vmem>>
    %dma_start3A_249 = arith.constant 0 : i32
    %dma_start3A_250 = tpu.memref_slice %arg3[%sub3A_66, %dma_start3A_249] : memref<14x20xf32, #tpu.memory_space<hbm>> -> memref<1x20xf32, #tpu.memory_space<hbm>>
    %dma_start3A_251 = arith.constant 18 : i32
    %dma_start3A_252 = arith.constant 0 : i32
    %dma_start3A_253 = tpu.memref_slice %arg6[%dma_start3A_251, %dma_start3A_252] : memref<64x20xf32, #tpu.memory_space<vmem>> -> memref<1x20xf32, #tpu.memory_space<vmem>>
    %dma_start3A_254 = arith.constant 0 : i32
    %dma_start3A_255 = tpu.memref_slice %arg3[%sub3A_66, %dma_start3A_254] : memref<14x20xf32, #tpu.memory_space<hbm>> -> memref<1x20xf32, #tpu.memory_space<hbm>>
    tpu.enqueue_dma source(%dma_start3A_255 : memref<1x20xf32, #tpu.memory_space<hbm>>) target(%dma_start3A_253 : memref<1x20xf32, #tpu.memory_space<vmem>>) target_semaphore(%arg8 : memref<!tpu.dma_semaphore, #tpu.memory_space<semaphore_mem>>)
    %dma_start3A_256 = arith.constant 19 : i32
    %dma_start3A_257 = arith.constant 0 : i32
    %dma_start3A_258 = tpu.memref_slice %arg6[%dma_start3A_256, %dma_start3A_257] : memref<64x20xf32, #tpu.memory_space<vmem>> -> memref<1x20xf32, #tpu.memory_space<vmem>>
    %dma_start3A_259 = arith.constant 0 : i32
    %dma_start3A_260 = tpu.memref_slice %arg3[%sub3A_66, %dma_start3A_259] : memref<14x20xf32, #tpu.memory_space<hbm>> -> memref<1x20xf32, #tpu.memory_space<hbm>>
    %dma_start3A_261 = arith.constant 19 : i32
    %dma_start3A_262 = arith.constant 0 : i32
    %dma_start3A_263 = tpu.memref_slice %arg6[%dma_start3A_261, %dma_start3A_262] : memref<64x20xf32, #tpu.memory_space<vmem>> -> memref<1x20xf32, #tpu.memory_space<vmem>>
    %dma_start3A_264 = arith.constant 0 : i32
    %dma_start3A_265 = tpu.memref_slice %arg3[%sub3A_66, %dma_start3A_264] : memref<14x20xf32, #tpu.memory_space<hbm>> -> memref<1x20xf32, #tpu.memory_space<hbm>>
    tpu.enqueue_dma source(%dma_start3A_265 : memref<1x20xf32, #tpu.memory_space<hbm>>) target(%dma_start3A_263 : memref<1x20xf32, #tpu.memory_space<vmem>>) target_semaphore(%arg8 : memref<!tpu.dma_semaphore, #tpu.memory_space<semaphore_mem>>)
    %dma_start3A_266 = arith.constant 20 : i32
    %dma_start3A_267 = arith.constant 0 : i32
    %dma_start3A_268 = tpu.memref_slice %arg6[%dma_start3A_266, %dma_start3A_267] : memref<64x20xf32, #tpu.memory_space<vmem>> -> memref<1x20xf32, #tpu.memory_space<vmem>>
    %dma_start3A_269 = arith.constant 0 : i32
    %dma_start3A_270 = tpu.memref_slice %arg3[%sub3A_66, %dma_start3A_269] : memref<14x20xf32, #tpu.memory_space<hbm>> -> memref<1x20xf32, #tpu.memory_space<hbm>>
    %dma_start3A_271 = arith.constant 20 : i32
    %dma_start3A_272 = arith.constant 0 : i32
    %dma_start3A_273 = tpu.memref_slice %arg6[%dma_start3A_271, %dma_start3A_272] : memref<64x20xf32, #tpu.memory_space<vmem>> -> memref<1x20xf32, #tpu.memory_space<vmem>>
    %dma_start3A_274 = arith.constant 0 : i32
    %dma_start3A_275 = tpu.memref_slice %arg3[%sub3A_66, %dma_start3A_274] : memref<14x20xf32, #tpu.memory_space<hbm>> -> memref<1x20xf32, #tpu.memory_space<hbm>>
    tpu.enqueue_dma source(%dma_start3A_275 : memref<1x20xf32, #tpu.memory_space<hbm>>) target(%dma_start3A_273 : memref<1x20xf32, #tpu.memory_space<vmem>>) target_semaphore(%arg8 : memref<!tpu.dma_semaphore, #tpu.memory_space<semaphore_mem>>)
    %dma_start3A_276 = arith.constant 21 : i32
    %dma_start3A_277 = arith.constant 0 : i32
    %dma_start3A_278 = tpu.memref_slice %arg6[%dma_start3A_276, %dma_start3A_277] : memref<64x20xf32, #tpu.memory_space<vmem>> -> memref<1x20xf32, #tpu.memory_space<vmem>>
    %dma_start3A_279 = arith.constant 0 : i32
    %dma_start3A_280 = tpu.memref_slice %arg3[%sub3A_66, %dma_start3A_279] : memref<14x20xf32, #tpu.memory_space<hbm>> -> memref<1x20xf32, #tpu.memory_space<hbm>>
    %dma_start3A_281 = arith.constant 21 : i32
    %dma_start3A_282 = arith.constant 0 : i32
    %dma_start3A_283 = tpu.memref_slice %arg6[%dma_start3A_281, %dma_start3A_282] : memref<64x20xf32, #tpu.memory_space<vmem>> -> memref<1x20xf32, #tpu.memory_space<vmem>>
    %dma_start3A_284 = arith.constant 0 : i32
    %dma_start3A_285 = tpu.memref_slice %arg3[%sub3A_66, %dma_start3A_284] : memref<14x20xf32, #tpu.memory_space<hbm>> -> memref<1x20xf32, #tpu.memory_space<hbm>>
    tpu.enqueue_dma source(%dma_start3A_285 : memref<1x20xf32, #tpu.memory_space<hbm>>) target(%dma_start3A_283 : memref<1x20xf32, #tpu.memory_space<vmem>>) target_semaphore(%arg8 : memref<!tpu.dma_semaphore, #tpu.memory_space<semaphore_mem>>)
    %dma_start3A_286 = arith.constant 22 : i32
    %dma_start3A_287 = arith.constant 0 : i32
    %dma_start3A_288 = tpu.memref_slice %arg6[%dma_start3A_286, %dma_start3A_287] : memref<64x20xf32, #tpu.memory_space<vmem>> -> memref<1x20xf32, #tpu.memory_space<vmem>>
    %dma_start3A_289 = arith.constant 0 : i32
    %dma_start3A_290 = tpu.memref_slice %arg3[%sub3A_66, %dma_start3A_289] : memref<14x20xf32, #tpu.memory_space<hbm>> -> memref<1x20xf32, #tpu.memory_space<hbm>>
    %dma_start3A_291 = arith.constant 22 : i32
    %dma_start3A_292 = arith.constant 0 : i32
    %dma_start3A_293 = tpu.memref_slice %arg6[%dma_start3A_291, %dma_start3A_292] : memref<64x20xf32, #tpu.memory_space<vmem>> -> memref<1x20xf32, #tpu.memory_space<vmem>>
    %dma_start3A_294 = arith.constant 0 : i32
    %dma_start3A_295 = tpu.memref_slice %arg3[%sub3A_66, %dma_start3A_294] : memref<14x20xf32, #tpu.memory_space<hbm>> -> memref<1x20xf32, #tpu.memory_space<hbm>>
    tpu.enqueue_dma source(%dma_start3A_295 : memref<1x20xf32, #tpu.memory_space<hbm>>) target(%dma_start3A_293 : memref<1x20xf32, #tpu.memory_space<vmem>>) target_semaphore(%arg8 : memref<!tpu.dma_semaphore, #tpu.memory_space<semaphore_mem>>)
    %dma_start3A_296 = arith.constant 23 : i32
    %dma_start3A_297 = arith.constant 0 : i32
    %dma_start3A_298 = tpu.memref_slice %arg6[%dma_start3A_296, %dma_start3A_297] : memref<64x20xf32, #tpu.memory_space<vmem>> -> memref<1x20xf32, #tpu.memory_space<vmem>>
    %dma_start3A_299 = arith.constant 0 : i32
    %dma_start3A_300 = tpu.memref_slice %arg3[%sub3A_66, %dma_start3A_299] : memref<14x20xf32, #tpu.memory_space<hbm>> -> memref<1x20xf32, #tpu.memory_space<hbm>>
    %dma_start3A_301 = arith.constant 23 : i32
    %dma_start3A_302 = arith.constant 0 : i32
    %dma_start3A_303 = tpu.memref_slice %arg6[%dma_start3A_301, %dma_start3A_302] : memref<64x20xf32, #tpu.memory_space<vmem>> -> memref<1x20xf32, #tpu.memory_space<vmem>>
    %dma_start3A_304 = arith.constant 0 : i32
    %dma_start3A_305 = tpu.memref_slice %arg3[%sub3A_66, %dma_start3A_304] : memref<14x20xf32, #tpu.memory_space<hbm>> -> memref<1x20xf32, #tpu.memory_space<hbm>>
    tpu.enqueue_dma source(%dma_start3A_305 : memref<1x20xf32, #tpu.memory_space<hbm>>) target(%dma_start3A_303 : memref<1x20xf32, #tpu.memory_space<vmem>>) target_semaphore(%arg8 : memref<!tpu.dma_semaphore, #tpu.memory_space<semaphore_mem>>)
    %dma_start3A_306 = arith.constant 24 : i32
    %dma_start3A_307 = arith.constant 0 : i32
    %dma_start3A_308 = tpu.memref_slice %arg6[%dma_start3A_306, %dma_start3A_307] : memref<64x20xf32, #tpu.memory_space<vmem>> -> memref<1x20xf32, #tpu.memory_space<vmem>>
    %dma_start3A_309 = arith.constant 0 : i32
    %dma_start3A_310 = tpu.memref_slice %arg3[%sub3A_66, %dma_start3A_309] : memref<14x20xf32, #tpu.memory_space<hbm>> -> memref<1x20xf32, #tpu.memory_space<hbm>>
    %dma_start3A_311 = arith.constant 24 : i32
    %dma_start3A_312 = arith.constant 0 : i32
    %dma_start3A_313 = tpu.memref_slice %arg6[%dma_start3A_311, %dma_start3A_312] : memref<64x20xf32, #tpu.memory_space<vmem>> -> memref<1x20xf32, #tpu.memory_space<vmem>>
    %dma_start3A_314 = arith.constant 0 : i32
    %dma_start3A_315 = tpu.memref_slice %arg3[%sub3A_66, %dma_start3A_314] : memref<14x20xf32, #tpu.memory_space<hbm>> -> memref<1x20xf32, #tpu.memory_space<hbm>>
    tpu.enqueue_dma source(%dma_start3A_315 : memref<1x20xf32, #tpu.memory_space<hbm>>) target(%dma_start3A_313 : memref<1x20xf32, #tpu.memory_space<vmem>>) target_semaphore(%arg8 : memref<!tpu.dma_semaphore, #tpu.memory_space<semaphore_mem>>)
    %dma_start3A_316 = arith.constant 25 : i32
    %dma_start3A_317 = arith.constant 0 : i32
    %dma_start3A_318 = tpu.memref_slice %arg6[%dma_start3A_316, %dma_start3A_317] : memref<64x20xf32, #tpu.memory_space<vmem>> -> memref<1x20xf32, #tpu.memory_space<vmem>>
    %dma_start3A_319 = arith.constant 0 : i32
    %dma_start3A_320 = tpu.memref_slice %arg3[%sub3A_66, %dma_start3A_319] : memref<14x20xf32, #tpu.memory_space<hbm>> -> memref<1x20xf32, #tpu.memory_space<hbm>>
    %dma_start3A_321 = arith.constant 25 : i32
    %dma_start3A_322 = arith.constant 0 : i32
    %dma_start3A_323 = tpu.memref_slice %arg6[%dma_start3A_321, %dma_start3A_322] : memref<64x20xf32, #tpu.memory_space<vmem>> -> memref<1x20xf32, #tpu.memory_space<vmem>>
    %dma_start3A_324 = arith.constant 0 : i32
    %dma_start3A_325 = tpu.memref_slice %arg3[%sub3A_66, %dma_start3A_324] : memref<14x20xf32, #tpu.memory_space<hbm>> -> memref<1x20xf32, #tpu.memory_space<hbm>>
    tpu.enqueue_dma source(%dma_start3A_325 : memref<1x20xf32, #tpu.memory_space<hbm>>) target(%dma_start3A_323 : memref<1x20xf32, #tpu.memory_space<vmem>>) target_semaphore(%arg8 : memref<!tpu.dma_semaphore, #tpu.memory_space<semaphore_mem>>)
    %dma_start3A_326 = arith.constant 26 : i32
    %dma_start3A_327 = arith.constant 0 : i32
    %dma_start3A_328 = tpu.memref_slice %arg6[%dma_start3A_326, %dma_start3A_327] : memref<64x20xf32, #tpu.memory_space<vmem>> -> memref<1x20xf32, #tpu.memory_space<vmem>>
    %dma_start3A_329 = arith.constant 0 : i32
    %dma_start3A_330 = tpu.memref_slice %arg3[%sub3A_66, %dma_start3A_329] : memref<14x20xf32, #tpu.memory_space<hbm>> -> memref<1x20xf32, #tpu.memory_space<hbm>>
    %dma_start3A_331 = arith.constant 26 : i32
    %dma_start3A_332 = arith.constant 0 : i32
    %dma_start3A_333 = tpu.memref_slice %arg6[%dma_start3A_331, %dma_start3A_332] : memref<64x20xf32, #tpu.memory_space<vmem>> -> memref<1x20xf32, #tpu.memory_space<vmem>>
    %dma_start3A_334 = arith.constant 0 : i32
    %dma_start3A_335 = tpu.memref_slice %arg3[%sub3A_66, %dma_start3A_334] : memref<14x20xf32, #tpu.memory_space<hbm>> -> memref<1x20xf32, #tpu.memory_space<hbm>>
    tpu.enqueue_dma source(%dma_start3A_335 : memref<1x20xf32, #tpu.memory_space<hbm>>) target(%dma_start3A_333 : memref<1x20xf32, #tpu.memory_space<vmem>>) target_semaphore(%arg8 : memref<!tpu.dma_semaphore, #tpu.memory_space<semaphore_mem>>)
    %dma_start3A_336 = arith.constant 27 : i32
    %dma_start3A_337 = arith.constant 0 : i32
    %dma_start3A_338 = tpu.memref_slice %arg6[%dma_start3A_336, %dma_start3A_337] : memref<64x20xf32, #tpu.memory_space<vmem>> -> memref<1x20xf32, #tpu.memory_space<vmem>>
    %dma_start3A_339 = arith.constant 0 : i32
    %dma_start3A_340 = tpu.memref_slice %arg3[%sub3A_66, %dma_start3A_339] : memref<14x20xf32, #tpu.memory_space<hbm>> -> memref<1x20xf32, #tpu.memory_space<hbm>>
    %dma_start3A_341 = arith.constant 27 : i32
    %dma_start3A_342 = arith.constant 0 : i32
    %dma_start3A_343 = tpu.memref_slice %arg6[%dma_start3A_341, %dma_start3A_342] : memref<64x20xf32, #tpu.memory_space<vmem>> -> memref<1x20xf32, #tpu.memory_space<vmem>>
    %dma_start3A_344 = arith.constant 0 : i32
    %dma_start3A_345 = tpu.memref_slice %arg3[%sub3A_66, %dma_start3A_344] : memref<14x20xf32, #tpu.memory_space<hbm>> -> memref<1x20xf32, #tpu.memory_space<hbm>>
    tpu.enqueue_dma source(%dma_start3A_345 : memref<1x20xf32, #tpu.memory_space<hbm>>) target(%dma_start3A_343 : memref<1x20xf32, #tpu.memory_space<vmem>>) target_semaphore(%arg8 : memref<!tpu.dma_semaphore, #tpu.memory_space<semaphore_mem>>)
    %dma_start3A_346 = arith.constant 28 : i32
    %dma_start3A_347 = arith.constant 0 : i32
    %dma_start3A_348 = tpu.memref_slice %arg6[%dma_start3A_346, %dma_start3A_347] : memref<64x20xf32, #tpu.memory_space<vmem>> -> memref<1x20xf32, #tpu.memory_space<vmem>>
    %dma_start3A_349 = arith.constant 0 : i32
    %dma_start3A_350 = tpu.memref_slice %arg3[%sub3A_66, %dma_start3A_349] : memref<14x20xf32, #tpu.memory_space<hbm>> -> memref<1x20xf32, #tpu.memory_space<hbm>>
    %dma_start3A_351 = arith.constant 28 : i32
    %dma_start3A_352 = arith.constant 0 : i32
    %dma_start3A_353 = tpu.memref_slice %arg6[%dma_start3A_351, %dma_start3A_352] : memref<64x20xf32, #tpu.memory_space<vmem>> -> memref<1x20xf32, #tpu.memory_space<vmem>>
    %dma_start3A_354 = arith.constant 0 : i32
    %dma_start3A_355 = tpu.memref_slice %arg3[%sub3A_66, %dma_start3A_354] : memref<14x20xf32, #tpu.memory_space<hbm>> -> memref<1x20xf32, #tpu.memory_space<hbm>>
    tpu.enqueue_dma source(%dma_start3A_355 : memref<1x20xf32, #tpu.memory_space<hbm>>) target(%dma_start3A_353 : memref<1x20xf32, #tpu.memory_space<vmem>>) target_semaphore(%arg8 : memref<!tpu.dma_semaphore, #tpu.memory_space<semaphore_mem>>)
    %dma_start3A_356 = arith.constant 29 : i32
    %dma_start3A_357 = arith.constant 0 : i32
    %dma_start3A_358 = tpu.memref_slice %arg6[%dma_start3A_356, %dma_start3A_357] : memref<64x20xf32, #tpu.memory_space<vmem>> -> memref<1x20xf32, #tpu.memory_space<vmem>>
    %dma_start3A_359 = arith.constant 0 : i32
    %dma_start3A_360 = tpu.memref_slice %arg3[%sub3A_66, %dma_start3A_359] : memref<14x20xf32, #tpu.memory_space<hbm>> -> memref<1x20xf32, #tpu.memory_space<hbm>>
    %dma_start3A_361 = arith.constant 29 : i32
    %dma_start3A_362 = arith.constant 0 : i32
    %dma_start3A_363 = tpu.memref_slice %arg6[%dma_start3A_361, %dma_start3A_362] : memref<64x20xf32, #tpu.memory_space<vmem>> -> memref<1x20xf32, #tpu.memory_space<vmem>>
    %dma_start3A_364 = arith.constant 0 : i32
    %dma_start3A_365 = tpu.memref_slice %arg3[%sub3A_66, %dma_start3A_364] : memref<14x20xf32, #tpu.memory_space<hbm>> -> memref<1x20xf32, #tpu.memory_space<hbm>>
    tpu.enqueue_dma source(%dma_start3A_365 : memref<1x20xf32, #tpu.memory_space<hbm>>) target(%dma_start3A_363 : memref<1x20xf32, #tpu.memory_space<vmem>>) target_semaphore(%arg8 : memref<!tpu.dma_semaphore, #tpu.memory_space<semaphore_mem>>)
    %dma_start3A_366 = arith.constant 30 : i32
    %dma_start3A_367 = arith.constant 0 : i32
    %dma_start3A_368 = tpu.memref_slice %arg6[%dma_start3A_366, %dma_start3A_367] : memref<64x20xf32, #tpu.memory_space<vmem>> -> memref<1x20xf32, #tpu.memory_space<vmem>>
    %dma_start3A_369 = arith.constant 0 : i32
    %dma_start3A_370 = tpu.memref_slice %arg3[%sub3A_66, %dma_start3A_369] : memref<14x20xf32, #tpu.memory_space<hbm>> -> memref<1x20xf32, #tpu.memory_space<hbm>>
    %dma_start3A_371 = arith.constant 30 : i32
    %dma_start3A_372 = arith.constant 0 : i32
    %dma_start3A_373 = tpu.memref_slice %arg6[%dma_start3A_371, %dma_start3A_372] : memref<64x20xf32, #tpu.memory_space<vmem>> -> memref<1x20xf32, #tpu.memory_space<vmem>>
    %dma_start3A_374 = arith.constant 0 : i32
    %dma_start3A_375 = tpu.memref_slice %arg3[%sub3A_66, %dma_start3A_374] : memref<14x20xf32, #tpu.memory_space<hbm>> -> memref<1x20xf32, #tpu.memory_space<hbm>>
    tpu.enqueue_dma source(%dma_start3A_375 : memref<1x20xf32, #tpu.memory_space<hbm>>) target(%dma_start3A_373 : memref<1x20xf32, #tpu.memory_space<vmem>>) target_semaphore(%arg8 : memref<!tpu.dma_semaphore, #tpu.memory_space<semaphore_mem>>)
    %dma_start3A_376 = arith.constant 31 : i32
    %dma_start3A_377 = arith.constant 0 : i32
    %dma_start3A_378 = tpu.memref_slice %arg6[%dma_start3A_376, %dma_start3A_377] : memref<64x20xf32, #tpu.memory_space<vmem>> -> memref<1x20xf32, #tpu.memory_space<vmem>>
    %dma_start3A_379 = arith.constant 0 : i32
    %dma_start3A_380 = tpu.memref_slice %arg3[%sub3A_66, %dma_start3A_379] : memref<14x20xf32, #tpu.memory_space<hbm>> -> memref<1x20xf32, #tpu.memory_space<hbm>>
    %dma_start3A_381 = arith.constant 31 : i32
    %dma_start3A_382 = arith.constant 0 : i32
    %dma_start3A_383 = tpu.memref_slice %arg6[%dma_start3A_381, %dma_start3A_382] : memref<64x20xf32, #tpu.memory_space<vmem>> -> memref<1x20xf32, #tpu.memory_space<vmem>>
    %dma_start3A_384 = arith.constant 0 : i32
    %dma_start3A_385 = tpu.memref_slice %arg3[%sub3A_66, %dma_start3A_384] : memref<14x20xf32, #tpu.memory_space<hbm>> -> memref<1x20xf32, #tpu.memory_space<hbm>>
    tpu.enqueue_dma source(%dma_start3A_385 : memref<1x20xf32, #tpu.memory_space<hbm>>) target(%dma_start3A_383 : memref<1x20xf32, #tpu.memory_space<vmem>>) target_semaphore(%arg8 : memref<!tpu.dma_semaphore, #tpu.memory_space<semaphore_mem>>)
    %dma_start3A_386 = arith.constant 32 : i32
    %dma_start3A_387 = arith.constant 0 : i32
    %dma_start3A_388 = tpu.memref_slice %arg6[%dma_start3A_386, %dma_start3A_387] : memref<64x20xf32, #tpu.memory_space<vmem>> -> memref<1x20xf32, #tpu.memory_space<vmem>>
    %dma_start3A_389 = arith.constant 0 : i32
    %dma_start3A_390 = tpu.memref_slice %arg3[%sub3A_66, %dma_start3A_389] : memref<14x20xf32, #tpu.memory_space<hbm>> -> memref<1x20xf32, #tpu.memory_space<hbm>>
    %dma_start3A_391 = arith.constant 32 : i32
    %dma_start3A_392 = arith.constant 0 : i32
    %dma_start3A_393 = tpu.memref_slice %arg6[%dma_start3A_391, %dma_start3A_392] : memref<64x20xf32, #tpu.memory_space<vmem>> -> memref<1x20xf32, #tpu.memory_space<vmem>>
    %dma_start3A_394 = arith.constant 0 : i32
    %dma_start3A_395 = tpu.memref_slice %arg3[%sub3A_66, %dma_start3A_394] : memref<14x20xf32, #tpu.memory_space<hbm>> -> memref<1x20xf32, #tpu.memory_space<hbm>>
    tpu.enqueue_dma source(%dma_start3A_395 : memref<1x20xf32, #tpu.memory_space<hbm>>) target(%dma_start3A_393 : memref<1x20xf32, #tpu.memory_space<vmem>>) target_semaphore(%arg8 : memref<!tpu.dma_semaphore, #tpu.memory_space<semaphore_mem>>)
    %dma_start3A_396 = arith.constant 33 : i32
    %dma_start3A_397 = arith.constant 0 : i32
    %dma_start3A_398 = tpu.memref_slice %arg6[%dma_start3A_396, %dma_start3A_397] : memref<64x20xf32, #tpu.memory_space<vmem>> -> memref<1x20xf32, #tpu.memory_space<vmem>>
    %dma_start3A_399 = arith.constant 0 : i32
    %dma_start3A_400 = tpu.memref_slice %arg3[%sub3A_66, %dma_start3A_399] : memref<14x20xf32, #tpu.memory_space<hbm>> -> memref<1x20xf32, #tpu.memory_space<hbm>>
    %dma_start3A_401 = arith.constant 33 : i32
    %dma_start3A_402 = arith.constant 0 : i32
    %dma_start3A_403 = tpu.memref_slice %arg6[%dma_start3A_401, %dma_start3A_402] : memref<64x20xf32, #tpu.memory_space<vmem>> -> memref<1x20xf32, #tpu.memory_space<vmem>>
    %dma_start3A_404 = arith.constant 0 : i32
    %dma_start3A_405 = tpu.memref_slice %arg3[%sub3A_66, %dma_start3A_404] : memref<14x20xf32, #tpu.memory_space<hbm>> -> memref<1x20xf32, #tpu.memory_space<hbm>>
    tpu.enqueue_dma source(%dma_start3A_405 : memref<1x20xf32, #tpu.memory_space<hbm>>) target(%dma_start3A_403 : memref<1x20xf32, #tpu.memory_space<vmem>>) target_semaphore(%arg8 : memref<!tpu.dma_semaphore, #tpu.memory_space<semaphore_mem>>)
    %dma_start3A_406 = arith.constant 34 : i32
    %dma_start3A_407 = arith.constant 0 : i32
    %dma_start3A_408 = tpu.memref_slice %arg6[%dma_start3A_406, %dma_start3A_407] : memref<64x20xf32, #tpu.memory_space<vmem>> -> memref<1x20xf32, #tpu.memory_space<vmem>>
    %dma_start3A_409 = arith.constant 0 : i32
    %dma_start3A_410 = tpu.memref_slice %arg3[%sub3A_66, %dma_start3A_409] : memref<14x20xf32, #tpu.memory_space<hbm>> -> memref<1x20xf32, #tpu.memory_space<hbm>>
    %dma_start3A_411 = arith.constant 34 : i32
    %dma_start3A_412 = arith.constant 0 : i32
    %dma_start3A_413 = tpu.memref_slice %arg6[%dma_start3A_411, %dma_start3A_412] : memref<64x20xf32, #tpu.memory_space<vmem>> -> memref<1x20xf32, #tpu.memory_space<vmem>>
    %dma_start3A_414 = arith.constant 0 : i32
    %dma_start3A_415 = tpu.memref_slice %arg3[%sub3A_66, %dma_start3A_414] : memref<14x20xf32, #tpu.memory_space<hbm>> -> memref<1x20xf32, #tpu.memory_space<hbm>>
    tpu.enqueue_dma source(%dma_start3A_415 : memref<1x20xf32, #tpu.memory_space<hbm>>) target(%dma_start3A_413 : memref<1x20xf32, #tpu.memory_space<vmem>>) target_semaphore(%arg8 : memref<!tpu.dma_semaphore, #tpu.memory_space<semaphore_mem>>)
    %dma_start3A_416 = arith.constant 35 : i32
    %dma_start3A_417 = arith.constant 0 : i32
    %dma_start3A_418 = tpu.memref_slice %arg6[%dma_start3A_416, %dma_start3A_417] : memref<64x20xf32, #tpu.memory_space<vmem>> -> memref<1x20xf32, #tpu.memory_space<vmem>>
    %dma_start3A_419 = arith.constant 0 : i32
    %dma_start3A_420 = tpu.memref_slice %arg3[%sub3A_66, %dma_start3A_419] : memref<14x20xf32, #tpu.memory_space<hbm>> -> memref<1x20xf32, #tpu.memory_space<hbm>>
    %dma_start3A_421 = arith.constant 35 : i32
    %dma_start3A_422 = arith.constant 0 : i32
    %dma_start3A_423 = tpu.memref_slice %arg6[%dma_start3A_421, %dma_start3A_422] : memref<64x20xf32, #tpu.memory_space<vmem>> -> memref<1x20xf32, #tpu.memory_space<vmem>>
    %dma_start3A_424 = arith.constant 0 : i32
    %dma_start3A_425 = tpu.memref_slice %arg3[%sub3A_66, %dma_start3A_424] : memref<14x20xf32, #tpu.memory_space<hbm>> -> memref<1x20xf32, #tpu.memory_space<hbm>>
    tpu.enqueue_dma source(%dma_start3A_425 : memref<1x20xf32, #tpu.memory_space<hbm>>) target(%dma_start3A_423 : memref<1x20xf32, #tpu.memory_space<vmem>>) target_semaphore(%arg8 : memref<!tpu.dma_semaphore, #tpu.memory_space<semaphore_mem>>)
    %dma_start3A_426 = arith.constant 36 : i32
    %dma_start3A_427 = arith.constant 0 : i32
    %dma_start3A_428 = tpu.memref_slice %arg6[%dma_start3A_426, %dma_start3A_427] : memref<64x20xf32, #tpu.memory_space<vmem>> -> memref<1x20xf32, #tpu.memory_space<vmem>>
    %dma_start3A_429 = arith.constant 0 : i32
    %dma_start3A_430 = tpu.memref_slice %arg3[%sub3A_66, %dma_start3A_429] : memref<14x20xf32, #tpu.memory_space<hbm>> -> memref<1x20xf32, #tpu.memory_space<hbm>>
    %dma_start3A_431 = arith.constant 36 : i32
    %dma_start3A_432 = arith.constant 0 : i32
    %dma_start3A_433 = tpu.memref_slice %arg6[%dma_start3A_431, %dma_start3A_432] : memref<64x20xf32, #tpu.memory_space<vmem>> -> memref<1x20xf32, #tpu.memory_space<vmem>>
    %dma_start3A_434 = arith.constant 0 : i32
    %dma_start3A_435 = tpu.memref_slice %arg3[%sub3A_66, %dma_start3A_434] : memref<14x20xf32, #tpu.memory_space<hbm>> -> memref<1x20xf32, #tpu.memory_space<hbm>>
    tpu.enqueue_dma source(%dma_start3A_435 : memref<1x20xf32, #tpu.memory_space<hbm>>) target(%dma_start3A_433 : memref<1x20xf32, #tpu.memory_space<vmem>>) target_semaphore(%arg8 : memref<!tpu.dma_semaphore, #tpu.memory_space<semaphore_mem>>)
    %dma_start3A_436 = arith.constant 37 : i32
    %dma_start3A_437 = arith.constant 0 : i32
    %dma_start3A_438 = tpu.memref_slice %arg6[%dma_start3A_436, %dma_start3A_437] : memref<64x20xf32, #tpu.memory_space<vmem>> -> memref<1x20xf32, #tpu.memory_space<vmem>>
    %dma_start3A_439 = arith.constant 0 : i32
    %dma_start3A_440 = tpu.memref_slice %arg3[%sub3A_66, %dma_start3A_439] : memref<14x20xf32, #tpu.memory_space<hbm>> -> memref<1x20xf32, #tpu.memory_space<hbm>>
    %dma_start3A_441 = arith.constant 37 : i32
    %dma_start3A_442 = arith.constant 0 : i32
    %dma_start3A_443 = tpu.memref_slice %arg6[%dma_start3A_441, %dma_start3A_442] : memref<64x20xf32, #tpu.memory_space<vmem>> -> memref<1x20xf32, #tpu.memory_space<vmem>>
    %dma_start3A_444 = arith.constant 0 : i32
    %dma_start3A_445 = tpu.memref_slice %arg3[%sub3A_66, %dma_start3A_444] : memref<14x20xf32, #tpu.memory_space<hbm>> -> memref<1x20xf32, #tpu.memory_space<hbm>>
    tpu.enqueue_dma source(%dma_start3A_445 : memref<1x20xf32, #tpu.memory_space<hbm>>) target(%dma_start3A_443 : memref<1x20xf32, #tpu.memory_space<vmem>>) target_semaphore(%arg8 : memref<!tpu.dma_semaphore, #tpu.memory_space<semaphore_mem>>)
    %dma_start3A_446 = arith.constant 38 : i32
    %dma_start3A_447 = arith.constant 0 : i32
    %dma_start3A_448 = tpu.memref_slice %arg6[%dma_start3A_446, %dma_start3A_447] : memref<64x20xf32, #tpu.memory_space<vmem>> -> memref<1x20xf32, #tpu.memory_space<vmem>>
    %dma_start3A_449 = arith.constant 0 : i32
    %dma_start3A_450 = tpu.memref_slice %arg3[%sub3A_66, %dma_start3A_449] : memref<14x20xf32, #tpu.memory_space<hbm>> -> memref<1x20xf32, #tpu.memory_space<hbm>>
    %dma_start3A_451 = arith.constant 38 : i32
    %dma_start3A_452 = arith.constant 0 : i32
    %dma_start3A_453 = tpu.memref_slice %arg6[%dma_start3A_451, %dma_start3A_452] : memref<64x20xf32, #tpu.memory_space<vmem>> -> memref<1x20xf32, #tpu.memory_space<vmem>>
    %dma_start3A_454 = arith.constant 0 : i32
    %dma_start3A_455 = tpu.memref_slice %arg3[%sub3A_66, %dma_start3A_454] : memref<14x20xf32, #tpu.memory_space<hbm>> -> memref<1x20xf32, #tpu.memory_space<hbm>>
    tpu.enqueue_dma source(%dma_start3A_455 : memref<1x20xf32, #tpu.memory_space<hbm>>) target(%dma_start3A_453 : memref<1x20xf32, #tpu.memory_space<vmem>>) target_semaphore(%arg8 : memref<!tpu.dma_semaphore, #tpu.memory_space<semaphore_mem>>)
    %dma_start3A_456 = arith.constant 39 : i32
    %dma_start3A_457 = arith.constant 0 : i32
    %dma_start3A_458 = tpu.memref_slice %arg6[%dma_start3A_456, %dma_start3A_457] : memref<64x20xf32, #tpu.memory_space<vmem>> -> memref<1x20xf32, #tpu.memory_space<vmem>>
    %dma_start3A_459 = arith.constant 0 : i32
    %dma_start3A_460 = tpu.memref_slice %arg3[%sub3A_66, %dma_start3A_459] : memref<14x20xf32, #tpu.memory_space<hbm>> -> memref<1x20xf32, #tpu.memory_space<hbm>>
    %dma_start3A_461 = arith.constant 39 : i32
    %dma_start3A_462 = arith.constant 0 : i32
    %dma_start3A_463 = tpu.memref_slice %arg6[%dma_start3A_461, %dma_start3A_462] : memref<64x20xf32, #tpu.memory_space<vmem>> -> memref<1x20xf32, #tpu.memory_space<vmem>>
    %dma_start3A_464 = arith.constant 0 : i32
    %dma_start3A_465 = tpu.memref_slice %arg3[%sub3A_66, %dma_start3A_464] : memref<14x20xf32, #tpu.memory_space<hbm>> -> memref<1x20xf32, #tpu.memory_space<hbm>>
    tpu.enqueue_dma source(%dma_start3A_465 : memref<1x20xf32, #tpu.memory_space<hbm>>) target(%dma_start3A_463 : memref<1x20xf32, #tpu.memory_space<vmem>>) target_semaphore(%arg8 : memref<!tpu.dma_semaphore, #tpu.memory_space<semaphore_mem>>)
    %dma_start3A_466 = arith.constant 40 : i32
    %dma_start3A_467 = arith.constant 0 : i32
    %dma_start3A_468 = tpu.memref_slice %arg6[%dma_start3A_466, %dma_start3A_467] : memref<64x20xf32, #tpu.memory_space<vmem>> -> memref<1x20xf32, #tpu.memory_space<vmem>>
    %dma_start3A_469 = arith.constant 0 : i32
    %dma_start3A_470 = tpu.memref_slice %arg3[%sub3A_66, %dma_start3A_469] : memref<14x20xf32, #tpu.memory_space<hbm>> -> memref<1x20xf32, #tpu.memory_space<hbm>>
    %dma_start3A_471 = arith.constant 40 : i32
    %dma_start3A_472 = arith.constant 0 : i32
    %dma_start3A_473 = tpu.memref_slice %arg6[%dma_start3A_471, %dma_start3A_472] : memref<64x20xf32, #tpu.memory_space<vmem>> -> memref<1x20xf32, #tpu.memory_space<vmem>>
    %dma_start3A_474 = arith.constant 0 : i32
    %dma_start3A_475 = tpu.memref_slice %arg3[%sub3A_66, %dma_start3A_474] : memref<14x20xf32, #tpu.memory_space<hbm>> -> memref<1x20xf32, #tpu.memory_space<hbm>>
    tpu.enqueue_dma source(%dma_start3A_475 : memref<1x20xf32, #tpu.memory_space<hbm>>) target(%dma_start3A_473 : memref<1x20xf32, #tpu.memory_space<vmem>>) target_semaphore(%arg8 : memref<!tpu.dma_semaphore, #tpu.memory_space<semaphore_mem>>)
    %dma_start3A_476 = arith.constant 41 : i32
    %dma_start3A_477 = arith.constant 0 : i32
    %dma_start3A_478 = tpu.memref_slice %arg6[%dma_start3A_476, %dma_start3A_477] : memref<64x20xf32, #tpu.memory_space<vmem>> -> memref<1x20xf32, #tpu.memory_space<vmem>>
    %dma_start3A_479 = arith.constant 0 : i32
    %dma_start3A_480 = tpu.memref_slice %arg3[%sub3A_66, %dma_start3A_479] : memref<14x20xf32, #tpu.memory_space<hbm>> -> memref<1x20xf32, #tpu.memory_space<hbm>>
    %dma_start3A_481 = arith.constant 41 : i32
    %dma_start3A_482 = arith.constant 0 : i32
    %dma_start3A_483 = tpu.memref_slice %arg6[%dma_start3A_481, %dma_start3A_482] : memref<64x20xf32, #tpu.memory_space<vmem>> -> memref<1x20xf32, #tpu.memory_space<vmem>>
    %dma_start3A_484 = arith.constant 0 : i32
    %dma_start3A_485 = tpu.memref_slice %arg3[%sub3A_66, %dma_start3A_484] : memref<14x20xf32, #tpu.memory_space<hbm>> -> memref<1x20xf32, #tpu.memory_space<hbm>>
    tpu.enqueue_dma source(%dma_start3A_485 : memref<1x20xf32, #tpu.memory_space<hbm>>) target(%dma_start3A_483 : memref<1x20xf32, #tpu.memory_space<vmem>>) target_semaphore(%arg8 : memref<!tpu.dma_semaphore, #tpu.memory_space<semaphore_mem>>)
    %dma_start3A_486 = arith.constant 42 : i32
    %dma_start3A_487 = arith.constant 0 : i32
    %dma_start3A_488 = tpu.memref_slice %arg6[%dma_start3A_486, %dma_start3A_487] : memref<64x20xf32, #tpu.memory_space<vmem>> -> memref<1x20xf32, #tpu.memory_space<vmem>>
    %dma_start3A_489 = arith.constant 0 : i32
    %dma_start3A_490 = tpu.memref_slice %arg3[%sub3A_66, %dma_start3A_489] : memref<14x20xf32, #tpu.memory_space<hbm>> -> memref<1x20xf32, #tpu.memory_space<hbm>>
    %dma_start3A_491 = arith.constant 42 : i32
    %dma_start3A_492 = arith.constant 0 : i32
    %dma_start3A_493 = tpu.memref_slice %arg6[%dma_start3A_491, %dma_start3A_492] : memref<64x20xf32, #tpu.memory_space<vmem>> -> memref<1x20xf32, #tpu.memory_space<vmem>>
    %dma_start3A_494 = arith.constant 0 : i32
    %dma_start3A_495 = tpu.memref_slice %arg3[%sub3A_66, %dma_start3A_494] : memref<14x20xf32, #tpu.memory_space<hbm>> -> memref<1x20xf32, #tpu.memory_space<hbm>>
    tpu.enqueue_dma source(%dma_start3A_495 : memref<1x20xf32, #tpu.memory_space<hbm>>) target(%dma_start3A_493 : memref<1x20xf32, #tpu.memory_space<vmem>>) target_semaphore(%arg8 : memref<!tpu.dma_semaphore, #tpu.memory_space<semaphore_mem>>)
    %dma_start3A_496 = arith.constant 43 : i32
    %dma_start3A_497 = arith.constant 0 : i32
    %dma_start3A_498 = tpu.memref_slice %arg6[%dma_start3A_496, %dma_start3A_497] : memref<64x20xf32, #tpu.memory_space<vmem>> -> memref<1x20xf32, #tpu.memory_space<vmem>>
    %dma_start3A_499 = arith.constant 0 : i32
    %dma_start3A_500 = tpu.memref_slice %arg3[%sub3A_66, %dma_start3A_499] : memref<14x20xf32, #tpu.memory_space<hbm>> -> memref<1x20xf32, #tpu.memory_space<hbm>>
    %dma_start3A_501 = arith.constant 43 : i32
    %dma_start3A_502 = arith.constant 0 : i32
    %dma_start3A_503 = tpu.memref_slice %arg6[%dma_start3A_501, %dma_start3A_502] : memref<64x20xf32, #tpu.memory_space<vmem>> -> memref<1x20xf32, #tpu.memory_space<vmem>>
    %dma_start3A_504 = arith.constant 0 : i32
    %dma_start3A_505 = tpu.memref_slice %arg3[%sub3A_66, %dma_start3A_504] : memref<14x20xf32, #tpu.memory_space<hbm>> -> memref<1x20xf32, #tpu.memory_space<hbm>>
    tpu.enqueue_dma source(%dma_start3A_505 : memref<1x20xf32, #tpu.memory_space<hbm>>) target(%dma_start3A_503 : memref<1x20xf32, #tpu.memory_space<vmem>>) target_semaphore(%arg8 : memref<!tpu.dma_semaphore, #tpu.memory_space<semaphore_mem>>)
    %dma_start3A_506 = arith.constant 44 : i32
    %dma_start3A_507 = arith.constant 0 : i32
    %dma_start3A_508 = tpu.memref_slice %arg6[%dma_start3A_506, %dma_start3A_507] : memref<64x20xf32, #tpu.memory_space<vmem>> -> memref<1x20xf32, #tpu.memory_space<vmem>>
    %dma_start3A_509 = arith.constant 0 : i32
    %dma_start3A_510 = tpu.memref_slice %arg3[%sub3A_66, %dma_start3A_509] : memref<14x20xf32, #tpu.memory_space<hbm>> -> memref<1x20xf32, #tpu.memory_space<hbm>>
    %dma_start3A_511 = arith.constant 44 : i32
    %dma_start3A_512 = arith.constant 0 : i32
    %dma_start3A_513 = tpu.memref_slice %arg6[%dma_start3A_511, %dma_start3A_512] : memref<64x20xf32, #tpu.memory_space<vmem>> -> memref<1x20xf32, #tpu.memory_space<vmem>>
    %dma_start3A_514 = arith.constant 0 : i32
    %dma_start3A_515 = tpu.memref_slice %arg3[%sub3A_66, %dma_start3A_514] : memref<14x20xf32, #tpu.memory_space<hbm>> -> memref<1x20xf32, #tpu.memory_space<hbm>>
    tpu.enqueue_dma source(%dma_start3A_515 : memref<1x20xf32, #tpu.memory_space<hbm>>) target(%dma_start3A_513 : memref<1x20xf32, #tpu.memory_space<vmem>>) target_semaphore(%arg8 : memref<!tpu.dma_semaphore, #tpu.memory_space<semaphore_mem>>)
    %dma_start3A_516 = arith.constant 45 : i32
    %dma_start3A_517 = arith.constant 0 : i32
    %dma_start3A_518 = tpu.memref_slice %arg6[%dma_start3A_516, %dma_start3A_517] : memref<64x20xf32, #tpu.memory_space<vmem>> -> memref<1x20xf32, #tpu.memory_space<vmem>>
    %dma_start3A_519 = arith.constant 0 : i32
    %dma_start3A_520 = tpu.memref_slice %arg3[%sub3A_66, %dma_start3A_519] : memref<14x20xf32, #tpu.memory_space<hbm>> -> memref<1x20xf32, #tpu.memory_space<hbm>>
    %dma_start3A_521 = arith.constant 45 : i32
    %dma_start3A_522 = arith.constant 0 : i32
    %dma_start3A_523 = tpu.memref_slice %arg6[%dma_start3A_521, %dma_start3A_522] : memref<64x20xf32, #tpu.memory_space<vmem>> -> memref<1x20xf32, #tpu.memory_space<vmem>>
    %dma_start3A_524 = arith.constant 0 : i32
    %dma_start3A_525 = tpu.memref_slice %arg3[%sub3A_66, %dma_start3A_524] : memref<14x20xf32, #tpu.memory_space<hbm>> -> memref<1x20xf32, #tpu.memory_space<hbm>>
    tpu.enqueue_dma source(%dma_start3A_525 : memref<1x20xf32, #tpu.memory_space<hbm>>) target(%dma_start3A_523 : memref<1x20xf32, #tpu.memory_space<vmem>>) target_semaphore(%arg8 : memref<!tpu.dma_semaphore, #tpu.memory_space<semaphore_mem>>)
    %dma_start3A_526 = arith.constant 46 : i32
    %dma_start3A_527 = arith.constant 0 : i32
    %dma_start3A_528 = tpu.memref_slice %arg6[%dma_start3A_526, %dma_start3A_527] : memref<64x20xf32, #tpu.memory_space<vmem>> -> memref<1x20xf32, #tpu.memory_space<vmem>>
    %dma_start3A_529 = arith.constant 0 : i32
    %dma_start3A_530 = tpu.memref_slice %arg3[%sub3A_66, %dma_start3A_529] : memref<14x20xf32, #tpu.memory_space<hbm>> -> memref<1x20xf32, #tpu.memory_space<hbm>>
    %dma_start3A_531 = arith.constant 46 : i32
    %dma_start3A_532 = arith.constant 0 : i32
    %dma_start3A_533 = tpu.memref_slice %arg6[%dma_start3A_531, %dma_start3A_532] : memref<64x20xf32, #tpu.memory_space<vmem>> -> memref<1x20xf32, #tpu.memory_space<vmem>>
    %dma_start3A_534 = arith.constant 0 : i32
    %dma_start3A_535 = tpu.memref_slice %arg3[%sub3A_66, %dma_start3A_534] : memref<14x20xf32, #tpu.memory_space<hbm>> -> memref<1x20xf32, #tpu.memory_space<hbm>>
    tpu.enqueue_dma source(%dma_start3A_535 : memref<1x20xf32, #tpu.memory_space<hbm>>) target(%dma_start3A_533 : memref<1x20xf32, #tpu.memory_space<vmem>>) target_semaphore(%arg8 : memref<!tpu.dma_semaphore, #tpu.memory_space<semaphore_mem>>)
    %dma_start3A_536 = arith.constant 47 : i32
    %dma_start3A_537 = arith.constant 0 : i32
    %dma_start3A_538 = tpu.memref_slice %arg6[%dma_start3A_536, %dma_start3A_537] : memref<64x20xf32, #tpu.memory_space<vmem>> -> memref<1x20xf32, #tpu.memory_space<vmem>>
    %dma_start3A_539 = arith.constant 0 : i32
    %dma_start3A_540 = tpu.memref_slice %arg3[%sub3A_66, %dma_start3A_539] : memref<14x20xf32, #tpu.memory_space<hbm>> -> memref<1x20xf32, #tpu.memory_space<hbm>>
    %dma_start3A_541 = arith.constant 47 : i32
    %dma_start3A_542 = arith.constant 0 : i32
    %dma_start3A_543 = tpu.memref_slice %arg6[%dma_start3A_541, %dma_start3A_542] : memref<64x20xf32, #tpu.memory_space<vmem>> -> memref<1x20xf32, #tpu.memory_space<vmem>>
    %dma_start3A_544 = arith.constant 0 : i32
    %dma_start3A_545 = tpu.memref_slice %arg3[%sub3A_66, %dma_start3A_544] : memref<14x20xf32, #tpu.memory_space<hbm>> -> memref<1x20xf32, #tpu.memory_space<hbm>>
    tpu.enqueue_dma source(%dma_start3A_545 : memref<1x20xf32, #tpu.memory_space<hbm>>) target(%dma_start3A_543 : memref<1x20xf32, #tpu.memory_space<vmem>>) target_semaphore(%arg8 : memref<!tpu.dma_semaphore, #tpu.memory_space<semaphore_mem>>)
    %dma_start3A_546 = arith.constant 48 : i32
    %dma_start3A_547 = arith.constant 0 : i32
    %dma_start3A_548 = tpu.memref_slice %arg6[%dma_start3A_546, %dma_start3A_547] : memref<64x20xf32, #tpu.memory_space<vmem>> -> memref<1x20xf32, #tpu.memory_space<vmem>>
    %dma_start3A_549 = arith.constant 0 : i32
    %dma_start3A_550 = tpu.memref_slice %arg3[%sub3A_66, %dma_start3A_549] : memref<14x20xf32, #tpu.memory_space<hbm>> -> memref<1x20xf32, #tpu.memory_space<hbm>>
    %dma_start3A_551 = arith.constant 48 : i32
    %dma_start3A_552 = arith.constant 0 : i32
    %dma_start3A_553 = tpu.memref_slice %arg6[%dma_start3A_551, %dma_start3A_552] : memref<64x20xf32, #tpu.memory_space<vmem>> -> memref<1x20xf32, #tpu.memory_space<vmem>>
    %dma_start3A_554 = arith.constant 0 : i32
    %dma_start3A_555 = tpu.memref_slice %arg3[%sub3A_66, %dma_start3A_554] : memref<14x20xf32, #tpu.memory_space<hbm>> -> memref<1x20xf32, #tpu.memory_space<hbm>>
    tpu.enqueue_dma source(%dma_start3A_555 : memref<1x20xf32, #tpu.memory_space<hbm>>) target(%dma_start3A_553 : memref<1x20xf32, #tpu.memory_space<vmem>>) target_semaphore(%arg8 : memref<!tpu.dma_semaphore, #tpu.memory_space<semaphore_mem>>)
    %dma_start3A_556 = arith.constant 49 : i32
    %dma_start3A_557 = arith.constant 0 : i32
    %dma_start3A_558 = tpu.memref_slice %arg6[%dma_start3A_556, %dma_start3A_557] : memref<64x20xf32, #tpu.memory_space<vmem>> -> memref<1x20xf32, #tpu.memory_space<vmem>>
    %dma_start3A_559 = arith.constant 0 : i32
    %dma_start3A_560 = tpu.memref_slice %arg3[%sub3A_66, %dma_start3A_559] : memref<14x20xf32, #tpu.memory_space<hbm>> -> memref<1x20xf32, #tpu.memory_space<hbm>>
    %dma_start3A_561 = arith.constant 49 : i32
    %dma_start3A_562 = arith.constant 0 : i32
    %dma_start3A_563 = tpu.memref_slice %arg6[%dma_start3A_561, %dma_start3A_562] : memref<64x20xf32, #tpu.memory_space<vmem>> -> memref<1x20xf32, #tpu.memory_space<vmem>>
    %dma_start3A_564 = arith.constant 0 : i32
    %dma_start3A_565 = tpu.memref_slice %arg3[%sub3A_66, %dma_start3A_564] : memref<14x20xf32, #tpu.memory_space<hbm>> -> memref<1x20xf32, #tpu.memory_space<hbm>>
    tpu.enqueue_dma source(%dma_start3A_565 : memref<1x20xf32, #tpu.memory_space<hbm>>) target(%dma_start3A_563 : memref<1x20xf32, #tpu.memory_space<vmem>>) target_semaphore(%arg8 : memref<!tpu.dma_semaphore, #tpu.memory_space<semaphore_mem>>)
    %dma_start3A_566 = arith.constant 50 : i32
    %dma_start3A_567 = arith.constant 0 : i32
    %dma_start3A_568 = tpu.memref_slice %arg6[%dma_start3A_566, %dma_start3A_567] : memref<64x20xf32, #tpu.memory_space<vmem>> -> memref<1x20xf32, #tpu.memory_space<vmem>>
    %dma_start3A_569 = arith.constant 0 : i32
    %dma_start3A_570 = tpu.memref_slice %arg3[%sub3A_66, %dma_start3A_569] : memref<14x20xf32, #tpu.memory_space<hbm>> -> memref<1x20xf32, #tpu.memory_space<hbm>>
    %dma_start3A_571 = arith.constant 50 : i32
    %dma_start3A_572 = arith.constant 0 : i32
    %dma_start3A_573 = tpu.memref_slice %arg6[%dma_start3A_571, %dma_start3A_572] : memref<64x20xf32, #tpu.memory_space<vmem>> -> memref<1x20xf32, #tpu.memory_space<vmem>>
    %dma_start3A_574 = arith.constant 0 : i32
    %dma_start3A_575 = tpu.memref_slice %arg3[%sub3A_66, %dma_start3A_574] : memref<14x20xf32, #tpu.memory_space<hbm>> -> memref<1x20xf32, #tpu.memory_space<hbm>>
    tpu.enqueue_dma source(%dma_start3A_575 : memref<1x20xf32, #tpu.memory_space<hbm>>) target(%dma_start3A_573 : memref<1x20xf32, #tpu.memory_space<vmem>>) target_semaphore(%arg8 : memref<!tpu.dma_semaphore, #tpu.memory_space<semaphore_mem>>)
    %dma_start3A_576 = arith.constant 51 : i32
    %dma_start3A_577 = arith.constant 0 : i32
    %dma_start3A_578 = tpu.memref_slice %arg6[%dma_start3A_576, %dma_start3A_577] : memref<64x20xf32, #tpu.memory_space<vmem>> -> memref<1x20xf32, #tpu.memory_space<vmem>>
    %dma_start3A_579 = arith.constant 0 : i32
    %dma_start3A_580 = tpu.memref_slice %arg3[%sub3A_66, %dma_start3A_579] : memref<14x20xf32, #tpu.memory_space<hbm>> -> memref<1x20xf32, #tpu.memory_space<hbm>>
    %dma_start3A_581 = arith.constant 51 : i32
    %dma_start3A_582 = arith.constant 0 : i32
    %dma_start3A_583 = tpu.memref_slice %arg6[%dma_start3A_581, %dma_start3A_582] : memref<64x20xf32, #tpu.memory_space<vmem>> -> memref<1x20xf32, #tpu.memory_space<vmem>>
    %dma_start3A_584 = arith.constant 0 : i32
    %dma_start3A_585 = tpu.memref_slice %arg3[%sub3A_66, %dma_start3A_584] : memref<14x20xf32, #tpu.memory_space<hbm>> -> memref<1x20xf32, #tpu.memory_space<hbm>>
    tpu.enqueue_dma source(%dma_start3A_585 : memref<1x20xf32, #tpu.memory_space<hbm>>) target(%dma_start3A_583 : memref<1x20xf32, #tpu.memory_space<vmem>>) target_semaphore(%arg8 : memref<!tpu.dma_semaphore, #tpu.memory_space<semaphore_mem>>)
    %dma_start3A_586 = arith.constant 52 : i32
    %dma_start3A_587 = arith.constant 0 : i32
    %dma_start3A_588 = tpu.memref_slice %arg6[%dma_start3A_586, %dma_start3A_587] : memref<64x20xf32, #tpu.memory_space<vmem>> -> memref<1x20xf32, #tpu.memory_space<vmem>>
    %dma_start3A_589 = arith.constant 0 : i32
    %dma_start3A_590 = tpu.memref_slice %arg3[%sub3A_66, %dma_start3A_589] : memref<14x20xf32, #tpu.memory_space<hbm>> -> memref<1x20xf32, #tpu.memory_space<hbm>>
    %dma_start3A_591 = arith.constant 52 : i32
    %dma_start3A_592 = arith.constant 0 : i32
    %dma_start3A_593 = tpu.memref_slice %arg6[%dma_start3A_591, %dma_start3A_592] : memref<64x20xf32, #tpu.memory_space<vmem>> -> memref<1x20xf32, #tpu.memory_space<vmem>>
    %dma_start3A_594 = arith.constant 0 : i32
    %dma_start3A_595 = tpu.memref_slice %arg3[%sub3A_66, %dma_start3A_594] : memref<14x20xf32, #tpu.memory_space<hbm>> -> memref<1x20xf32, #tpu.memory_space<hbm>>
    tpu.enqueue_dma source(%dma_start3A_595 : memref<1x20xf32, #tpu.memory_space<hbm>>) target(%dma_start3A_593 : memref<1x20xf32, #tpu.memory_space<vmem>>) target_semaphore(%arg8 : memref<!tpu.dma_semaphore, #tpu.memory_space<semaphore_mem>>)
    %dma_start3A_596 = arith.constant 53 : i32
    %dma_start3A_597 = arith.constant 0 : i32
    %dma_start3A_598 = tpu.memref_slice %arg6[%dma_start3A_596, %dma_start3A_597] : memref<64x20xf32, #tpu.memory_space<vmem>> -> memref<1x20xf32, #tpu.memory_space<vmem>>
    %dma_start3A_599 = arith.constant 0 : i32
    %dma_start3A_600 = tpu.memref_slice %arg3[%sub3A_66, %dma_start3A_599] : memref<14x20xf32, #tpu.memory_space<hbm>> -> memref<1x20xf32, #tpu.memory_space<hbm>>
    %dma_start3A_601 = arith.constant 53 : i32
    %dma_start3A_602 = arith.constant 0 : i32
    %dma_start3A_603 = tpu.memref_slice %arg6[%dma_start3A_601, %dma_start3A_602] : memref<64x20xf32, #tpu.memory_space<vmem>> -> memref<1x20xf32, #tpu.memory_space<vmem>>
    %dma_start3A_604 = arith.constant 0 : i32
    %dma_start3A_605 = tpu.memref_slice %arg3[%sub3A_66, %dma_start3A_604] : memref<14x20xf32, #tpu.memory_space<hbm>> -> memref<1x20xf32, #tpu.memory_space<hbm>>
    tpu.enqueue_dma source(%dma_start3A_605 : memref<1x20xf32, #tpu.memory_space<hbm>>) target(%dma_start3A_603 : memref<1x20xf32, #tpu.memory_space<vmem>>) target_semaphore(%arg8 : memref<!tpu.dma_semaphore, #tpu.memory_space<semaphore_mem>>)
    %dma_start3A_606 = arith.constant 54 : i32
    %dma_start3A_607 = arith.constant 0 : i32
    %dma_start3A_608 = tpu.memref_slice %arg6[%dma_start3A_606, %dma_start3A_607] : memref<64x20xf32, #tpu.memory_space<vmem>> -> memref<1x20xf32, #tpu.memory_space<vmem>>
    %dma_start3A_609 = arith.constant 0 : i32
    %dma_start3A_610 = tpu.memref_slice %arg3[%sub3A_66, %dma_start3A_609] : memref<14x20xf32, #tpu.memory_space<hbm>> -> memref<1x20xf32, #tpu.memory_space<hbm>>
    %dma_start3A_611 = arith.constant 54 : i32
    %dma_start3A_612 = arith.constant 0 : i32
    %dma_start3A_613 = tpu.memref_slice %arg6[%dma_start3A_611, %dma_start3A_612] : memref<64x20xf32, #tpu.memory_space<vmem>> -> memref<1x20xf32, #tpu.memory_space<vmem>>
    %dma_start3A_614 = arith.constant 0 : i32
    %dma_start3A_615 = tpu.memref_slice %arg3[%sub3A_66, %dma_start3A_614] : memref<14x20xf32, #tpu.memory_space<hbm>> -> memref<1x20xf32, #tpu.memory_space<hbm>>
    tpu.enqueue_dma source(%dma_start3A_615 : memref<1x20xf32, #tpu.memory_space<hbm>>) target(%dma_start3A_613 : memref<1x20xf32, #tpu.memory_space<vmem>>) target_semaphore(%arg8 : memref<!tpu.dma_semaphore, #tpu.memory_space<semaphore_mem>>)
    %dma_start3A_616 = arith.constant 55 : i32
    %dma_start3A_617 = arith.constant 0 : i32
    %dma_start3A_618 = tpu.memref_slice %arg6[%dma_start3A_616, %dma_start3A_617] : memref<64x20xf32, #tpu.memory_space<vmem>> -> memref<1x20xf32, #tpu.memory_space<vmem>>
    %dma_start3A_619 = arith.constant 0 : i32
    %dma_start3A_620 = tpu.memref_slice %arg3[%sub3A_66, %dma_start3A_619] : memref<14x20xf32, #tpu.memory_space<hbm>> -> memref<1x20xf32, #tpu.memory_space<hbm>>
    %dma_start3A_621 = arith.constant 55 : i32
    %dma_start3A_622 = arith.constant 0 : i32
    %dma_start3A_623 = tpu.memref_slice %arg6[%dma_start3A_621, %dma_start3A_622] : memref<64x20xf32, #tpu.memory_space<vmem>> -> memref<1x20xf32, #tpu.memory_space<vmem>>
    %dma_start3A_624 = arith.constant 0 : i32
    %dma_start3A_625 = tpu.memref_slice %arg3[%sub3A_66, %dma_start3A_624] : memref<14x20xf32, #tpu.memory_space<hbm>> -> memref<1x20xf32, #tpu.memory_space<hbm>>
    tpu.enqueue_dma source(%dma_start3A_625 : memref<1x20xf32, #tpu.memory_space<hbm>>) target(%dma_start3A_623 : memref<1x20xf32, #tpu.memory_space<vmem>>) target_semaphore(%arg8 : memref<!tpu.dma_semaphore, #tpu.memory_space<semaphore_mem>>)
    %dma_start3A_626 = arith.constant 56 : i32
    %dma_start3A_627 = arith.constant 0 : i32
    %dma_start3A_628 = tpu.memref_slice %arg6[%dma_start3A_626, %dma_start3A_627] : memref<64x20xf32, #tpu.memory_space<vmem>> -> memref<1x20xf32, #tpu.memory_space<vmem>>
    %dma_start3A_629 = arith.constant 0 : i32
    %dma_start3A_630 = tpu.memref_slice %arg3[%sub3A_66, %dma_start3A_629] : memref<14x20xf32, #tpu.memory_space<hbm>> -> memref<1x20xf32, #tpu.memory_space<hbm>>
    %dma_start3A_631 = arith.constant 56 : i32
    %dma_start3A_632 = arith.constant 0 : i32
    %dma_start3A_633 = tpu.memref_slice %arg6[%dma_start3A_631, %dma_start3A_632] : memref<64x20xf32, #tpu.memory_space<vmem>> -> memref<1x20xf32, #tpu.memory_space<vmem>>
    %dma_start3A_634 = arith.constant 0 : i32
    %dma_start3A_635 = tpu.memref_slice %arg3[%sub3A_66, %dma_start3A_634] : memref<14x20xf32, #tpu.memory_space<hbm>> -> memref<1x20xf32, #tpu.memory_space<hbm>>
    tpu.enqueue_dma source(%dma_start3A_635 : memref<1x20xf32, #tpu.memory_space<hbm>>) target(%dma_start3A_633 : memref<1x20xf32, #tpu.memory_space<vmem>>) target_semaphore(%arg8 : memref<!tpu.dma_semaphore, #tpu.memory_space<semaphore_mem>>)
    %dma_start3A_636 = arith.constant 57 : i32
    %dma_start3A_637 = arith.constant 0 : i32
    %dma_start3A_638 = tpu.memref_slice %arg6[%dma_start3A_636, %dma_start3A_637] : memref<64x20xf32, #tpu.memory_space<vmem>> -> memref<1x20xf32, #tpu.memory_space<vmem>>
    %dma_start3A_639 = arith.constant 0 : i32
    %dma_start3A_640 = tpu.memref_slice %arg3[%sub3A_66, %dma_start3A_639] : memref<14x20xf32, #tpu.memory_space<hbm>> -> memref<1x20xf32, #tpu.memory_space<hbm>>
    %dma_start3A_641 = arith.constant 57 : i32
    %dma_start3A_642 = arith.constant 0 : i32
    %dma_start3A_643 = tpu.memref_slice %arg6[%dma_start3A_641, %dma_start3A_642] : memref<64x20xf32, #tpu.memory_space<vmem>> -> memref<1x20xf32, #tpu.memory_space<vmem>>
    %dma_start3A_644 = arith.constant 0 : i32
    %dma_start3A_645 = tpu.memref_slice %arg3[%sub3A_66, %dma_start3A_644] : memref<14x20xf32, #tpu.memory_space<hbm>> -> memref<1x20xf32, #tpu.memory_space<hbm>>
    tpu.enqueue_dma source(%dma_start3A_645 : memref<1x20xf32, #tpu.memory_space<hbm>>) target(%dma_start3A_643 : memref<1x20xf32, #tpu.memory_space<vmem>>) target_semaphore(%arg8 : memref<!tpu.dma_semaphore, #tpu.memory_space<semaphore_mem>>)
    %dma_start3A_646 = arith.constant 58 : i32
    %dma_start3A_647 = arith.constant 0 : i32
    %dma_start3A_648 = tpu.memref_slice %arg6[%dma_start3A_646, %dma_start3A_647] : memref<64x20xf32, #tpu.memory_space<vmem>> -> memref<1x20xf32, #tpu.memory_space<vmem>>
    %dma_start3A_649 = arith.constant 0 : i32
    %dma_start3A_650 = tpu.memref_slice %arg3[%sub3A_66, %dma_start3A_649] : memref<14x20xf32, #tpu.memory_space<hbm>> -> memref<1x20xf32, #tpu.memory_space<hbm>>
    %dma_start3A_651 = arith.constant 58 : i32
    %dma_start3A_652 = arith.constant 0 : i32
    %dma_start3A_653 = tpu.memref_slice %arg6[%dma_start3A_651, %dma_start3A_652] : memref<64x20xf32, #tpu.memory_space<vmem>> -> memref<1x20xf32, #tpu.memory_space<vmem>>
    %dma_start3A_654 = arith.constant 0 : i32
    %dma_start3A_655 = tpu.memref_slice %arg3[%sub3A_66, %dma_start3A_654] : memref<14x20xf32, #tpu.memory_space<hbm>> -> memref<1x20xf32, #tpu.memory_space<hbm>>
    tpu.enqueue_dma source(%dma_start3A_655 : memref<1x20xf32, #tpu.memory_space<hbm>>) target(%dma_start3A_653 : memref<1x20xf32, #tpu.memory_space<vmem>>) target_semaphore(%arg8 : memref<!tpu.dma_semaphore, #tpu.memory_space<semaphore_mem>>)
    %dma_start3A_656 = arith.constant 59 : i32
    %dma_start3A_657 = arith.constant 0 : i32
    %dma_start3A_658 = tpu.memref_slice %arg6[%dma_start3A_656, %dma_start3A_657] : memref<64x20xf32, #tpu.memory_space<vmem>> -> memref<1x20xf32, #tpu.memory_space<vmem>>
    %dma_start3A_659 = arith.constant 0 : i32
    %dma_start3A_660 = tpu.memref_slice %arg3[%sub3A_66, %dma_start3A_659] : memref<14x20xf32, #tpu.memory_space<hbm>> -> memref<1x20xf32, #tpu.memory_space<hbm>>
    %dma_start3A_661 = arith.constant 59 : i32
    %dma_start3A_662 = arith.constant 0 : i32
    %dma_start3A_663 = tpu.memref_slice %arg6[%dma_start3A_661, %dma_start3A_662] : memref<64x20xf32, #tpu.memory_space<vmem>> -> memref<1x20xf32, #tpu.memory_space<vmem>>
    %dma_start3A_664 = arith.constant 0 : i32
    %dma_start3A_665 = tpu.memref_slice %arg3[%sub3A_66, %dma_start3A_664] : memref<14x20xf32, #tpu.memory_space<hbm>> -> memref<1x20xf32, #tpu.memory_space<hbm>>
    tpu.enqueue_dma source(%dma_start3A_665 : memref<1x20xf32, #tpu.memory_space<hbm>>) target(%dma_start3A_663 : memref<1x20xf32, #tpu.memory_space<vmem>>) target_semaphore(%arg8 : memref<!tpu.dma_semaphore, #tpu.memory_space<semaphore_mem>>)
    %dma_start3A_666 = arith.constant 60 : i32
    %dma_start3A_667 = arith.constant 0 : i32
    %dma_start3A_668 = tpu.memref_slice %arg6[%dma_start3A_666, %dma_start3A_667] : memref<64x20xf32, #tpu.memory_space<vmem>> -> memref<1x20xf32, #tpu.memory_space<vmem>>
    %dma_start3A_669 = arith.constant 0 : i32
    %dma_start3A_670 = tpu.memref_slice %arg3[%sub3A_66, %dma_start3A_669] : memref<14x20xf32, #tpu.memory_space<hbm>> -> memref<1x20xf32, #tpu.memory_space<hbm>>
    %dma_start3A_671 = arith.constant 60 : i32
    %dma_start3A_672 = arith.constant 0 : i32
    %dma_start3A_673 = tpu.memref_slice %arg6[%dma_start3A_671, %dma_start3A_672] : memref<64x20xf32, #tpu.memory_space<vmem>> -> memref<1x20xf32, #tpu.memory_space<vmem>>
    %dma_start3A_674 = arith.constant 0 : i32
    %dma_start3A_675 = tpu.memref_slice %arg3[%sub3A_66, %dma_start3A_674] : memref<14x20xf32, #tpu.memory_space<hbm>> -> memref<1x20xf32, #tpu.memory_space<hbm>>
    tpu.enqueue_dma source(%dma_start3A_675 : memref<1x20xf32, #tpu.memory_space<hbm>>) target(%dma_start3A_673 : memref<1x20xf32, #tpu.memory_space<vmem>>) target_semaphore(%arg8 : memref<!tpu.dma_semaphore, #tpu.memory_space<semaphore_mem>>)
    %dma_start3A_676 = arith.constant 61 : i32
    %dma_start3A_677 = arith.constant 0 : i32
    %dma_start3A_678 = tpu.memref_slice %arg6[%dma_start3A_676, %dma_start3A_677] : memref<64x20xf32, #tpu.memory_space<vmem>> -> memref<1x20xf32, #tpu.memory_space<vmem>>
    %dma_start3A_679 = arith.constant 0 : i32
    %dma_start3A_680 = tpu.memref_slice %arg3[%sub3A_66, %dma_start3A_679] : memref<14x20xf32, #tpu.memory_space<hbm>> -> memref<1x20xf32, #tpu.memory_space<hbm>>
    %dma_start3A_681 = arith.constant 61 : i32
    %dma_start3A_682 = arith.constant 0 : i32
    %dma_start3A_683 = tpu.memref_slice %arg6[%dma_start3A_681, %dma_start3A_682] : memref<64x20xf32, #tpu.memory_space<vmem>> -> memref<1x20xf32, #tpu.memory_space<vmem>>
    %dma_start3A_684 = arith.constant 0 : i32
    %dma_start3A_685 = tpu.memref_slice %arg3[%sub3A_66, %dma_start3A_684] : memref<14x20xf32, #tpu.memory_space<hbm>> -> memref<1x20xf32, #tpu.memory_space<hbm>>
    tpu.enqueue_dma source(%dma_start3A_685 : memref<1x20xf32, #tpu.memory_space<hbm>>) target(%dma_start3A_683 : memref<1x20xf32, #tpu.memory_space<vmem>>) target_semaphore(%arg8 : memref<!tpu.dma_semaphore, #tpu.memory_space<semaphore_mem>>)
    %dma_start3A_686 = arith.constant 62 : i32
    %dma_start3A_687 = arith.constant 0 : i32
    %dma_start3A_688 = tpu.memref_slice %arg6[%dma_start3A_686, %dma_start3A_687] : memref<64x20xf32, #tpu.memory_space<vmem>> -> memref<1x20xf32, #tpu.memory_space<vmem>>
    %dma_start3A_689 = arith.constant 0 : i32
    %dma_start3A_690 = tpu.memref_slice %arg3[%sub3A_66, %dma_start3A_689] : memref<14x20xf32, #tpu.memory_space<hbm>> -> memref<1x20xf32, #tpu.memory_space<hbm>>
    %dma_start3A_691 = arith.constant 62 : i32
    %dma_start3A_692 = arith.constant 0 : i32
    %dma_start3A_693 = tpu.memref_slice %arg6[%dma_start3A_691, %dma_start3A_692] : memref<64x20xf32, #tpu.memory_space<vmem>> -> memref<1x20xf32, #tpu.memory_space<vmem>>
    %dma_start3A_694 = arith.constant 0 : i32
    %dma_start3A_695 = tpu.memref_slice %arg3[%sub3A_66, %dma_start3A_694] : memref<14x20xf32, #tpu.memory_space<hbm>> -> memref<1x20xf32, #tpu.memory_space<hbm>>
    tpu.enqueue_dma source(%dma_start3A_695 : memref<1x20xf32, #tpu.memory_space<hbm>>) target(%dma_start3A_693 : memref<1x20xf32, #tpu.memory_space<vmem>>) target_semaphore(%arg8 : memref<!tpu.dma_semaphore, #tpu.memory_space<semaphore_mem>>)
    %dma_start3A_696 = arith.constant 63 : i32
    %dma_start3A_697 = arith.constant 0 : i32
    %dma_start3A_698 = tpu.memref_slice %arg6[%dma_start3A_696, %dma_start3A_697] : memref<64x20xf32, #tpu.memory_space<vmem>> -> memref<1x20xf32, #tpu.memory_space<vmem>>
    %dma_start3A_699 = arith.constant 0 : i32
    %dma_start3A_700 = tpu.memref_slice %arg3[%sub3A_66, %dma_start3A_699] : memref<14x20xf32, #tpu.memory_space<hbm>> -> memref<1x20xf32, #tpu.memory_space<hbm>>
    %dma_start3A_701 = arith.constant 63 : i32
    %dma_start3A_702 = arith.constant 0 : i32
    %dma_start3A_703 = tpu.memref_slice %arg6[%dma_start3A_701, %dma_start3A_702] : memref<64x20xf32, #tpu.memory_space<vmem>> -> memref<1x20xf32, #tpu.memory_space<vmem>>
    %dma_start3A_704 = arith.constant 0 : i32
    %dma_start3A_705 = tpu.memref_slice %arg3[%sub3A_66, %dma_start3A_704] : memref<14x20xf32, #tpu.memory_space<hbm>> -> memref<1x20xf32, #tpu.memory_space<hbm>>
    tpu.enqueue_dma source(%dma_start3A_705 : memref<1x20xf32, #tpu.memory_space<hbm>>) target(%dma_start3A_703 : memref<1x20xf32, #tpu.memory_space<vmem>>) target_semaphore(%arg8 : memref<!tpu.dma_semaphore, #tpu.memory_space<semaphore_mem>>)
    %eq3A_706 = arith.constant 0 : i32
    %eq3A_707 = arith.cmpi eq, %arg1, %eq3A_706 : i32
    %convert_element_type3A_708 = arith.extui %eq3A_707 : i1 to i32
    %cond3A = arith.constant 0 : i32
    %cond3A_709 = arith.cmpi ne, %convert_element_type3A_708, %cond3A : i32
    scf.if %cond3A_709 {
      "tpu.region"() ({
        %run_scoped3A = tpu.sem_alloc : memref<!tpu.dma_semaphore, #tpu.memory_space<semaphore_mem>>
        tpu.enqueue_dma source(%arg2 : memref<2048x768xf32, #tpu.memory_space<hbm>>) target(%arg5 : memref<2048x768xf32, #tpu.memory_space<vmem_shared>>) target_semaphore(%run_scoped3A : memref<!tpu.dma_semaphore, #tpu.memory_space<semaphore_mem>>)
        tpu.wait_dma2 semaphore(%run_scoped3A : memref<!tpu.dma_semaphore, #tpu.memory_space<semaphore_mem>>) src(%arg2 : memref<2048x768xf32, #tpu.memory_space<hbm>>) dst(%arg5 : memref<2048x768xf32, #tpu.memory_space<vmem_shared>>)
        tpu.yield
      }) : () -> ()
    } else {
    }
    %barrier3A = arith.constant 0 : index
    tpu.barrier barrier_id(%barrier3A)
    %mul3A_710 = arith.constant 8 : i32
    %mul3A_711 = arith.muli %select_n3A_30, %mul3A_710 : i32
    %add3A_712 = arith.constant 0 : i32
    %add3A_713 = arith.addi %mul3A_711, %add3A_712 : i32
    %mul3A_714 = arith.constant 64 : i32
    %mul3A_715 = arith.muli %add3A_713, %mul3A_714 : i32
    %sub3A_716 = arith.constant 64 : i32
    %sub3A_717 = arith.subi %sub3A_32, %sub3A_716 : i32
    %min3A = arith.minsi %mul3A_715, %sub3A_717 : i32
    %add3A_718 = arith.addi %min3A, %select_n3A : i32
    %add3A_719 = arith.addi %sub3A_62, %min3A : i32
    %mul3A_720 = arith.constant 8 : i32
    %mul3A_721 = arith.muli %select_n3A_30, %mul3A_720 : i32
    %add3A_722 = arith.constant 1 : i32
    %add3A_723 = arith.addi %mul3A_721, %add3A_722 : i32
    %mul3A_724 = arith.constant 64 : i32
    %mul3A_725 = arith.muli %add3A_723, %mul3A_724 : i32
    %sub3A_726 = arith.constant 64 : i32
    %sub3A_727 = arith.subi %sub3A_32, %sub3A_726 : i32
    %min3A_728 = arith.minsi %mul3A_725, %sub3A_727 : i32
    %add3A_729 = arith.addi %min3A_728, %select_n3A : i32
    %add3A_730 = arith.addi %sub3A_62, %min3A_728 : i32
    %mul3A_731 = arith.constant 8 : i32
    %mul3A_732 = arith.muli %select_n3A_30, %mul3A_731 : i32
    %add3A_733 = arith.constant 2 : i32
    %add3A_734 = arith.addi %mul3A_732, %add3A_733 : i32
    %mul3A_735 = arith.constant 64 : i32
    %mul3A_736 = arith.muli %add3A_734, %mul3A_735 : i32
    %sub3A_737 = arith.constant 64 : i32
    %sub3A_738 = arith.subi %sub3A_32, %sub3A_737 : i32
    %min3A_739 = arith.minsi %mul3A_736, %sub3A_738 : i32
    %add3A_740 = arith.addi %min3A_739, %select_n3A : i32
    %add3A_741 = arith.addi %sub3A_62, %min3A_739 : i32
    %mul3A_742 = arith.constant 8 : i32
    %mul3A_743 = arith.muli %select_n3A_30, %mul3A_742 : i32
    %add3A_744 = arith.constant 3 : i32
    %add3A_745 = arith.addi %mul3A_743, %add3A_744 : i32
    %mul3A_746 = arith.constant 64 : i32
    %mul3A_747 = arith.muli %add3A_745, %mul3A_746 : i32
    %sub3A_748 = arith.constant 64 : i32
    %sub3A_749 = arith.subi %sub3A_32, %sub3A_748 : i32
    %min3A_750 = arith.minsi %mul3A_747, %sub3A_749 : i32
    %add3A_751 = arith.addi %min3A_750, %select_n3A : i32
    %add3A_752 = arith.addi %sub3A_62, %min3A_750 : i32
    %mul3A_753 = arith.constant 8 : i32
    %mul3A_754 = arith.muli %select_n3A_30, %mul3A_753 : i32
    %add3A_755 = arith.constant 4 : i32
    %add3A_756 = arith.addi %mul3A_754, %add3A_755 : i32
    %mul3A_757 = arith.constant 64 : i32
    %mul3A_758 = arith.muli %add3A_756, %mul3A_757 : i32
    %sub3A_759 = arith.constant 64 : i32
    %sub3A_760 = arith.subi %sub3A_32, %sub3A_759 : i32
    %min3A_761 = arith.minsi %mul3A_758, %sub3A_760 : i32
    %add3A_762 = arith.addi %min3A_761, %select_n3A : i32
    %add3A_763 = arith.addi %sub3A_62, %min3A_761 : i32
    %mul3A_764 = arith.constant 8 : i32
    %mul3A_765 = arith.muli %select_n3A_30, %mul3A_764 : i32
    %add3A_766 = arith.constant 5 : i32
    %add3A_767 = arith.addi %mul3A_765, %add3A_766 : i32
    %mul3A_768 = arith.constant 64 : i32
    %mul3A_769 = arith.muli %add3A_767, %mul3A_768 : i32
    %sub3A_770 = arith.constant 64 : i32
    %sub3A_771 = arith.subi %sub3A_32, %sub3A_770 : i32
    %min3A_772 = arith.minsi %mul3A_769, %sub3A_771 : i32
    %add3A_773 = arith.addi %min3A_772, %select_n3A : i32
    %add3A_774 = arith.addi %sub3A_62, %min3A_772 : i32
    %mul3A_775 = arith.constant 8 : i32
    %mul3A_776 = arith.muli %select_n3A_30, %mul3A_775 : i32
    %add3A_777 = arith.constant 6 : i32
    %add3A_778 = arith.addi %mul3A_776, %add3A_777 : i32
    %mul3A_779 = arith.constant 64 : i32
    %mul3A_780 = arith.muli %add3A_778, %mul3A_779 : i32
    %sub3A_781 = arith.constant 64 : i32
    %sub3A_782 = arith.subi %sub3A_32, %sub3A_781 : i32
    %min3A_783 = arith.minsi %mul3A_780, %sub3A_782 : i32
    %add3A_784 = arith.addi %min3A_783, %select_n3A : i32
    %add3A_785 = arith.addi %sub3A_62, %min3A_783 : i32
    %mul3A_786 = arith.constant 8 : i32
    %mul3A_787 = arith.muli %select_n3A_30, %mul3A_786 : i32
    %add3A_788 = arith.constant 7 : i32
    %add3A_789 = arith.addi %mul3A_787, %add3A_788 : i32
    %mul3A_790 = arith.constant 64 : i32
    %mul3A_791 = arith.muli %add3A_789, %mul3A_790 : i32
    %sub3A_792 = arith.constant 64 : i32
    %sub3A_793 = arith.subi %sub3A_32, %sub3A_792 : i32
    %min3A_794 = arith.minsi %mul3A_791, %sub3A_793 : i32
    %add3A_795 = arith.addi %min3A_794, %select_n3A : i32
    %add3A_796 = arith.addi %sub3A_62, %min3A_794 : i32
    %dma_start3A_797 = arith.constant 0 : i32
    %dma_start3A_798 = tpu.memref_slice %arg4[%add3A_719, %dma_start3A_797] : memref<16356x1556xf32, #tpu.memory_space<hbm>> -> memref<64x768xf32, #tpu.memory_space<hbm>>
    %dma_start3A_799 = arith.constant 0 : i32
    %dma_start3A_800 = tpu.memref_slice %arg5[%min3A, %dma_start3A_799] : memref<2048x768xf32, #tpu.memory_space<vmem_shared>> -> memref<64x768xf32, #tpu.memory_space<vmem_shared>>
    tpu.enqueue_dma source(%dma_start3A_800 : memref<64x768xf32, #tpu.memory_space<vmem_shared>>) target(%dma_start3A_798 : memref<64x768xf32, #tpu.memory_space<hbm>>) target_semaphore(%arg7 : memref<!tpu.dma_semaphore, #tpu.memory_space<semaphore_mem>>)
    %dma_start3A_801 = arith.constant 768 : i32
    %dma_start3A_802 = tpu.memref_slice %arg4[%add3A_719, %dma_start3A_801] : memref<16356x1556xf32, #tpu.memory_space<hbm>> -> memref<64x768xf32, #tpu.memory_space<hbm>>
    %dma_start3A_803 = arith.constant 0 : i32
    %dma_start3A_804 = tpu.memref_slice %arg5[%add3A_718, %dma_start3A_803] : memref<2048x768xf32, #tpu.memory_space<vmem_shared>> -> memref<64x768xf32, #tpu.memory_space<vmem_shared>>
    tpu.enqueue_dma source(%dma_start3A_804 : memref<64x768xf32, #tpu.memory_space<vmem_shared>>) target(%dma_start3A_802 : memref<64x768xf32, #tpu.memory_space<hbm>>) target_semaphore(%arg7 : memref<!tpu.dma_semaphore, #tpu.memory_space<semaphore_mem>>)
    %dma_start3A_805 = arith.constant 0 : i32
    %dma_start3A_806 = tpu.memref_slice %arg4[%add3A_730, %dma_start3A_805] : memref<16356x1556xf32, #tpu.memory_space<hbm>> -> memref<64x768xf32, #tpu.memory_space<hbm>>
    %dma_start3A_807 = arith.constant 0 : i32
    %dma_start3A_808 = tpu.memref_slice %arg5[%min3A_728, %dma_start3A_807] : memref<2048x768xf32, #tpu.memory_space<vmem_shared>> -> memref<64x768xf32, #tpu.memory_space<vmem_shared>>
    tpu.enqueue_dma source(%dma_start3A_808 : memref<64x768xf32, #tpu.memory_space<vmem_shared>>) target(%dma_start3A_806 : memref<64x768xf32, #tpu.memory_space<hbm>>) target_semaphore(%arg7 : memref<!tpu.dma_semaphore, #tpu.memory_space<semaphore_mem>>)
    %dma_start3A_809 = arith.constant 768 : i32
    %dma_start3A_810 = tpu.memref_slice %arg4[%add3A_730, %dma_start3A_809] : memref<16356x1556xf32, #tpu.memory_space<hbm>> -> memref<64x768xf32, #tpu.memory_space<hbm>>
    %dma_start3A_811 = arith.constant 0 : i32
    %dma_start3A_812 = tpu.memref_slice %arg5[%add3A_729, %dma_start3A_811] : memref<2048x768xf32, #tpu.memory_space<vmem_shared>> -> memref<64x768xf32, #tpu.memory_space<vmem_shared>>
    tpu.enqueue_dma source(%dma_start3A_812 : memref<64x768xf32, #tpu.memory_space<vmem_shared>>) target(%dma_start3A_810 : memref<64x768xf32, #tpu.memory_space<hbm>>) target_semaphore(%arg7 : memref<!tpu.dma_semaphore, #tpu.memory_space<semaphore_mem>>)
    %dma_start3A_813 = arith.constant 0 : i32
    %dma_start3A_814 = tpu.memref_slice %arg4[%add3A_741, %dma_start3A_813] : memref<16356x1556xf32, #tpu.memory_space<hbm>> -> memref<64x768xf32, #tpu.memory_space<hbm>>
    %dma_start3A_815 = arith.constant 0 : i32
    %dma_start3A_816 = tpu.memref_slice %arg5[%min3A_739, %dma_start3A_815] : memref<2048x768xf32, #tpu.memory_space<vmem_shared>> -> memref<64x768xf32, #tpu.memory_space<vmem_shared>>
    tpu.enqueue_dma source(%dma_start3A_816 : memref<64x768xf32, #tpu.memory_space<vmem_shared>>) target(%dma_start3A_814 : memref<64x768xf32, #tpu.memory_space<hbm>>) target_semaphore(%arg7 : memref<!tpu.dma_semaphore, #tpu.memory_space<semaphore_mem>>)
    %dma_start3A_817 = arith.constant 768 : i32
    %dma_start3A_818 = tpu.memref_slice %arg4[%add3A_741, %dma_start3A_817] : memref<16356x1556xf32, #tpu.memory_space<hbm>> -> memref<64x768xf32, #tpu.memory_space<hbm>>
    %dma_start3A_819 = arith.constant 0 : i32
    %dma_start3A_820 = tpu.memref_slice %arg5[%add3A_740, %dma_start3A_819] : memref<2048x768xf32, #tpu.memory_space<vmem_shared>> -> memref<64x768xf32, #tpu.memory_space<vmem_shared>>
    tpu.enqueue_dma source(%dma_start3A_820 : memref<64x768xf32, #tpu.memory_space<vmem_shared>>) target(%dma_start3A_818 : memref<64x768xf32, #tpu.memory_space<hbm>>) target_semaphore(%arg7 : memref<!tpu.dma_semaphore, #tpu.memory_space<semaphore_mem>>)
    %dma_start3A_821 = arith.constant 0 : i32
    %dma_start3A_822 = tpu.memref_slice %arg4[%add3A_752, %dma_start3A_821] : memref<16356x1556xf32, #tpu.memory_space<hbm>> -> memref<64x768xf32, #tpu.memory_space<hbm>>
    %dma_start3A_823 = arith.constant 0 : i32
    %dma_start3A_824 = tpu.memref_slice %arg5[%min3A_750, %dma_start3A_823] : memref<2048x768xf32, #tpu.memory_space<vmem_shared>> -> memref<64x768xf32, #tpu.memory_space<vmem_shared>>
    tpu.enqueue_dma source(%dma_start3A_824 : memref<64x768xf32, #tpu.memory_space<vmem_shared>>) target(%dma_start3A_822 : memref<64x768xf32, #tpu.memory_space<hbm>>) target_semaphore(%arg7 : memref<!tpu.dma_semaphore, #tpu.memory_space<semaphore_mem>>)
    %dma_start3A_825 = arith.constant 768 : i32
    %dma_start3A_826 = tpu.memref_slice %arg4[%add3A_752, %dma_start3A_825] : memref<16356x1556xf32, #tpu.memory_space<hbm>> -> memref<64x768xf32, #tpu.memory_space<hbm>>
    %dma_start3A_827 = arith.constant 0 : i32
    %dma_start3A_828 = tpu.memref_slice %arg5[%add3A_751, %dma_start3A_827] : memref<2048x768xf32, #tpu.memory_space<vmem_shared>> -> memref<64x768xf32, #tpu.memory_space<vmem_shared>>
    tpu.enqueue_dma source(%dma_start3A_828 : memref<64x768xf32, #tpu.memory_space<vmem_shared>>) target(%dma_start3A_826 : memref<64x768xf32, #tpu.memory_space<hbm>>) target_semaphore(%arg7 : memref<!tpu.dma_semaphore, #tpu.memory_space<semaphore_mem>>)
    %dma_start3A_829 = arith.constant 0 : i32
    %dma_start3A_830 = tpu.memref_slice %arg4[%add3A_763, %dma_start3A_829] : memref<16356x1556xf32, #tpu.memory_space<hbm>> -> memref<64x768xf32, #tpu.memory_space<hbm>>
    %dma_start3A_831 = arith.constant 0 : i32
    %dma_start3A_832 = tpu.memref_slice %arg5[%min3A_761, %dma_start3A_831] : memref<2048x768xf32, #tpu.memory_space<vmem_shared>> -> memref<64x768xf32, #tpu.memory_space<vmem_shared>>
    tpu.enqueue_dma source(%dma_start3A_832 : memref<64x768xf32, #tpu.memory_space<vmem_shared>>) target(%dma_start3A_830 : memref<64x768xf32, #tpu.memory_space<hbm>>) target_semaphore(%arg7 : memref<!tpu.dma_semaphore, #tpu.memory_space<semaphore_mem>>)
    %dma_start3A_833 = arith.constant 768 : i32
    %dma_start3A_834 = tpu.memref_slice %arg4[%add3A_763, %dma_start3A_833] : memref<16356x1556xf32, #tpu.memory_space<hbm>> -> memref<64x768xf32, #tpu.memory_space<hbm>>
    %dma_start3A_835 = arith.constant 0 : i32
    %dma_start3A_836 = tpu.memref_slice %arg5[%add3A_762, %dma_start3A_835] : memref<2048x768xf32, #tpu.memory_space<vmem_shared>> -> memref<64x768xf32, #tpu.memory_space<vmem_shared>>
    tpu.enqueue_dma source(%dma_start3A_836 : memref<64x768xf32, #tpu.memory_space<vmem_shared>>) target(%dma_start3A_834 : memref<64x768xf32, #tpu.memory_space<hbm>>) target_semaphore(%arg7 : memref<!tpu.dma_semaphore, #tpu.memory_space<semaphore_mem>>)
    %dma_start3A_837 = arith.constant 0 : i32
    %dma_start3A_838 = tpu.memref_slice %arg4[%add3A_774, %dma_start3A_837] : memref<16356x1556xf32, #tpu.memory_space<hbm>> -> memref<64x768xf32, #tpu.memory_space<hbm>>
    %dma_start3A_839 = arith.constant 0 : i32
    %dma_start3A_840 = tpu.memref_slice %arg5[%min3A_772, %dma_start3A_839] : memref<2048x768xf32, #tpu.memory_space<vmem_shared>> -> memref<64x768xf32, #tpu.memory_space<vmem_shared>>
    tpu.enqueue_dma source(%dma_start3A_840 : memref<64x768xf32, #tpu.memory_space<vmem_shared>>) target(%dma_start3A_838 : memref<64x768xf32, #tpu.memory_space<hbm>>) target_semaphore(%arg7 : memref<!tpu.dma_semaphore, #tpu.memory_space<semaphore_mem>>)
    %dma_start3A_841 = arith.constant 768 : i32
    %dma_start3A_842 = tpu.memref_slice %arg4[%add3A_774, %dma_start3A_841] : memref<16356x1556xf32, #tpu.memory_space<hbm>> -> memref<64x768xf32, #tpu.memory_space<hbm>>
    %dma_start3A_843 = arith.constant 0 : i32
    %dma_start3A_844 = tpu.memref_slice %arg5[%add3A_773, %dma_start3A_843] : memref<2048x768xf32, #tpu.memory_space<vmem_shared>> -> memref<64x768xf32, #tpu.memory_space<vmem_shared>>
    tpu.enqueue_dma source(%dma_start3A_844 : memref<64x768xf32, #tpu.memory_space<vmem_shared>>) target(%dma_start3A_842 : memref<64x768xf32, #tpu.memory_space<hbm>>) target_semaphore(%arg7 : memref<!tpu.dma_semaphore, #tpu.memory_space<semaphore_mem>>)
    %dma_start3A_845 = arith.constant 0 : i32
    %dma_start3A_846 = tpu.memref_slice %arg4[%add3A_785, %dma_start3A_845] : memref<16356x1556xf32, #tpu.memory_space<hbm>> -> memref<64x768xf32, #tpu.memory_space<hbm>>
    %dma_start3A_847 = arith.constant 0 : i32
    %dma_start3A_848 = tpu.memref_slice %arg5[%min3A_783, %dma_start3A_847] : memref<2048x768xf32, #tpu.memory_space<vmem_shared>> -> memref<64x768xf32, #tpu.memory_space<vmem_shared>>
    tpu.enqueue_dma source(%dma_start3A_848 : memref<64x768xf32, #tpu.memory_space<vmem_shared>>) target(%dma_start3A_846 : memref<64x768xf32, #tpu.memory_space<hbm>>) target_semaphore(%arg7 : memref<!tpu.dma_semaphore, #tpu.memory_space<semaphore_mem>>)
    %dma_start3A_849 = arith.constant 768 : i32
    %dma_start3A_850 = tpu.memref_slice %arg4[%add3A_785, %dma_start3A_849] : memref<16356x1556xf32, #tpu.memory_space<hbm>> -> memref<64x768xf32, #tpu.memory_space<hbm>>
    %dma_start3A_851 = arith.constant 0 : i32
    %dma_start3A_852 = tpu.memref_slice %arg5[%add3A_784, %dma_start3A_851] : memref<2048x768xf32, #tpu.memory_space<vmem_shared>> -> memref<64x768xf32, #tpu.memory_space<vmem_shared>>
    tpu.enqueue_dma source(%dma_start3A_852 : memref<64x768xf32, #tpu.memory_space<vmem_shared>>) target(%dma_start3A_850 : memref<64x768xf32, #tpu.memory_space<hbm>>) target_semaphore(%arg7 : memref<!tpu.dma_semaphore, #tpu.memory_space<semaphore_mem>>)
    %dma_start3A_853 = arith.constant 0 : i32
    %dma_start3A_854 = tpu.memref_slice %arg4[%add3A_796, %dma_start3A_853] : memref<16356x1556xf32, #tpu.memory_space<hbm>> -> memref<64x768xf32, #tpu.memory_space<hbm>>
    %dma_start3A_855 = arith.constant 0 : i32
    %dma_start3A_856 = tpu.memref_slice %arg5[%min3A_794, %dma_start3A_855] : memref<2048x768xf32, #tpu.memory_space<vmem_shared>> -> memref<64x768xf32, #tpu.memory_space<vmem_shared>>
    tpu.enqueue_dma source(%dma_start3A_856 : memref<64x768xf32, #tpu.memory_space<vmem_shared>>) target(%dma_start3A_854 : memref<64x768xf32, #tpu.memory_space<hbm>>) target_semaphore(%arg7 : memref<!tpu.dma_semaphore, #tpu.memory_space<semaphore_mem>>)
    %dma_start3A_857 = arith.constant 768 : i32
    %dma_start3A_858 = tpu.memref_slice %arg4[%add3A_796, %dma_start3A_857] : memref<16356x1556xf32, #tpu.memory_space<hbm>> -> memref<64x768xf32, #tpu.memory_space<hbm>>
    %dma_start3A_859 = arith.constant 0 : i32
    %dma_start3A_860 = tpu.memref_slice %arg5[%add3A_795, %dma_start3A_859] : memref<2048x768xf32, #tpu.memory_space<vmem_shared>> -> memref<64x768xf32, #tpu.memory_space<vmem_shared>>
    tpu.enqueue_dma source(%dma_start3A_860 : memref<64x768xf32, #tpu.memory_space<vmem_shared>>) target(%dma_start3A_858 : memref<64x768xf32, #tpu.memory_space<hbm>>) target_semaphore(%arg7 : memref<!tpu.dma_semaphore, #tpu.memory_space<semaphore_mem>>)
    %dma_wait3A = arith.constant 0 : i32
    %dma_wait3A_861 = arith.constant 0 : i32
    %dma_wait3A_862 = tpu.memref_slice %arg6[%dma_wait3A, %dma_wait3A_861] : memref<64x20xf32, #tpu.memory_space<vmem>> -> memref<1x20xf32, #tpu.memory_space<vmem>>
    %dma_wait3A_863 = arith.constant 0 : i32
    %dma_wait3A_864 = tpu.memref_slice %arg3[%sub3A_66, %dma_wait3A_863] : memref<14x20xf32, #tpu.memory_space<hbm>> -> memref<1x20xf32, #tpu.memory_space<hbm>>
    %dma_wait3A_865 = arith.constant 0 : i32
    %dma_wait3A_866 = arith.constant 0 : i32
    %dma_wait3A_867 = tpu.memref_slice %arg6[%dma_wait3A_865, %dma_wait3A_866] : memref<64x20xf32, #tpu.memory_space<vmem>> -> memref<1x20xf32, #tpu.memory_space<vmem>>
    %dma_wait3A_868 = arith.constant 0 : i32
    %dma_wait3A_869 = tpu.memref_slice %arg3[%sub3A_66, %dma_wait3A_868] : memref<14x20xf32, #tpu.memory_space<hbm>> -> memref<1x20xf32, #tpu.memory_space<hbm>>
    tpu.wait_dma2 semaphore(%arg8 : memref<!tpu.dma_semaphore, #tpu.memory_space<semaphore_mem>>) src(%dma_wait3A_869 : memref<1x20xf32, #tpu.memory_space<hbm>>) dst(%dma_wait3A_867 : memref<1x20xf32, #tpu.memory_space<vmem>>)
    %dma_wait3A_870 = arith.constant 1 : i32
    %dma_wait3A_871 = arith.constant 0 : i32
    %dma_wait3A_872 = tpu.memref_slice %arg6[%dma_wait3A_870, %dma_wait3A_871] : memref<64x20xf32, #tpu.memory_space<vmem>> -> memref<1x20xf32, #tpu.memory_space<vmem>>
    %dma_wait3A_873 = arith.constant 0 : i32
    %dma_wait3A_874 = tpu.memref_slice %arg3[%sub3A_66, %dma_wait3A_873] : memref<14x20xf32, #tpu.memory_space<hbm>> -> memref<1x20xf32, #tpu.memory_space<hbm>>
    %dma_wait3A_875 = arith.constant 1 : i32
    %dma_wait3A_876 = arith.constant 0 : i32
    %dma_wait3A_877 = tpu.memref_slice %arg6[%dma_wait3A_875, %dma_wait3A_876] : memref<64x20xf32, #tpu.memory_space<vmem>> -> memref<1x20xf32, #tpu.memory_space<vmem>>
    %dma_wait3A_878 = arith.constant 0 : i32
    %dma_wait3A_879 = tpu.memref_slice %arg3[%sub3A_66, %dma_wait3A_878] : memref<14x20xf32, #tpu.memory_space<hbm>> -> memref<1x20xf32, #tpu.memory_space<hbm>>
    tpu.wait_dma2 semaphore(%arg8 : memref<!tpu.dma_semaphore, #tpu.memory_space<semaphore_mem>>) src(%dma_wait3A_879 : memref<1x20xf32, #tpu.memory_space<hbm>>) dst(%dma_wait3A_877 : memref<1x20xf32, #tpu.memory_space<vmem>>)
    %dma_wait3A_880 = arith.constant 2 : i32
    %dma_wait3A_881 = arith.constant 0 : i32
    %dma_wait3A_882 = tpu.memref_slice %arg6[%dma_wait3A_880, %dma_wait3A_881] : memref<64x20xf32, #tpu.memory_space<vmem>> -> memref<1x20xf32, #tpu.memory_space<vmem>>
    %dma_wait3A_883 = arith.constant 0 : i32
    %dma_wait3A_884 = tpu.memref_slice %arg3[%sub3A_66, %dma_wait3A_883] : memref<14x20xf32, #tpu.memory_space<hbm>> -> memref<1x20xf32, #tpu.memory_space<hbm>>
    %dma_wait3A_885 = arith.constant 2 : i32
    %dma_wait3A_886 = arith.constant 0 : i32
    %dma_wait3A_887 = tpu.memref_slice %arg6[%dma_wait3A_885, %dma_wait3A_886] : memref<64x20xf32, #tpu.memory_space<vmem>> -> memref<1x20xf32, #tpu.memory_space<vmem>>
    %dma_wait3A_888 = arith.constant 0 : i32
    %dma_wait3A_889 = tpu.memref_slice %arg3[%sub3A_66, %dma_wait3A_888] : memref<14x20xf32, #tpu.memory_space<hbm>> -> memref<1x20xf32, #tpu.memory_space<hbm>>
    tpu.wait_dma2 semaphore(%arg8 : memref<!tpu.dma_semaphore, #tpu.memory_space<semaphore_mem>>) src(%dma_wait3A_889 : memref<1x20xf32, #tpu.memory_space<hbm>>) dst(%dma_wait3A_887 : memref<1x20xf32, #tpu.memory_space<vmem>>)
    %dma_wait3A_890 = arith.constant 3 : i32
    %dma_wait3A_891 = arith.constant 0 : i32
    %dma_wait3A_892 = tpu.memref_slice %arg6[%dma_wait3A_890, %dma_wait3A_891] : memref<64x20xf32, #tpu.memory_space<vmem>> -> memref<1x20xf32, #tpu.memory_space<vmem>>
    %dma_wait3A_893 = arith.constant 0 : i32
    %dma_wait3A_894 = tpu.memref_slice %arg3[%sub3A_66, %dma_wait3A_893] : memref<14x20xf32, #tpu.memory_space<hbm>> -> memref<1x20xf32, #tpu.memory_space<hbm>>
    %dma_wait3A_895 = arith.constant 3 : i32
    %dma_wait3A_896 = arith.constant 0 : i32
    %dma_wait3A_897 = tpu.memref_slice %arg6[%dma_wait3A_895, %dma_wait3A_896] : memref<64x20xf32, #tpu.memory_space<vmem>> -> memref<1x20xf32, #tpu.memory_space<vmem>>
    %dma_wait3A_898 = arith.constant 0 : i32
    %dma_wait3A_899 = tpu.memref_slice %arg3[%sub3A_66, %dma_wait3A_898] : memref<14x20xf32, #tpu.memory_space<hbm>> -> memref<1x20xf32, #tpu.memory_space<hbm>>
    tpu.wait_dma2 semaphore(%arg8 : memref<!tpu.dma_semaphore, #tpu.memory_space<semaphore_mem>>) src(%dma_wait3A_899 : memref<1x20xf32, #tpu.memory_space<hbm>>) dst(%dma_wait3A_897 : memref<1x20xf32, #tpu.memory_space<vmem>>)
    %dma_wait3A_900 = arith.constant 4 : i32
    %dma_wait3A_901 = arith.constant 0 : i32
    %dma_wait3A_902 = tpu.memref_slice %arg6[%dma_wait3A_900, %dma_wait3A_901] : memref<64x20xf32, #tpu.memory_space<vmem>> -> memref<1x20xf32, #tpu.memory_space<vmem>>
    %dma_wait3A_903 = arith.constant 0 : i32
    %dma_wait3A_904 = tpu.memref_slice %arg3[%sub3A_66, %dma_wait3A_903] : memref<14x20xf32, #tpu.memory_space<hbm>> -> memref<1x20xf32, #tpu.memory_space<hbm>>
    %dma_wait3A_905 = arith.constant 4 : i32
    %dma_wait3A_906 = arith.constant 0 : i32
    %dma_wait3A_907 = tpu.memref_slice %arg6[%dma_wait3A_905, %dma_wait3A_906] : memref<64x20xf32, #tpu.memory_space<vmem>> -> memref<1x20xf32, #tpu.memory_space<vmem>>
    %dma_wait3A_908 = arith.constant 0 : i32
    %dma_wait3A_909 = tpu.memref_slice %arg3[%sub3A_66, %dma_wait3A_908] : memref<14x20xf32, #tpu.memory_space<hbm>> -> memref<1x20xf32, #tpu.memory_space<hbm>>
    tpu.wait_dma2 semaphore(%arg8 : memref<!tpu.dma_semaphore, #tpu.memory_space<semaphore_mem>>) src(%dma_wait3A_909 : memref<1x20xf32, #tpu.memory_space<hbm>>) dst(%dma_wait3A_907 : memref<1x20xf32, #tpu.memory_space<vmem>>)
    %dma_wait3A_910 = arith.constant 5 : i32
    %dma_wait3A_911 = arith.constant 0 : i32
    %dma_wait3A_912 = tpu.memref_slice %arg6[%dma_wait3A_910, %dma_wait3A_911] : memref<64x20xf32, #tpu.memory_space<vmem>> -> memref<1x20xf32, #tpu.memory_space<vmem>>
    %dma_wait3A_913 = arith.constant 0 : i32
    %dma_wait3A_914 = tpu.memref_slice %arg3[%sub3A_66, %dma_wait3A_913] : memref<14x20xf32, #tpu.memory_space<hbm>> -> memref<1x20xf32, #tpu.memory_space<hbm>>
    %dma_wait3A_915 = arith.constant 5 : i32
    %dma_wait3A_916 = arith.constant 0 : i32
    %dma_wait3A_917 = tpu.memref_slice %arg6[%dma_wait3A_915, %dma_wait3A_916] : memref<64x20xf32, #tpu.memory_space<vmem>> -> memref<1x20xf32, #tpu.memory_space<vmem>>
    %dma_wait3A_918 = arith.constant 0 : i32
    %dma_wait3A_919 = tpu.memref_slice %arg3[%sub3A_66, %dma_wait3A_918] : memref<14x20xf32, #tpu.memory_space<hbm>> -> memref<1x20xf32, #tpu.memory_space<hbm>>
    tpu.wait_dma2 semaphore(%arg8 : memref<!tpu.dma_semaphore, #tpu.memory_space<semaphore_mem>>) src(%dma_wait3A_919 : memref<1x20xf32, #tpu.memory_space<hbm>>) dst(%dma_wait3A_917 : memref<1x20xf32, #tpu.memory_space<vmem>>)
    %dma_wait3A_920 = arith.constant 6 : i32
    %dma_wait3A_921 = arith.constant 0 : i32
    %dma_wait3A_922 = tpu.memref_slice %arg6[%dma_wait3A_920, %dma_wait3A_921] : memref<64x20xf32, #tpu.memory_space<vmem>> -> memref<1x20xf32, #tpu.memory_space<vmem>>
    %dma_wait3A_923 = arith.constant 0 : i32
    %dma_wait3A_924 = tpu.memref_slice %arg3[%sub3A_66, %dma_wait3A_923] : memref<14x20xf32, #tpu.memory_space<hbm>> -> memref<1x20xf32, #tpu.memory_space<hbm>>
    %dma_wait3A_925 = arith.constant 6 : i32
    %dma_wait3A_926 = arith.constant 0 : i32
    %dma_wait3A_927 = tpu.memref_slice %arg6[%dma_wait3A_925, %dma_wait3A_926] : memref<64x20xf32, #tpu.memory_space<vmem>> -> memref<1x20xf32, #tpu.memory_space<vmem>>
    %dma_wait3A_928 = arith.constant 0 : i32
    %dma_wait3A_929 = tpu.memref_slice %arg3[%sub3A_66, %dma_wait3A_928] : memref<14x20xf32, #tpu.memory_space<hbm>> -> memref<1x20xf32, #tpu.memory_space<hbm>>
    tpu.wait_dma2 semaphore(%arg8 : memref<!tpu.dma_semaphore, #tpu.memory_space<semaphore_mem>>) src(%dma_wait3A_929 : memref<1x20xf32, #tpu.memory_space<hbm>>) dst(%dma_wait3A_927 : memref<1x20xf32, #tpu.memory_space<vmem>>)
    %dma_wait3A_930 = arith.constant 7 : i32
    %dma_wait3A_931 = arith.constant 0 : i32
    %dma_wait3A_932 = tpu.memref_slice %arg6[%dma_wait3A_930, %dma_wait3A_931] : memref<64x20xf32, #tpu.memory_space<vmem>> -> memref<1x20xf32, #tpu.memory_space<vmem>>
    %dma_wait3A_933 = arith.constant 0 : i32
    %dma_wait3A_934 = tpu.memref_slice %arg3[%sub3A_66, %dma_wait3A_933] : memref<14x20xf32, #tpu.memory_space<hbm>> -> memref<1x20xf32, #tpu.memory_space<hbm>>
    %dma_wait3A_935 = arith.constant 7 : i32
    %dma_wait3A_936 = arith.constant 0 : i32
    %dma_wait3A_937 = tpu.memref_slice %arg6[%dma_wait3A_935, %dma_wait3A_936] : memref<64x20xf32, #tpu.memory_space<vmem>> -> memref<1x20xf32, #tpu.memory_space<vmem>>
    %dma_wait3A_938 = arith.constant 0 : i32
    %dma_wait3A_939 = tpu.memref_slice %arg3[%sub3A_66, %dma_wait3A_938] : memref<14x20xf32, #tpu.memory_space<hbm>> -> memref<1x20xf32, #tpu.memory_space<hbm>>
    tpu.wait_dma2 semaphore(%arg8 : memref<!tpu.dma_semaphore, #tpu.memory_space<semaphore_mem>>) src(%dma_wait3A_939 : memref<1x20xf32, #tpu.memory_space<hbm>>) dst(%dma_wait3A_937 : memref<1x20xf32, #tpu.memory_space<vmem>>)
    %dma_wait3A_940 = arith.constant 8 : i32
    %dma_wait3A_941 = arith.constant 0 : i32
    %dma_wait3A_942 = tpu.memref_slice %arg6[%dma_wait3A_940, %dma_wait3A_941] : memref<64x20xf32, #tpu.memory_space<vmem>> -> memref<1x20xf32, #tpu.memory_space<vmem>>
    %dma_wait3A_943 = arith.constant 0 : i32
    %dma_wait3A_944 = tpu.memref_slice %arg3[%sub3A_66, %dma_wait3A_943] : memref<14x20xf32, #tpu.memory_space<hbm>> -> memref<1x20xf32, #tpu.memory_space<hbm>>
    %dma_wait3A_945 = arith.constant 8 : i32
    %dma_wait3A_946 = arith.constant 0 : i32
    %dma_wait3A_947 = tpu.memref_slice %arg6[%dma_wait3A_945, %dma_wait3A_946] : memref<64x20xf32, #tpu.memory_space<vmem>> -> memref<1x20xf32, #tpu.memory_space<vmem>>
    %dma_wait3A_948 = arith.constant 0 : i32
    %dma_wait3A_949 = tpu.memref_slice %arg3[%sub3A_66, %dma_wait3A_948] : memref<14x20xf32, #tpu.memory_space<hbm>> -> memref<1x20xf32, #tpu.memory_space<hbm>>
    tpu.wait_dma2 semaphore(%arg8 : memref<!tpu.dma_semaphore, #tpu.memory_space<semaphore_mem>>) src(%dma_wait3A_949 : memref<1x20xf32, #tpu.memory_space<hbm>>) dst(%dma_wait3A_947 : memref<1x20xf32, #tpu.memory_space<vmem>>)
    %dma_wait3A_950 = arith.constant 9 : i32
    %dma_wait3A_951 = arith.constant 0 : i32
    %dma_wait3A_952 = tpu.memref_slice %arg6[%dma_wait3A_950, %dma_wait3A_951] : memref<64x20xf32, #tpu.memory_space<vmem>> -> memref<1x20xf32, #tpu.memory_space<vmem>>
    %dma_wait3A_953 = arith.constant 0 : i32
    %dma_wait3A_954 = tpu.memref_slice %arg3[%sub3A_66, %dma_wait3A_953] : memref<14x20xf32, #tpu.memory_space<hbm>> -> memref<1x20xf32, #tpu.memory_space<hbm>>
    %dma_wait3A_955 = arith.constant 9 : i32
    %dma_wait3A_956 = arith.constant 0 : i32
    %dma_wait3A_957 = tpu.memref_slice %arg6[%dma_wait3A_955, %dma_wait3A_956] : memref<64x20xf32, #tpu.memory_space<vmem>> -> memref<1x20xf32, #tpu.memory_space<vmem>>
    %dma_wait3A_958 = arith.constant 0 : i32
    %dma_wait3A_959 = tpu.memref_slice %arg3[%sub3A_66, %dma_wait3A_958] : memref<14x20xf32, #tpu.memory_space<hbm>> -> memref<1x20xf32, #tpu.memory_space<hbm>>
    tpu.wait_dma2 semaphore(%arg8 : memref<!tpu.dma_semaphore, #tpu.memory_space<semaphore_mem>>) src(%dma_wait3A_959 : memref<1x20xf32, #tpu.memory_space<hbm>>) dst(%dma_wait3A_957 : memref<1x20xf32, #tpu.memory_space<vmem>>)
    %dma_wait3A_960 = arith.constant 10 : i32
    %dma_wait3A_961 = arith.constant 0 : i32
    %dma_wait3A_962 = tpu.memref_slice %arg6[%dma_wait3A_960, %dma_wait3A_961] : memref<64x20xf32, #tpu.memory_space<vmem>> -> memref<1x20xf32, #tpu.memory_space<vmem>>
    %dma_wait3A_963 = arith.constant 0 : i32
    %dma_wait3A_964 = tpu.memref_slice %arg3[%sub3A_66, %dma_wait3A_963] : memref<14x20xf32, #tpu.memory_space<hbm>> -> memref<1x20xf32, #tpu.memory_space<hbm>>
    %dma_wait3A_965 = arith.constant 10 : i32
    %dma_wait3A_966 = arith.constant 0 : i32
    %dma_wait3A_967 = tpu.memref_slice %arg6[%dma_wait3A_965, %dma_wait3A_966] : memref<64x20xf32, #tpu.memory_space<vmem>> -> memref<1x20xf32, #tpu.memory_space<vmem>>
    %dma_wait3A_968 = arith.constant 0 : i32
    %dma_wait3A_969 = tpu.memref_slice %arg3[%sub3A_66, %dma_wait3A_968] : memref<14x20xf32, #tpu.memory_space<hbm>> -> memref<1x20xf32, #tpu.memory_space<hbm>>
    tpu.wait_dma2 semaphore(%arg8 : memref<!tpu.dma_semaphore, #tpu.memory_space<semaphore_mem>>) src(%dma_wait3A_969 : memref<1x20xf32, #tpu.memory_space<hbm>>) dst(%dma_wait3A_967 : memref<1x20xf32, #tpu.memory_space<vmem>>)
    %dma_wait3A_970 = arith.constant 11 : i32
    %dma_wait3A_971 = arith.constant 0 : i32
    %dma_wait3A_972 = tpu.memref_slice %arg6[%dma_wait3A_970, %dma_wait3A_971] : memref<64x20xf32, #tpu.memory_space<vmem>> -> memref<1x20xf32, #tpu.memory_space<vmem>>
    %dma_wait3A_973 = arith.constant 0 : i32
    %dma_wait3A_974 = tpu.memref_slice %arg3[%sub3A_66, %dma_wait3A_973] : memref<14x20xf32, #tpu.memory_space<hbm>> -> memref<1x20xf32, #tpu.memory_space<hbm>>
    %dma_wait3A_975 = arith.constant 11 : i32
    %dma_wait3A_976 = arith.constant 0 : i32
    %dma_wait3A_977 = tpu.memref_slice %arg6[%dma_wait3A_975, %dma_wait3A_976] : memref<64x20xf32, #tpu.memory_space<vmem>> -> memref<1x20xf32, #tpu.memory_space<vmem>>
    %dma_wait3A_978 = arith.constant 0 : i32
    %dma_wait3A_979 = tpu.memref_slice %arg3[%sub3A_66, %dma_wait3A_978] : memref<14x20xf32, #tpu.memory_space<hbm>> -> memref<1x20xf32, #tpu.memory_space<hbm>>
    tpu.wait_dma2 semaphore(%arg8 : memref<!tpu.dma_semaphore, #tpu.memory_space<semaphore_mem>>) src(%dma_wait3A_979 : memref<1x20xf32, #tpu.memory_space<hbm>>) dst(%dma_wait3A_977 : memref<1x20xf32, #tpu.memory_space<vmem>>)
    %dma_wait3A_980 = arith.constant 12 : i32
    %dma_wait3A_981 = arith.constant 0 : i32
    %dma_wait3A_982 = tpu.memref_slice %arg6[%dma_wait3A_980, %dma_wait3A_981] : memref<64x20xf32, #tpu.memory_space<vmem>> -> memref<1x20xf32, #tpu.memory_space<vmem>>
    %dma_wait3A_983 = arith.constant 0 : i32
    %dma_wait3A_984 = tpu.memref_slice %arg3[%sub3A_66, %dma_wait3A_983] : memref<14x20xf32, #tpu.memory_space<hbm>> -> memref<1x20xf32, #tpu.memory_space<hbm>>
    %dma_wait3A_985 = arith.constant 12 : i32
    %dma_wait3A_986 = arith.constant 0 : i32
    %dma_wait3A_987 = tpu.memref_slice %arg6[%dma_wait3A_985, %dma_wait3A_986] : memref<64x20xf32, #tpu.memory_space<vmem>> -> memref<1x20xf32, #tpu.memory_space<vmem>>
    %dma_wait3A_988 = arith.constant 0 : i32
    %dma_wait3A_989 = tpu.memref_slice %arg3[%sub3A_66, %dma_wait3A_988] : memref<14x20xf32, #tpu.memory_space<hbm>> -> memref<1x20xf32, #tpu.memory_space<hbm>>
    tpu.wait_dma2 semaphore(%arg8 : memref<!tpu.dma_semaphore, #tpu.memory_space<semaphore_mem>>) src(%dma_wait3A_989 : memref<1x20xf32, #tpu.memory_space<hbm>>) dst(%dma_wait3A_987 : memref<1x20xf32, #tpu.memory_space<vmem>>)
    %dma_wait3A_990 = arith.constant 13 : i32
    %dma_wait3A_991 = arith.constant 0 : i32
    %dma_wait3A_992 = tpu.memref_slice %arg6[%dma_wait3A_990, %dma_wait3A_991] : memref<64x20xf32, #tpu.memory_space<vmem>> -> memref<1x20xf32, #tpu.memory_space<vmem>>
    %dma_wait3A_993 = arith.constant 0 : i32
    %dma_wait3A_994 = tpu.memref_slice %arg3[%sub3A_66, %dma_wait3A_993] : memref<14x20xf32, #tpu.memory_space<hbm>> -> memref<1x20xf32, #tpu.memory_space<hbm>>
    %dma_wait3A_995 = arith.constant 13 : i32
    %dma_wait3A_996 = arith.constant 0 : i32
    %dma_wait3A_997 = tpu.memref_slice %arg6[%dma_wait3A_995, %dma_wait3A_996] : memref<64x20xf32, #tpu.memory_space<vmem>> -> memref<1x20xf32, #tpu.memory_space<vmem>>
    %dma_wait3A_998 = arith.constant 0 : i32
    %dma_wait3A_999 = tpu.memref_slice %arg3[%sub3A_66, %dma_wait3A_998] : memref<14x20xf32, #tpu.memory_space<hbm>> -> memref<1x20xf32, #tpu.memory_space<hbm>>
    tpu.wait_dma2 semaphore(%arg8 : memref<!tpu.dma_semaphore, #tpu.memory_space<semaphore_mem>>) src(%dma_wait3A_999 : memref<1x20xf32, #tpu.memory_space<hbm>>) dst(%dma_wait3A_997 : memref<1x20xf32, #tpu.memory_space<vmem>>)
    %dma_wait3A_1000 = arith.constant 14 : i32
    %dma_wait3A_1001 = arith.constant 0 : i32
    %dma_wait3A_1002 = tpu.memref_slice %arg6[%dma_wait3A_1000, %dma_wait3A_1001] : memref<64x20xf32, #tpu.memory_space<vmem>> -> memref<1x20xf32, #tpu.memory_space<vmem>>
    %dma_wait3A_1003 = arith.constant 0 : i32
    %dma_wait3A_1004 = tpu.memref_slice %arg3[%sub3A_66, %dma_wait3A_1003] : memref<14x20xf32, #tpu.memory_space<hbm>> -> memref<1x20xf32, #tpu.memory_space<hbm>>
    %dma_wait3A_1005 = arith.constant 14 : i32
    %dma_wait3A_1006 = arith.constant 0 : i32
    %dma_wait3A_1007 = tpu.memref_slice %arg6[%dma_wait3A_1005, %dma_wait3A_1006] : memref<64x20xf32, #tpu.memory_space<vmem>> -> memref<1x20xf32, #tpu.memory_space<vmem>>
    %dma_wait3A_1008 = arith.constant 0 : i32
    %dma_wait3A_1009 = tpu.memref_slice %arg3[%sub3A_66, %dma_wait3A_1008] : memref<14x20xf32, #tpu.memory_space<hbm>> -> memref<1x20xf32, #tpu.memory_space<hbm>>
    tpu.wait_dma2 semaphore(%arg8 : memref<!tpu.dma_semaphore, #tpu.memory_space<semaphore_mem>>) src(%dma_wait3A_1009 : memref<1x20xf32, #tpu.memory_space<hbm>>) dst(%dma_wait3A_1007 : memref<1x20xf32, #tpu.memory_space<vmem>>)
    %dma_wait3A_1010 = arith.constant 15 : i32
    %dma_wait3A_1011 = arith.constant 0 : i32
    %dma_wait3A_1012 = tpu.memref_slice %arg6[%dma_wait3A_1010, %dma_wait3A_1011] : memref<64x20xf32, #tpu.memory_space<vmem>> -> memref<1x20xf32, #tpu.memory_space<vmem>>
    %dma_wait3A_1013 = arith.constant 0 : i32
    %dma_wait3A_1014 = tpu.memref_slice %arg3[%sub3A_66, %dma_wait3A_1013] : memref<14x20xf32, #tpu.memory_space<hbm>> -> memref<1x20xf32, #tpu.memory_space<hbm>>
    %dma_wait3A_1015 = arith.constant 15 : i32
    %dma_wait3A_1016 = arith.constant 0 : i32
    %dma_wait3A_1017 = tpu.memref_slice %arg6[%dma_wait3A_1015, %dma_wait3A_1016] : memref<64x20xf32, #tpu.memory_space<vmem>> -> memref<1x20xf32, #tpu.memory_space<vmem>>
    %dma_wait3A_1018 = arith.constant 0 : i32
    %dma_wait3A_1019 = tpu.memref_slice %arg3[%sub3A_66, %dma_wait3A_1018] : memref<14x20xf32, #tpu.memory_space<hbm>> -> memref<1x20xf32, #tpu.memory_space<hbm>>
    tpu.wait_dma2 semaphore(%arg8 : memref<!tpu.dma_semaphore, #tpu.memory_space<semaphore_mem>>) src(%dma_wait3A_1019 : memref<1x20xf32, #tpu.memory_space<hbm>>) dst(%dma_wait3A_1017 : memref<1x20xf32, #tpu.memory_space<vmem>>)
    %dma_wait3A_1020 = arith.constant 16 : i32
    %dma_wait3A_1021 = arith.constant 0 : i32
    %dma_wait3A_1022 = tpu.memref_slice %arg6[%dma_wait3A_1020, %dma_wait3A_1021] : memref<64x20xf32, #tpu.memory_space<vmem>> -> memref<1x20xf32, #tpu.memory_space<vmem>>
    %dma_wait3A_1023 = arith.constant 0 : i32
    %dma_wait3A_1024 = tpu.memref_slice %arg3[%sub3A_66, %dma_wait3A_1023] : memref<14x20xf32, #tpu.memory_space<hbm>> -> memref<1x20xf32, #tpu.memory_space<hbm>>
    %dma_wait3A_1025 = arith.constant 16 : i32
    %dma_wait3A_1026 = arith.constant 0 : i32
    %dma_wait3A_1027 = tpu.memref_slice %arg6[%dma_wait3A_1025, %dma_wait3A_1026] : memref<64x20xf32, #tpu.memory_space<vmem>> -> memref<1x20xf32, #tpu.memory_space<vmem>>
    %dma_wait3A_1028 = arith.constant 0 : i32
    %dma_wait3A_1029 = tpu.memref_slice %arg3[%sub3A_66, %dma_wait3A_1028] : memref<14x20xf32, #tpu.memory_space<hbm>> -> memref<1x20xf32, #tpu.memory_space<hbm>>
    tpu.wait_dma2 semaphore(%arg8 : memref<!tpu.dma_semaphore, #tpu.memory_space<semaphore_mem>>) src(%dma_wait3A_1029 : memref<1x20xf32, #tpu.memory_space<hbm>>) dst(%dma_wait3A_1027 : memref<1x20xf32, #tpu.memory_space<vmem>>)
    %dma_wait3A_1030 = arith.constant 17 : i32
    %dma_wait3A_1031 = arith.constant 0 : i32
    %dma_wait3A_1032 = tpu.memref_slice %arg6[%dma_wait3A_1030, %dma_wait3A_1031] : memref<64x20xf32, #tpu.memory_space<vmem>> -> memref<1x20xf32, #tpu.memory_space<vmem>>
    %dma_wait3A_1033 = arith.constant 0 : i32
    %dma_wait3A_1034 = tpu.memref_slice %arg3[%sub3A_66, %dma_wait3A_1033] : memref<14x20xf32, #tpu.memory_space<hbm>> -> memref<1x20xf32, #tpu.memory_space<hbm>>
    %dma_wait3A_1035 = arith.constant 17 : i32
    %dma_wait3A_1036 = arith.constant 0 : i32
    %dma_wait3A_1037 = tpu.memref_slice %arg6[%dma_wait3A_1035, %dma_wait3A_1036] : memref<64x20xf32, #tpu.memory_space<vmem>> -> memref<1x20xf32, #tpu.memory_space<vmem>>
    %dma_wait3A_1038 = arith.constant 0 : i32
    %dma_wait3A_1039 = tpu.memref_slice %arg3[%sub3A_66, %dma_wait3A_1038] : memref<14x20xf32, #tpu.memory_space<hbm>> -> memref<1x20xf32, #tpu.memory_space<hbm>>
    tpu.wait_dma2 semaphore(%arg8 : memref<!tpu.dma_semaphore, #tpu.memory_space<semaphore_mem>>) src(%dma_wait3A_1039 : memref<1x20xf32, #tpu.memory_space<hbm>>) dst(%dma_wait3A_1037 : memref<1x20xf32, #tpu.memory_space<vmem>>)
    %dma_wait3A_1040 = arith.constant 18 : i32
    %dma_wait3A_1041 = arith.constant 0 : i32
    %dma_wait3A_1042 = tpu.memref_slice %arg6[%dma_wait3A_1040, %dma_wait3A_1041] : memref<64x20xf32, #tpu.memory_space<vmem>> -> memref<1x20xf32, #tpu.memory_space<vmem>>
    %dma_wait3A_1043 = arith.constant 0 : i32
    %dma_wait3A_1044 = tpu.memref_slice %arg3[%sub3A_66, %dma_wait3A_1043] : memref<14x20xf32, #tpu.memory_space<hbm>> -> memref<1x20xf32, #tpu.memory_space<hbm>>
    %dma_wait3A_1045 = arith.constant 18 : i32
    %dma_wait3A_1046 = arith.constant 0 : i32
    %dma_wait3A_1047 = tpu.memref_slice %arg6[%dma_wait3A_1045, %dma_wait3A_1046] : memref<64x20xf32, #tpu.memory_space<vmem>> -> memref<1x20xf32, #tpu.memory_space<vmem>>
    %dma_wait3A_1048 = arith.constant 0 : i32
    %dma_wait3A_1049 = tpu.memref_slice %arg3[%sub3A_66, %dma_wait3A_1048] : memref<14x20xf32, #tpu.memory_space<hbm>> -> memref<1x20xf32, #tpu.memory_space<hbm>>
    tpu.wait_dma2 semaphore(%arg8 : memref<!tpu.dma_semaphore, #tpu.memory_space<semaphore_mem>>) src(%dma_wait3A_1049 : memref<1x20xf32, #tpu.memory_space<hbm>>) dst(%dma_wait3A_1047 : memref<1x20xf32, #tpu.memory_space<vmem>>)
    %dma_wait3A_1050 = arith.constant 19 : i32
    %dma_wait3A_1051 = arith.constant 0 : i32
    %dma_wait3A_1052 = tpu.memref_slice %arg6[%dma_wait3A_1050, %dma_wait3A_1051] : memref<64x20xf32, #tpu.memory_space<vmem>> -> memref<1x20xf32, #tpu.memory_space<vmem>>
    %dma_wait3A_1053 = arith.constant 0 : i32
    %dma_wait3A_1054 = tpu.memref_slice %arg3[%sub3A_66, %dma_wait3A_1053] : memref<14x20xf32, #tpu.memory_space<hbm>> -> memref<1x20xf32, #tpu.memory_space<hbm>>
    %dma_wait3A_1055 = arith.constant 19 : i32
    %dma_wait3A_1056 = arith.constant 0 : i32
    %dma_wait3A_1057 = tpu.memref_slice %arg6[%dma_wait3A_1055, %dma_wait3A_1056] : memref<64x20xf32, #tpu.memory_space<vmem>> -> memref<1x20xf32, #tpu.memory_space<vmem>>
    %dma_wait3A_1058 = arith.constant 0 : i32
    %dma_wait3A_1059 = tpu.memref_slice %arg3[%sub3A_66, %dma_wait3A_1058] : memref<14x20xf32, #tpu.memory_space<hbm>> -> memref<1x20xf32, #tpu.memory_space<hbm>>
    tpu.wait_dma2 semaphore(%arg8 : memref<!tpu.dma_semaphore, #tpu.memory_space<semaphore_mem>>) src(%dma_wait3A_1059 : memref<1x20xf32, #tpu.memory_space<hbm>>) dst(%dma_wait3A_1057 : memref<1x20xf32, #tpu.memory_space<vmem>>)
    %dma_wait3A_1060 = arith.constant 20 : i32
    %dma_wait3A_1061 = arith.constant 0 : i32
    %dma_wait3A_1062 = tpu.memref_slice %arg6[%dma_wait3A_1060, %dma_wait3A_1061] : memref<64x20xf32, #tpu.memory_space<vmem>> -> memref<1x20xf32, #tpu.memory_space<vmem>>
    %dma_wait3A_1063 = arith.constant 0 : i32
    %dma_wait3A_1064 = tpu.memref_slice %arg3[%sub3A_66, %dma_wait3A_1063] : memref<14x20xf32, #tpu.memory_space<hbm>> -> memref<1x20xf32, #tpu.memory_space<hbm>>
    %dma_wait3A_1065 = arith.constant 20 : i32
    %dma_wait3A_1066 = arith.constant 0 : i32
    %dma_wait3A_1067 = tpu.memref_slice %arg6[%dma_wait3A_1065, %dma_wait3A_1066] : memref<64x20xf32, #tpu.memory_space<vmem>> -> memref<1x20xf32, #tpu.memory_space<vmem>>
    %dma_wait3A_1068 = arith.constant 0 : i32
    %dma_wait3A_1069 = tpu.memref_slice %arg3[%sub3A_66, %dma_wait3A_1068] : memref<14x20xf32, #tpu.memory_space<hbm>> -> memref<1x20xf32, #tpu.memory_space<hbm>>
    tpu.wait_dma2 semaphore(%arg8 : memref<!tpu.dma_semaphore, #tpu.memory_space<semaphore_mem>>) src(%dma_wait3A_1069 : memref<1x20xf32, #tpu.memory_space<hbm>>) dst(%dma_wait3A_1067 : memref<1x20xf32, #tpu.memory_space<vmem>>)
    %dma_wait3A_1070 = arith.constant 21 : i32
    %dma_wait3A_1071 = arith.constant 0 : i32
    %dma_wait3A_1072 = tpu.memref_slice %arg6[%dma_wait3A_1070, %dma_wait3A_1071] : memref<64x20xf32, #tpu.memory_space<vmem>> -> memref<1x20xf32, #tpu.memory_space<vmem>>
    %dma_wait3A_1073 = arith.constant 0 : i32
    %dma_wait3A_1074 = tpu.memref_slice %arg3[%sub3A_66, %dma_wait3A_1073] : memref<14x20xf32, #tpu.memory_space<hbm>> -> memref<1x20xf32, #tpu.memory_space<hbm>>
    %dma_wait3A_1075 = arith.constant 21 : i32
    %dma_wait3A_1076 = arith.constant 0 : i32
    %dma_wait3A_1077 = tpu.memref_slice %arg6[%dma_wait3A_1075, %dma_wait3A_1076] : memref<64x20xf32, #tpu.memory_space<vmem>> -> memref<1x20xf32, #tpu.memory_space<vmem>>
    %dma_wait3A_1078 = arith.constant 0 : i32
    %dma_wait3A_1079 = tpu.memref_slice %arg3[%sub3A_66, %dma_wait3A_1078] : memref<14x20xf32, #tpu.memory_space<hbm>> -> memref<1x20xf32, #tpu.memory_space<hbm>>
    tpu.wait_dma2 semaphore(%arg8 : memref<!tpu.dma_semaphore, #tpu.memory_space<semaphore_mem>>) src(%dma_wait3A_1079 : memref<1x20xf32, #tpu.memory_space<hbm>>) dst(%dma_wait3A_1077 : memref<1x20xf32, #tpu.memory_space<vmem>>)
    %dma_wait3A_1080 = arith.constant 22 : i32
    %dma_wait3A_1081 = arith.constant 0 : i32
    %dma_wait3A_1082 = tpu.memref_slice %arg6[%dma_wait3A_1080, %dma_wait3A_1081] : memref<64x20xf32, #tpu.memory_space<vmem>> -> memref<1x20xf32, #tpu.memory_space<vmem>>
    %dma_wait3A_1083 = arith.constant 0 : i32
    %dma_wait3A_1084 = tpu.memref_slice %arg3[%sub3A_66, %dma_wait3A_1083] : memref<14x20xf32, #tpu.memory_space<hbm>> -> memref<1x20xf32, #tpu.memory_space<hbm>>
    %dma_wait3A_1085 = arith.constant 22 : i32
    %dma_wait3A_1086 = arith.constant 0 : i32
    %dma_wait3A_1087 = tpu.memref_slice %arg6[%dma_wait3A_1085, %dma_wait3A_1086] : memref<64x20xf32, #tpu.memory_space<vmem>> -> memref<1x20xf32, #tpu.memory_space<vmem>>
    %dma_wait3A_1088 = arith.constant 0 : i32
    %dma_wait3A_1089 = tpu.memref_slice %arg3[%sub3A_66, %dma_wait3A_1088] : memref<14x20xf32, #tpu.memory_space<hbm>> -> memref<1x20xf32, #tpu.memory_space<hbm>>
    tpu.wait_dma2 semaphore(%arg8 : memref<!tpu.dma_semaphore, #tpu.memory_space<semaphore_mem>>) src(%dma_wait3A_1089 : memref<1x20xf32, #tpu.memory_space<hbm>>) dst(%dma_wait3A_1087 : memref<1x20xf32, #tpu.memory_space<vmem>>)
    %dma_wait3A_1090 = arith.constant 23 : i32
    %dma_wait3A_1091 = arith.constant 0 : i32
    %dma_wait3A_1092 = tpu.memref_slice %arg6[%dma_wait3A_1090, %dma_wait3A_1091] : memref<64x20xf32, #tpu.memory_space<vmem>> -> memref<1x20xf32, #tpu.memory_space<vmem>>
    %dma_wait3A_1093 = arith.constant 0 : i32
    %dma_wait3A_1094 = tpu.memref_slice %arg3[%sub3A_66, %dma_wait3A_1093] : memref<14x20xf32, #tpu.memory_space<hbm>> -> memref<1x20xf32, #tpu.memory_space<hbm>>
    %dma_wait3A_1095 = arith.constant 23 : i32
    %dma_wait3A_1096 = arith.constant 0 : i32
    %dma_wait3A_1097 = tpu.memref_slice %arg6[%dma_wait3A_1095, %dma_wait3A_1096] : memref<64x20xf32, #tpu.memory_space<vmem>> -> memref<1x20xf32, #tpu.memory_space<vmem>>
    %dma_wait3A_1098 = arith.constant 0 : i32
    %dma_wait3A_1099 = tpu.memref_slice %arg3[%sub3A_66, %dma_wait3A_1098] : memref<14x20xf32, #tpu.memory_space<hbm>> -> memref<1x20xf32, #tpu.memory_space<hbm>>
    tpu.wait_dma2 semaphore(%arg8 : memref<!tpu.dma_semaphore, #tpu.memory_space<semaphore_mem>>) src(%dma_wait3A_1099 : memref<1x20xf32, #tpu.memory_space<hbm>>) dst(%dma_wait3A_1097 : memref<1x20xf32, #tpu.memory_space<vmem>>)
    %dma_wait3A_1100 = arith.constant 24 : i32
    %dma_wait3A_1101 = arith.constant 0 : i32
    %dma_wait3A_1102 = tpu.memref_slice %arg6[%dma_wait3A_1100, %dma_wait3A_1101] : memref<64x20xf32, #tpu.memory_space<vmem>> -> memref<1x20xf32, #tpu.memory_space<vmem>>
    %dma_wait3A_1103 = arith.constant 0 : i32
    %dma_wait3A_1104 = tpu.memref_slice %arg3[%sub3A_66, %dma_wait3A_1103] : memref<14x20xf32, #tpu.memory_space<hbm>> -> memref<1x20xf32, #tpu.memory_space<hbm>>
    %dma_wait3A_1105 = arith.constant 24 : i32
    %dma_wait3A_1106 = arith.constant 0 : i32
    %dma_wait3A_1107 = tpu.memref_slice %arg6[%dma_wait3A_1105, %dma_wait3A_1106] : memref<64x20xf32, #tpu.memory_space<vmem>> -> memref<1x20xf32, #tpu.memory_space<vmem>>
    %dma_wait3A_1108 = arith.constant 0 : i32
    %dma_wait3A_1109 = tpu.memref_slice %arg3[%sub3A_66, %dma_wait3A_1108] : memref<14x20xf32, #tpu.memory_space<hbm>> -> memref<1x20xf32, #tpu.memory_space<hbm>>
    tpu.wait_dma2 semaphore(%arg8 : memref<!tpu.dma_semaphore, #tpu.memory_space<semaphore_mem>>) src(%dma_wait3A_1109 : memref<1x20xf32, #tpu.memory_space<hbm>>) dst(%dma_wait3A_1107 : memref<1x20xf32, #tpu.memory_space<vmem>>)
    %dma_wait3A_1110 = arith.constant 25 : i32
    %dma_wait3A_1111 = arith.constant 0 : i32
    %dma_wait3A_1112 = tpu.memref_slice %arg6[%dma_wait3A_1110, %dma_wait3A_1111] : memref<64x20xf32, #tpu.memory_space<vmem>> -> memref<1x20xf32, #tpu.memory_space<vmem>>
    %dma_wait3A_1113 = arith.constant 0 : i32
    %dma_wait3A_1114 = tpu.memref_slice %arg3[%sub3A_66, %dma_wait3A_1113] : memref<14x20xf32, #tpu.memory_space<hbm>> -> memref<1x20xf32, #tpu.memory_space<hbm>>
    %dma_wait3A_1115 = arith.constant 25 : i32
    %dma_wait3A_1116 = arith.constant 0 : i32
    %dma_wait3A_1117 = tpu.memref_slice %arg6[%dma_wait3A_1115, %dma_wait3A_1116] : memref<64x20xf32, #tpu.memory_space<vmem>> -> memref<1x20xf32, #tpu.memory_space<vmem>>
    %dma_wait3A_1118 = arith.constant 0 : i32
    %dma_wait3A_1119 = tpu.memref_slice %arg3[%sub3A_66, %dma_wait3A_1118] : memref<14x20xf32, #tpu.memory_space<hbm>> -> memref<1x20xf32, #tpu.memory_space<hbm>>
    tpu.wait_dma2 semaphore(%arg8 : memref<!tpu.dma_semaphore, #tpu.memory_space<semaphore_mem>>) src(%dma_wait3A_1119 : memref<1x20xf32, #tpu.memory_space<hbm>>) dst(%dma_wait3A_1117 : memref<1x20xf32, #tpu.memory_space<vmem>>)
    %dma_wait3A_1120 = arith.constant 26 : i32
    %dma_wait3A_1121 = arith.constant 0 : i32
    %dma_wait3A_1122 = tpu.memref_slice %arg6[%dma_wait3A_1120, %dma_wait3A_1121] : memref<64x20xf32, #tpu.memory_space<vmem>> -> memref<1x20xf32, #tpu.memory_space<vmem>>
    %dma_wait3A_1123 = arith.constant 0 : i32
    %dma_wait3A_1124 = tpu.memref_slice %arg3[%sub3A_66, %dma_wait3A_1123] : memref<14x20xf32, #tpu.memory_space<hbm>> -> memref<1x20xf32, #tpu.memory_space<hbm>>
    %dma_wait3A_1125 = arith.constant 26 : i32
    %dma_wait3A_1126 = arith.constant 0 : i32
    %dma_wait3A_1127 = tpu.memref_slice %arg6[%dma_wait3A_1125, %dma_wait3A_1126] : memref<64x20xf32, #tpu.memory_space<vmem>> -> memref<1x20xf32, #tpu.memory_space<vmem>>
    %dma_wait3A_1128 = arith.constant 0 : i32
    %dma_wait3A_1129 = tpu.memref_slice %arg3[%sub3A_66, %dma_wait3A_1128] : memref<14x20xf32, #tpu.memory_space<hbm>> -> memref<1x20xf32, #tpu.memory_space<hbm>>
    tpu.wait_dma2 semaphore(%arg8 : memref<!tpu.dma_semaphore, #tpu.memory_space<semaphore_mem>>) src(%dma_wait3A_1129 : memref<1x20xf32, #tpu.memory_space<hbm>>) dst(%dma_wait3A_1127 : memref<1x20xf32, #tpu.memory_space<vmem>>)
    %dma_wait3A_1130 = arith.constant 27 : i32
    %dma_wait3A_1131 = arith.constant 0 : i32
    %dma_wait3A_1132 = tpu.memref_slice %arg6[%dma_wait3A_1130, %dma_wait3A_1131] : memref<64x20xf32, #tpu.memory_space<vmem>> -> memref<1x20xf32, #tpu.memory_space<vmem>>
    %dma_wait3A_1133 = arith.constant 0 : i32
    %dma_wait3A_1134 = tpu.memref_slice %arg3[%sub3A_66, %dma_wait3A_1133] : memref<14x20xf32, #tpu.memory_space<hbm>> -> memref<1x20xf32, #tpu.memory_space<hbm>>
    %dma_wait3A_1135 = arith.constant 27 : i32
    %dma_wait3A_1136 = arith.constant 0 : i32
    %dma_wait3A_1137 = tpu.memref_slice %arg6[%dma_wait3A_1135, %dma_wait3A_1136] : memref<64x20xf32, #tpu.memory_space<vmem>> -> memref<1x20xf32, #tpu.memory_space<vmem>>
    %dma_wait3A_1138 = arith.constant 0 : i32
    %dma_wait3A_1139 = tpu.memref_slice %arg3[%sub3A_66, %dma_wait3A_1138] : memref<14x20xf32, #tpu.memory_space<hbm>> -> memref<1x20xf32, #tpu.memory_space<hbm>>
    tpu.wait_dma2 semaphore(%arg8 : memref<!tpu.dma_semaphore, #tpu.memory_space<semaphore_mem>>) src(%dma_wait3A_1139 : memref<1x20xf32, #tpu.memory_space<hbm>>) dst(%dma_wait3A_1137 : memref<1x20xf32, #tpu.memory_space<vmem>>)
    %dma_wait3A_1140 = arith.constant 28 : i32
    %dma_wait3A_1141 = arith.constant 0 : i32
    %dma_wait3A_1142 = tpu.memref_slice %arg6[%dma_wait3A_1140, %dma_wait3A_1141] : memref<64x20xf32, #tpu.memory_space<vmem>> -> memref<1x20xf32, #tpu.memory_space<vmem>>
    %dma_wait3A_1143 = arith.constant 0 : i32
    %dma_wait3A_1144 = tpu.memref_slice %arg3[%sub3A_66, %dma_wait3A_1143] : memref<14x20xf32, #tpu.memory_space<hbm>> -> memref<1x20xf32, #tpu.memory_space<hbm>>
    %dma_wait3A_1145 = arith.constant 28 : i32
    %dma_wait3A_1146 = arith.constant 0 : i32
    %dma_wait3A_1147 = tpu.memref_slice %arg6[%dma_wait3A_1145, %dma_wait3A_1146] : memref<64x20xf32, #tpu.memory_space<vmem>> -> memref<1x20xf32, #tpu.memory_space<vmem>>
    %dma_wait3A_1148 = arith.constant 0 : i32
    %dma_wait3A_1149 = tpu.memref_slice %arg3[%sub3A_66, %dma_wait3A_1148] : memref<14x20xf32, #tpu.memory_space<hbm>> -> memref<1x20xf32, #tpu.memory_space<hbm>>
    tpu.wait_dma2 semaphore(%arg8 : memref<!tpu.dma_semaphore, #tpu.memory_space<semaphore_mem>>) src(%dma_wait3A_1149 : memref<1x20xf32, #tpu.memory_space<hbm>>) dst(%dma_wait3A_1147 : memref<1x20xf32, #tpu.memory_space<vmem>>)
    %dma_wait3A_1150 = arith.constant 29 : i32
    %dma_wait3A_1151 = arith.constant 0 : i32
    %dma_wait3A_1152 = tpu.memref_slice %arg6[%dma_wait3A_1150, %dma_wait3A_1151] : memref<64x20xf32, #tpu.memory_space<vmem>> -> memref<1x20xf32, #tpu.memory_space<vmem>>
    %dma_wait3A_1153 = arith.constant 0 : i32
    %dma_wait3A_1154 = tpu.memref_slice %arg3[%sub3A_66, %dma_wait3A_1153] : memref<14x20xf32, #tpu.memory_space<hbm>> -> memref<1x20xf32, #tpu.memory_space<hbm>>
    %dma_wait3A_1155 = arith.constant 29 : i32
    %dma_wait3A_1156 = arith.constant 0 : i32
    %dma_wait3A_1157 = tpu.memref_slice %arg6[%dma_wait3A_1155, %dma_wait3A_1156] : memref<64x20xf32, #tpu.memory_space<vmem>> -> memref<1x20xf32, #tpu.memory_space<vmem>>
    %dma_wait3A_1158 = arith.constant 0 : i32
    %dma_wait3A_1159 = tpu.memref_slice %arg3[%sub3A_66, %dma_wait3A_1158] : memref<14x20xf32, #tpu.memory_space<hbm>> -> memref<1x20xf32, #tpu.memory_space<hbm>>
    tpu.wait_dma2 semaphore(%arg8 : memref<!tpu.dma_semaphore, #tpu.memory_space<semaphore_mem>>) src(%dma_wait3A_1159 : memref<1x20xf32, #tpu.memory_space<hbm>>) dst(%dma_wait3A_1157 : memref<1x20xf32, #tpu.memory_space<vmem>>)
    %dma_wait3A_1160 = arith.constant 30 : i32
    %dma_wait3A_1161 = arith.constant 0 : i32
    %dma_wait3A_1162 = tpu.memref_slice %arg6[%dma_wait3A_1160, %dma_wait3A_1161] : memref<64x20xf32, #tpu.memory_space<vmem>> -> memref<1x20xf32, #tpu.memory_space<vmem>>
    %dma_wait3A_1163 = arith.constant 0 : i32
    %dma_wait3A_1164 = tpu.memref_slice %arg3[%sub3A_66, %dma_wait3A_1163] : memref<14x20xf32, #tpu.memory_space<hbm>> -> memref<1x20xf32, #tpu.memory_space<hbm>>
    %dma_wait3A_1165 = arith.constant 30 : i32
    %dma_wait3A_1166 = arith.constant 0 : i32
    %dma_wait3A_1167 = tpu.memref_slice %arg6[%dma_wait3A_1165, %dma_wait3A_1166] : memref<64x20xf32, #tpu.memory_space<vmem>> -> memref<1x20xf32, #tpu.memory_space<vmem>>
    %dma_wait3A_1168 = arith.constant 0 : i32
    %dma_wait3A_1169 = tpu.memref_slice %arg3[%sub3A_66, %dma_wait3A_1168] : memref<14x20xf32, #tpu.memory_space<hbm>> -> memref<1x20xf32, #tpu.memory_space<hbm>>
    tpu.wait_dma2 semaphore(%arg8 : memref<!tpu.dma_semaphore, #tpu.memory_space<semaphore_mem>>) src(%dma_wait3A_1169 : memref<1x20xf32, #tpu.memory_space<hbm>>) dst(%dma_wait3A_1167 : memref<1x20xf32, #tpu.memory_space<vmem>>)
    %dma_wait3A_1170 = arith.constant 31 : i32
    %dma_wait3A_1171 = arith.constant 0 : i32
    %dma_wait3A_1172 = tpu.memref_slice %arg6[%dma_wait3A_1170, %dma_wait3A_1171] : memref<64x20xf32, #tpu.memory_space<vmem>> -> memref<1x20xf32, #tpu.memory_space<vmem>>
    %dma_wait3A_1173 = arith.constant 0 : i32
    %dma_wait3A_1174 = tpu.memref_slice %arg3[%sub3A_66, %dma_wait3A_1173] : memref<14x20xf32, #tpu.memory_space<hbm>> -> memref<1x20xf32, #tpu.memory_space<hbm>>
    %dma_wait3A_1175 = arith.constant 31 : i32
    %dma_wait3A_1176 = arith.constant 0 : i32
    %dma_wait3A_1177 = tpu.memref_slice %arg6[%dma_wait3A_1175, %dma_wait3A_1176] : memref<64x20xf32, #tpu.memory_space<vmem>> -> memref<1x20xf32, #tpu.memory_space<vmem>>
    %dma_wait3A_1178 = arith.constant 0 : i32
    %dma_wait3A_1179 = tpu.memref_slice %arg3[%sub3A_66, %dma_wait3A_1178] : memref<14x20xf32, #tpu.memory_space<hbm>> -> memref<1x20xf32, #tpu.memory_space<hbm>>
    tpu.wait_dma2 semaphore(%arg8 : memref<!tpu.dma_semaphore, #tpu.memory_space<semaphore_mem>>) src(%dma_wait3A_1179 : memref<1x20xf32, #tpu.memory_space<hbm>>) dst(%dma_wait3A_1177 : memref<1x20xf32, #tpu.memory_space<vmem>>)
    %dma_wait3A_1180 = arith.constant 32 : i32
    %dma_wait3A_1181 = arith.constant 0 : i32
    %dma_wait3A_1182 = tpu.memref_slice %arg6[%dma_wait3A_1180, %dma_wait3A_1181] : memref<64x20xf32, #tpu.memory_space<vmem>> -> memref<1x20xf32, #tpu.memory_space<vmem>>
    %dma_wait3A_1183 = arith.constant 0 : i32
    %dma_wait3A_1184 = tpu.memref_slice %arg3[%sub3A_66, %dma_wait3A_1183] : memref<14x20xf32, #tpu.memory_space<hbm>> -> memref<1x20xf32, #tpu.memory_space<hbm>>
    %dma_wait3A_1185 = arith.constant 32 : i32
    %dma_wait3A_1186 = arith.constant 0 : i32
    %dma_wait3A_1187 = tpu.memref_slice %arg6[%dma_wait3A_1185, %dma_wait3A_1186] : memref<64x20xf32, #tpu.memory_space<vmem>> -> memref<1x20xf32, #tpu.memory_space<vmem>>
    %dma_wait3A_1188 = arith.constant 0 : i32
    %dma_wait3A_1189 = tpu.memref_slice %arg3[%sub3A_66, %dma_wait3A_1188] : memref<14x20xf32, #tpu.memory_space<hbm>> -> memref<1x20xf32, #tpu.memory_space<hbm>>
    tpu.wait_dma2 semaphore(%arg8 : memref<!tpu.dma_semaphore, #tpu.memory_space<semaphore_mem>>) src(%dma_wait3A_1189 : memref<1x20xf32, #tpu.memory_space<hbm>>) dst(%dma_wait3A_1187 : memref<1x20xf32, #tpu.memory_space<vmem>>)
    %dma_wait3A_1190 = arith.constant 33 : i32
    %dma_wait3A_1191 = arith.constant 0 : i32
    %dma_wait3A_1192 = tpu.memref_slice %arg6[%dma_wait3A_1190, %dma_wait3A_1191] : memref<64x20xf32, #tpu.memory_space<vmem>> -> memref<1x20xf32, #tpu.memory_space<vmem>>
    %dma_wait3A_1193 = arith.constant 0 : i32
    %dma_wait3A_1194 = tpu.memref_slice %arg3[%sub3A_66, %dma_wait3A_1193] : memref<14x20xf32, #tpu.memory_space<hbm>> -> memref<1x20xf32, #tpu.memory_space<hbm>>
    %dma_wait3A_1195 = arith.constant 33 : i32
    %dma_wait3A_1196 = arith.constant 0 : i32
    %dma_wait3A_1197 = tpu.memref_slice %arg6[%dma_wait3A_1195, %dma_wait3A_1196] : memref<64x20xf32, #tpu.memory_space<vmem>> -> memref<1x20xf32, #tpu.memory_space<vmem>>
    %dma_wait3A_1198 = arith.constant 0 : i32
    %dma_wait3A_1199 = tpu.memref_slice %arg3[%sub3A_66, %dma_wait3A_1198] : memref<14x20xf32, #tpu.memory_space<hbm>> -> memref<1x20xf32, #tpu.memory_space<hbm>>
    tpu.wait_dma2 semaphore(%arg8 : memref<!tpu.dma_semaphore, #tpu.memory_space<semaphore_mem>>) src(%dma_wait3A_1199 : memref<1x20xf32, #tpu.memory_space<hbm>>) dst(%dma_wait3A_1197 : memref<1x20xf32, #tpu.memory_space<vmem>>)
    %dma_wait3A_1200 = arith.constant 34 : i32
    %dma_wait3A_1201 = arith.constant 0 : i32
    %dma_wait3A_1202 = tpu.memref_slice %arg6[%dma_wait3A_1200, %dma_wait3A_1201] : memref<64x20xf32, #tpu.memory_space<vmem>> -> memref<1x20xf32, #tpu.memory_space<vmem>>
    %dma_wait3A_1203 = arith.constant 0 : i32
    %dma_wait3A_1204 = tpu.memref_slice %arg3[%sub3A_66, %dma_wait3A_1203] : memref<14x20xf32, #tpu.memory_space<hbm>> -> memref<1x20xf32, #tpu.memory_space<hbm>>
    %dma_wait3A_1205 = arith.constant 34 : i32
    %dma_wait3A_1206 = arith.constant 0 : i32
    %dma_wait3A_1207 = tpu.memref_slice %arg6[%dma_wait3A_1205, %dma_wait3A_1206] : memref<64x20xf32, #tpu.memory_space<vmem>> -> memref<1x20xf32, #tpu.memory_space<vmem>>
    %dma_wait3A_1208 = arith.constant 0 : i32
    %dma_wait3A_1209 = tpu.memref_slice %arg3[%sub3A_66, %dma_wait3A_1208] : memref<14x20xf32, #tpu.memory_space<hbm>> -> memref<1x20xf32, #tpu.memory_space<hbm>>
    tpu.wait_dma2 semaphore(%arg8 : memref<!tpu.dma_semaphore, #tpu.memory_space<semaphore_mem>>) src(%dma_wait3A_1209 : memref<1x20xf32, #tpu.memory_space<hbm>>) dst(%dma_wait3A_1207 : memref<1x20xf32, #tpu.memory_space<vmem>>)
    %dma_wait3A_1210 = arith.constant 35 : i32
    %dma_wait3A_1211 = arith.constant 0 : i32
    %dma_wait3A_1212 = tpu.memref_slice %arg6[%dma_wait3A_1210, %dma_wait3A_1211] : memref<64x20xf32, #tpu.memory_space<vmem>> -> memref<1x20xf32, #tpu.memory_space<vmem>>
    %dma_wait3A_1213 = arith.constant 0 : i32
    %dma_wait3A_1214 = tpu.memref_slice %arg3[%sub3A_66, %dma_wait3A_1213] : memref<14x20xf32, #tpu.memory_space<hbm>> -> memref<1x20xf32, #tpu.memory_space<hbm>>
    %dma_wait3A_1215 = arith.constant 35 : i32
    %dma_wait3A_1216 = arith.constant 0 : i32
    %dma_wait3A_1217 = tpu.memref_slice %arg6[%dma_wait3A_1215, %dma_wait3A_1216] : memref<64x20xf32, #tpu.memory_space<vmem>> -> memref<1x20xf32, #tpu.memory_space<vmem>>
    %dma_wait3A_1218 = arith.constant 0 : i32
    %dma_wait3A_1219 = tpu.memref_slice %arg3[%sub3A_66, %dma_wait3A_1218] : memref<14x20xf32, #tpu.memory_space<hbm>> -> memref<1x20xf32, #tpu.memory_space<hbm>>
    tpu.wait_dma2 semaphore(%arg8 : memref<!tpu.dma_semaphore, #tpu.memory_space<semaphore_mem>>) src(%dma_wait3A_1219 : memref<1x20xf32, #tpu.memory_space<hbm>>) dst(%dma_wait3A_1217 : memref<1x20xf32, #tpu.memory_space<vmem>>)
    %dma_wait3A_1220 = arith.constant 36 : i32
    %dma_wait3A_1221 = arith.constant 0 : i32
    %dma_wait3A_1222 = tpu.memref_slice %arg6[%dma_wait3A_1220, %dma_wait3A_1221] : memref<64x20xf32, #tpu.memory_space<vmem>> -> memref<1x20xf32, #tpu.memory_space<vmem>>
    %dma_wait3A_1223 = arith.constant 0 : i32
    %dma_wait3A_1224 = tpu.memref_slice %arg3[%sub3A_66, %dma_wait3A_1223] : memref<14x20xf32, #tpu.memory_space<hbm>> -> memref<1x20xf32, #tpu.memory_space<hbm>>
    %dma_wait3A_1225 = arith.constant 36 : i32
    %dma_wait3A_1226 = arith.constant 0 : i32
    %dma_wait3A_1227 = tpu.memref_slice %arg6[%dma_wait3A_1225, %dma_wait3A_1226] : memref<64x20xf32, #tpu.memory_space<vmem>> -> memref<1x20xf32, #tpu.memory_space<vmem>>
    %dma_wait3A_1228 = arith.constant 0 : i32
    %dma_wait3A_1229 = tpu.memref_slice %arg3[%sub3A_66, %dma_wait3A_1228] : memref<14x20xf32, #tpu.memory_space<hbm>> -> memref<1x20xf32, #tpu.memory_space<hbm>>
    tpu.wait_dma2 semaphore(%arg8 : memref<!tpu.dma_semaphore, #tpu.memory_space<semaphore_mem>>) src(%dma_wait3A_1229 : memref<1x20xf32, #tpu.memory_space<hbm>>) dst(%dma_wait3A_1227 : memref<1x20xf32, #tpu.memory_space<vmem>>)
    %dma_wait3A_1230 = arith.constant 37 : i32
    %dma_wait3A_1231 = arith.constant 0 : i32
    %dma_wait3A_1232 = tpu.memref_slice %arg6[%dma_wait3A_1230, %dma_wait3A_1231] : memref<64x20xf32, #tpu.memory_space<vmem>> -> memref<1x20xf32, #tpu.memory_space<vmem>>
    %dma_wait3A_1233 = arith.constant 0 : i32
    %dma_wait3A_1234 = tpu.memref_slice %arg3[%sub3A_66, %dma_wait3A_1233] : memref<14x20xf32, #tpu.memory_space<hbm>> -> memref<1x20xf32, #tpu.memory_space<hbm>>
    %dma_wait3A_1235 = arith.constant 37 : i32
    %dma_wait3A_1236 = arith.constant 0 : i32
    %dma_wait3A_1237 = tpu.memref_slice %arg6[%dma_wait3A_1235, %dma_wait3A_1236] : memref<64x20xf32, #tpu.memory_space<vmem>> -> memref<1x20xf32, #tpu.memory_space<vmem>>
    %dma_wait3A_1238 = arith.constant 0 : i32
    %dma_wait3A_1239 = tpu.memref_slice %arg3[%sub3A_66, %dma_wait3A_1238] : memref<14x20xf32, #tpu.memory_space<hbm>> -> memref<1x20xf32, #tpu.memory_space<hbm>>
    tpu.wait_dma2 semaphore(%arg8 : memref<!tpu.dma_semaphore, #tpu.memory_space<semaphore_mem>>) src(%dma_wait3A_1239 : memref<1x20xf32, #tpu.memory_space<hbm>>) dst(%dma_wait3A_1237 : memref<1x20xf32, #tpu.memory_space<vmem>>)
    %dma_wait3A_1240 = arith.constant 38 : i32
    %dma_wait3A_1241 = arith.constant 0 : i32
    %dma_wait3A_1242 = tpu.memref_slice %arg6[%dma_wait3A_1240, %dma_wait3A_1241] : memref<64x20xf32, #tpu.memory_space<vmem>> -> memref<1x20xf32, #tpu.memory_space<vmem>>
    %dma_wait3A_1243 = arith.constant 0 : i32
    %dma_wait3A_1244 = tpu.memref_slice %arg3[%sub3A_66, %dma_wait3A_1243] : memref<14x20xf32, #tpu.memory_space<hbm>> -> memref<1x20xf32, #tpu.memory_space<hbm>>
    %dma_wait3A_1245 = arith.constant 38 : i32
    %dma_wait3A_1246 = arith.constant 0 : i32
    %dma_wait3A_1247 = tpu.memref_slice %arg6[%dma_wait3A_1245, %dma_wait3A_1246] : memref<64x20xf32, #tpu.memory_space<vmem>> -> memref<1x20xf32, #tpu.memory_space<vmem>>
    %dma_wait3A_1248 = arith.constant 0 : i32
    %dma_wait3A_1249 = tpu.memref_slice %arg3[%sub3A_66, %dma_wait3A_1248] : memref<14x20xf32, #tpu.memory_space<hbm>> -> memref<1x20xf32, #tpu.memory_space<hbm>>
    tpu.wait_dma2 semaphore(%arg8 : memref<!tpu.dma_semaphore, #tpu.memory_space<semaphore_mem>>) src(%dma_wait3A_1249 : memref<1x20xf32, #tpu.memory_space<hbm>>) dst(%dma_wait3A_1247 : memref<1x20xf32, #tpu.memory_space<vmem>>)
    %dma_wait3A_1250 = arith.constant 39 : i32
    %dma_wait3A_1251 = arith.constant 0 : i32
    %dma_wait3A_1252 = tpu.memref_slice %arg6[%dma_wait3A_1250, %dma_wait3A_1251] : memref<64x20xf32, #tpu.memory_space<vmem>> -> memref<1x20xf32, #tpu.memory_space<vmem>>
    %dma_wait3A_1253 = arith.constant 0 : i32
    %dma_wait3A_1254 = tpu.memref_slice %arg3[%sub3A_66, %dma_wait3A_1253] : memref<14x20xf32, #tpu.memory_space<hbm>> -> memref<1x20xf32, #tpu.memory_space<hbm>>
    %dma_wait3A_1255 = arith.constant 39 : i32
    %dma_wait3A_1256 = arith.constant 0 : i32
    %dma_wait3A_1257 = tpu.memref_slice %arg6[%dma_wait3A_1255, %dma_wait3A_1256] : memref<64x20xf32, #tpu.memory_space<vmem>> -> memref<1x20xf32, #tpu.memory_space<vmem>>
    %dma_wait3A_1258 = arith.constant 0 : i32
    %dma_wait3A_1259 = tpu.memref_slice %arg3[%sub3A_66, %dma_wait3A_1258] : memref<14x20xf32, #tpu.memory_space<hbm>> -> memref<1x20xf32, #tpu.memory_space<hbm>>
    tpu.wait_dma2 semaphore(%arg8 : memref<!tpu.dma_semaphore, #tpu.memory_space<semaphore_mem>>) src(%dma_wait3A_1259 : memref<1x20xf32, #tpu.memory_space<hbm>>) dst(%dma_wait3A_1257 : memref<1x20xf32, #tpu.memory_space<vmem>>)
    %dma_wait3A_1260 = arith.constant 40 : i32
    %dma_wait3A_1261 = arith.constant 0 : i32
    %dma_wait3A_1262 = tpu.memref_slice %arg6[%dma_wait3A_1260, %dma_wait3A_1261] : memref<64x20xf32, #tpu.memory_space<vmem>> -> memref<1x20xf32, #tpu.memory_space<vmem>>
    %dma_wait3A_1263 = arith.constant 0 : i32
    %dma_wait3A_1264 = tpu.memref_slice %arg3[%sub3A_66, %dma_wait3A_1263] : memref<14x20xf32, #tpu.memory_space<hbm>> -> memref<1x20xf32, #tpu.memory_space<hbm>>
    %dma_wait3A_1265 = arith.constant 40 : i32
    %dma_wait3A_1266 = arith.constant 0 : i32
    %dma_wait3A_1267 = tpu.memref_slice %arg6[%dma_wait3A_1265, %dma_wait3A_1266] : memref<64x20xf32, #tpu.memory_space<vmem>> -> memref<1x20xf32, #tpu.memory_space<vmem>>
    %dma_wait3A_1268 = arith.constant 0 : i32
    %dma_wait3A_1269 = tpu.memref_slice %arg3[%sub3A_66, %dma_wait3A_1268] : memref<14x20xf32, #tpu.memory_space<hbm>> -> memref<1x20xf32, #tpu.memory_space<hbm>>
    tpu.wait_dma2 semaphore(%arg8 : memref<!tpu.dma_semaphore, #tpu.memory_space<semaphore_mem>>) src(%dma_wait3A_1269 : memref<1x20xf32, #tpu.memory_space<hbm>>) dst(%dma_wait3A_1267 : memref<1x20xf32, #tpu.memory_space<vmem>>)
    %dma_wait3A_1270 = arith.constant 41 : i32
    %dma_wait3A_1271 = arith.constant 0 : i32
    %dma_wait3A_1272 = tpu.memref_slice %arg6[%dma_wait3A_1270, %dma_wait3A_1271] : memref<64x20xf32, #tpu.memory_space<vmem>> -> memref<1x20xf32, #tpu.memory_space<vmem>>
    %dma_wait3A_1273 = arith.constant 0 : i32
    %dma_wait3A_1274 = tpu.memref_slice %arg3[%sub3A_66, %dma_wait3A_1273] : memref<14x20xf32, #tpu.memory_space<hbm>> -> memref<1x20xf32, #tpu.memory_space<hbm>>
    %dma_wait3A_1275 = arith.constant 41 : i32
    %dma_wait3A_1276 = arith.constant 0 : i32
    %dma_wait3A_1277 = tpu.memref_slice %arg6[%dma_wait3A_1275, %dma_wait3A_1276] : memref<64x20xf32, #tpu.memory_space<vmem>> -> memref<1x20xf32, #tpu.memory_space<vmem>>
    %dma_wait3A_1278 = arith.constant 0 : i32
    %dma_wait3A_1279 = tpu.memref_slice %arg3[%sub3A_66, %dma_wait3A_1278] : memref<14x20xf32, #tpu.memory_space<hbm>> -> memref<1x20xf32, #tpu.memory_space<hbm>>
    tpu.wait_dma2 semaphore(%arg8 : memref<!tpu.dma_semaphore, #tpu.memory_space<semaphore_mem>>) src(%dma_wait3A_1279 : memref<1x20xf32, #tpu.memory_space<hbm>>) dst(%dma_wait3A_1277 : memref<1x20xf32, #tpu.memory_space<vmem>>)
    %dma_wait3A_1280 = arith.constant 42 : i32
    %dma_wait3A_1281 = arith.constant 0 : i32
    %dma_wait3A_1282 = tpu.memref_slice %arg6[%dma_wait3A_1280, %dma_wait3A_1281] : memref<64x20xf32, #tpu.memory_space<vmem>> -> memref<1x20xf32, #tpu.memory_space<vmem>>
    %dma_wait3A_1283 = arith.constant 0 : i32
    %dma_wait3A_1284 = tpu.memref_slice %arg3[%sub3A_66, %dma_wait3A_1283] : memref<14x20xf32, #tpu.memory_space<hbm>> -> memref<1x20xf32, #tpu.memory_space<hbm>>
    %dma_wait3A_1285 = arith.constant 42 : i32
    %dma_wait3A_1286 = arith.constant 0 : i32
    %dma_wait3A_1287 = tpu.memref_slice %arg6[%dma_wait3A_1285, %dma_wait3A_1286] : memref<64x20xf32, #tpu.memory_space<vmem>> -> memref<1x20xf32, #tpu.memory_space<vmem>>
    %dma_wait3A_1288 = arith.constant 0 : i32
    %dma_wait3A_1289 = tpu.memref_slice %arg3[%sub3A_66, %dma_wait3A_1288] : memref<14x20xf32, #tpu.memory_space<hbm>> -> memref<1x20xf32, #tpu.memory_space<hbm>>
    tpu.wait_dma2 semaphore(%arg8 : memref<!tpu.dma_semaphore, #tpu.memory_space<semaphore_mem>>) src(%dma_wait3A_1289 : memref<1x20xf32, #tpu.memory_space<hbm>>) dst(%dma_wait3A_1287 : memref<1x20xf32, #tpu.memory_space<vmem>>)
    %dma_wait3A_1290 = arith.constant 43 : i32
    %dma_wait3A_1291 = arith.constant 0 : i32
    %dma_wait3A_1292 = tpu.memref_slice %arg6[%dma_wait3A_1290, %dma_wait3A_1291] : memref<64x20xf32, #tpu.memory_space<vmem>> -> memref<1x20xf32, #tpu.memory_space<vmem>>
    %dma_wait3A_1293 = arith.constant 0 : i32
    %dma_wait3A_1294 = tpu.memref_slice %arg3[%sub3A_66, %dma_wait3A_1293] : memref<14x20xf32, #tpu.memory_space<hbm>> -> memref<1x20xf32, #tpu.memory_space<hbm>>
    %dma_wait3A_1295 = arith.constant 43 : i32
    %dma_wait3A_1296 = arith.constant 0 : i32
    %dma_wait3A_1297 = tpu.memref_slice %arg6[%dma_wait3A_1295, %dma_wait3A_1296] : memref<64x20xf32, #tpu.memory_space<vmem>> -> memref<1x20xf32, #tpu.memory_space<vmem>>
    %dma_wait3A_1298 = arith.constant 0 : i32
    %dma_wait3A_1299 = tpu.memref_slice %arg3[%sub3A_66, %dma_wait3A_1298] : memref<14x20xf32, #tpu.memory_space<hbm>> -> memref<1x20xf32, #tpu.memory_space<hbm>>
    tpu.wait_dma2 semaphore(%arg8 : memref<!tpu.dma_semaphore, #tpu.memory_space<semaphore_mem>>) src(%dma_wait3A_1299 : memref<1x20xf32, #tpu.memory_space<hbm>>) dst(%dma_wait3A_1297 : memref<1x20xf32, #tpu.memory_space<vmem>>)
    %dma_wait3A_1300 = arith.constant 44 : i32
    %dma_wait3A_1301 = arith.constant 0 : i32
    %dma_wait3A_1302 = tpu.memref_slice %arg6[%dma_wait3A_1300, %dma_wait3A_1301] : memref<64x20xf32, #tpu.memory_space<vmem>> -> memref<1x20xf32, #tpu.memory_space<vmem>>
    %dma_wait3A_1303 = arith.constant 0 : i32
    %dma_wait3A_1304 = tpu.memref_slice %arg3[%sub3A_66, %dma_wait3A_1303] : memref<14x20xf32, #tpu.memory_space<hbm>> -> memref<1x20xf32, #tpu.memory_space<hbm>>
    %dma_wait3A_1305 = arith.constant 44 : i32
    %dma_wait3A_1306 = arith.constant 0 : i32
    %dma_wait3A_1307 = tpu.memref_slice %arg6[%dma_wait3A_1305, %dma_wait3A_1306] : memref<64x20xf32, #tpu.memory_space<vmem>> -> memref<1x20xf32, #tpu.memory_space<vmem>>
    %dma_wait3A_1308 = arith.constant 0 : i32
    %dma_wait3A_1309 = tpu.memref_slice %arg3[%sub3A_66, %dma_wait3A_1308] : memref<14x20xf32, #tpu.memory_space<hbm>> -> memref<1x20xf32, #tpu.memory_space<hbm>>
    tpu.wait_dma2 semaphore(%arg8 : memref<!tpu.dma_semaphore, #tpu.memory_space<semaphore_mem>>) src(%dma_wait3A_1309 : memref<1x20xf32, #tpu.memory_space<hbm>>) dst(%dma_wait3A_1307 : memref<1x20xf32, #tpu.memory_space<vmem>>)
    %dma_wait3A_1310 = arith.constant 45 : i32
    %dma_wait3A_1311 = arith.constant 0 : i32
    %dma_wait3A_1312 = tpu.memref_slice %arg6[%dma_wait3A_1310, %dma_wait3A_1311] : memref<64x20xf32, #tpu.memory_space<vmem>> -> memref<1x20xf32, #tpu.memory_space<vmem>>
    %dma_wait3A_1313 = arith.constant 0 : i32
    %dma_wait3A_1314 = tpu.memref_slice %arg3[%sub3A_66, %dma_wait3A_1313] : memref<14x20xf32, #tpu.memory_space<hbm>> -> memref<1x20xf32, #tpu.memory_space<hbm>>
    %dma_wait3A_1315 = arith.constant 45 : i32
    %dma_wait3A_1316 = arith.constant 0 : i32
    %dma_wait3A_1317 = tpu.memref_slice %arg6[%dma_wait3A_1315, %dma_wait3A_1316] : memref<64x20xf32, #tpu.memory_space<vmem>> -> memref<1x20xf32, #tpu.memory_space<vmem>>
    %dma_wait3A_1318 = arith.constant 0 : i32
    %dma_wait3A_1319 = tpu.memref_slice %arg3[%sub3A_66, %dma_wait3A_1318] : memref<14x20xf32, #tpu.memory_space<hbm>> -> memref<1x20xf32, #tpu.memory_space<hbm>>
    tpu.wait_dma2 semaphore(%arg8 : memref<!tpu.dma_semaphore, #tpu.memory_space<semaphore_mem>>) src(%dma_wait3A_1319 : memref<1x20xf32, #tpu.memory_space<hbm>>) dst(%dma_wait3A_1317 : memref<1x20xf32, #tpu.memory_space<vmem>>)
    %dma_wait3A_1320 = arith.constant 46 : i32
    %dma_wait3A_1321 = arith.constant 0 : i32
    %dma_wait3A_1322 = tpu.memref_slice %arg6[%dma_wait3A_1320, %dma_wait3A_1321] : memref<64x20xf32, #tpu.memory_space<vmem>> -> memref<1x20xf32, #tpu.memory_space<vmem>>
    %dma_wait3A_1323 = arith.constant 0 : i32
    %dma_wait3A_1324 = tpu.memref_slice %arg3[%sub3A_66, %dma_wait3A_1323] : memref<14x20xf32, #tpu.memory_space<hbm>> -> memref<1x20xf32, #tpu.memory_space<hbm>>
    %dma_wait3A_1325 = arith.constant 46 : i32
    %dma_wait3A_1326 = arith.constant 0 : i32
    %dma_wait3A_1327 = tpu.memref_slice %arg6[%dma_wait3A_1325, %dma_wait3A_1326] : memref<64x20xf32, #tpu.memory_space<vmem>> -> memref<1x20xf32, #tpu.memory_space<vmem>>
    %dma_wait3A_1328 = arith.constant 0 : i32
    %dma_wait3A_1329 = tpu.memref_slice %arg3[%sub3A_66, %dma_wait3A_1328] : memref<14x20xf32, #tpu.memory_space<hbm>> -> memref<1x20xf32, #tpu.memory_space<hbm>>
    tpu.wait_dma2 semaphore(%arg8 : memref<!tpu.dma_semaphore, #tpu.memory_space<semaphore_mem>>) src(%dma_wait3A_1329 : memref<1x20xf32, #tpu.memory_space<hbm>>) dst(%dma_wait3A_1327 : memref<1x20xf32, #tpu.memory_space<vmem>>)
    %dma_wait3A_1330 = arith.constant 47 : i32
    %dma_wait3A_1331 = arith.constant 0 : i32
    %dma_wait3A_1332 = tpu.memref_slice %arg6[%dma_wait3A_1330, %dma_wait3A_1331] : memref<64x20xf32, #tpu.memory_space<vmem>> -> memref<1x20xf32, #tpu.memory_space<vmem>>
    %dma_wait3A_1333 = arith.constant 0 : i32
    %dma_wait3A_1334 = tpu.memref_slice %arg3[%sub3A_66, %dma_wait3A_1333] : memref<14x20xf32, #tpu.memory_space<hbm>> -> memref<1x20xf32, #tpu.memory_space<hbm>>
    %dma_wait3A_1335 = arith.constant 47 : i32
    %dma_wait3A_1336 = arith.constant 0 : i32
    %dma_wait3A_1337 = tpu.memref_slice %arg6[%dma_wait3A_1335, %dma_wait3A_1336] : memref<64x20xf32, #tpu.memory_space<vmem>> -> memref<1x20xf32, #tpu.memory_space<vmem>>
    %dma_wait3A_1338 = arith.constant 0 : i32
    %dma_wait3A_1339 = tpu.memref_slice %arg3[%sub3A_66, %dma_wait3A_1338] : memref<14x20xf32, #tpu.memory_space<hbm>> -> memref<1x20xf32, #tpu.memory_space<hbm>>
    tpu.wait_dma2 semaphore(%arg8 : memref<!tpu.dma_semaphore, #tpu.memory_space<semaphore_mem>>) src(%dma_wait3A_1339 : memref<1x20xf32, #tpu.memory_space<hbm>>) dst(%dma_wait3A_1337 : memref<1x20xf32, #tpu.memory_space<vmem>>)
    %dma_wait3A_1340 = arith.constant 48 : i32
    %dma_wait3A_1341 = arith.constant 0 : i32
    %dma_wait3A_1342 = tpu.memref_slice %arg6[%dma_wait3A_1340, %dma_wait3A_1341] : memref<64x20xf32, #tpu.memory_space<vmem>> -> memref<1x20xf32, #tpu.memory_space<vmem>>
    %dma_wait3A_1343 = arith.constant 0 : i32
    %dma_wait3A_1344 = tpu.memref_slice %arg3[%sub3A_66, %dma_wait3A_1343] : memref<14x20xf32, #tpu.memory_space<hbm>> -> memref<1x20xf32, #tpu.memory_space<hbm>>
    %dma_wait3A_1345 = arith.constant 48 : i32
    %dma_wait3A_1346 = arith.constant 0 : i32
    %dma_wait3A_1347 = tpu.memref_slice %arg6[%dma_wait3A_1345, %dma_wait3A_1346] : memref<64x20xf32, #tpu.memory_space<vmem>> -> memref<1x20xf32, #tpu.memory_space<vmem>>
    %dma_wait3A_1348 = arith.constant 0 : i32
    %dma_wait3A_1349 = tpu.memref_slice %arg3[%sub3A_66, %dma_wait3A_1348] : memref<14x20xf32, #tpu.memory_space<hbm>> -> memref<1x20xf32, #tpu.memory_space<hbm>>
    tpu.wait_dma2 semaphore(%arg8 : memref<!tpu.dma_semaphore, #tpu.memory_space<semaphore_mem>>) src(%dma_wait3A_1349 : memref<1x20xf32, #tpu.memory_space<hbm>>) dst(%dma_wait3A_1347 : memref<1x20xf32, #tpu.memory_space<vmem>>)
    %dma_wait3A_1350 = arith.constant 49 : i32
    %dma_wait3A_1351 = arith.constant 0 : i32
    %dma_wait3A_1352 = tpu.memref_slice %arg6[%dma_wait3A_1350, %dma_wait3A_1351] : memref<64x20xf32, #tpu.memory_space<vmem>> -> memref<1x20xf32, #tpu.memory_space<vmem>>
    %dma_wait3A_1353 = arith.constant 0 : i32
    %dma_wait3A_1354 = tpu.memref_slice %arg3[%sub3A_66, %dma_wait3A_1353] : memref<14x20xf32, #tpu.memory_space<hbm>> -> memref<1x20xf32, #tpu.memory_space<hbm>>
    %dma_wait3A_1355 = arith.constant 49 : i32
    %dma_wait3A_1356 = arith.constant 0 : i32
    %dma_wait3A_1357 = tpu.memref_slice %arg6[%dma_wait3A_1355, %dma_wait3A_1356] : memref<64x20xf32, #tpu.memory_space<vmem>> -> memref<1x20xf32, #tpu.memory_space<vmem>>
    %dma_wait3A_1358 = arith.constant 0 : i32
    %dma_wait3A_1359 = tpu.memref_slice %arg3[%sub3A_66, %dma_wait3A_1358] : memref<14x20xf32, #tpu.memory_space<hbm>> -> memref<1x20xf32, #tpu.memory_space<hbm>>
    tpu.wait_dma2 semaphore(%arg8 : memref<!tpu.dma_semaphore, #tpu.memory_space<semaphore_mem>>) src(%dma_wait3A_1359 : memref<1x20xf32, #tpu.memory_space<hbm>>) dst(%dma_wait3A_1357 : memref<1x20xf32, #tpu.memory_space<vmem>>)
    %dma_wait3A_1360 = arith.constant 50 : i32
    %dma_wait3A_1361 = arith.constant 0 : i32
    %dma_wait3A_1362 = tpu.memref_slice %arg6[%dma_wait3A_1360, %dma_wait3A_1361] : memref<64x20xf32, #tpu.memory_space<vmem>> -> memref<1x20xf32, #tpu.memory_space<vmem>>
    %dma_wait3A_1363 = arith.constant 0 : i32
    %dma_wait3A_1364 = tpu.memref_slice %arg3[%sub3A_66, %dma_wait3A_1363] : memref<14x20xf32, #tpu.memory_space<hbm>> -> memref<1x20xf32, #tpu.memory_space<hbm>>
    %dma_wait3A_1365 = arith.constant 50 : i32
    %dma_wait3A_1366 = arith.constant 0 : i32
    %dma_wait3A_1367 = tpu.memref_slice %arg6[%dma_wait3A_1365, %dma_wait3A_1366] : memref<64x20xf32, #tpu.memory_space<vmem>> -> memref<1x20xf32, #tpu.memory_space<vmem>>
    %dma_wait3A_1368 = arith.constant 0 : i32
    %dma_wait3A_1369 = tpu.memref_slice %arg3[%sub3A_66, %dma_wait3A_1368] : memref<14x20xf32, #tpu.memory_space<hbm>> -> memref<1x20xf32, #tpu.memory_space<hbm>>
    tpu.wait_dma2 semaphore(%arg8 : memref<!tpu.dma_semaphore, #tpu.memory_space<semaphore_mem>>) src(%dma_wait3A_1369 : memref<1x20xf32, #tpu.memory_space<hbm>>) dst(%dma_wait3A_1367 : memref<1x20xf32, #tpu.memory_space<vmem>>)
    %dma_wait3A_1370 = arith.constant 51 : i32
    %dma_wait3A_1371 = arith.constant 0 : i32
    %dma_wait3A_1372 = tpu.memref_slice %arg6[%dma_wait3A_1370, %dma_wait3A_1371] : memref<64x20xf32, #tpu.memory_space<vmem>> -> memref<1x20xf32, #tpu.memory_space<vmem>>
    %dma_wait3A_1373 = arith.constant 0 : i32
    %dma_wait3A_1374 = tpu.memref_slice %arg3[%sub3A_66, %dma_wait3A_1373] : memref<14x20xf32, #tpu.memory_space<hbm>> -> memref<1x20xf32, #tpu.memory_space<hbm>>
    %dma_wait3A_1375 = arith.constant 51 : i32
    %dma_wait3A_1376 = arith.constant 0 : i32
    %dma_wait3A_1377 = tpu.memref_slice %arg6[%dma_wait3A_1375, %dma_wait3A_1376] : memref<64x20xf32, #tpu.memory_space<vmem>> -> memref<1x20xf32, #tpu.memory_space<vmem>>
    %dma_wait3A_1378 = arith.constant 0 : i32
    %dma_wait3A_1379 = tpu.memref_slice %arg3[%sub3A_66, %dma_wait3A_1378] : memref<14x20xf32, #tpu.memory_space<hbm>> -> memref<1x20xf32, #tpu.memory_space<hbm>>
    tpu.wait_dma2 semaphore(%arg8 : memref<!tpu.dma_semaphore, #tpu.memory_space<semaphore_mem>>) src(%dma_wait3A_1379 : memref<1x20xf32, #tpu.memory_space<hbm>>) dst(%dma_wait3A_1377 : memref<1x20xf32, #tpu.memory_space<vmem>>)
    %dma_wait3A_1380 = arith.constant 52 : i32
    %dma_wait3A_1381 = arith.constant 0 : i32
    %dma_wait3A_1382 = tpu.memref_slice %arg6[%dma_wait3A_1380, %dma_wait3A_1381] : memref<64x20xf32, #tpu.memory_space<vmem>> -> memref<1x20xf32, #tpu.memory_space<vmem>>
    %dma_wait3A_1383 = arith.constant 0 : i32
    %dma_wait3A_1384 = tpu.memref_slice %arg3[%sub3A_66, %dma_wait3A_1383] : memref<14x20xf32, #tpu.memory_space<hbm>> -> memref<1x20xf32, #tpu.memory_space<hbm>>
    %dma_wait3A_1385 = arith.constant 52 : i32
    %dma_wait3A_1386 = arith.constant 0 : i32
    %dma_wait3A_1387 = tpu.memref_slice %arg6[%dma_wait3A_1385, %dma_wait3A_1386] : memref<64x20xf32, #tpu.memory_space<vmem>> -> memref<1x20xf32, #tpu.memory_space<vmem>>
    %dma_wait3A_1388 = arith.constant 0 : i32
    %dma_wait3A_1389 = tpu.memref_slice %arg3[%sub3A_66, %dma_wait3A_1388] : memref<14x20xf32, #tpu.memory_space<hbm>> -> memref<1x20xf32, #tpu.memory_space<hbm>>
    tpu.wait_dma2 semaphore(%arg8 : memref<!tpu.dma_semaphore, #tpu.memory_space<semaphore_mem>>) src(%dma_wait3A_1389 : memref<1x20xf32, #tpu.memory_space<hbm>>) dst(%dma_wait3A_1387 : memref<1x20xf32, #tpu.memory_space<vmem>>)
    %dma_wait3A_1390 = arith.constant 53 : i32
    %dma_wait3A_1391 = arith.constant 0 : i32
    %dma_wait3A_1392 = tpu.memref_slice %arg6[%dma_wait3A_1390, %dma_wait3A_1391] : memref<64x20xf32, #tpu.memory_space<vmem>> -> memref<1x20xf32, #tpu.memory_space<vmem>>
    %dma_wait3A_1393 = arith.constant 0 : i32
    %dma_wait3A_1394 = tpu.memref_slice %arg3[%sub3A_66, %dma_wait3A_1393] : memref<14x20xf32, #tpu.memory_space<hbm>> -> memref<1x20xf32, #tpu.memory_space<hbm>>
    %dma_wait3A_1395 = arith.constant 53 : i32
    %dma_wait3A_1396 = arith.constant 0 : i32
    %dma_wait3A_1397 = tpu.memref_slice %arg6[%dma_wait3A_1395, %dma_wait3A_1396] : memref<64x20xf32, #tpu.memory_space<vmem>> -> memref<1x20xf32, #tpu.memory_space<vmem>>
    %dma_wait3A_1398 = arith.constant 0 : i32
    %dma_wait3A_1399 = tpu.memref_slice %arg3[%sub3A_66, %dma_wait3A_1398] : memref<14x20xf32, #tpu.memory_space<hbm>> -> memref<1x20xf32, #tpu.memory_space<hbm>>
    tpu.wait_dma2 semaphore(%arg8 : memref<!tpu.dma_semaphore, #tpu.memory_space<semaphore_mem>>) src(%dma_wait3A_1399 : memref<1x20xf32, #tpu.memory_space<hbm>>) dst(%dma_wait3A_1397 : memref<1x20xf32, #tpu.memory_space<vmem>>)
    %dma_wait3A_1400 = arith.constant 54 : i32
    %dma_wait3A_1401 = arith.constant 0 : i32
    %dma_wait3A_1402 = tpu.memref_slice %arg6[%dma_wait3A_1400, %dma_wait3A_1401] : memref<64x20xf32, #tpu.memory_space<vmem>> -> memref<1x20xf32, #tpu.memory_space<vmem>>
    %dma_wait3A_1403 = arith.constant 0 : i32
    %dma_wait3A_1404 = tpu.memref_slice %arg3[%sub3A_66, %dma_wait3A_1403] : memref<14x20xf32, #tpu.memory_space<hbm>> -> memref<1x20xf32, #tpu.memory_space<hbm>>
    %dma_wait3A_1405 = arith.constant 54 : i32
    %dma_wait3A_1406 = arith.constant 0 : i32
    %dma_wait3A_1407 = tpu.memref_slice %arg6[%dma_wait3A_1405, %dma_wait3A_1406] : memref<64x20xf32, #tpu.memory_space<vmem>> -> memref<1x20xf32, #tpu.memory_space<vmem>>
    %dma_wait3A_1408 = arith.constant 0 : i32
    %dma_wait3A_1409 = tpu.memref_slice %arg3[%sub3A_66, %dma_wait3A_1408] : memref<14x20xf32, #tpu.memory_space<hbm>> -> memref<1x20xf32, #tpu.memory_space<hbm>>
    tpu.wait_dma2 semaphore(%arg8 : memref<!tpu.dma_semaphore, #tpu.memory_space<semaphore_mem>>) src(%dma_wait3A_1409 : memref<1x20xf32, #tpu.memory_space<hbm>>) dst(%dma_wait3A_1407 : memref<1x20xf32, #tpu.memory_space<vmem>>)
    %dma_wait3A_1410 = arith.constant 55 : i32
    %dma_wait3A_1411 = arith.constant 0 : i32
    %dma_wait3A_1412 = tpu.memref_slice %arg6[%dma_wait3A_1410, %dma_wait3A_1411] : memref<64x20xf32, #tpu.memory_space<vmem>> -> memref<1x20xf32, #tpu.memory_space<vmem>>
    %dma_wait3A_1413 = arith.constant 0 : i32
    %dma_wait3A_1414 = tpu.memref_slice %arg3[%sub3A_66, %dma_wait3A_1413] : memref<14x20xf32, #tpu.memory_space<hbm>> -> memref<1x20xf32, #tpu.memory_space<hbm>>
    %dma_wait3A_1415 = arith.constant 55 : i32
    %dma_wait3A_1416 = arith.constant 0 : i32
    %dma_wait3A_1417 = tpu.memref_slice %arg6[%dma_wait3A_1415, %dma_wait3A_1416] : memref<64x20xf32, #tpu.memory_space<vmem>> -> memref<1x20xf32, #tpu.memory_space<vmem>>
    %dma_wait3A_1418 = arith.constant 0 : i32
    %dma_wait3A_1419 = tpu.memref_slice %arg3[%sub3A_66, %dma_wait3A_1418] : memref<14x20xf32, #tpu.memory_space<hbm>> -> memref<1x20xf32, #tpu.memory_space<hbm>>
    tpu.wait_dma2 semaphore(%arg8 : memref<!tpu.dma_semaphore, #tpu.memory_space<semaphore_mem>>) src(%dma_wait3A_1419 : memref<1x20xf32, #tpu.memory_space<hbm>>) dst(%dma_wait3A_1417 : memref<1x20xf32, #tpu.memory_space<vmem>>)
    %dma_wait3A_1420 = arith.constant 56 : i32
    %dma_wait3A_1421 = arith.constant 0 : i32
    %dma_wait3A_1422 = tpu.memref_slice %arg6[%dma_wait3A_1420, %dma_wait3A_1421] : memref<64x20xf32, #tpu.memory_space<vmem>> -> memref<1x20xf32, #tpu.memory_space<vmem>>
    %dma_wait3A_1423 = arith.constant 0 : i32
    %dma_wait3A_1424 = tpu.memref_slice %arg3[%sub3A_66, %dma_wait3A_1423] : memref<14x20xf32, #tpu.memory_space<hbm>> -> memref<1x20xf32, #tpu.memory_space<hbm>>
    %dma_wait3A_1425 = arith.constant 56 : i32
    %dma_wait3A_1426 = arith.constant 0 : i32
    %dma_wait3A_1427 = tpu.memref_slice %arg6[%dma_wait3A_1425, %dma_wait3A_1426] : memref<64x20xf32, #tpu.memory_space<vmem>> -> memref<1x20xf32, #tpu.memory_space<vmem>>
    %dma_wait3A_1428 = arith.constant 0 : i32
    %dma_wait3A_1429 = tpu.memref_slice %arg3[%sub3A_66, %dma_wait3A_1428] : memref<14x20xf32, #tpu.memory_space<hbm>> -> memref<1x20xf32, #tpu.memory_space<hbm>>
    tpu.wait_dma2 semaphore(%arg8 : memref<!tpu.dma_semaphore, #tpu.memory_space<semaphore_mem>>) src(%dma_wait3A_1429 : memref<1x20xf32, #tpu.memory_space<hbm>>) dst(%dma_wait3A_1427 : memref<1x20xf32, #tpu.memory_space<vmem>>)
    %dma_wait3A_1430 = arith.constant 57 : i32
    %dma_wait3A_1431 = arith.constant 0 : i32
    %dma_wait3A_1432 = tpu.memref_slice %arg6[%dma_wait3A_1430, %dma_wait3A_1431] : memref<64x20xf32, #tpu.memory_space<vmem>> -> memref<1x20xf32, #tpu.memory_space<vmem>>
    %dma_wait3A_1433 = arith.constant 0 : i32
    %dma_wait3A_1434 = tpu.memref_slice %arg3[%sub3A_66, %dma_wait3A_1433] : memref<14x20xf32, #tpu.memory_space<hbm>> -> memref<1x20xf32, #tpu.memory_space<hbm>>
    %dma_wait3A_1435 = arith.constant 57 : i32
    %dma_wait3A_1436 = arith.constant 0 : i32
    %dma_wait3A_1437 = tpu.memref_slice %arg6[%dma_wait3A_1435, %dma_wait3A_1436] : memref<64x20xf32, #tpu.memory_space<vmem>> -> memref<1x20xf32, #tpu.memory_space<vmem>>
    %dma_wait3A_1438 = arith.constant 0 : i32
    %dma_wait3A_1439 = tpu.memref_slice %arg3[%sub3A_66, %dma_wait3A_1438] : memref<14x20xf32, #tpu.memory_space<hbm>> -> memref<1x20xf32, #tpu.memory_space<hbm>>
    tpu.wait_dma2 semaphore(%arg8 : memref<!tpu.dma_semaphore, #tpu.memory_space<semaphore_mem>>) src(%dma_wait3A_1439 : memref<1x20xf32, #tpu.memory_space<hbm>>) dst(%dma_wait3A_1437 : memref<1x20xf32, #tpu.memory_space<vmem>>)
    %dma_wait3A_1440 = arith.constant 58 : i32
    %dma_wait3A_1441 = arith.constant 0 : i32
    %dma_wait3A_1442 = tpu.memref_slice %arg6[%dma_wait3A_1440, %dma_wait3A_1441] : memref<64x20xf32, #tpu.memory_space<vmem>> -> memref<1x20xf32, #tpu.memory_space<vmem>>
    %dma_wait3A_1443 = arith.constant 0 : i32
    %dma_wait3A_1444 = tpu.memref_slice %arg3[%sub3A_66, %dma_wait3A_1443] : memref<14x20xf32, #tpu.memory_space<hbm>> -> memref<1x20xf32, #tpu.memory_space<hbm>>
    %dma_wait3A_1445 = arith.constant 58 : i32
    %dma_wait3A_1446 = arith.constant 0 : i32
    %dma_wait3A_1447 = tpu.memref_slice %arg6[%dma_wait3A_1445, %dma_wait3A_1446] : memref<64x20xf32, #tpu.memory_space<vmem>> -> memref<1x20xf32, #tpu.memory_space<vmem>>
    %dma_wait3A_1448 = arith.constant 0 : i32
    %dma_wait3A_1449 = tpu.memref_slice %arg3[%sub3A_66, %dma_wait3A_1448] : memref<14x20xf32, #tpu.memory_space<hbm>> -> memref<1x20xf32, #tpu.memory_space<hbm>>
    tpu.wait_dma2 semaphore(%arg8 : memref<!tpu.dma_semaphore, #tpu.memory_space<semaphore_mem>>) src(%dma_wait3A_1449 : memref<1x20xf32, #tpu.memory_space<hbm>>) dst(%dma_wait3A_1447 : memref<1x20xf32, #tpu.memory_space<vmem>>)
    %dma_wait3A_1450 = arith.constant 59 : i32
    %dma_wait3A_1451 = arith.constant 0 : i32
    %dma_wait3A_1452 = tpu.memref_slice %arg6[%dma_wait3A_1450, %dma_wait3A_1451] : memref<64x20xf32, #tpu.memory_space<vmem>> -> memref<1x20xf32, #tpu.memory_space<vmem>>
    %dma_wait3A_1453 = arith.constant 0 : i32
    %dma_wait3A_1454 = tpu.memref_slice %arg3[%sub3A_66, %dma_wait3A_1453] : memref<14x20xf32, #tpu.memory_space<hbm>> -> memref<1x20xf32, #tpu.memory_space<hbm>>
    %dma_wait3A_1455 = arith.constant 59 : i32
    %dma_wait3A_1456 = arith.constant 0 : i32
    %dma_wait3A_1457 = tpu.memref_slice %arg6[%dma_wait3A_1455, %dma_wait3A_1456] : memref<64x20xf32, #tpu.memory_space<vmem>> -> memref<1x20xf32, #tpu.memory_space<vmem>>
    %dma_wait3A_1458 = arith.constant 0 : i32
    %dma_wait3A_1459 = tpu.memref_slice %arg3[%sub3A_66, %dma_wait3A_1458] : memref<14x20xf32, #tpu.memory_space<hbm>> -> memref<1x20xf32, #tpu.memory_space<hbm>>
    tpu.wait_dma2 semaphore(%arg8 : memref<!tpu.dma_semaphore, #tpu.memory_space<semaphore_mem>>) src(%dma_wait3A_1459 : memref<1x20xf32, #tpu.memory_space<hbm>>) dst(%dma_wait3A_1457 : memref<1x20xf32, #tpu.memory_space<vmem>>)
    %dma_wait3A_1460 = arith.constant 60 : i32
    %dma_wait3A_1461 = arith.constant 0 : i32
    %dma_wait3A_1462 = tpu.memref_slice %arg6[%dma_wait3A_1460, %dma_wait3A_1461] : memref<64x20xf32, #tpu.memory_space<vmem>> -> memref<1x20xf32, #tpu.memory_space<vmem>>
    %dma_wait3A_1463 = arith.constant 0 : i32
    %dma_wait3A_1464 = tpu.memref_slice %arg3[%sub3A_66, %dma_wait3A_1463] : memref<14x20xf32, #tpu.memory_space<hbm>> -> memref<1x20xf32, #tpu.memory_space<hbm>>
    %dma_wait3A_1465 = arith.constant 60 : i32
    %dma_wait3A_1466 = arith.constant 0 : i32
    %dma_wait3A_1467 = tpu.memref_slice %arg6[%dma_wait3A_1465, %dma_wait3A_1466] : memref<64x20xf32, #tpu.memory_space<vmem>> -> memref<1x20xf32, #tpu.memory_space<vmem>>
    %dma_wait3A_1468 = arith.constant 0 : i32
    %dma_wait3A_1469 = tpu.memref_slice %arg3[%sub3A_66, %dma_wait3A_1468] : memref<14x20xf32, #tpu.memory_space<hbm>> -> memref<1x20xf32, #tpu.memory_space<hbm>>
    tpu.wait_dma2 semaphore(%arg8 : memref<!tpu.dma_semaphore, #tpu.memory_space<semaphore_mem>>) src(%dma_wait3A_1469 : memref<1x20xf32, #tpu.memory_space<hbm>>) dst(%dma_wait3A_1467 : memref<1x20xf32, #tpu.memory_space<vmem>>)
    %dma_wait3A_1470 = arith.constant 61 : i32
    %dma_wait3A_1471 = arith.constant 0 : i32
    %dma_wait3A_1472 = tpu.memref_slice %arg6[%dma_wait3A_1470, %dma_wait3A_1471] : memref<64x20xf32, #tpu.memory_space<vmem>> -> memref<1x20xf32, #tpu.memory_space<vmem>>
    %dma_wait3A_1473 = arith.constant 0 : i32
    %dma_wait3A_1474 = tpu.memref_slice %arg3[%sub3A_66, %dma_wait3A_1473] : memref<14x20xf32, #tpu.memory_space<hbm>> -> memref<1x20xf32, #tpu.memory_space<hbm>>
    %dma_wait3A_1475 = arith.constant 61 : i32
    %dma_wait3A_1476 = arith.constant 0 : i32
    %dma_wait3A_1477 = tpu.memref_slice %arg6[%dma_wait3A_1475, %dma_wait3A_1476] : memref<64x20xf32, #tpu.memory_space<vmem>> -> memref<1x20xf32, #tpu.memory_space<vmem>>
    %dma_wait3A_1478 = arith.constant 0 : i32
    %dma_wait3A_1479 = tpu.memref_slice %arg3[%sub3A_66, %dma_wait3A_1478] : memref<14x20xf32, #tpu.memory_space<hbm>> -> memref<1x20xf32, #tpu.memory_space<hbm>>
    tpu.wait_dma2 semaphore(%arg8 : memref<!tpu.dma_semaphore, #tpu.memory_space<semaphore_mem>>) src(%dma_wait3A_1479 : memref<1x20xf32, #tpu.memory_space<hbm>>) dst(%dma_wait3A_1477 : memref<1x20xf32, #tpu.memory_space<vmem>>)
    %dma_wait3A_1480 = arith.constant 62 : i32
    %dma_wait3A_1481 = arith.constant 0 : i32
    %dma_wait3A_1482 = tpu.memref_slice %arg6[%dma_wait3A_1480, %dma_wait3A_1481] : memref<64x20xf32, #tpu.memory_space<vmem>> -> memref<1x20xf32, #tpu.memory_space<vmem>>
    %dma_wait3A_1483 = arith.constant 0 : i32
    %dma_wait3A_1484 = tpu.memref_slice %arg3[%sub3A_66, %dma_wait3A_1483] : memref<14x20xf32, #tpu.memory_space<hbm>> -> memref<1x20xf32, #tpu.memory_space<hbm>>
    %dma_wait3A_1485 = arith.constant 62 : i32
    %dma_wait3A_1486 = arith.constant 0 : i32
    %dma_wait3A_1487 = tpu.memref_slice %arg6[%dma_wait3A_1485, %dma_wait3A_1486] : memref<64x20xf32, #tpu.memory_space<vmem>> -> memref<1x20xf32, #tpu.memory_space<vmem>>
    %dma_wait3A_1488 = arith.constant 0 : i32
    %dma_wait3A_1489 = tpu.memref_slice %arg3[%sub3A_66, %dma_wait3A_1488] : memref<14x20xf32, #tpu.memory_space<hbm>> -> memref<1x20xf32, #tpu.memory_space<hbm>>
    tpu.wait_dma2 semaphore(%arg8 : memref<!tpu.dma_semaphore, #tpu.memory_space<semaphore_mem>>) src(%dma_wait3A_1489 : memref<1x20xf32, #tpu.memory_space<hbm>>) dst(%dma_wait3A_1487 : memref<1x20xf32, #tpu.memory_space<vmem>>)
    %dma_wait3A_1490 = arith.constant 63 : i32
    %dma_wait3A_1491 = arith.constant 0 : i32
    %dma_wait3A_1492 = tpu.memref_slice %arg6[%dma_wait3A_1490, %dma_wait3A_1491] : memref<64x20xf32, #tpu.memory_space<vmem>> -> memref<1x20xf32, #tpu.memory_space<vmem>>
    %dma_wait3A_1493 = arith.constant 0 : i32
    %dma_wait3A_1494 = tpu.memref_slice %arg3[%sub3A_66, %dma_wait3A_1493] : memref<14x20xf32, #tpu.memory_space<hbm>> -> memref<1x20xf32, #tpu.memory_space<hbm>>
    %dma_wait3A_1495 = arith.constant 63 : i32
    %dma_wait3A_1496 = arith.constant 0 : i32
    %dma_wait3A_1497 = tpu.memref_slice %arg6[%dma_wait3A_1495, %dma_wait3A_1496] : memref<64x20xf32, #tpu.memory_space<vmem>> -> memref<1x20xf32, #tpu.memory_space<vmem>>
    %dma_wait3A_1498 = arith.constant 0 : i32
    %dma_wait3A_1499 = tpu.memref_slice %arg3[%sub3A_66, %dma_wait3A_1498] : memref<14x20xf32, #tpu.memory_space<hbm>> -> memref<1x20xf32, #tpu.memory_space<hbm>>
    tpu.wait_dma2 semaphore(%arg8 : memref<!tpu.dma_semaphore, #tpu.memory_space<semaphore_mem>>) src(%dma_wait3A_1499 : memref<1x20xf32, #tpu.memory_space<hbm>>) dst(%dma_wait3A_1497 : memref<1x20xf32, #tpu.memory_space<vmem>>)
    %mul3A_1500 = arith.constant 8 : i32
    %mul3A_1501 = arith.muli %select_n3A_30, %mul3A_1500 : i32
    %add3A_1502 = arith.constant 0 : i32
    %add3A_1503 = arith.addi %mul3A_1501, %add3A_1502 : i32
    %mul3A_1504 = arith.constant 64 : i32
    %mul3A_1505 = arith.muli %add3A_1503, %mul3A_1504 : i32
    %sub3A_1506 = arith.constant 64 : i32
    %sub3A_1507 = arith.subi %sub3A_32, %sub3A_1506 : i32
    %min3A_1508 = arith.minsi %mul3A_1505, %sub3A_1507 : i32
    %add3A_1509 = arith.addi %sub3A_62, %min3A_1508 : i32
    %dma_start3A_1510 = arith.constant 1536 : i32
    %dma_start3A_1511 = tpu.memref_slice %arg4[%add3A_1509, %dma_start3A_1510] : memref<16356x1556xf32, #tpu.memory_space<hbm>> -> memref<64x20xf32, #tpu.memory_space<hbm>>
    %dma_start3A_1512 = arith.constant 1536 : i32
    %dma_start3A_1513 = tpu.memref_slice %arg4[%add3A_1509, %dma_start3A_1512] : memref<16356x1556xf32, #tpu.memory_space<hbm>> -> memref<64x20xf32, #tpu.memory_space<hbm>>
    tpu.enqueue_dma source(%arg6 : memref<64x20xf32, #tpu.memory_space<vmem>>) target(%dma_start3A_1513 : memref<64x20xf32, #tpu.memory_space<hbm>>) target_semaphore(%arg7 : memref<!tpu.dma_semaphore, #tpu.memory_space<semaphore_mem>>)
    %mul3A_1514 = arith.constant 8 : i32
    %mul3A_1515 = arith.muli %select_n3A_30, %mul3A_1514 : i32
    %add3A_1516 = arith.constant 1 : i32
    %add3A_1517 = arith.addi %mul3A_1515, %add3A_1516 : i32
    %mul3A_1518 = arith.constant 64 : i32
    %mul3A_1519 = arith.muli %add3A_1517, %mul3A_1518 : i32
    %sub3A_1520 = arith.constant 64 : i32
    %sub3A_1521 = arith.subi %sub3A_32, %sub3A_1520 : i32
    %min3A_1522 = arith.minsi %mul3A_1519, %sub3A_1521 : i32
    %add3A_1523 = arith.addi %sub3A_62, %min3A_1522 : i32
    %dma_start3A_1524 = arith.constant 1536 : i32
    %dma_start3A_1525 = tpu.memref_slice %arg4[%add3A_1523, %dma_start3A_1524] : memref<16356x1556xf32, #tpu.memory_space<hbm>> -> memref<64x20xf32, #tpu.memory_space<hbm>>
    %dma_start3A_1526 = arith.constant 1536 : i32
    %dma_start3A_1527 = tpu.memref_slice %arg4[%add3A_1523, %dma_start3A_1526] : memref<16356x1556xf32, #tpu.memory_space<hbm>> -> memref<64x20xf32, #tpu.memory_space<hbm>>
    tpu.enqueue_dma source(%arg6 : memref<64x20xf32, #tpu.memory_space<vmem>>) target(%dma_start3A_1527 : memref<64x20xf32, #tpu.memory_space<hbm>>) target_semaphore(%arg7 : memref<!tpu.dma_semaphore, #tpu.memory_space<semaphore_mem>>)
    %mul3A_1528 = arith.constant 8 : i32
    %mul3A_1529 = arith.muli %select_n3A_30, %mul3A_1528 : i32
    %add3A_1530 = arith.constant 2 : i32
    %add3A_1531 = arith.addi %mul3A_1529, %add3A_1530 : i32
    %mul3A_1532 = arith.constant 64 : i32
    %mul3A_1533 = arith.muli %add3A_1531, %mul3A_1532 : i32
    %sub3A_1534 = arith.constant 64 : i32
    %sub3A_1535 = arith.subi %sub3A_32, %sub3A_1534 : i32
    %min3A_1536 = arith.minsi %mul3A_1533, %sub3A_1535 : i32
    %add3A_1537 = arith.addi %sub3A_62, %min3A_1536 : i32
    %dma_start3A_1538 = arith.constant 1536 : i32
    %dma_start3A_1539 = tpu.memref_slice %arg4[%add3A_1537, %dma_start3A_1538] : memref<16356x1556xf32, #tpu.memory_space<hbm>> -> memref<64x20xf32, #tpu.memory_space<hbm>>
    %dma_start3A_1540 = arith.constant 1536 : i32
    %dma_start3A_1541 = tpu.memref_slice %arg4[%add3A_1537, %dma_start3A_1540] : memref<16356x1556xf32, #tpu.memory_space<hbm>> -> memref<64x20xf32, #tpu.memory_space<hbm>>
    tpu.enqueue_dma source(%arg6 : memref<64x20xf32, #tpu.memory_space<vmem>>) target(%dma_start3A_1541 : memref<64x20xf32, #tpu.memory_space<hbm>>) target_semaphore(%arg7 : memref<!tpu.dma_semaphore, #tpu.memory_space<semaphore_mem>>)
    %mul3A_1542 = arith.constant 8 : i32
    %mul3A_1543 = arith.muli %select_n3A_30, %mul3A_1542 : i32
    %add3A_1544 = arith.constant 3 : i32
    %add3A_1545 = arith.addi %mul3A_1543, %add3A_1544 : i32
    %mul3A_1546 = arith.constant 64 : i32
    %mul3A_1547 = arith.muli %add3A_1545, %mul3A_1546 : i32
    %sub3A_1548 = arith.constant 64 : i32
    %sub3A_1549 = arith.subi %sub3A_32, %sub3A_1548 : i32
    %min3A_1550 = arith.minsi %mul3A_1547, %sub3A_1549 : i32
    %add3A_1551 = arith.addi %sub3A_62, %min3A_1550 : i32
    %dma_start3A_1552 = arith.constant 1536 : i32
    %dma_start3A_1553 = tpu.memref_slice %arg4[%add3A_1551, %dma_start3A_1552] : memref<16356x1556xf32, #tpu.memory_space<hbm>> -> memref<64x20xf32, #tpu.memory_space<hbm>>
    %dma_start3A_1554 = arith.constant 1536 : i32
    %dma_start3A_1555 = tpu.memref_slice %arg4[%add3A_1551, %dma_start3A_1554] : memref<16356x1556xf32, #tpu.memory_space<hbm>> -> memref<64x20xf32, #tpu.memory_space<hbm>>
    tpu.enqueue_dma source(%arg6 : memref<64x20xf32, #tpu.memory_space<vmem>>) target(%dma_start3A_1555 : memref<64x20xf32, #tpu.memory_space<hbm>>) target_semaphore(%arg7 : memref<!tpu.dma_semaphore, #tpu.memory_space<semaphore_mem>>)
    %mul3A_1556 = arith.constant 8 : i32
    %mul3A_1557 = arith.muli %select_n3A_30, %mul3A_1556 : i32
    %add3A_1558 = arith.constant 4 : i32
    %add3A_1559 = arith.addi %mul3A_1557, %add3A_1558 : i32
    %mul3A_1560 = arith.constant 64 : i32
    %mul3A_1561 = arith.muli %add3A_1559, %mul3A_1560 : i32
    %sub3A_1562 = arith.constant 64 : i32
    %sub3A_1563 = arith.subi %sub3A_32, %sub3A_1562 : i32
    %min3A_1564 = arith.minsi %mul3A_1561, %sub3A_1563 : i32
    %add3A_1565 = arith.addi %sub3A_62, %min3A_1564 : i32
    %dma_start3A_1566 = arith.constant 1536 : i32
    %dma_start3A_1567 = tpu.memref_slice %arg4[%add3A_1565, %dma_start3A_1566] : memref<16356x1556xf32, #tpu.memory_space<hbm>> -> memref<64x20xf32, #tpu.memory_space<hbm>>
    %dma_start3A_1568 = arith.constant 1536 : i32
    %dma_start3A_1569 = tpu.memref_slice %arg4[%add3A_1565, %dma_start3A_1568] : memref<16356x1556xf32, #tpu.memory_space<hbm>> -> memref<64x20xf32, #tpu.memory_space<hbm>>
    tpu.enqueue_dma source(%arg6 : memref<64x20xf32, #tpu.memory_space<vmem>>) target(%dma_start3A_1569 : memref<64x20xf32, #tpu.memory_space<hbm>>) target_semaphore(%arg7 : memref<!tpu.dma_semaphore, #tpu.memory_space<semaphore_mem>>)
    %mul3A_1570 = arith.constant 8 : i32
    %mul3A_1571 = arith.muli %select_n3A_30, %mul3A_1570 : i32
    %add3A_1572 = arith.constant 5 : i32
    %add3A_1573 = arith.addi %mul3A_1571, %add3A_1572 : i32
    %mul3A_1574 = arith.constant 64 : i32
    %mul3A_1575 = arith.muli %add3A_1573, %mul3A_1574 : i32
    %sub3A_1576 = arith.constant 64 : i32
    %sub3A_1577 = arith.subi %sub3A_32, %sub3A_1576 : i32
    %min3A_1578 = arith.minsi %mul3A_1575, %sub3A_1577 : i32
    %add3A_1579 = arith.addi %sub3A_62, %min3A_1578 : i32
    %dma_start3A_1580 = arith.constant 1536 : i32
    %dma_start3A_1581 = tpu.memref_slice %arg4[%add3A_1579, %dma_start3A_1580] : memref<16356x1556xf32, #tpu.memory_space<hbm>> -> memref<64x20xf32, #tpu.memory_space<hbm>>
    %dma_start3A_1582 = arith.constant 1536 : i32
    %dma_start3A_1583 = tpu.memref_slice %arg4[%add3A_1579, %dma_start3A_1582] : memref<16356x1556xf32, #tpu.memory_space<hbm>> -> memref<64x20xf32, #tpu.memory_space<hbm>>
    tpu.enqueue_dma source(%arg6 : memref<64x20xf32, #tpu.memory_space<vmem>>) target(%dma_start3A_1583 : memref<64x20xf32, #tpu.memory_space<hbm>>) target_semaphore(%arg7 : memref<!tpu.dma_semaphore, #tpu.memory_space<semaphore_mem>>)
    %mul3A_1584 = arith.constant 8 : i32
    %mul3A_1585 = arith.muli %select_n3A_30, %mul3A_1584 : i32
    %add3A_1586 = arith.constant 6 : i32
    %add3A_1587 = arith.addi %mul3A_1585, %add3A_1586 : i32
    %mul3A_1588 = arith.constant 64 : i32
    %mul3A_1589 = arith.muli %add3A_1587, %mul3A_1588 : i32
    %sub3A_1590 = arith.constant 64 : i32
    %sub3A_1591 = arith.subi %sub3A_32, %sub3A_1590 : i32
    %min3A_1592 = arith.minsi %mul3A_1589, %sub3A_1591 : i32
    %add3A_1593 = arith.addi %sub3A_62, %min3A_1592 : i32
    %dma_start3A_1594 = arith.constant 1536 : i32
    %dma_start3A_1595 = tpu.memref_slice %arg4[%add3A_1593, %dma_start3A_1594] : memref<16356x1556xf32, #tpu.memory_space<hbm>> -> memref<64x20xf32, #tpu.memory_space<hbm>>
    %dma_start3A_1596 = arith.constant 1536 : i32
    %dma_start3A_1597 = tpu.memref_slice %arg4[%add3A_1593, %dma_start3A_1596] : memref<16356x1556xf32, #tpu.memory_space<hbm>> -> memref<64x20xf32, #tpu.memory_space<hbm>>
    tpu.enqueue_dma source(%arg6 : memref<64x20xf32, #tpu.memory_space<vmem>>) target(%dma_start3A_1597 : memref<64x20xf32, #tpu.memory_space<hbm>>) target_semaphore(%arg7 : memref<!tpu.dma_semaphore, #tpu.memory_space<semaphore_mem>>)
    %mul3A_1598 = arith.constant 8 : i32
    %mul3A_1599 = arith.muli %select_n3A_30, %mul3A_1598 : i32
    %add3A_1600 = arith.constant 7 : i32
    %add3A_1601 = arith.addi %mul3A_1599, %add3A_1600 : i32
    %mul3A_1602 = arith.constant 64 : i32
    %mul3A_1603 = arith.muli %add3A_1601, %mul3A_1602 : i32
    %sub3A_1604 = arith.constant 64 : i32
    %sub3A_1605 = arith.subi %sub3A_32, %sub3A_1604 : i32
    %min3A_1606 = arith.minsi %mul3A_1603, %sub3A_1605 : i32
    %add3A_1607 = arith.addi %sub3A_62, %min3A_1606 : i32
    %dma_start3A_1608 = arith.constant 1536 : i32
    %dma_start3A_1609 = tpu.memref_slice %arg4[%add3A_1607, %dma_start3A_1608] : memref<16356x1556xf32, #tpu.memory_space<hbm>> -> memref<64x20xf32, #tpu.memory_space<hbm>>
    %dma_start3A_1610 = arith.constant 1536 : i32
    %dma_start3A_1611 = tpu.memref_slice %arg4[%add3A_1607, %dma_start3A_1610] : memref<16356x1556xf32, #tpu.memory_space<hbm>> -> memref<64x20xf32, #tpu.memory_space<hbm>>
    tpu.enqueue_dma source(%arg6 : memref<64x20xf32, #tpu.memory_space<vmem>>) target(%dma_start3A_1611 : memref<64x20xf32, #tpu.memory_space<hbm>>) target_semaphore(%arg7 : memref<!tpu.dma_semaphore, #tpu.memory_space<semaphore_mem>>)
    %dma_wait3A_1612 = arith.constant 0 : i32
    %dma_wait3A_1613 = tpu.memref_slice %arg4[%add3A_719, %dma_wait3A_1612] : memref<16356x1556xf32, #tpu.memory_space<hbm>> -> memref<64x768xf32, #tpu.memory_space<hbm>>
    %dma_wait3A_1614 = arith.constant 0 : i32
    %dma_wait3A_1615 = tpu.memref_slice %arg5[%min3A, %dma_wait3A_1614] : memref<2048x768xf32, #tpu.memory_space<vmem_shared>> -> memref<64x768xf32, #tpu.memory_space<vmem_shared>>
    tpu.wait_dma2 semaphore(%arg7 : memref<!tpu.dma_semaphore, #tpu.memory_space<semaphore_mem>>) src(%dma_wait3A_1615 : memref<64x768xf32, #tpu.memory_space<vmem_shared>>) dst(%dma_wait3A_1613 : memref<64x768xf32, #tpu.memory_space<hbm>>)
    %dma_wait3A_1616 = arith.constant 768 : i32
    %dma_wait3A_1617 = tpu.memref_slice %arg4[%add3A_719, %dma_wait3A_1616] : memref<16356x1556xf32, #tpu.memory_space<hbm>> -> memref<64x768xf32, #tpu.memory_space<hbm>>
    %dma_wait3A_1618 = arith.constant 0 : i32
    %dma_wait3A_1619 = tpu.memref_slice %arg5[%add3A_718, %dma_wait3A_1618] : memref<2048x768xf32, #tpu.memory_space<vmem_shared>> -> memref<64x768xf32, #tpu.memory_space<vmem_shared>>
    tpu.wait_dma2 semaphore(%arg7 : memref<!tpu.dma_semaphore, #tpu.memory_space<semaphore_mem>>) src(%dma_wait3A_1619 : memref<64x768xf32, #tpu.memory_space<vmem_shared>>) dst(%dma_wait3A_1617 : memref<64x768xf32, #tpu.memory_space<hbm>>)
    %dma_wait3A_1620 = arith.constant 0 : i32
    %dma_wait3A_1621 = tpu.memref_slice %arg4[%add3A_730, %dma_wait3A_1620] : memref<16356x1556xf32, #tpu.memory_space<hbm>> -> memref<64x768xf32, #tpu.memory_space<hbm>>
    %dma_wait3A_1622 = arith.constant 0 : i32
    %dma_wait3A_1623 = tpu.memref_slice %arg5[%min3A_728, %dma_wait3A_1622] : memref<2048x768xf32, #tpu.memory_space<vmem_shared>> -> memref<64x768xf32, #tpu.memory_space<vmem_shared>>
    tpu.wait_dma2 semaphore(%arg7 : memref<!tpu.dma_semaphore, #tpu.memory_space<semaphore_mem>>) src(%dma_wait3A_1623 : memref<64x768xf32, #tpu.memory_space<vmem_shared>>) dst(%dma_wait3A_1621 : memref<64x768xf32, #tpu.memory_space<hbm>>)
    %dma_wait3A_1624 = arith.constant 768 : i32
    %dma_wait3A_1625 = tpu.memref_slice %arg4[%add3A_730, %dma_wait3A_1624] : memref<16356x1556xf32, #tpu.memory_space<hbm>> -> memref<64x768xf32, #tpu.memory_space<hbm>>
    %dma_wait3A_1626 = arith.constant 0 : i32
    %dma_wait3A_1627 = tpu.memref_slice %arg5[%add3A_729, %dma_wait3A_1626] : memref<2048x768xf32, #tpu.memory_space<vmem_shared>> -> memref<64x768xf32, #tpu.memory_space<vmem_shared>>
    tpu.wait_dma2 semaphore(%arg7 : memref<!tpu.dma_semaphore, #tpu.memory_space<semaphore_mem>>) src(%dma_wait3A_1627 : memref<64x768xf32, #tpu.memory_space<vmem_shared>>) dst(%dma_wait3A_1625 : memref<64x768xf32, #tpu.memory_space<hbm>>)
    %dma_wait3A_1628 = arith.constant 0 : i32
    %dma_wait3A_1629 = tpu.memref_slice %arg4[%add3A_741, %dma_wait3A_1628] : memref<16356x1556xf32, #tpu.memory_space<hbm>> -> memref<64x768xf32, #tpu.memory_space<hbm>>
    %dma_wait3A_1630 = arith.constant 0 : i32
    %dma_wait3A_1631 = tpu.memref_slice %arg5[%min3A_739, %dma_wait3A_1630] : memref<2048x768xf32, #tpu.memory_space<vmem_shared>> -> memref<64x768xf32, #tpu.memory_space<vmem_shared>>
    tpu.wait_dma2 semaphore(%arg7 : memref<!tpu.dma_semaphore, #tpu.memory_space<semaphore_mem>>) src(%dma_wait3A_1631 : memref<64x768xf32, #tpu.memory_space<vmem_shared>>) dst(%dma_wait3A_1629 : memref<64x768xf32, #tpu.memory_space<hbm>>)
    %dma_wait3A_1632 = arith.constant 768 : i32
    %dma_wait3A_1633 = tpu.memref_slice %arg4[%add3A_741, %dma_wait3A_1632] : memref<16356x1556xf32, #tpu.memory_space<hbm>> -> memref<64x768xf32, #tpu.memory_space<hbm>>
    %dma_wait3A_1634 = arith.constant 0 : i32
    %dma_wait3A_1635 = tpu.memref_slice %arg5[%add3A_740, %dma_wait3A_1634] : memref<2048x768xf32, #tpu.memory_space<vmem_shared>> -> memref<64x768xf32, #tpu.memory_space<vmem_shared>>
    tpu.wait_dma2 semaphore(%arg7 : memref<!tpu.dma_semaphore, #tpu.memory_space<semaphore_mem>>) src(%dma_wait3A_1635 : memref<64x768xf32, #tpu.memory_space<vmem_shared>>) dst(%dma_wait3A_1633 : memref<64x768xf32, #tpu.memory_space<hbm>>)
    %dma_wait3A_1636 = arith.constant 0 : i32
    %dma_wait3A_1637 = tpu.memref_slice %arg4[%add3A_752, %dma_wait3A_1636] : memref<16356x1556xf32, #tpu.memory_space<hbm>> -> memref<64x768xf32, #tpu.memory_space<hbm>>
    %dma_wait3A_1638 = arith.constant 0 : i32
    %dma_wait3A_1639 = tpu.memref_slice %arg5[%min3A_750, %dma_wait3A_1638] : memref<2048x768xf32, #tpu.memory_space<vmem_shared>> -> memref<64x768xf32, #tpu.memory_space<vmem_shared>>
    tpu.wait_dma2 semaphore(%arg7 : memref<!tpu.dma_semaphore, #tpu.memory_space<semaphore_mem>>) src(%dma_wait3A_1639 : memref<64x768xf32, #tpu.memory_space<vmem_shared>>) dst(%dma_wait3A_1637 : memref<64x768xf32, #tpu.memory_space<hbm>>)
    %dma_wait3A_1640 = arith.constant 768 : i32
    %dma_wait3A_1641 = tpu.memref_slice %arg4[%add3A_752, %dma_wait3A_1640] : memref<16356x1556xf32, #tpu.memory_space<hbm>> -> memref<64x768xf32, #tpu.memory_space<hbm>>
    %dma_wait3A_1642 = arith.constant 0 : i32
    %dma_wait3A_1643 = tpu.memref_slice %arg5[%add3A_751, %dma_wait3A_1642] : memref<2048x768xf32, #tpu.memory_space<vmem_shared>> -> memref<64x768xf32, #tpu.memory_space<vmem_shared>>
    tpu.wait_dma2 semaphore(%arg7 : memref<!tpu.dma_semaphore, #tpu.memory_space<semaphore_mem>>) src(%dma_wait3A_1643 : memref<64x768xf32, #tpu.memory_space<vmem_shared>>) dst(%dma_wait3A_1641 : memref<64x768xf32, #tpu.memory_space<hbm>>)
    %dma_wait3A_1644 = arith.constant 0 : i32
    %dma_wait3A_1645 = tpu.memref_slice %arg4[%add3A_763, %dma_wait3A_1644] : memref<16356x1556xf32, #tpu.memory_space<hbm>> -> memref<64x768xf32, #tpu.memory_space<hbm>>
    %dma_wait3A_1646 = arith.constant 0 : i32
    %dma_wait3A_1647 = tpu.memref_slice %arg5[%min3A_761, %dma_wait3A_1646] : memref<2048x768xf32, #tpu.memory_space<vmem_shared>> -> memref<64x768xf32, #tpu.memory_space<vmem_shared>>
    tpu.wait_dma2 semaphore(%arg7 : memref<!tpu.dma_semaphore, #tpu.memory_space<semaphore_mem>>) src(%dma_wait3A_1647 : memref<64x768xf32, #tpu.memory_space<vmem_shared>>) dst(%dma_wait3A_1645 : memref<64x768xf32, #tpu.memory_space<hbm>>)
    %dma_wait3A_1648 = arith.constant 768 : i32
    %dma_wait3A_1649 = tpu.memref_slice %arg4[%add3A_763, %dma_wait3A_1648] : memref<16356x1556xf32, #tpu.memory_space<hbm>> -> memref<64x768xf32, #tpu.memory_space<hbm>>
    %dma_wait3A_1650 = arith.constant 0 : i32
    %dma_wait3A_1651 = tpu.memref_slice %arg5[%add3A_762, %dma_wait3A_1650] : memref<2048x768xf32, #tpu.memory_space<vmem_shared>> -> memref<64x768xf32, #tpu.memory_space<vmem_shared>>
    tpu.wait_dma2 semaphore(%arg7 : memref<!tpu.dma_semaphore, #tpu.memory_space<semaphore_mem>>) src(%dma_wait3A_1651 : memref<64x768xf32, #tpu.memory_space<vmem_shared>>) dst(%dma_wait3A_1649 : memref<64x768xf32, #tpu.memory_space<hbm>>)
    %dma_wait3A_1652 = arith.constant 0 : i32
    %dma_wait3A_1653 = tpu.memref_slice %arg4[%add3A_774, %dma_wait3A_1652] : memref<16356x1556xf32, #tpu.memory_space<hbm>> -> memref<64x768xf32, #tpu.memory_space<hbm>>
    %dma_wait3A_1654 = arith.constant 0 : i32
    %dma_wait3A_1655 = tpu.memref_slice %arg5[%min3A_772, %dma_wait3A_1654] : memref<2048x768xf32, #tpu.memory_space<vmem_shared>> -> memref<64x768xf32, #tpu.memory_space<vmem_shared>>
    tpu.wait_dma2 semaphore(%arg7 : memref<!tpu.dma_semaphore, #tpu.memory_space<semaphore_mem>>) src(%dma_wait3A_1655 : memref<64x768xf32, #tpu.memory_space<vmem_shared>>) dst(%dma_wait3A_1653 : memref<64x768xf32, #tpu.memory_space<hbm>>)
    %dma_wait3A_1656 = arith.constant 768 : i32
    %dma_wait3A_1657 = tpu.memref_slice %arg4[%add3A_774, %dma_wait3A_1656] : memref<16356x1556xf32, #tpu.memory_space<hbm>> -> memref<64x768xf32, #tpu.memory_space<hbm>>
    %dma_wait3A_1658 = arith.constant 0 : i32
    %dma_wait3A_1659 = tpu.memref_slice %arg5[%add3A_773, %dma_wait3A_1658] : memref<2048x768xf32, #tpu.memory_space<vmem_shared>> -> memref<64x768xf32, #tpu.memory_space<vmem_shared>>
    tpu.wait_dma2 semaphore(%arg7 : memref<!tpu.dma_semaphore, #tpu.memory_space<semaphore_mem>>) src(%dma_wait3A_1659 : memref<64x768xf32, #tpu.memory_space<vmem_shared>>) dst(%dma_wait3A_1657 : memref<64x768xf32, #tpu.memory_space<hbm>>)
    %dma_wait3A_1660 = arith.constant 0 : i32
    %dma_wait3A_1661 = tpu.memref_slice %arg4[%add3A_785, %dma_wait3A_1660] : memref<16356x1556xf32, #tpu.memory_space<hbm>> -> memref<64x768xf32, #tpu.memory_space<hbm>>
    %dma_wait3A_1662 = arith.constant 0 : i32
    %dma_wait3A_1663 = tpu.memref_slice %arg5[%min3A_783, %dma_wait3A_1662] : memref<2048x768xf32, #tpu.memory_space<vmem_shared>> -> memref<64x768xf32, #tpu.memory_space<vmem_shared>>
    tpu.wait_dma2 semaphore(%arg7 : memref<!tpu.dma_semaphore, #tpu.memory_space<semaphore_mem>>) src(%dma_wait3A_1663 : memref<64x768xf32, #tpu.memory_space<vmem_shared>>) dst(%dma_wait3A_1661 : memref<64x768xf32, #tpu.memory_space<hbm>>)
    %dma_wait3A_1664 = arith.constant 768 : i32
    %dma_wait3A_1665 = tpu.memref_slice %arg4[%add3A_785, %dma_wait3A_1664] : memref<16356x1556xf32, #tpu.memory_space<hbm>> -> memref<64x768xf32, #tpu.memory_space<hbm>>
    %dma_wait3A_1666 = arith.constant 0 : i32
    %dma_wait3A_1667 = tpu.memref_slice %arg5[%add3A_784, %dma_wait3A_1666] : memref<2048x768xf32, #tpu.memory_space<vmem_shared>> -> memref<64x768xf32, #tpu.memory_space<vmem_shared>>
    tpu.wait_dma2 semaphore(%arg7 : memref<!tpu.dma_semaphore, #tpu.memory_space<semaphore_mem>>) src(%dma_wait3A_1667 : memref<64x768xf32, #tpu.memory_space<vmem_shared>>) dst(%dma_wait3A_1665 : memref<64x768xf32, #tpu.memory_space<hbm>>)
    %dma_wait3A_1668 = arith.constant 0 : i32
    %dma_wait3A_1669 = tpu.memref_slice %arg4[%add3A_796, %dma_wait3A_1668] : memref<16356x1556xf32, #tpu.memory_space<hbm>> -> memref<64x768xf32, #tpu.memory_space<hbm>>
    %dma_wait3A_1670 = arith.constant 0 : i32
    %dma_wait3A_1671 = tpu.memref_slice %arg5[%min3A_794, %dma_wait3A_1670] : memref<2048x768xf32, #tpu.memory_space<vmem_shared>> -> memref<64x768xf32, #tpu.memory_space<vmem_shared>>
    tpu.wait_dma2 semaphore(%arg7 : memref<!tpu.dma_semaphore, #tpu.memory_space<semaphore_mem>>) src(%dma_wait3A_1671 : memref<64x768xf32, #tpu.memory_space<vmem_shared>>) dst(%dma_wait3A_1669 : memref<64x768xf32, #tpu.memory_space<hbm>>)
    %dma_wait3A_1672 = arith.constant 768 : i32
    %dma_wait3A_1673 = tpu.memref_slice %arg4[%add3A_796, %dma_wait3A_1672] : memref<16356x1556xf32, #tpu.memory_space<hbm>> -> memref<64x768xf32, #tpu.memory_space<hbm>>
    %dma_wait3A_1674 = arith.constant 0 : i32
    %dma_wait3A_1675 = tpu.memref_slice %arg5[%add3A_795, %dma_wait3A_1674] : memref<2048x768xf32, #tpu.memory_space<vmem_shared>> -> memref<64x768xf32, #tpu.memory_space<vmem_shared>>
    tpu.wait_dma2 semaphore(%arg7 : memref<!tpu.dma_semaphore, #tpu.memory_space<semaphore_mem>>) src(%dma_wait3A_1675 : memref<64x768xf32, #tpu.memory_space<vmem_shared>>) dst(%dma_wait3A_1673 : memref<64x768xf32, #tpu.memory_space<hbm>>)
    %dma_wait3A_1676 = arith.constant 1536 : i32
    %dma_wait3A_1677 = tpu.memref_slice %arg4[%add3A_1509, %dma_wait3A_1676] : memref<16356x1556xf32, #tpu.memory_space<hbm>> -> memref<64x20xf32, #tpu.memory_space<hbm>>
    %dma_wait3A_1678 = arith.constant 1536 : i32
    %dma_wait3A_1679 = tpu.memref_slice %arg4[%add3A_1509, %dma_wait3A_1678] : memref<16356x1556xf32, #tpu.memory_space<hbm>> -> memref<64x20xf32, #tpu.memory_space<hbm>>
    tpu.wait_dma2 semaphore(%arg7 : memref<!tpu.dma_semaphore, #tpu.memory_space<semaphore_mem>>) src(%arg6 : memref<64x20xf32, #tpu.memory_space<vmem>>) dst(%dma_wait3A_1679 : memref<64x20xf32, #tpu.memory_space<hbm>>)
    %dma_wait3A_1680 = arith.constant 1536 : i32
    %dma_wait3A_1681 = tpu.memref_slice %arg4[%add3A_1523, %dma_wait3A_1680] : memref<16356x1556xf32, #tpu.memory_space<hbm>> -> memref<64x20xf32, #tpu.memory_space<hbm>>
    %dma_wait3A_1682 = arith.constant 1536 : i32
    %dma_wait3A_1683 = tpu.memref_slice %arg4[%add3A_1523, %dma_wait3A_1682] : memref<16356x1556xf32, #tpu.memory_space<hbm>> -> memref<64x20xf32, #tpu.memory_space<hbm>>
    tpu.wait_dma2 semaphore(%arg7 : memref<!tpu.dma_semaphore, #tpu.memory_space<semaphore_mem>>) src(%arg6 : memref<64x20xf32, #tpu.memory_space<vmem>>) dst(%dma_wait3A_1683 : memref<64x20xf32, #tpu.memory_space<hbm>>)
    %dma_wait3A_1684 = arith.constant 1536 : i32
    %dma_wait3A_1685 = tpu.memref_slice %arg4[%add3A_1537, %dma_wait3A_1684] : memref<16356x1556xf32, #tpu.memory_space<hbm>> -> memref<64x20xf32, #tpu.memory_space<hbm>>
    %dma_wait3A_1686 = arith.constant 1536 : i32
    %dma_wait3A_1687 = tpu.memref_slice %arg4[%add3A_1537, %dma_wait3A_1686] : memref<16356x1556xf32, #tpu.memory_space<hbm>> -> memref<64x20xf32, #tpu.memory_space<hbm>>
    tpu.wait_dma2 semaphore(%arg7 : memref<!tpu.dma_semaphore, #tpu.memory_space<semaphore_mem>>) src(%arg6 : memref<64x20xf32, #tpu.memory_space<vmem>>) dst(%dma_wait3A_1687 : memref<64x20xf32, #tpu.memory_space<hbm>>)
    %dma_wait3A_1688 = arith.constant 1536 : i32
    %dma_wait3A_1689 = tpu.memref_slice %arg4[%add3A_1551, %dma_wait3A_1688] : memref<16356x1556xf32, #tpu.memory_space<hbm>> -> memref<64x20xf32, #tpu.memory_space<hbm>>
    %dma_wait3A_1690 = arith.constant 1536 : i32
    %dma_wait3A_1691 = tpu.memref_slice %arg4[%add3A_1551, %dma_wait3A_1690] : memref<16356x1556xf32, #tpu.memory_space<hbm>> -> memref<64x20xf32, #tpu.memory_space<hbm>>
    tpu.wait_dma2 semaphore(%arg7 : memref<!tpu.dma_semaphore, #tpu.memory_space<semaphore_mem>>) src(%arg6 : memref<64x20xf32, #tpu.memory_space<vmem>>) dst(%dma_wait3A_1691 : memref<64x20xf32, #tpu.memory_space<hbm>>)
    %dma_wait3A_1692 = arith.constant 1536 : i32
    %dma_wait3A_1693 = tpu.memref_slice %arg4[%add3A_1565, %dma_wait3A_1692] : memref<16356x1556xf32, #tpu.memory_space<hbm>> -> memref<64x20xf32, #tpu.memory_space<hbm>>
    %dma_wait3A_1694 = arith.constant 1536 : i32
    %dma_wait3A_1695 = tpu.memref_slice %arg4[%add3A_1565, %dma_wait3A_1694] : memref<16356x1556xf32, #tpu.memory_space<hbm>> -> memref<64x20xf32, #tpu.memory_space<hbm>>
    tpu.wait_dma2 semaphore(%arg7 : memref<!tpu.dma_semaphore, #tpu.memory_space<semaphore_mem>>) src(%arg6 : memref<64x20xf32, #tpu.memory_space<vmem>>) dst(%dma_wait3A_1695 : memref<64x20xf32, #tpu.memory_space<hbm>>)
    %dma_wait3A_1696 = arith.constant 1536 : i32
    %dma_wait3A_1697 = tpu.memref_slice %arg4[%add3A_1579, %dma_wait3A_1696] : memref<16356x1556xf32, #tpu.memory_space<hbm>> -> memref<64x20xf32, #tpu.memory_space<hbm>>
    %dma_wait3A_1698 = arith.constant 1536 : i32
    %dma_wait3A_1699 = tpu.memref_slice %arg4[%add3A_1579, %dma_wait3A_1698] : memref<16356x1556xf32, #tpu.memory_space<hbm>> -> memref<64x20xf32, #tpu.memory_space<hbm>>
    tpu.wait_dma2 semaphore(%arg7 : memref<!tpu.dma_semaphore, #tpu.memory_space<semaphore_mem>>) src(%arg6 : memref<64x20xf32, #tpu.memory_space<vmem>>) dst(%dma_wait3A_1699 : memref<64x20xf32, #tpu.memory_space<hbm>>)
    %dma_wait3A_1700 = arith.constant 1536 : i32
    %dma_wait3A_1701 = tpu.memref_slice %arg4[%add3A_1593, %dma_wait3A_1700] : memref<16356x1556xf32, #tpu.memory_space<hbm>> -> memref<64x20xf32, #tpu.memory_space<hbm>>
    %dma_wait3A_1702 = arith.constant 1536 : i32
    %dma_wait3A_1703 = tpu.memref_slice %arg4[%add3A_1593, %dma_wait3A_1702] : memref<16356x1556xf32, #tpu.memory_space<hbm>> -> memref<64x20xf32, #tpu.memory_space<hbm>>
    tpu.wait_dma2 semaphore(%arg7 : memref<!tpu.dma_semaphore, #tpu.memory_space<semaphore_mem>>) src(%arg6 : memref<64x20xf32, #tpu.memory_space<vmem>>) dst(%dma_wait3A_1703 : memref<64x20xf32, #tpu.memory_space<hbm>>)
    %dma_wait3A_1704 = arith.constant 1536 : i32
    %dma_wait3A_1705 = tpu.memref_slice %arg4[%add3A_1607, %dma_wait3A_1704] : memref<16356x1556xf32, #tpu.memory_space<hbm>> -> memref<64x20xf32, #tpu.memory_space<hbm>>
    %dma_wait3A_1706 = arith.constant 1536 : i32
    %dma_wait3A_1707 = tpu.memref_slice %arg4[%add3A_1607, %dma_wait3A_1706] : memref<16356x1556xf32, #tpu.memory_space<hbm>> -> memref<64x20xf32, #tpu.memory_space<hbm>>
    tpu.wait_dma2 semaphore(%arg7 : memref<!tpu.dma_semaphore, #tpu.memory_space<semaphore_mem>>) src(%arg6 : memref<64x20xf32, #tpu.memory_space<vmem>>) dst(%dma_wait3A_1707 : memref<64x20xf32, #tpu.memory_space<hbm>>)
    return
  }
}

</mosaic_0001>

<sc_bundles>
// kernel: kernel.3.cloned.1.call-start
scs
__scs_entry_jumppad:
0x0: {  	(pc) =	sbr.rel $0x88, $3  }
0x1: {  	(tag) =	ssettag $0x0;
	lr =	simm.s32 $0x1  }
0x2: {  	[smem:$0x3F9F] =	sst lr;
	_ =	strace $0xD0000000  }
0x3: {  	_ = 	snop  }
0x4: {  	_ = 	snop  }
0x5: {  	_ = 	snop  }
0x6: {  	_ = 	snop  }
0x7: {  	_ = 	snop  }
__scs_overlays_trampoline_lowered:
0x8: {  	[smem:$0x3FAE] =	sst s0  }
0x9: {  	[smem:$0x3FAF] =	sst s1  }
0xa: {  	[smem:$0x3FB0] =	sst s2  }
0xb: {  	[smem:$0x3FB1] =	sst s3  }
0xc: {  	[smem:$0x3FB2] =	sst s4  }
0xd: {  	[smem:$0x3FB3] =	sst s5  }
0xe: {  	[smem:$0x3FB4] =	sst s6  }
0xf: {  	[smem:$0x3FB5] =	sst s7  }
0x10: {  	[smem:$0x3FB6] =	sst s8  }
0x11: {  	[smem:$0x3FB7] =	sst s9;
	s0 =	simm.s32 @!p0 $0x0  }
0x12: {  	s1 =	sld [smem:$0x3F9D];
	s0 =	simm.s32 @p0 $0x1  }
0x13: {  	[smem:$0x3FB8] =	sst s0;
	s0 =	simm.s32 @!p1 $0x0  }
0x14: {  	s2 =	sld [smem:$0x3F9C];
	s0 =	simm.s32 @p1 $0x1  }
0x15: {  	[smem:$0x3FB9] =	sst s0;
	s0 =	simm.s32 @!p2 $0x0  }
0x16: {  	s3 =	sld [smem:$0x3FDB];
	s0 =	simm.s32 @p2 $0x1  }
0x17: {  	s4 =	simm.s32 $0x1BF5;
	[smem:$0x3FBB] =	sst s0  }
0x18: {  	s0 =	sld [smem:$0x3F9E];
	_ =	swait.ge [sflag:s4], $0x0  }
0x19: {  	s7 =	sld [smem:$0x3F9F]  }
0x1a: {  	s8 =	sadd.s32 $0xFFFFE003, lr  }
0x1b: {  	s9 =	sadd.s32 $0xFFFFFEF7, lr;
	s5 =	simm.s32 $0xFFFFFFFF;
	p2 =	slt.u32 s8, $0xFFFFF086  }
0x1c: {  	p1 =	slt.u32 s9, $0xF7A;
	s5 =	simm.s32 @!p2 $0x0  }
0x1d: {  	s5 =	simm.s32 @p1 $0x1;
	p0 =	seq.s32 s7, s2  }
0x1e: {  	s7 =	smul.u32 @!p0 $0xF7A, s2;
	p2 =	seq.s32 @!p0 s5, $0x0  }
0x1f: {  	s9 =	smul.u32 $0xF7A, s1;
	s8 =	simm.s32 @!p0 $0x1BF5;
	p2 =	por !p2, p0  }
0x20: {  	[sflag:s8] =	ssyncset.s32 @!p0 $0xFFFFF086;
	s6 =	sadd.s32 @!p0 s3, s7;
	s7 =	simm.s32 @!p0 $0x108  }
0x21: {  	s3 =	sadd.s32 s3, s9;
	s6 =	sadd.s32 @!p0 $0x88, s6;
	s7 =	simm.s32 @p2 $0x1082  }
0x22: {  	[simem:s7], [sflag:s8] =	dma.local @!p0 [hbm:s6], $0xF7A  }
0x23: {  	s9 =	sor.u32 $0xD0000000, s2;
	s6 =	simm.s32 $0x108;
	_ =	swait.ge @!p0 [sflag:s8], $0x0  }
0x24: {  	s3 =	sadd.s32 $0x88, s3;
	s6 =	simm.s32 @!p1 $0x1082;
	[sflag:s4] =	ssyncset.s32 $0xFFFFF086  }
0x25: {  	[simem:s6], [sflag:s4] =	dma.local [hbm:s3], $0xF7A  }
0x26: {  	[smem:$0x3F9F] =	sst s1;
	(tag) =	ssettag s2;
	_ =	strace s9  }
0x27: {  	s1 =	sld [smem:$0x3FAF]  }
0x28: {  	s2 =	sld [smem:$0x3FB0]  }
0x29: {  	s4 =	sld [smem:$0x3FB2]  }
0x2a: {  	p0 =	seq.s32 s5, $0x0;
	s5 =	sld [smem:$0x3FB3]  }
0x2b: {  	s6 =	sld [smem:$0x3FB4]  }
0x2c: {  	s7 =	sld [smem:$0x3FB5]  }
0x2d: {  	s3 =	simm.s32 $0x108;
	s8 =	sld [smem:$0x3FB6]  }
0x2e: {  	s3 =	simm.s32 @!p0 $0x1082;
	s9 =	sld [smem:$0x3FB7]  }
0x2f: {  	lr =	sadd.s32 s0, s3;
	s0 =	sld [smem:$0x3FAE]  }
0x30: {  	s3 =	sld [smem:$0x3FB1]  }
0x31: {  	[smem:$0x3FBA] =	sst s10  }
0x32: {  	s10 =	sld [smem:$0x3FB8];
	_ =	sdelay $0x3  }
0x33: {  	p0 =	seq.s32 s10, $0x1;
	s10 =	sld [smem:$0x3FBA];
	_ =	sdelay $0x3  }
0x34: {  	[smem:$0x3FBA] =	sst s10  }
0x35: {  	s10 =	sld [smem:$0x3FB9];
	_ =	sdelay $0x3  }
0x36: {  	p1 =	seq.s32 s10, $0x1;
	s10 =	sld [smem:$0x3FBA];
	_ =	sdelay $0x3  }
0x37: {  	[smem:$0x3FBA] =	sst s10  }
0x38: {  	s10 =	sld [smem:$0x3FBB]  }
0x39: {  	_ = 	snop;
	(pc) =	sbr.ind lr, $3  }
0x3a: {  	_ = 	snop  }
0x3b: {  	_ = 	snop  }
0x3c: {  	p2 =	seq.s32 s10, $0x1;
	s10 =	sld [smem:$0x3FBA]  }
0x3d: {  	_ =	shalt  }
0x3e: {  	_ =	shalt  }
0x3f: {  	_ =	shalt  }
0x40: {  	_ =	shalt  }
0x41: {  	_ =	shalt  }
0x42: {  	_ =	shalt  }
0x43: {  	_ =	shalt  }
0x44: {  	_ =	shalt  }
0x45: {  	_ =	shalt  }
0x46: {  	_ =	shalt  }
0x47: {  	_ =	shalt  }
0x48: {  	_ =	shalt  }
0x49: {  	_ =	shalt  }
0x4a: {  	_ =	shalt  }
0x4b: {  	_ =	shalt  }
0x4c: {  	_ =	shalt  }
0x4d: {  	_ =	shalt  }
0x4e: {  	_ =	shalt  }
0x4f: {  	_ =	shalt  }
0x50: {  	_ =	shalt  }
0x51: {  	_ =	shalt  }
0x52: {  	_ =	shalt  }
0x53: {  	_ =	shalt  }
0x54: {  	_ =	shalt  }
0x55: {  	_ =	shalt  }
0x56: {  	_ =	shalt  }
0x57: {  	_ =	shalt  }
0x58: {  	_ =	shalt  }
0x59: {  	_ =	shalt  }
0x5a: {  	_ =	shalt  }
0x5b: {  	_ =	shalt  }
0x5c: {  	_ =	shalt  }
0x5d: {  	_ =	shalt  }
0x5e: {  	_ =	shalt  }
0x5f: {  	_ =	shalt  }
0x60: {  	_ =	shalt  }
0x61: {  	_ =	shalt  }
0x62: {  	_ =	shalt  }
0x63: {  	_ =	shalt  }
0x64: {  	_ =	shalt  }
0x65: {  	_ =	shalt  }
0x66: {  	_ =	shalt  }
0x67: {  	_ =	shalt  }
0x68: {  	_ =	shalt  }
0x69: {  	_ =	shalt  }
0x6a: {  	_ =	shalt  }
0x6b: {  	_ =	shalt  }
0x6c: {  	_ =	shalt  }
0x6d: {  	_ =	shalt  }
0x6e: {  	_ =	shalt  }
0x6f: {  	_ =	shalt  }
0x70: {  	_ =	shalt  }
0x71: {  	_ =	shalt  }
0x72: {  	_ =	shalt  }
0x73: {  	_ =	shalt  }
0x74: {  	_ =	shalt  }
0x75: {  	_ =	shalt  }
0x76: {  	_ =	shalt  }
0x77: {  	_ =	shalt  }
0x78: {  	_ =	shalt  }
0x79: {  	_ =	shalt  }
0x7a: {  	_ =	shalt  }
0x7b: {  	_ =	shalt  }
0x7c: {  	_ =	shalt  }
0x7d: {  	_ =	shalt  }
0x7e: {  	_ =	shalt  }
0x7f: {  	_ =	shalt  }
0x80: {  	_ =	shalt  }
0x81: {  	_ =	shalt  }
0x82: {  	_ =	shalt  }
0x83: {  	_ =	shalt  }
0x84: {  	_ =	shalt  }
0x85: {  	_ =	shalt  }
0x86: {  	_ =	shalt  }
0x87: {  	_ =	shalt  }
.Lfunc_end0:
.L_simem_size_0:
called_computation.1_lowered:
.L_overlay_start_0:
0x88: {  	s2 =	sld [smem:$0x3FD9]  }
0x89: {  	s3 =	sld [smem:$0x3FFE];
	_ =	sdelay $0x1  }
0x8a: {  	s1 =	srdreg.scid  }
0x8b: {  	s0 =	sand.u32 $0x1, s1  }
0x8c: {  	s17 =	sshll.u32 s0, $0xA;
	s2 =	sadd.s32 s3, s2  }
0x8d: {  	s2 =	sadd.s32 s2, s17  }
0x8e: {  	[smem:$0x3FC6] =	sst s2  }
0x8f: {  	_ = 	snop  }
0x90: {  	s2 =	sld [smem:$0x3FD0];
	(tm) =	ssettm $0x1  }
0x91: {  	s18 =	sld [smem:$0x3FFB];
	_ =	sdelay $0x3  }
0x92: {  	_ =	strace s18  }
0x93: {  	s3 =	sld [smem:$0x3FFC];
	_ =	sdelay $0x3  }
0x94: {  	_ =	strace s3  }
0x95: {  	s3 =	sld [smem:$0x3FFD];
	_ =	sdelay $0x3  }
0x96: {  	_ =	strace s3  }
0x97: {  	_ =	strace $0x8FFFFFFF  }
0x98: {  	s19 =	sld [smem:$0x3FDB];
	_ =	sdelay $0x1  }
0x99: {  	s4 =	simm.s32 $_scs_section_size  }
0x9a: {  	s5 =	simm.s32 $_size__tile_overlayer_lowered;
	s6 =	simm.s32 $_tile_overlayer_lowered  }
0x9b: {  	s22 =	simm.s32 $0x1BFF;
	s21 =	sshll.u32 s6, $0x1;
	s3 =	sadd.s32 s4, s19  }
0x9c: {  	s7 =	simm.s32 $0x0;
	s20 =	sshll.u32 s5, $0x1;
	s5 =	sadd.s32 s21, s3  }
0x9d: {  	[timem:s7], [sflag:s22] =	dma.local [hbm:s5], s20  }
0x9e: {  	_ =	swait.ge [sflag:s22], s20  }
0x9f: {  	s4 =	ssub.s32 $0x0, s20;
	[sflag:s22] =	ssyncset.done $0x0  }
0xa0: {  	[sflag:s22] =	ssyncadd.s32 s4;
	_ =	sdelay $0x1  }
0xa1: {  	s23 =	simm.s32 $0x1B8B  }
0xa2: {  	_ =	swait.ge [sflag:s23], $0x1  }
0xa3: {  	[sflag:s23] =	ssyncset.done $0x0  }
0xa4: {  	s25 =	simm.s32 $0x1B8E;
	s24 =	sld [smem:$0x3FFE];
	[sflag:s23] =	ssyncadd.s32 $0xFFFFFFFF  }
0xa5: {  	s26 =	simm.s32 $execute0_lowered;
	[smem:$0x3FD2] =	sst s25  }
0xa6: {  	s5 =	sshll.u32 s26, $0x1;
	_ =	strace $0x80000046;
	[dreg:$0x1] =	wrdreg $0xFFFFFFFF  }
0xa7: {  	s28 =	simm.s32 $_size_execute0_lowered;
	s3 =	sadd.s32 s3, s5;
	[dreg:$0x0] =	wrdreg $0x0  }
0xa8: {  	s5 =	sshll.u32 s28, $0x1;
	[dreg:$0x2] =	wrdreg s3  }
0xa9: {  	[dreg:$0x3] =	wrdreg s5  }
0xaa: {  	[dreg:$0x4] =	wrdreg $0xC0  }
0xab: {  	_ =	task [dreg:s7], $0x5FFFF  }
0xac: {  	[dreg:$0x1] =	wrdreg $0xFFFFFFFF  }
0xad: {  	[dreg:$0x0] =	wrdreg $0x60  }
0xae: {  	[dreg:$0x2] =	wrdreg s2  }
0xaf: {  	[dreg:$0x3] =	wrdreg s24  }
0xb0: {  	[dreg:$0x4] =	wrdreg $0x0  }
0xb1: {  	[dreg:$0x5] =	wrdreg $0x9  }
0xb2: {  	_ =	task.clear_ibuf [dreg:s7], $0x6FFFF;
	_ =	strace $0x90000046  }
0xb3: {  	s29 =	simm.s32 $0x9;
	_ =	strace $0x80000048  }
0xb4: {  	_ =	swait.ge [sflag:s29], $0x1  }
0xb5: {  	[sflag:s29] =	ssyncadd.s32 $0xFFFFFFFF  }
0xb6: {  	_ =	strace $0x90000048  }
0xb7: {  	_ =	sfence  }
0xb8: {  	s30 =	sld [smem:$0x0];
	_ =	sdelay $0x2  }
0xb9: {  	s31 =	sshll.u32 s1, $0xD;
	s1 =	sshrl.u32 s1, $0x2  }
0xba: {  	s3 =	sand.u32 $0x4000, s31;
	s1 =	sadd.s32 s1, s30  }
0xbb: {  	s0 =	sor.u32 s3, s0;
	s1 =	sshll.u32 s1, $0x11  }
0xbc: {  	s0 =	sor.u32 s1, s0  }
0xbd: {  	s0 =	sadd.s32 $0x8F2B, s0  }
0xbe: {  	[sflag:s0] =	ssyncadd.remote.s32 $0x1  }
0xbf: {  	_ =	sfence.sel $0xFFFF  }
0xc0: {  	[dreg:$0x0] =	wrdreg $0xFFFFFFFF;
	(pc) =	sbr.abs _section_cstart, $3  }
0xc1: {  	[dreg:$0x1] =	wrdreg $0xFFFFFFFF  }
0xc2: {  	_ =	task.clear_ibuf [dreg:s7], $0x2FFFF;
	_ =	strace $0x9FFFFFFF  }
0xc3: {  	(tm) =	ssettm $0x7FFFFFFF  }
tec
execute0_lowered:
.L_overlay_start_1:
0x0: {  	(tag) =	ssettag $0x1  }
0x1: {  	s0 =	rddreg [dreg:$0x0]  }
0x2: {  	s9 =	rddreg [dreg:$0x1]  }
0x3: {  	s23 =	rddreg [dreg:$0x2]  }
0x4: {  	s15 =	stileid.u32;
	s1 =	simm.s32 $0x0;
	[dreg:$0x4] =	wrdreg s0  }
0x5: {  	s3 =	srdreg.scid;
	s22 =	sshrl.u32 s15, $0x1;
	[smem:$0x7FF] =	sst s1  }
0x6: {  	s17 =	sadd.s32 $0xA00, s9;
	s25 =	sshll.u32 s15, $0x1;
	s2 =	sadd.s32 $0xFFFFFFFF, s22  }
0x7: {  	s29 =	sand.u32 $0x1, s3;
	s3 =	sand.u32 $0x2, s25;
	s2 =	smul.u32 s22, s2  }
0x8: {  	_ =	strace $0x80000047;
	s26 =	sshll.u32 s22, $0xB;
	s14 =	sor.u32 s29, s3  }
0x9: {  	s30 =	ssub.s32 $0x7C0, s22;
	s16 =	sshll.u32 s14, $0x9;
	s4 =	sand.u32 $0x80, s2  }
0xa: {  	s14 =	smul.u32 $0x180000, s14;
	s5 =	sand.u32 $0x1, s2;
	s4 =	sshrl.u32 s4, $0x7  }
0xb: {  	p0 =	slt.s32 s2, $0x1;
	p1 =	seq.s32 s5, $0x1;
	s4 =	sadd.s32 s4, s2  }
0xc: {  	s13 =	sor.u32 $0x40, s16;
	p0 =	por !p0, !p1;
	s4 =	sshll.u32 s4, $0x18  }
0xd: {  	s5 =	simm.s32 $0x1;
	p0 =	por !p0, !p0;
	s4 =	sshra.s32 s4, $0x19  }
0xe: {  	s12 =	sor.u32 $0x80, s16;
	s5 =	simm.s32 @!p0 $0x0;
	s2 =	ssub.s32 s26, s4  }
0xf: {  	s11 =	sor.u32 $0xC0, s16;
	s10 =	sor.u32 $0x100, s16;
	s5 =	sadd.s32 s5, s2  }
0x10: {  	s18 =	sor.u32 $0x140, s16;
	s20 =	sor.u32 $0x180, s16;
	s31 =	sadd.s32 s16, s5  }
0x11: {  	s21 =	sor.u32 $0x1C0, s16;
	s0 =	sadd.s32 s13, s5;
	s19 =	smul.u32 $0x618, s31  }
0x12: {  	s24 =	smin.u32 s21, s30;
	s6 =	sadd.s32 s12, s5;
	s4 =	smul.u32 $0x618, s0  }
0x13: {  	s14 =	sshrl.u32 s14, $0x2;
	s26 =	sadd.s32 s11, s5;
	s6 =	smul.u32 $0x618, s6  }
0x14: {  	s14 =	sadd.s32 s14, s23;
	s7 =	sadd.s32 s10, s5;
	s26 =	smul.u32 $0x618, s26  }
0x15: {  	s14 =	sshrl.u32 s14, $0x3;
	s8 =	sadd.s32 s18, s5;
	s7 =	smul.u32 $0x618, s7  }
0x16: {  	[smem:$0x7F4] =	sst s14;
	s16 =	sor.u32 s22, s16;
	s8 =	smul.u32 $0x618, s8  }
0x17: {  	s21 =	sadd.s32 s20, s5;
	s16 =	smul.u32 $0xC00, s16;
	s25 =	sshrl.u32 s19, $0x3  }
0x18: {  	s31 =	sadd.s32 $0x300, s19;
	s4 =	sshrl.u32 s4, $0x3;
	s6 =	sshrl.u32 s6, $0x3  }
0x19: {  	s7 =	sshrl.u32 s7, $0x3;
	s8 =	sshrl.u32 s8, $0x3;
	s16 =	sshrl.u32 s16, $0x2  }
0x1a: {  	s30 =	sadd.s32 s17, s25;
	s2 =	sshrl.u32 s31, $0x3;
	s3 =	sadd.s32 s17, s6  }
0x1b: {  	s16 =	sadd.s32 s16, s23;
	[dreg:$0x5] =	wrdreg s30;
	s0 =	sadd.s32 s17, s2  }
0x1c: {  	s2 =	sadd.s32 s17, s4;
	s4 =	sshrl.u32 s26, $0x3;
	s6 =	sadd.s32 $0x60, s3  }
0x1d: {  	s26 =	smul.u32 $0x618, s21;
	s16 =	sshrl.u32 s16, $0x3;
	[dreg:$0x6] =	wrdreg s0  }
0x1e: {  	s30 =	sadd.s32 $0x60, s2;
	s4 =	sadd.s32 s17, s4;
	[dreg:$0x8] =	wrdreg s6  }
0x1f: {  	s0 =	sadd.s32 s24, s5;
	s5 =	sadd.s32 s17, s7;
	[smem:$0x7F5] =	sst s16  }
0x20: {  	s6 =	sadd.s32 s17, s8;
	[dreg:$0x7] =	wrdreg s30;
	s31 =	sadd.s32 $0x60, s4  }
0x21: {  	s30 =	sadd.s32 $0x60, s5;
	s7 =	sshrl.u32 s26, $0x3;
	[dreg:$0x9] =	wrdreg s31  }
0x22: {  	s31 =	smul.u32 $0x618, s0;
	[dreg:$0xa] =	wrdreg s30;
	s0 =	sadd.s32 $0x60, s6  }
0x23: {  	s7 =	sadd.s32 s17, s7;
	s30 =	sadd.s32 $0xC0, s2;
	[dreg:$0xb] =	wrdreg s0  }
0x24: {  	s25 =	sadd.s32 $0x60, s7;
	[dreg:$0xf] =	wrdreg s30  }
0x25: {  	s0 =	sadd.s32 $0xC0, s4;
	[dreg:$0xc] =	wrdreg s25  }
0x26: {  	s30 =	simm.s32 $0x18018;
	[dreg:$0x11] =	wrdreg s0  }
0x27: {  	s21 =	sshrl.u32 s31, $0x3;
	s31 =	sadd.s32 $0xC0, s3;
	[dreg:$0x16] =	wrdreg s30  }
0x28: {  	s25 =	sadd.s32 $0xC0, s7;
	[dreg:$0x10] =	wrdreg s31  }
0x29: {  	s19 =	sadd.s32 $0x600, s19;
	s0 =	simm.s32 $0x18048;
	[dreg:$0x14] =	wrdreg s25  }
0x2a: {  	s19 =	sshrl.u32 s19, $0x3;
	s30 =	simm.s32 $0x180C0;
	[dreg:$0x18] =	wrdreg s0  }
0x2b: {  	s8 =	sadd.s32 s17, s21;
	s17 =	sadd.s32 s17, s19;
	[dreg:$0x1d] =	wrdreg s30  }
0x2c: {  	s19 =	sadd.s32 $0xC0, s5;
	[dreg:$0xe] =	wrdreg s17  }
0x2d: {  	s21 =	sadd.s32 $0xC0, s6;
	[dreg:$0x12] =	wrdreg s19  }
0x2e: {  	s31 =	simm.s32 $0x18030;
	[dreg:$0x13] =	wrdreg s21  }
0x2f: {  	s25 =	simm.s32 $0x18090;
	[dreg:$0x17] =	wrdreg s31  }
0x30: {  	s0 =	simm.s32 $0x180F0;
	[dreg:$0x1b] =	wrdreg s25  }
0x31: {  	s30 =	simm.s32 $0x18168;
	[dreg:$0x1f] =	wrdreg s0  }
0x32: {  	s26 =	sadd.s32 $0x60, s8;
	[smem:$0x7C3] =	sst s30  }
0x33: {  	s19 =	simm.s32 $0x18060;
	[dreg:$0xd] =	wrdreg s26  }
0x34: {  	s21 =	simm.s32 $0x18078;
	[dreg:$0x19] =	wrdreg s19  }
0x35: {  	s31 =	simm.s32 $0x180D8;
	[dreg:$0x1a] =	wrdreg s21  }
0x36: {  	s25 =	simm.s32 $0x18138;
	[dreg:$0x1e] =	wrdreg s31  }
0x37: {  	s0 =	simm.s32 $0x18198;
	[smem:$0x7C1] =	sst s25  }
0x38: {  	s30 =	simm.s32 $0x18210;
	[smem:$0x7C5] =	sst s0  }
0x39: {  	s26 =	sadd.s32 $0xC0, s8;
	[smem:$0x7CA] =	sst s30  }
0x3a: {  	s19 =	simm.s32 $0x18108;
	[dreg:$0x15] =	wrdreg s26  }
0x3b: {  	s21 =	simm.s32 $0x18120;
	[smem:$0x7BF] =	sst s19  }
0x3c: {  	s31 =	simm.s32 $0x18180;
	[smem:$0x7C0] =	sst s21  }
0x3d: {  	s25 =	simm.s32 $0x181E0;
	[smem:$0x7C4] =	sst s31  }
0x3e: {  	s0 =	simm.s32 $0x18240;
	[smem:$0x7C8] =	sst s25  }
0x3f: {  	s30 =	simm.s32 $0x182B8;
	[smem:$0x7CC] =	sst s0  }
0x40: {  	s26 =	simm.s32 $0x180A8;
	[smem:$0x7D1] =	sst s30  }
0x41: {  	s19 =	simm.s32 $0x181B0;
	[dreg:$0x1c] =	wrdreg s26  }
0x42: {  	s21 =	simm.s32 $0x181C8;
	[smem:$0x7C6] =	sst s19  }
0x43: {  	s31 =	simm.s32 $0x18228;
	[smem:$0x7C7] =	sst s21  }
0x44: {  	s25 =	simm.s32 $0x18288;
	[smem:$0x7CB] =	sst s31  }
0x45: {  	s0 =	simm.s32 $0x182E8;
	[smem:$0x7CF] =	sst s25  }
0x46: {  	s30 =	simm.s32 $0x18360;
	[smem:$0x7D3] =	sst s0  }
0x47: {  	s26 =	simm.s32 $0x18150;
	[smem:$0x7D8] =	sst s30  }
0x48: {  	s19 =	simm.s32 $0x18258;
	[smem:$0x7C2] =	sst s26  }
0x49: {  	s21 =	simm.s32 $0x18270;
	[smem:$0x7CD] =	sst s19  }
0x4a: {  	s31 =	simm.s32 $0x182D0;
	[smem:$0x7CE] =	sst s21  }
0x4b: {  	s25 =	simm.s32 $0x18330;
	[smem:$0x7D2] =	sst s31  }
0x4c: {  	s0 =	simm.s32 $0x18390;
	[smem:$0x7D6] =	sst s25  }
0x4d: {  	s30 =	simm.s32 $0x18408;
	[smem:$0x7DA] =	sst s0  }
0x4e: {  	s26 =	simm.s32 $0x181F8;
	[smem:$0x7DF] =	sst s30  }
0x4f: {  	s19 =	simm.s32 $0x18300;
	[smem:$0x7C9] =	sst s26  }
0x50: {  	s21 =	simm.s32 $0x18318;
	[smem:$0x7D4] =	sst s19  }
0x51: {  	s31 =	simm.s32 $0x18378;
	[smem:$0x7D5] =	sst s21  }
0x52: {  	s25 =	simm.s32 $0x183D8;
	[smem:$0x7D9] =	sst s31  }
0x53: {  	s0 =	simm.s32 $0x18438;
	[smem:$0x7DD] =	sst s25  }
0x54: {  	s30 =	simm.s32 $0x184B0;
	[smem:$0x7E1] =	sst s0  }
0x55: {  	s26 =	simm.s32 $0x182A0;
	[smem:$0x7E6] =	sst s30  }
0x56: {  	s19 =	simm.s32 $0x183A8;
	[smem:$0x7D0] =	sst s26  }
0x57: {  	s21 =	simm.s32 $0x183C0;
	[smem:$0x7DB] =	sst s19  }
0x58: {  	s31 =	simm.s32 $0x18420;
	[smem:$0x7DC] =	sst s21  }
0x59: {  	s25 =	simm.s32 $0x18480;
	[smem:$0x7E0] =	sst s31  }
0x5a: {  	s0 =	simm.s32 $0x184E0;
	[smem:$0x7E4] =	sst s25  }
0x5b: {  	s30 =	simm.s32 $0x18558;
	[smem:$0x7E8] =	sst s0  }
0x5c: {  	s26 =	simm.s32 $0x18348;
	[smem:$0x7ED] =	sst s30  }
0x5d: {  	s19 =	simm.s32 $0x18450;
	[smem:$0x7D7] =	sst s26  }
0x5e: {  	s21 =	simm.s32 $0x18468;
	[smem:$0x7E2] =	sst s19  }
0x5f: {  	s31 =	simm.s32 $0x184C8;
	[smem:$0x7E3] =	sst s21  }
0x60: {  	s25 =	simm.s32 $0x18528;
	[smem:$0x7E7] =	sst s31  }
0x61: {  	s0 =	simm.s32 $0x18588;
	[smem:$0x7EB] =	sst s25  }
0x62: {  	s30 =	simm.s32 $0x185D0;
	[smem:$0x7EF] =	sst s0  }
0x63: {  	s26 =	simm.s32 $0x183F0;
	[smem:$0x7F2] =	sst s30  }
0x64: {  	p0 =	sgt.u32 s15, $0x9;
	s19 =	simm.s32 $0x184F8;
	[smem:$0x7DE] =	sst s26  }
0x65: {  	s21 =	simm.s32 $0x18510;
	s31 =	simm.s32 $0x18570;
	[smem:$0x7E9] =	sst s19  }
0x66: {  	s25 =	sor.u32 s22, s13;
	s0 =	sor.u32 s22, s12;
	[smem:$0x7EA] =	sst s21  }
0x67: {  	s13 =	smul.u32 $0xC00, s13;
	s26 =	simm.s32 $0x18498;
	[smem:$0x7EE] =	sst s31  }
0x68: {  	s12 =	smul.u32 $0xC00, s12;
	s21 =	simm.s32 $0x185A0;
	[smem:$0x7E5] =	sst s26  }
0x69: {  	s19 =	simm.s32 $0x1;
	s31 =	simm.s32 $0x185E8;
	[smem:$0x7F0] =	sst s21  }
0x6a: {  	s26 =	simm.s32 $0x18540;
	s19 =	simm.s32 @!p0 $0x0;
	[smem:$0x7F3] =	sst s31  }
0x6b: {  	s21 =	smul.u32 $0xC00, s25;
	s25 =	sor.u32 s22, s11;
	s13 =	sshrl.u32 s13, $0x2  }
0x6c: {  	s11 =	smul.u32 $0xC00, s11;
	s12 =	sshrl.u32 s12, $0x2;
	[smem:$0x7EC] =	sst s26  }
0x6d: {  	s17 =	ssub.s32 s22, s19;
	s26 =	simm.s32 $0x185B8;
	s19 =	smul.u32 $0xC00, s0  }
0x6e: {  	s13 =	sadd.s32 s13, s23;
	s14 =	smul.u32 $0xC00, s25;
	s25 =	rddreg [dreg:$0x17]  }
0x6f: {  	s12 =	sadd.s32 s12, s23;
	[smem:$0x7F1] =	sst s26;
	s26 =	sor.u32 s22, s10  }
0x70: {  	s21 =	sshrl.u32 s21, $0x2;
	s11 =	sshrl.u32 s11, $0x2;
	s13 =	sshrl.u32 s13, $0x3  }
0x71: {  	s10 =	smul.u32 $0xC00, s10;
	s12 =	sshrl.u32 s12, $0x3;
	[smem:$0x7F6] =	sst s13  }
0x72: {  	s17 =	smul.u32 $0x3, s17;
	s21 =	sadd.s32 s21, s23;
	[smem:$0x7F8] =	sst s12  }
0x73: {  	s19 =	sshrl.u32 s19, $0x2;
	s31 =	smul.u32 $0xC00, s26;
	s26 =	rddreg [dreg:$0x18]  }
0x74: {  	s11 =	sadd.s32 s11, s23;
	s30 =	sshrl.u32 s21, $0x3;
	s21 =	rddreg [dreg:$0x16]  }
0x75: {  	s14 =	sshrl.u32 s14, $0x2;
	s9 =	sadd.s32 s9, s17;
	s17 =	rddreg [dreg:$0x1e]  }
0x76: {  	s10 =	sshrl.u32 s10, $0x2;
	s11 =	sshrl.u32 s11, $0x3;
	[smem:$0x7F7] =	sst s30  }
0x77: {  	s14 =	sadd.s32 s14, s23;
	s10 =	sadd.s32 s10, s23;
	[smem:$0x7FA] =	sst s11  }
0x78: {  	s16 =	sshrl.u32 s14, $0x3;
	s14 =	rddreg [dreg:$0x4];
	s10 =	sshrl.u32 s10, $0x3  }
0x79: {  	s9 =	sadd.s32 $0x803, s9;
	[smem:$0x7FC] =	sst s10;
	s10 =	simm.s32 $0x18000  }
0x7a: {  	[tilespmem:s10], [sflag:$0x2] =	stream.linear.gather [hbm4b:s9+s1], $0x18, $0x38;
	[tilespmem:$0x18600] =	vst v63  }
0x7b: {  	s19 =	sadd.s32 s19, s23;
	s30 =	rddreg [dreg:$0x19]  }
0x7c: {  	[tilespmem:s21], [sflag:$0x2] =	stream.linear.gather [hbm4b:s9+s1], $0x18, $0x38;
	[tilespmem:$0x18600] =	vst v63  }
0x7d: {  	s0 =	sshrl.u32 s19, $0x3;
	s13 =	sshrl.u32 s31, $0x2;
	s31 =	rddreg [dreg:$0x1a]  }
0x7e: {  	[tilespmem:s25], [sflag:$0x2] =	stream.linear.gather [hbm4b:s9+s1], $0x18, $0x38;
	[tilespmem:$0x18600] =	vst v63  }
0x7f: {  	[smem:$0x7F9] =	sst s0  }
0x80: {  	[tilespmem:s26], [sflag:$0x2] =	stream.linear.gather [hbm4b:s9+s1], $0x18, $0x38;
	[tilespmem:$0x18600] =	vst v63  }
0x81: {  	[smem:$0x7FB] =	sst s16  }
0x82: {  	[tilespmem:s30], [sflag:$0x2] =	stream.linear.gather [hbm4b:s9+s1], $0x18, $0x38;
	[tilespmem:$0x18600] =	vst v63  }
0x83: {  	s0 =	rddreg [dreg:$0x1b]  }
0x84: {  	[tilespmem:s31], [sflag:$0x2] =	stream.linear.gather [hbm4b:s9+s1], $0x18, $0x38;
	[tilespmem:$0x18600] =	vst v63  }
0x85: {  	s12 =	sadd.s32 s13, s23;
	s13 =	rddreg [dreg:$0x1c]  }
0x86: {  	[tilespmem:s0], [sflag:$0x2] =	stream.linear.gather [hbm4b:s9+s1], $0x18, $0x38;
	[tilespmem:$0x18600] =	vst v63  }
0x87: {  	s16 =	rddreg [dreg:$0x1d];
	s19 =	sshrl.u32 s12, $0x3  }
0x88: {  	[tilespmem:s13], [sflag:$0x2] =	stream.linear.gather [hbm4b:s9+s1], $0x18, $0x38;
	[tilespmem:$0x18600] =	vst v63  }
0x89: {  	[smem:$0x7FD] =	sst s19  }
0x8a: {  	[tilespmem:s16], [sflag:$0x2] =	stream.linear.gather [hbm4b:s9+s1], $0x18, $0x38;
	[tilespmem:$0x18600] =	vst v63  }
0x8b: {  	s19 =	rddreg [dreg:$0x1f]  }
0x8c: {  	[tilespmem:s17], [sflag:$0x2] =	stream.linear.gather [hbm4b:s9+s1], $0x18, $0x38;
	[tilespmem:$0x18600] =	vst v63  }
0x8d: {  	s21 =	sld [smem:$0x7BF]  }
0x8e: {  	[tilespmem:s19], [sflag:$0x2] =	stream.linear.gather [hbm4b:s9+s1], $0x18, $0x38;
	[tilespmem:$0x18600] =	vst v63  }
0x8f: {  	s25 =	sld [smem:$0x7C0]  }
0x90: {  	[tilespmem:s21], [sflag:$0x2] =	stream.linear.gather [hbm4b:s9+s1], $0x18, $0x38;
	[tilespmem:$0x18600] =	vst v63  }
0x91: {  	s26 =	sld [smem:$0x7C1]  }
0x92: {  	[tilespmem:s25], [sflag:$0x2] =	stream.linear.gather [hbm4b:s9+s1], $0x18, $0x38;
	[tilespmem:$0x18600] =	vst v63  }
0x93: {  	s30 =	sld [smem:$0x7C2]  }
0x94: {  	[tilespmem:s26], [sflag:$0x2] =	stream.linear.gather [hbm4b:s9+s1], $0x18, $0x38;
	[tilespmem:$0x18600] =	vst v63  }
0x95: {  	s31 =	sld [smem:$0x7C3]  }
0x96: {  	[tilespmem:s30], [sflag:$0x2] =	stream.linear.gather [hbm4b:s9+s1], $0x18, $0x38;
	[tilespmem:$0x18600] =	vst v63  }
0x97: {  	s0 =	sld [smem:$0x7C4]  }
0x98: {  	[tilespmem:s31], [sflag:$0x2] =	stream.linear.gather [hbm4b:s9+s1], $0x18, $0x38;
	[tilespmem:$0x18600] =	vst v63  }
0x99: {  	s13 =	sld [smem:$0x7C5]  }
0x9a: {  	[tilespmem:s0], [sflag:$0x2] =	stream.linear.gather [hbm4b:s9+s1], $0x18, $0x38;
	[tilespmem:$0x18600] =	vst v63  }
0x9b: {  	s16 =	sld [smem:$0x7C6]  }
0x9c: {  	[tilespmem:s13], [sflag:$0x2] =	stream.linear.gather [hbm4b:s9+s1], $0x18, $0x38;
	[tilespmem:$0x18600] =	vst v63  }
0x9d: {  	s17 =	sld [smem:$0x7C7]  }
0x9e: {  	[tilespmem:s16], [sflag:$0x2] =	stream.linear.gather [hbm4b:s9+s1], $0x18, $0x38;
	[tilespmem:$0x18600] =	vst v63  }
0x9f: {  	s19 =	sld [smem:$0x7C8]  }
0xa0: {  	[tilespmem:s17], [sflag:$0x2] =	stream.linear.gather [hbm4b:s9+s1], $0x18, $0x38;
	[tilespmem:$0x18600] =	vst v63  }
0xa1: {  	s21 =	sld [smem:$0x7C9]  }
0xa2: {  	[tilespmem:s19], [sflag:$0x2] =	stream.linear.gather [hbm4b:s9+s1], $0x18, $0x38;
	[tilespmem:$0x18600] =	vst v63  }
0xa3: {  	s25 =	sld [smem:$0x7CA]  }
0xa4: {  	[tilespmem:s21], [sflag:$0x2] =	stream.linear.gather [hbm4b:s9+s1], $0x18, $0x38;
	[tilespmem:$0x18600] =	vst v63  }
0xa5: {  	s26 =	sld [smem:$0x7CB]  }
0xa6: {  	[tilespmem:s25], [sflag:$0x2] =	stream.linear.gather [hbm4b:s9+s1], $0x18, $0x38;
	[tilespmem:$0x18600] =	vst v63  }
0xa7: {  	s30 =	sld [smem:$0x7CC]  }
0xa8: {  	[tilespmem:s26], [sflag:$0x2] =	stream.linear.gather [hbm4b:s9+s1], $0x18, $0x38;
	[tilespmem:$0x18600] =	vst v63  }
0xa9: {  	s31 =	sld [smem:$0x7CD]  }
0xaa: {  	[tilespmem:s30], [sflag:$0x2] =	stream.linear.gather [hbm4b:s9+s1], $0x18, $0x38;
	[tilespmem:$0x18600] =	vst v63  }
0xab: {  	s0 =	sld [smem:$0x7CE]  }
0xac: {  	[tilespmem:s31], [sflag:$0x2] =	stream.linear.gather [hbm4b:s9+s1], $0x18, $0x38;
	[tilespmem:$0x18600] =	vst v63  }
0xad: {  	s13 =	sld [smem:$0x7CF]  }
0xae: {  	[tilespmem:s0], [sflag:$0x2] =	stream.linear.gather [hbm4b:s9+s1], $0x18, $0x38;
	[tilespmem:$0x18600] =	vst v63  }
0xaf: {  	s16 =	sld [smem:$0x7D0]  }
0xb0: {  	[tilespmem:s13], [sflag:$0x2] =	stream.linear.gather [hbm4b:s9+s1], $0x18, $0x38;
	[tilespmem:$0x18600] =	vst v63  }
0xb1: {  	s17 =	sld [smem:$0x7D1]  }
0xb2: {  	[tilespmem:s16], [sflag:$0x2] =	stream.linear.gather [hbm4b:s9+s1], $0x18, $0x38;
	[tilespmem:$0x18600] =	vst v63  }
0xb3: {  	s19 =	sld [smem:$0x7D2]  }
0xb4: {  	[tilespmem:s17], [sflag:$0x2] =	stream.linear.gather [hbm4b:s9+s1], $0x18, $0x38;
	[tilespmem:$0x18600] =	vst v63  }
0xb5: {  	s21 =	sld [smem:$0x7D3]  }
0xb6: {  	[tilespmem:s19], [sflag:$0x2] =	stream.linear.gather [hbm4b:s9+s1], $0x18, $0x38;
	[tilespmem:$0x18600] =	vst v63  }
0xb7: {  	s25 =	sld [smem:$0x7D4]  }
0xb8: {  	[tilespmem:s21], [sflag:$0x2] =	stream.linear.gather [hbm4b:s9+s1], $0x18, $0x38;
	[tilespmem:$0x18600] =	vst v63  }
0xb9: {  	s26 =	sld [smem:$0x7D5]  }
0xba: {  	[tilespmem:s25], [sflag:$0x2] =	stream.linear.gather [hbm4b:s9+s1], $0x18, $0x38;
	[tilespmem:$0x18600] =	vst v63  }
0xbb: {  	s30 =	sld [smem:$0x7D6]  }
0xbc: {  	[tilespmem:s26], [sflag:$0x2] =	stream.linear.gather [hbm4b:s9+s1], $0x18, $0x38;
	[tilespmem:$0x18600] =	vst v63  }
0xbd: {  	s31 =	sld [smem:$0x7D7]  }
0xbe: {  	[tilespmem:s30], [sflag:$0x2] =	stream.linear.gather [hbm4b:s9+s1], $0x18, $0x38;
	[tilespmem:$0x18600] =	vst v63  }
0xbf: {  	s0 =	sld [smem:$0x7D8]  }
0xc0: {  	[tilespmem:s31], [sflag:$0x2] =	stream.linear.gather [hbm4b:s9+s1], $0x18, $0x38;
	[tilespmem:$0x18600] =	vst v63  }
0xc1: {  	s13 =	sld [smem:$0x7D9]  }
0xc2: {  	[tilespmem:s0], [sflag:$0x2] =	stream.linear.gather [hbm4b:s9+s1], $0x18, $0x38;
	[tilespmem:$0x18600] =	vst v63  }
0xc3: {  	s16 =	sld [smem:$0x7DA]  }
0xc4: {  	[tilespmem:s13], [sflag:$0x2] =	stream.linear.gather [hbm4b:s9+s1], $0x18, $0x38;
	[tilespmem:$0x18600] =	vst v63  }
0xc5: {  	s17 =	sld [smem:$0x7DB]  }
0xc6: {  	[tilespmem:s16], [sflag:$0x2] =	stream.linear.gather [hbm4b:s9+s1], $0x18, $0x38;
	[tilespmem:$0x18600] =	vst v63  }
0xc7: {  	s19 =	sld [smem:$0x7DC]  }
0xc8: {  	[tilespmem:s17], [sflag:$0x2] =	stream.linear.gather [hbm4b:s9+s1], $0x18, $0x38;
	[tilespmem:$0x18600] =	vst v63  }
0xc9: {  	s21 =	sld [smem:$0x7DD]  }
0xca: {  	[tilespmem:s19], [sflag:$0x2] =	stream.linear.gather [hbm4b:s9+s1], $0x18, $0x38;
	[tilespmem:$0x18600] =	vst v63  }
0xcb: {  	s25 =	sld [smem:$0x7DE]  }
0xcc: {  	[tilespmem:s21], [sflag:$0x2] =	stream.linear.gather [hbm4b:s9+s1], $0x18, $0x38;
	[tilespmem:$0x18600] =	vst v63  }
0xcd: {  	s26 =	sld [smem:$0x7DF]  }
0xce: {  	[tilespmem:s25], [sflag:$0x2] =	stream.linear.gather [hbm4b:s9+s1], $0x18, $0x38;
	[tilespmem:$0x18600] =	vst v63  }
0xcf: {  	s30 =	sld [smem:$0x7E0]  }
0xd0: {  	[tilespmem:s26], [sflag:$0x2] =	stream.linear.gather [hbm4b:s9+s1], $0x18, $0x38;
	[tilespmem:$0x18600] =	vst v63  }
0xd1: {  	s31 =	sld [smem:$0x7E1]  }
0xd2: {  	[tilespmem:s30], [sflag:$0x2] =	stream.linear.gather [hbm4b:s9+s1], $0x18, $0x38;
	[tilespmem:$0x18600] =	vst v63  }
0xd3: {  	s0 =	sld [smem:$0x7E2]  }
0xd4: {  	[tilespmem:s31], [sflag:$0x2] =	stream.linear.gather [hbm4b:s9+s1], $0x18, $0x38;
	[tilespmem:$0x18600] =	vst v63  }
0xd5: {  	s13 =	sld [smem:$0x7E3]  }
0xd6: {  	[tilespmem:s0], [sflag:$0x2] =	stream.linear.gather [hbm4b:s9+s1], $0x18, $0x38;
	[tilespmem:$0x18600] =	vst v63  }
0xd7: {  	s16 =	sld [smem:$0x7E4]  }
0xd8: {  	[tilespmem:s13], [sflag:$0x2] =	stream.linear.gather [hbm4b:s9+s1], $0x18, $0x38;
	[tilespmem:$0x18600] =	vst v63  }
0xd9: {  	s17 =	sld [smem:$0x7E5]  }
0xda: {  	[tilespmem:s16], [sflag:$0x2] =	stream.linear.gather [hbm4b:s9+s1], $0x18, $0x38;
	[tilespmem:$0x18600] =	vst v63  }
0xdb: {  	s19 =	sld [smem:$0x7E6]  }
0xdc: {  	[tilespmem:s17], [sflag:$0x2] =	stream.linear.gather [hbm4b:s9+s1], $0x18, $0x38;
	[tilespmem:$0x18600] =	vst v63  }
0xdd: {  	s21 =	sld [smem:$0x7E7]  }
0xde: {  	[tilespmem:s19], [sflag:$0x2] =	stream.linear.gather [hbm4b:s9+s1], $0x18, $0x38;
	[tilespmem:$0x18600] =	vst v63  }
0xdf: {  	s25 =	sld [smem:$0x7E8]  }
0xe0: {  	[tilespmem:s21], [sflag:$0x2] =	stream.linear.gather [hbm4b:s9+s1], $0x18, $0x38;
	[tilespmem:$0x18600] =	vst v63  }
0xe1: {  	s26 =	sld [smem:$0x7E9]  }
0xe2: {  	[tilespmem:s25], [sflag:$0x2] =	stream.linear.gather [hbm4b:s9+s1], $0x18, $0x38;
	[tilespmem:$0x18600] =	vst v63  }
0xe3: {  	s30 =	sld [smem:$0x7EA]  }
0xe4: {  	[tilespmem:s26], [sflag:$0x2] =	stream.linear.gather [hbm4b:s9+s1], $0x18, $0x38;
	[tilespmem:$0x18600] =	vst v63  }
0xe5: {  	s31 =	sld [smem:$0x7EB]  }
0xe6: {  	[tilespmem:s30], [sflag:$0x2] =	stream.linear.gather [hbm4b:s9+s1], $0x18, $0x38;
	[tilespmem:$0x18600] =	vst v63  }
0xe7: {  	s0 =	sld [smem:$0x7EC]  }
0xe8: {  	[tilespmem:s31], [sflag:$0x2] =	stream.linear.gather [hbm4b:s9+s1], $0x18, $0x38;
	[tilespmem:$0x18600] =	vst v63  }
0xe9: {  	s13 =	sld [smem:$0x7ED]  }
0xea: {  	[tilespmem:s0], [sflag:$0x2] =	stream.linear.gather [hbm4b:s9+s1], $0x18, $0x38;
	[tilespmem:$0x18600] =	vst v63  }
0xeb: {  	s16 =	sld [smem:$0x7EE]  }
0xec: {  	[tilespmem:s13], [sflag:$0x2] =	stream.linear.gather [hbm4b:s9+s1], $0x18, $0x38;
	[tilespmem:$0x18600] =	vst v63  }
0xed: {  	s17 =	sld [smem:$0x7EF]  }
0xee: {  	[tilespmem:s16], [sflag:$0x2] =	stream.linear.gather [hbm4b:s9+s1], $0x18, $0x38;
	[tilespmem:$0x18600] =	vst v63  }
0xef: {  	s19 =	sld [smem:$0x7F0]  }
0xf0: {  	[tilespmem:s17], [sflag:$0x2] =	stream.linear.gather [hbm4b:s9+s1], $0x18, $0x38;
	[tilespmem:$0x18600] =	vst v63  }
0xf1: {  	s21 =	sld [smem:$0x7F1]  }
0xf2: {  	[tilespmem:s19], [sflag:$0x2] =	stream.linear.gather [hbm4b:s9+s1], $0x18, $0x38;
	[tilespmem:$0x18600] =	vst v63  }
0xf3: {  	s25 =	sld [smem:$0x7F2]  }
0xf4: {  	[tilespmem:s21], [sflag:$0x2] =	stream.linear.gather [hbm4b:s9+s1], $0x18, $0x38;
	[tilespmem:$0x18600] =	vst v63  }
0xf5: {  	p0 =	sne.s32 s15, $0x0;
	s26 =	sld [smem:$0x7F3]  }
0xf6: {  	[tilespmem:s25], [sflag:$0x2] =	stream.linear.gather [hbm4b:s9+s1], $0x18, $0x38;
	[tilespmem:$0x18600] =	vst v63  }
0xf7: {  	s11 =	sshrl.u32 @!p0 s23, $0x3;
	s12 =	simm.s32 @!p0 $0x1C03;
	s13 =	simm.s32 @!p0 $0x3  }
0xf8: {  	[tilespmem:s26], [sflag:$0x2] =	stream.linear.gather [hbm4b:s9+s1], $0x18, $0x38;
	[tilespmem:$0x18600] =	vst v63  }
0xf9: {  	[spmem:s11], [sflag:s12] =	dma.local @!p0 [hbm:s14], $0x30000  }
0xfa: {  	_ =	swait.ge @!p0 [sflag:s13], $0x30000  }
0xfb: {  	[sflag:s13] =	ssyncset.done @!p0 $0x0  }
0xfc: {  	[sflag:s13] =	ssyncadd.s32 @!p0 $0xFFFD0000  }
0xfd: {  	[bflag:$0x0] =	sbarrier.arrive $0xFFFF  }
0xfe: {  	s31 =	sld [smem:$0x7F4]  }
0xff: {  	s0 =	sshll.u32 s15, $0x6;
	s15 =	simm.s32 $0xC3;
	s16 =	simm.s32 $0x60  }
0x100: {  	s17 =	sor.u32 $0x1C01, s0;
	s14 =	simm.s32 $0x6;
	s30 =	rddreg [dreg:$0x5]  }
0x101: {  	[hbm:s30@s15], [sflag:s17] =	dma.strided [spmem:s31@s16], $0x1800, s14, $0x10   }
0x102: {  	s21 =	sld [smem:$0x7F5];
	_ =	sdelay $0x1  }
0x103: {  	s19 =	rddreg [dreg:$0x6]  }
0x104: {  	[hbm:s19@s15], [sflag:s17] =	dma.strided [spmem:s21@s16], $0x1800, s14, $0x10   }
0x105: {  	s19 =	sld [smem:$0x7F6];
	_ =	sdelay $0x2  }
0x106: {  	[hbm:s2@s15], [sflag:s17] =	dma.strided [spmem:s19@s16], $0x1800, s14, $0x10   }
0x107: {  	s25 =	sld [smem:$0x7F7];
	_ =	sdelay $0x1  }
0x108: {  	s19 =	rddreg [dreg:$0x7]  }
0x109: {  	[hbm:s19@s15], [sflag:s17] =	dma.strided [spmem:s25@s16], $0x1800, s14, $0x10   }
0x10a: {  	s19 =	sld [smem:$0x7F8];
	_ =	sdelay $0x2  }
0x10b: {  	[hbm:s3@s15], [sflag:s17] =	dma.strided [spmem:s19@s16], $0x1800, s14, $0x10   }
0x10c: {  	s26 =	sld [smem:$0x7F9];
	_ =	sdelay $0x1  }
0x10d: {  	s19 =	rddreg [dreg:$0x8]  }
0x10e: {  	[hbm:s19@s15], [sflag:s17] =	dma.strided [spmem:s26@s16], $0x1800, s14, $0x10   }
0x10f: {  	s19 =	sld [smem:$0x7FA];
	_ =	sdelay $0x2  }
0x110: {  	[hbm:s4@s15], [sflag:s17] =	dma.strided [spmem:s19@s16], $0x1800, s14, $0x10   }
0x111: {  	s30 =	sld [smem:$0x7FB];
	_ =	sdelay $0x1  }
0x112: {  	s19 =	rddreg [dreg:$0x9]  }
0x113: {  	[hbm:s19@s15], [sflag:s17] =	dma.strided [spmem:s30@s16], $0x1800, s14, $0x10   }
0x114: {  	s19 =	sld [smem:$0x7FC];
	_ =	sdelay $0x1  }
0x115: {  	s0 =	smul.u32 $0xC00, s18  }
0x116: {  	[hbm:s5@s15], [sflag:s17] =	dma.strided [spmem:s19@s16], $0x1800, s14, $0x10   }
0x117: {  	s18 =	sor.u32 s22, s18;
	s31 =	sld [smem:$0x7FD]  }
0x118: {  	s25 =	sshrl.u32 s0, $0x2;
	s0 =	smul.u32 $0xC00, s20;
	s20 =	sor.u32 s22, s20  }
0x119: {  	s22 =	sadd.s32 s22, s24;
	s26 =	smul.u32 $0xC00, s18;
	s19 =	rddreg [dreg:$0xa]  }
0x11a: {  	[hbm:s19@s15], [sflag:s17] =	dma.strided [spmem:s31@s16], $0x1800, s14, $0x10   }
0x11b: {  	s30 =	sshrl.u32 s26, $0x2;
	s26 =	smul.u32 $0xC00, s20;
	s19 =	sadd.s32 s25, s23  }
0x11c: {  	s25 =	sshrl.u32 s0, $0x2;
	s18 =	sshrl.u32 s19, $0x3;
	s19 =	sadd.s32 s30, s23  }
0x11d: {  	s21 =	sadd.s32 s25, s23;
	s30 =	sshrl.u32 s26, $0x2;
	s26 =	smul.u32 $0xC00, s24  }
0x11e: {  	[hbm:s6@s15], [sflag:s17] =	dma.strided [spmem:s18@s16], $0x1800, s14, $0x10   }
0x11f: {  	s19 =	sshrl.u32 s19, $0x3;
	s20 =	sshrl.u32 s21, $0x3;
	s21 =	sadd.s32 s30, s23  }
0x120: {  	s31 =	rddreg [dreg:$0xb];
	s0 =	sshrl.u32 s26, $0x2;
	s26 =	smul.u32 $0xC00, s22  }
0x121: {  	[hbm:s31@s15], [sflag:s17] =	dma.strided [spmem:s19@s16], $0x1800, s14, $0x10   }
0x122: {  	[hbm:s7@s15], [sflag:s17] =	dma.strided [spmem:s20@s16], $0x1800, s14, $0x10   }
0x123: {  	s21 =	sshrl.u32 s21, $0x3;
	s25 =	sadd.s32 s0, s23;
	s30 =	sshrl.u32 s26, $0x2  }
0x124: {  	s22 =	sshrl.u32 s25, $0x3;
	s31 =	rddreg [dreg:$0xc];
	s23 =	sadd.s32 s30, s23  }
0x125: {  	[hbm:s31@s15], [sflag:s17] =	dma.strided [spmem:s21@s16], $0x1800, s14, $0x10   }
0x126: {  	[hbm:s8@s15], [sflag:s17] =	dma.strided [spmem:s22@s16], $0x1800, s14, $0x10   }
0x127: {  	s24 =	simm.s32 $0x2;
	s23 =	sshrl.u32 s23, $0x3;
	s31 =	rddreg [dreg:$0xd]  }
0x128: {  	[hbm:s31@s15], [sflag:s17] =	dma.strided [spmem:s23@s16], $0x1800, s14, $0x10   }
0x129: {  	_ =	swait.ge [sflag:s24], $0x18  }
0x12a: {  	[sflag:s24] =	ssyncset.done $0x0  }
0x12b: {  	[sflag:s24] =	ssyncadd.s32 $0xFFFFFFE8  }
0x12c: {  	_ =	swait.ge [sflag:s24], $0x18  }
0x12d: {  	[sflag:s24] =	ssyncset.done $0x0  }
0x12e: {  	[sflag:s24] =	ssyncadd.s32 $0xFFFFFFE8  }
0x12f: {  	_ =	swait.ge [sflag:s24], $0x18  }
0x130: {  	[sflag:s24] =	ssyncset.done $0x0  }
0x131: {  	[sflag:s24] =	ssyncadd.s32 $0xFFFFFFE8  }
0x132: {  	_ =	swait.ge [sflag:s24], $0x18  }
0x133: {  	[sflag:s24] =	ssyncset.done $0x0  }
0x134: {  	[sflag:s24] =	ssyncadd.s32 $0xFFFFFFE8  }
0x135: {  	_ =	swait.ge [sflag:s24], $0x18  }
0x136: {  	[sflag:s24] =	ssyncset.done $0x0  }
0x137: {  	[sflag:s24] =	ssyncadd.s32 $0xFFFFFFE8  }
0x138: {  	_ =	swait.ge [sflag:s24], $0x18  }
0x139: {  	[sflag:s24] =	ssyncset.done $0x0  }
0x13a: {  	[sflag:s24] =	ssyncadd.s32 $0xFFFFFFE8  }
0x13b: {  	_ =	swait.ge [sflag:s24], $0x18  }
0x13c: {  	[sflag:s24] =	ssyncset.done $0x0  }
0x13d: {  	[sflag:s24] =	ssyncadd.s32 $0xFFFFFFE8  }
0x13e: {  	_ =	swait.ge [sflag:s24], $0x18  }
0x13f: {  	[sflag:s24] =	ssyncset.done $0x0  }
0x140: {  	[sflag:s24] =	ssyncadd.s32 $0xFFFFFFE8  }
0x141: {  	_ =	swait.ge [sflag:s24], $0x18  }
0x142: {  	[sflag:s24] =	ssyncset.done $0x0  }
0x143: {  	[sflag:s24] =	ssyncadd.s32 $0xFFFFFFE8  }
0x144: {  	_ =	swait.ge [sflag:s24], $0x18  }
0x145: {  	[sflag:s24] =	ssyncset.done $0x0  }
0x146: {  	[sflag:s24] =	ssyncadd.s32 $0xFFFFFFE8  }
0x147: {  	_ =	swait.ge [sflag:s24], $0x18  }
0x148: {  	[sflag:s24] =	ssyncset.done $0x0  }
0x149: {  	[sflag:s24] =	ssyncadd.s32 $0xFFFFFFE8  }
0x14a: {  	_ =	swait.ge [sflag:s24], $0x18  }
0x14b: {  	[sflag:s24] =	ssyncset.done $0x0  }
0x14c: {  	[sflag:s24] =	ssyncadd.s32 $0xFFFFFFE8  }
0x14d: {  	_ =	swait.ge [sflag:s24], $0x18  }
0x14e: {  	[sflag:s24] =	ssyncset.done $0x0  }
0x14f: {  	[sflag:s24] =	ssyncadd.s32 $0xFFFFFFE8  }
0x150: {  	_ =	swait.ge [sflag:s24], $0x18  }
0x151: {  	[sflag:s24] =	ssyncset.done $0x0  }
0x152: {  	[sflag:s24] =	ssyncadd.s32 $0xFFFFFFE8  }
0x153: {  	_ =	swait.ge [sflag:s24], $0x18  }
0x154: {  	[sflag:s24] =	ssyncset.done $0x0  }
0x155: {  	[sflag:s24] =	ssyncadd.s32 $0xFFFFFFE8  }
0x156: {  	_ =	swait.ge [sflag:s24], $0x18  }
0x157: {  	[sflag:s24] =	ssyncset.done $0x0  }
0x158: {  	[sflag:s24] =	ssyncadd.s32 $0xFFFFFFE8  }
0x159: {  	_ =	swait.ge [sflag:s24], $0x18  }
0x15a: {  	[sflag:s24] =	ssyncset.done $0x0  }
0x15b: {  	[sflag:s24] =	ssyncadd.s32 $0xFFFFFFE8  }
0x15c: {  	_ =	swait.ge [sflag:s24], $0x18  }
0x15d: {  	[sflag:s24] =	ssyncset.done $0x0  }
0x15e: {  	[sflag:s24] =	ssyncadd.s32 $0xFFFFFFE8  }
0x15f: {  	_ =	swait.ge [sflag:s24], $0x18  }
0x160: {  	[sflag:s24] =	ssyncset.done $0x0  }
0x161: {  	[sflag:s24] =	ssyncadd.s32 $0xFFFFFFE8  }
0x162: {  	_ =	swait.ge [sflag:s24], $0x18  }
0x163: {  	[sflag:s24] =	ssyncset.done $0x0  }
0x164: {  	[sflag:s24] =	ssyncadd.s32 $0xFFFFFFE8  }
0x165: {  	_ =	swait.ge [sflag:s24], $0x18  }
0x166: {  	[sflag:s24] =	ssyncset.done $0x0  }
0x167: {  	[sflag:s24] =	ssyncadd.s32 $0xFFFFFFE8  }
0x168: {  	_ =	swait.ge [sflag:s24], $0x18  }
0x169: {  	[sflag:s24] =	ssyncset.done $0x0  }
0x16a: {  	[sflag:s24] =	ssyncadd.s32 $0xFFFFFFE8  }
0x16b: {  	_ =	swait.ge [sflag:s24], $0x18  }
0x16c: {  	[sflag:s24] =	ssyncset.done $0x0  }
0x16d: {  	[sflag:s24] =	ssyncadd.s32 $0xFFFFFFE8  }
0x16e: {  	_ =	swait.ge [sflag:s24], $0x18  }
0x16f: {  	[sflag:s24] =	ssyncset.done $0x0  }
0x170: {  	[sflag:s24] =	ssyncadd.s32 $0xFFFFFFE8  }
0x171: {  	_ =	swait.ge [sflag:s24], $0x18  }
0x172: {  	[sflag:s24] =	ssyncset.done $0x0  }
0x173: {  	[sflag:s24] =	ssyncadd.s32 $0xFFFFFFE8  }
0x174: {  	_ =	swait.ge [sflag:s24], $0x18  }
0x175: {  	[sflag:s24] =	ssyncset.done $0x0  }
0x176: {  	[sflag:s24] =	ssyncadd.s32 $0xFFFFFFE8  }
0x177: {  	_ =	swait.ge [sflag:s24], $0x18  }
0x178: {  	[sflag:s24] =	ssyncset.done $0x0  }
0x179: {  	[sflag:s24] =	ssyncadd.s32 $0xFFFFFFE8  }
0x17a: {  	_ =	swait.ge [sflag:s24], $0x18  }
0x17b: {  	[sflag:s24] =	ssyncset.done $0x0  }
0x17c: {  	[sflag:s24] =	ssyncadd.s32 $0xFFFFFFE8  }
0x17d: {  	_ =	swait.ge [sflag:s24], $0x18  }
0x17e: {  	[sflag:s24] =	ssyncset.done $0x0  }
0x17f: {  	[sflag:s24] =	ssyncadd.s32 $0xFFFFFFE8  }
0x180: {  	_ =	swait.ge [sflag:s24], $0x18  }
0x181: {  	[sflag:s24] =	ssyncset.done $0x0  }
0x182: {  	[sflag:s24] =	ssyncadd.s32 $0xFFFFFFE8  }
0x183: {  	_ =	swait.ge [sflag:s24], $0x18  }
0x184: {  	[sflag:s24] =	ssyncset.done $0x0  }
0x185: {  	[sflag:s24] =	ssyncadd.s32 $0xFFFFFFE8  }
0x186: {  	_ =	swait.ge [sflag:s24], $0x18  }
0x187: {  	[sflag:s24] =	ssyncset.done $0x0  }
0x188: {  	[sflag:s24] =	ssyncadd.s32 $0xFFFFFFE8  }
0x189: {  	_ =	swait.ge [sflag:s24], $0x18  }
0x18a: {  	[sflag:s24] =	ssyncset.done $0x0  }
0x18b: {  	[sflag:s24] =	ssyncadd.s32 $0xFFFFFFE8  }
0x18c: {  	_ =	swait.ge [sflag:s24], $0x18  }
0x18d: {  	[sflag:s24] =	ssyncset.done $0x0  }
0x18e: {  	[sflag:s24] =	ssyncadd.s32 $0xFFFFFFE8  }
0x18f: {  	_ =	swait.ge [sflag:s24], $0x18  }
0x190: {  	[sflag:s24] =	ssyncset.done $0x0  }
0x191: {  	[sflag:s24] =	ssyncadd.s32 $0xFFFFFFE8  }
0x192: {  	_ =	swait.ge [sflag:s24], $0x18  }
0x193: {  	[sflag:s24] =	ssyncset.done $0x0  }
0x194: {  	[sflag:s24] =	ssyncadd.s32 $0xFFFFFFE8  }
0x195: {  	_ =	swait.ge [sflag:s24], $0x18  }
0x196: {  	[sflag:s24] =	ssyncset.done $0x0  }
0x197: {  	[sflag:s24] =	ssyncadd.s32 $0xFFFFFFE8  }
0x198: {  	_ =	swait.ge [sflag:s24], $0x18  }
0x199: {  	[sflag:s24] =	ssyncset.done $0x0  }
0x19a: {  	[sflag:s24] =	ssyncadd.s32 $0xFFFFFFE8  }
0x19b: {  	_ =	swait.ge [sflag:s24], $0x18  }
0x19c: {  	[sflag:s24] =	ssyncset.done $0x0  }
0x19d: {  	[sflag:s24] =	ssyncadd.s32 $0xFFFFFFE8  }
0x19e: {  	_ =	swait.ge [sflag:s24], $0x18  }
0x19f: {  	[sflag:s24] =	ssyncset.done $0x0  }
0x1a0: {  	[sflag:s24] =	ssyncadd.s32 $0xFFFFFFE8  }
0x1a1: {  	_ =	swait.ge [sflag:s24], $0x18  }
0x1a2: {  	[sflag:s24] =	ssyncset.done $0x0  }
0x1a3: {  	[sflag:s24] =	ssyncadd.s32 $0xFFFFFFE8  }
0x1a4: {  	_ =	swait.ge [sflag:s24], $0x18  }
0x1a5: {  	[sflag:s24] =	ssyncset.done $0x0  }
0x1a6: {  	[sflag:s24] =	ssyncadd.s32 $0xFFFFFFE8  }
0x1a7: {  	_ =	swait.ge [sflag:s24], $0x18  }
0x1a8: {  	[sflag:s24] =	ssyncset.done $0x0  }
0x1a9: {  	[sflag:s24] =	ssyncadd.s32 $0xFFFFFFE8  }
0x1aa: {  	_ =	swait.ge [sflag:s24], $0x18  }
0x1ab: {  	[sflag:s24] =	ssyncset.done $0x0  }
0x1ac: {  	[sflag:s24] =	ssyncadd.s32 $0xFFFFFFE8  }
0x1ad: {  	_ =	swait.ge [sflag:s24], $0x18  }
0x1ae: {  	[sflag:s24] =	ssyncset.done $0x0  }
0x1af: {  	[sflag:s24] =	ssyncadd.s32 $0xFFFFFFE8  }
0x1b0: {  	_ =	swait.ge [sflag:s24], $0x18  }
0x1b1: {  	[sflag:s24] =	ssyncset.done $0x0  }
0x1b2: {  	[sflag:s24] =	ssyncadd.s32 $0xFFFFFFE8  }
0x1b3: {  	_ =	swait.ge [sflag:s24], $0x18  }
0x1b4: {  	[sflag:s24] =	ssyncset.done $0x0  }
0x1b5: {  	[sflag:s24] =	ssyncadd.s32 $0xFFFFFFE8  }
0x1b6: {  	_ =	swait.ge [sflag:s24], $0x18  }
0x1b7: {  	[sflag:s24] =	ssyncset.done $0x0  }
0x1b8: {  	[sflag:s24] =	ssyncadd.s32 $0xFFFFFFE8  }
0x1b9: {  	_ =	swait.ge [sflag:s24], $0x18  }
0x1ba: {  	[sflag:s24] =	ssyncset.done $0x0  }
0x1bb: {  	[sflag:s24] =	ssyncadd.s32 $0xFFFFFFE8  }
0x1bc: {  	_ =	swait.ge [sflag:s24], $0x18  }
0x1bd: {  	[sflag:s24] =	ssyncset.done $0x0  }
0x1be: {  	[sflag:s24] =	ssyncadd.s32 $0xFFFFFFE8  }
0x1bf: {  	_ =	swait.ge [sflag:s24], $0x18  }
0x1c0: {  	[sflag:s24] =	ssyncset.done $0x0  }
0x1c1: {  	[sflag:s24] =	ssyncadd.s32 $0xFFFFFFE8  }
0x1c2: {  	_ =	swait.ge [sflag:s24], $0x18  }
0x1c3: {  	[sflag:s24] =	ssyncset.done $0x0  }
0x1c4: {  	[sflag:s24] =	ssyncadd.s32 $0xFFFFFFE8  }
0x1c5: {  	_ =	swait.ge [sflag:s24], $0x18  }
0x1c6: {  	[sflag:s24] =	ssyncset.done $0x0  }
0x1c7: {  	[sflag:s24] =	ssyncadd.s32 $0xFFFFFFE8  }
0x1c8: {  	_ =	swait.ge [sflag:s24], $0x18  }
0x1c9: {  	[sflag:s24] =	ssyncset.done $0x0  }
0x1ca: {  	[sflag:s24] =	ssyncadd.s32 $0xFFFFFFE8  }
0x1cb: {  	_ =	swait.ge [sflag:s24], $0x18  }
0x1cc: {  	[sflag:s24] =	ssyncset.done $0x0  }
0x1cd: {  	[sflag:s24] =	ssyncadd.s32 $0xFFFFFFE8  }
0x1ce: {  	_ =	swait.ge [sflag:s24], $0x18  }
0x1cf: {  	[sflag:s24] =	ssyncset.done $0x0  }
0x1d0: {  	[sflag:s24] =	ssyncadd.s32 $0xFFFFFFE8  }
0x1d1: {  	_ =	swait.ge [sflag:s24], $0x18  }
0x1d2: {  	[sflag:s24] =	ssyncset.done $0x0  }
0x1d3: {  	[sflag:s24] =	ssyncadd.s32 $0xFFFFFFE8  }
0x1d4: {  	_ =	swait.ge [sflag:s24], $0x18  }
0x1d5: {  	[sflag:s24] =	ssyncset.done $0x0  }
0x1d6: {  	[sflag:s24] =	ssyncadd.s32 $0xFFFFFFE8  }
0x1d7: {  	_ =	swait.ge [sflag:s24], $0x18  }
0x1d8: {  	[sflag:s24] =	ssyncset.done $0x0  }
0x1d9: {  	[sflag:s24] =	ssyncadd.s32 $0xFFFFFFE8  }
0x1da: {  	_ =	swait.ge [sflag:s24], $0x18  }
0x1db: {  	[sflag:s24] =	ssyncset.done $0x0  }
0x1dc: {  	[sflag:s24] =	ssyncadd.s32 $0xFFFFFFE8  }
0x1dd: {  	_ =	swait.ge [sflag:s24], $0x18  }
0x1de: {  	[sflag:s24] =	ssyncset.done $0x0  }
0x1df: {  	[sflag:s24] =	ssyncadd.s32 $0xFFFFFFE8  }
0x1e0: {  	_ =	swait.ge [sflag:s24], $0x18  }
0x1e1: {  	[sflag:s24] =	ssyncset.done $0x0  }
0x1e2: {  	[sflag:s24] =	ssyncadd.s32 $0xFFFFFFE8  }
0x1e3: {  	_ =	swait.ge [sflag:s24], $0x18  }
0x1e4: {  	[sflag:s24] =	ssyncset.done $0x0  }
0x1e5: {  	[sflag:s24] =	ssyncadd.s32 $0xFFFFFFE8  }
0x1e6: {  	_ =	swait.ge [sflag:s24], $0x18  }
0x1e7: {  	s25 =	simm.s32 $0x18;
	[sflag:s24] =	ssyncset.done $0x0  }
0x1e8: {  	s26 =	simm.s32 $0x618;
	s28 =	rddreg [dreg:$0xe];
	[sflag:s24] =	ssyncadd.s32 $0xFFFFFFE8  }
0x1e9: {  	[hbm4b:s28+s25] =	stream.strided.scatter [tilespmem:s10], [sflag:$0x1], $0x600, s26, s25, $0x38;
	[tilespmem:$0x18600] =	vst v63  }
0x1ea: {  	s30 =	rddreg [dreg:$0xf]  }
0x1eb: {  	[hbm4b:s30+s25] =	stream.strided.scatter [tilespmem:s10], [sflag:$0x1], $0x600, s26, s25, $0x38;
	[tilespmem:$0x18600] =	vst v63  }
0x1ec: {  	s28 =	rddreg [dreg:$0x10]  }
0x1ed: {  	[hbm4b:s28+s25] =	stream.strided.scatter [tilespmem:s10], [sflag:$0x1], $0x600, s26, s25, $0x38;
	[tilespmem:$0x18600] =	vst v63  }
0x1ee: {  	s0 =	rddreg [dreg:$0x11]  }
0x1ef: {  	[hbm4b:s0+s25] =	stream.strided.scatter [tilespmem:s10], [sflag:$0x1], $0x600, s26, s25, $0x38;
	[tilespmem:$0x18600] =	vst v63  }
0x1f0: {  	s28 =	rddreg [dreg:$0x12]  }
0x1f1: {  	[hbm4b:s28+s25] =	stream.strided.scatter [tilespmem:s10], [sflag:$0x1], $0x600, s26, s25, $0x38;
	[tilespmem:$0x18600] =	vst v63  }
0x1f2: {  	s31 =	rddreg [dreg:$0x13]  }
0x1f3: {  	[hbm4b:s31+s25] =	stream.strided.scatter [tilespmem:s10], [sflag:$0x1], $0x600, s26, s25, $0x38;
	[tilespmem:$0x18600] =	vst v63  }
0x1f4: {  	s28 =	rddreg [dreg:$0x14]  }
0x1f5: {  	[hbm4b:s28+s25] =	stream.strided.scatter [tilespmem:s10], [sflag:$0x1], $0x600, s26, s25, $0x38;
	[tilespmem:$0x18600] =	vst v63  }
0x1f6: {  	s0 =	rddreg [dreg:$0x15];
	s28 =	simm.s32 $0x1  }
0x1f7: {  	[hbm4b:s0+s25] =	stream.strided.scatter [tilespmem:s10], [sflag:$0x1], $0x600, s26, s25, $0x38;
	[tilespmem:$0x18600] =	vst v63  }
0x1f8: {  	_ =	swait.ge [sflag:s28], $0x1800  }
0x1f9: {  	[sflag:s28] =	ssyncset.done $0x0  }
0x1fa: {  	[sflag:s28] =	ssyncadd.s32 $0xFFFFE800  }
0x1fb: {  	_ =	swait.ge [sflag:s28], $0x1800  }
0x1fc: {  	[sflag:s28] =	ssyncset.done $0x0  }
0x1fd: {  	[sflag:s28] =	ssyncadd.s32 $0xFFFFE800  }
0x1fe: {  	_ =	swait.ge [sflag:s28], $0x1800  }
0x1ff: {  	[sflag:s28] =	ssyncset.done $0x0  }
0x200: {  	[sflag:s28] =	ssyncadd.s32 $0xFFFFE800  }
0x201: {  	_ =	swait.ge [sflag:s28], $0x1800  }
0x202: {  	[sflag:s28] =	ssyncset.done $0x0  }
0x203: {  	[sflag:s28] =	ssyncadd.s32 $0xFFFFE800  }
0x204: {  	_ =	swait.ge [sflag:s28], $0x1800  }
0x205: {  	[sflag:s28] =	ssyncset.done $0x0  }
0x206: {  	[sflag:s28] =	ssyncadd.s32 $0xFFFFE800  }
0x207: {  	_ =	swait.ge [sflag:s28], $0x1800  }
0x208: {  	[sflag:s28] =	ssyncset.done $0x0  }
0x209: {  	[sflag:s28] =	ssyncadd.s32 $0xFFFFE800  }
0x20a: {  	_ =	swait.ge [sflag:s28], $0x1800  }
0x20b: {  	[sflag:s28] =	ssyncset.done $0x0  }
0x20c: {  	[sflag:s28] =	ssyncadd.s32 $0xFFFFE800  }
0x20d: {  	_ =	swait.ge [sflag:s28], $0x1800  }
0x20e: {  	[sflag:s28] =	ssyncset.done $0x0  }
0x20f: {  	[sflag:s28] =	ssyncadd.s32 $0xFFFFE800  }
0x210: {  	_ =	swait.ge [sflag:s28], $0x1800  }
0x211: {  	[sflag:s28] =	ssyncset.done $0x0  }
0x212: {  	[sflag:s28] =	ssyncadd.s32 $0xFFFFE800  }
0x213: {  	_ =	swait.ge [sflag:s28], $0x1800  }
0x214: {  	[sflag:s28] =	ssyncset.done $0x0  }
0x215: {  	[sflag:s28] =	ssyncadd.s32 $0xFFFFE800  }
0x216: {  	_ =	swait.ge [sflag:s28], $0x1800  }
0x217: {  	[sflag:s28] =	ssyncset.done $0x0  }
0x218: {  	[sflag:s28] =	ssyncadd.s32 $0xFFFFE800  }
0x219: {  	_ =	swait.ge [sflag:s28], $0x1800  }
0x21a: {  	[sflag:s28] =	ssyncset.done $0x0  }
0x21b: {  	[sflag:s28] =	ssyncadd.s32 $0xFFFFE800  }
0x21c: {  	_ =	swait.ge [sflag:s28], $0x1800  }
0x21d: {  	[sflag:s28] =	ssyncset.done $0x0  }
0x21e: {  	[sflag:s28] =	ssyncadd.s32 $0xFFFFE800  }
0x21f: {  	_ =	swait.ge [sflag:s28], $0x1800  }
0x220: {  	[sflag:s28] =	ssyncset.done $0x0  }
0x221: {  	[sflag:s28] =	ssyncadd.s32 $0xFFFFE800  }
0x222: {  	_ =	swait.ge [sflag:s28], $0x1800  }
0x223: {  	[sflag:s28] =	ssyncset.done $0x0  }
0x224: {  	[sflag:s28] =	ssyncadd.s32 $0xFFFFE800  }
0x225: {  	_ =	swait.ge [sflag:s28], $0x1800  }
0x226: {  	[sflag:s28] =	ssyncset.done $0x0  }
0x227: {  	[sflag:s28] =	ssyncadd.s32 $0xFFFFE800  }
0x228: {  	_ =	swait.ge [sflag:s28], $0x600  }
0x229: {  	[sflag:s28] =	ssyncset.done $0x0  }
0x22a: {  	[sflag:s28] =	ssyncadd.s32 $0xFFFFFA00  }
0x22b: {  	_ =	swait.ge [sflag:s28], $0x600  }
0x22c: {  	s29 =	ssub.s32 $0x2, s29;
	[sflag:s28] =	ssyncset.done $0x0  }
0x22d: {  	s31 =	sshrl.u32 s29, $0x1;
	[sflag:s28] =	ssyncadd.s32 $0xFFFFFA00  }
0x22e: {  	s29 =	ssub.s32 s29, s31;
	_ =	swait.ge [sflag:s28], $0x600  }
0x22f: {  	s29 =	smax.u32 s29, $0x1;
	[sflag:s28] =	ssyncset.done $0x0  }
0x230: {  	s29 =	sadd.s32 $0xFFFFFFFF, s29;
	[sflag:s28] =	ssyncadd.s32 $0xFFFFFA00  }
0x231: {  	p1 =	sne.s32 s29, $0x0;
	_ =	swait.ge [sflag:s28], $0x600  }
.Ltmp0:
0x232: {  	[sflag:s28] =	ssyncset.done $0x0;
	(pc) =	sbr.rel @!p1 .LBB2_2-.Ltmp0, $4  }
0x233: {  	[sflag:s28] =	ssyncadd.s32 $0xFFFFFA00  }
0x234: {  	_ =	swait.ge [sflag:s28], $0x600  }
0x235: {  	[sflag:s28] =	ssyncset.done $0x0  }
0x236: {  	[sflag:s28] =	ssyncadd.s32 $0xFFFFFA00  }
.LBB2_1:
0x237: {  	_ =	swait.ge [sflag:s28], $0x600  }
0x238: {  	[sflag:s28] =	ssyncset.done $0x0  }
0x239: {  	[sflag:s28] =	ssyncadd.s32 $0xFFFFFA00  }
0x23a: {  	_ =	swait.ge [sflag:s28], $0x600  }
0x23b: {  	[sflag:s28] =	ssyncset.done $0x0  }
0x23c: {  	[sflag:s28] =	ssyncadd.s32 $0xFFFFFA00  }
0x23d: {  	_ =	swait.ge [sflag:s28], $0x600  }
0x23e: {  	[sflag:s28] =	ssyncset.done $0x0  }
0x23f: {  	s31 =	rddreg [dreg:$0x16];
	[sflag:s28] =	ssyncadd.s32 $0xFFFFFA00  }
0x240: {  	[tilespmem:s10], [sflag:$0x2] =	stream.linear.gather [hbm4b:s9+s1], $0x18, $0x38;
	[tilespmem:$0x18600] =	vst v63  }
0x241: {  	s0 =	rddreg [dreg:$0x17]  }
0x242: {  	[tilespmem:s31], [sflag:$0x2] =	stream.linear.gather [hbm4b:s9+s1], $0x18, $0x38;
	[tilespmem:$0x18600] =	vst v63  }
0x243: {  	s31 =	rddreg [dreg:$0x18]  }
0x244: {  	[tilespmem:s0], [sflag:$0x2] =	stream.linear.gather [hbm4b:s9+s1], $0x18, $0x38;
	[tilespmem:$0x18600] =	vst v63  }
0x245: {  	s0 =	rddreg [dreg:$0x19]  }
0x246: {  	[tilespmem:s31], [sflag:$0x2] =	stream.linear.gather [hbm4b:s9+s1], $0x18, $0x38;
	[tilespmem:$0x18600] =	vst v63  }
0x247: {  	s31 =	rddreg [dreg:$0x1a]  }
0x248: {  	[tilespmem:s0], [sflag:$0x2] =	stream.linear.gather [hbm4b:s9+s1], $0x18, $0x38;
	[tilespmem:$0x18600] =	vst v63  }
0x249: {  	s0 =	rddreg [dreg:$0x1b]  }
0x24a: {  	[tilespmem:s31], [sflag:$0x2] =	stream.linear.gather [hbm4b:s9+s1], $0x18, $0x38;
	[tilespmem:$0x18600] =	vst v63  }
0x24b: {  	s31 =	rddreg [dreg:$0x1c]  }
0x24c: {  	[tilespmem:s0], [sflag:$0x2] =	stream.linear.gather [hbm4b:s9+s1], $0x18, $0x38;
	[tilespmem:$0x18600] =	vst v63  }
0x24d: {  	s0 =	rddreg [dreg:$0x1d]  }
0x24e: {  	[tilespmem:s31], [sflag:$0x2] =	stream.linear.gather [hbm4b:s9+s1], $0x18, $0x38;
	[tilespmem:$0x18600] =	vst v63  }
0x24f: {  	s31 =	rddreg [dreg:$0x1e]  }
0x250: {  	[tilespmem:s0], [sflag:$0x2] =	stream.linear.gather [hbm4b:s9+s1], $0x18, $0x38;
	[tilespmem:$0x18600] =	vst v63  }
0x251: {  	s0 =	rddreg [dreg:$0x1f]  }
0x252: {  	[tilespmem:s31], [sflag:$0x2] =	stream.linear.gather [hbm4b:s9+s1], $0x18, $0x38;
	[tilespmem:$0x18600] =	vst v63  }
0x253: {  	s31 =	sld [smem:$0x7BF]  }
0x254: {  	[tilespmem:s0], [sflag:$0x2] =	stream.linear.gather [hbm4b:s9+s1], $0x18, $0x38;
	[tilespmem:$0x18600] =	vst v63  }
0x255: {  	s0 =	sld [smem:$0x7C0]  }
0x256: {  	[tilespmem:s31], [sflag:$0x2] =	stream.linear.gather [hbm4b:s9+s1], $0x18, $0x38;
	[tilespmem:$0x18600] =	vst v63  }
0x257: {  	s31 =	sld [smem:$0x7C1]  }
0x258: {  	[tilespmem:s0], [sflag:$0x2] =	stream.linear.gather [hbm4b:s9+s1], $0x18, $0x38;
	[tilespmem:$0x18600] =	vst v63  }
0x259: {  	s0 =	sld [smem:$0x7C2]  }
0x25a: {  	[tilespmem:s31], [sflag:$0x2] =	stream.linear.gather [hbm4b:s9+s1], $0x18, $0x38;
	[tilespmem:$0x18600] =	vst v63  }
0x25b: {  	s31 =	sld [smem:$0x7C3]  }
0x25c: {  	[tilespmem:s0], [sflag:$0x2] =	stream.linear.gather [hbm4b:s9+s1], $0x18, $0x38;
	[tilespmem:$0x18600] =	vst v63  }
0x25d: {  	s0 =	sld [smem:$0x7C4]  }
0x25e: {  	[tilespmem:s31], [sflag:$0x2] =	stream.linear.gather [hbm4b:s9+s1], $0x18, $0x38;
	[tilespmem:$0x18600] =	vst v63  }
0x25f: {  	s31 =	sld [smem:$0x7C5]  }
0x260: {  	[tilespmem:s0], [sflag:$0x2] =	stream.linear.gather [hbm4b:s9+s1], $0x18, $0x38;
	[tilespmem:$0x18600] =	vst v63  }
0x261: {  	s0 =	sld [smem:$0x7C6]  }
0x262: {  	[tilespmem:s31], [sflag:$0x2] =	stream.linear.gather [hbm4b:s9+s1], $0x18, $0x38;
	[tilespmem:$0x18600] =	vst v63  }
0x263: {  	s31 =	sld [smem:$0x7C7]  }
0x264: {  	[tilespmem:s0], [sflag:$0x2] =	stream.linear.gather [hbm4b:s9+s1], $0x18, $0x38;
	[tilespmem:$0x18600] =	vst v63  }
0x265: {  	s0 =	sld [smem:$0x7C8]  }
0x266: {  	[tilespmem:s31], [sflag:$0x2] =	stream.linear.gather [hbm4b:s9+s1], $0x18, $0x38;
	[tilespmem:$0x18600] =	vst v63  }
0x267: {  	s31 =	sld [smem:$0x7C9]  }
0x268: {  	[tilespmem:s0], [sflag:$0x2] =	stream.linear.gather [hbm4b:s9+s1], $0x18, $0x38;
	[tilespmem:$0x18600] =	vst v63  }
0x269: {  	s0 =	sld [smem:$0x7CA]  }
0x26a: {  	[tilespmem:s31], [sflag:$0x2] =	stream.linear.gather [hbm4b:s9+s1], $0x18, $0x38;
	[tilespmem:$0x18600] =	vst v63  }
0x26b: {  	s31 =	sld [smem:$0x7CB]  }
0x26c: {  	[tilespmem:s0], [sflag:$0x2] =	stream.linear.gather [hbm4b:s9+s1], $0x18, $0x38;
	[tilespmem:$0x18600] =	vst v63  }
0x26d: {  	s0 =	sld [smem:$0x7CC]  }
0x26e: {  	[tilespmem:s31], [sflag:$0x2] =	stream.linear.gather [hbm4b:s9+s1], $0x18, $0x38;
	[tilespmem:$0x18600] =	vst v63  }
0x26f: {  	s31 =	sld [smem:$0x7CD]  }
0x270: {  	[tilespmem:s0], [sflag:$0x2] =	stream.linear.gather [hbm4b:s9+s1], $0x18, $0x38;
	[tilespmem:$0x18600] =	vst v63  }
0x271: {  	s0 =	sld [smem:$0x7CE]  }
0x272: {  	[tilespmem:s31], [sflag:$0x2] =	stream.linear.gather [hbm4b:s9+s1], $0x18, $0x38;
	[tilespmem:$0x18600] =	vst v63  }
0x273: {  	s31 =	sld [smem:$0x7CF]  }
0x274: {  	[tilespmem:s0], [sflag:$0x2] =	stream.linear.gather [hbm4b:s9+s1], $0x18, $0x38;
	[tilespmem:$0x18600] =	vst v63  }
0x275: {  	s0 =	sld [smem:$0x7D0]  }
0x276: {  	[tilespmem:s31], [sflag:$0x2] =	stream.linear.gather [hbm4b:s9+s1], $0x18, $0x38;
	[tilespmem:$0x18600] =	vst v63  }
0x277: {  	s31 =	sld [smem:$0x7D1]  }
0x278: {  	[tilespmem:s0], [sflag:$0x2] =	stream.linear.gather [hbm4b:s9+s1], $0x18, $0x38;
	[tilespmem:$0x18600] =	vst v63  }
0x279: {  	s0 =	sld [smem:$0x7D2]  }
0x27a: {  	[tilespmem:s31], [sflag:$0x2] =	stream.linear.gather [hbm4b:s9+s1], $0x18, $0x38;
	[tilespmem:$0x18600] =	vst v63  }
0x27b: {  	s31 =	sld [smem:$0x7D3]  }
0x27c: {  	[tilespmem:s0], [sflag:$0x2] =	stream.linear.gather [hbm4b:s9+s1], $0x18, $0x38;
	[tilespmem:$0x18600] =	vst v63  }
0x27d: {  	s0 =	sld [smem:$0x7D4]  }
0x27e: {  	[tilespmem:s31], [sflag:$0x2] =	stream.linear.gather [hbm4b:s9+s1], $0x18, $0x38;
	[tilespmem:$0x18600] =	vst v63  }
0x27f: {  	s31 =	sld [smem:$0x7D5]  }
0x280: {  	[tilespmem:s0], [sflag:$0x2] =	stream.linear.gather [hbm4b:s9+s1], $0x18, $0x38;
	[tilespmem:$0x18600] =	vst v63  }
0x281: {  	s0 =	sld [smem:$0x7D6]  }
0x282: {  	[tilespmem:s31], [sflag:$0x2] =	stream.linear.gather [hbm4b:s9+s1], $0x18, $0x38;
	[tilespmem:$0x18600] =	vst v63  }
0x283: {  	s31 =	sld [smem:$0x7D7]  }
0x284: {  	[tilespmem:s0], [sflag:$0x2] =	stream.linear.gather [hbm4b:s9+s1], $0x18, $0x38;
	[tilespmem:$0x18600] =	vst v63  }
0x285: {  	s0 =	sld [smem:$0x7D8]  }
0x286: {  	[tilespmem:s31], [sflag:$0x2] =	stream.linear.gather [hbm4b:s9+s1], $0x18, $0x38;
	[tilespmem:$0x18600] =	vst v63  }
0x287: {  	s31 =	sld [smem:$0x7D9]  }
0x288: {  	[tilespmem:s0], [sflag:$0x2] =	stream.linear.gather [hbm4b:s9+s1], $0x18, $0x38;
	[tilespmem:$0x18600] =	vst v63  }
0x289: {  	s0 =	sld [smem:$0x7DA]  }
0x28a: {  	[tilespmem:s31], [sflag:$0x2] =	stream.linear.gather [hbm4b:s9+s1], $0x18, $0x38;
	[tilespmem:$0x18600] =	vst v63  }
0x28b: {  	s31 =	sld [smem:$0x7DB]  }
0x28c: {  	[tilespmem:s0], [sflag:$0x2] =	stream.linear.gather [hbm4b:s9+s1], $0x18, $0x38;
	[tilespmem:$0x18600] =	vst v63  }
0x28d: {  	s0 =	sld [smem:$0x7DC]  }
0x28e: {  	[tilespmem:s31], [sflag:$0x2] =	stream.linear.gather [hbm4b:s9+s1], $0x18, $0x38;
	[tilespmem:$0x18600] =	vst v63  }
0x28f: {  	s31 =	sld [smem:$0x7DD]  }
0x290: {  	[tilespmem:s0], [sflag:$0x2] =	stream.linear.gather [hbm4b:s9+s1], $0x18, $0x38;
	[tilespmem:$0x18600] =	vst v63  }
0x291: {  	s0 =	sld [smem:$0x7DE]  }
0x292: {  	[tilespmem:s31], [sflag:$0x2] =	stream.linear.gather [hbm4b:s9+s1], $0x18, $0x38;
	[tilespmem:$0x18600] =	vst v63  }
0x293: {  	s31 =	sld [smem:$0x7DF]  }
0x294: {  	[tilespmem:s0], [sflag:$0x2] =	stream.linear.gather [hbm4b:s9+s1], $0x18, $0x38;
	[tilespmem:$0x18600] =	vst v63  }
0x295: {  	s0 =	sld [smem:$0x7E0]  }
0x296: {  	[tilespmem:s31], [sflag:$0x2] =	stream.linear.gather [hbm4b:s9+s1], $0x18, $0x38;
	[tilespmem:$0x18600] =	vst v63  }
0x297: {  	s31 =	sld [smem:$0x7E1]  }
0x298: {  	[tilespmem:s0], [sflag:$0x2] =	stream.linear.gather [hbm4b:s9+s1], $0x18, $0x38;
	[tilespmem:$0x18600] =	vst v63  }
0x299: {  	s0 =	sld [smem:$0x7E2]  }
0x29a: {  	[tilespmem:s31], [sflag:$0x2] =	stream.linear.gather [hbm4b:s9+s1], $0x18, $0x38;
	[tilespmem:$0x18600] =	vst v63  }
0x29b: {  	s31 =	sld [smem:$0x7E3]  }
0x29c: {  	[tilespmem:s0], [sflag:$0x2] =	stream.linear.gather [hbm4b:s9+s1], $0x18, $0x38;
	[tilespmem:$0x18600] =	vst v63  }
0x29d: {  	s0 =	sld [smem:$0x7E4]  }
0x29e: {  	[tilespmem:s31], [sflag:$0x2] =	stream.linear.gather [hbm4b:s9+s1], $0x18, $0x38;
	[tilespmem:$0x18600] =	vst v63  }
0x29f: {  	s31 =	sld [smem:$0x7E5]  }
0x2a0: {  	[tilespmem:s0], [sflag:$0x2] =	stream.linear.gather [hbm4b:s9+s1], $0x18, $0x38;
	[tilespmem:$0x18600] =	vst v63  }
0x2a1: {  	s0 =	sld [smem:$0x7E6]  }
0x2a2: {  	[tilespmem:s31], [sflag:$0x2] =	stream.linear.gather [hbm4b:s9+s1], $0x18, $0x38;
	[tilespmem:$0x18600] =	vst v63  }
0x2a3: {  	s31 =	sld [smem:$0x7E7]  }
0x2a4: {  	[tilespmem:s0], [sflag:$0x2] =	stream.linear.gather [hbm4b:s9+s1], $0x18, $0x38;
	[tilespmem:$0x18600] =	vst v63  }
0x2a5: {  	s0 =	sld [smem:$0x7E8]  }
0x2a6: {  	[tilespmem:s31], [sflag:$0x2] =	stream.linear.gather [hbm4b:s9+s1], $0x18, $0x38;
	[tilespmem:$0x18600] =	vst v63  }
0x2a7: {  	s31 =	sld [smem:$0x7E9]  }
0x2a8: {  	[tilespmem:s0], [sflag:$0x2] =	stream.linear.gather [hbm4b:s9+s1], $0x18, $0x38;
	[tilespmem:$0x18600] =	vst v63  }
0x2a9: {  	s0 =	sld [smem:$0x7EA]  }
0x2aa: {  	[tilespmem:s31], [sflag:$0x2] =	stream.linear.gather [hbm4b:s9+s1], $0x18, $0x38;
	[tilespmem:$0x18600] =	vst v63  }
0x2ab: {  	s31 =	sld [smem:$0x7EB]  }
0x2ac: {  	[tilespmem:s0], [sflag:$0x2] =	stream.linear.gather [hbm4b:s9+s1], $0x18, $0x38;
	[tilespmem:$0x18600] =	vst v63  }
0x2ad: {  	s0 =	sld [smem:$0x7EC]  }
0x2ae: {  	[tilespmem:s31], [sflag:$0x2] =	stream.linear.gather [hbm4b:s9+s1], $0x18, $0x38;
	[tilespmem:$0x18600] =	vst v63  }
0x2af: {  	s31 =	sld [smem:$0x7ED]  }
0x2b0: {  	[tilespmem:s0], [sflag:$0x2] =	stream.linear.gather [hbm4b:s9+s1], $0x18, $0x38;
	[tilespmem:$0x18600] =	vst v63  }
0x2b1: {  	s0 =	sld [smem:$0x7EE]  }
0x2b2: {  	[tilespmem:s31], [sflag:$0x2] =	stream.linear.gather [hbm4b:s9+s1], $0x18, $0x38;
	[tilespmem:$0x18600] =	vst v63  }
0x2b3: {  	s31 =	sld [smem:$0x7EF]  }
0x2b4: {  	[tilespmem:s0], [sflag:$0x2] =	stream.linear.gather [hbm4b:s9+s1], $0x18, $0x38;
	[tilespmem:$0x18600] =	vst v63  }
0x2b5: {  	s0 =	sld [smem:$0x7F0]  }
0x2b6: {  	[tilespmem:s31], [sflag:$0x2] =	stream.linear.gather [hbm4b:s9+s1], $0x18, $0x38;
	[tilespmem:$0x18600] =	vst v63  }
0x2b7: {  	s31 =	sld [smem:$0x7F1]  }
0x2b8: {  	[tilespmem:s0], [sflag:$0x2] =	stream.linear.gather [hbm4b:s9+s1], $0x18, $0x38;
	[tilespmem:$0x18600] =	vst v63  }
0x2b9: {  	s0 =	sld [smem:$0x7F2]  }
0x2ba: {  	[tilespmem:s31], [sflag:$0x2] =	stream.linear.gather [hbm4b:s9+s1], $0x18, $0x38;
	[tilespmem:$0x18600] =	vst v63  }
0x2bb: {  	s31 =	sld [smem:$0x7F3]  }
0x2bc: {  	[tilespmem:s0], [sflag:$0x2] =	stream.linear.gather [hbm4b:s9+s1], $0x18, $0x38;
	[tilespmem:$0x18600] =	vst v63  }
0x2bd: {  	s30 =	rddreg [dreg:$0x4]  }
0x2be: {  	[tilespmem:s31], [sflag:$0x2] =	stream.linear.gather [hbm4b:s9+s1], $0x18, $0x38;
	[tilespmem:$0x18600] =	vst v63  }
0x2bf: {  	[spmem:s11], [sflag:s12] =	dma.local @!p0 [hbm:s30], $0x30000  }
0x2c0: {  	_ =	swait.ge @!p0 [sflag:s13], $0x30000  }
0x2c1: {  	[sflag:s13] =	ssyncset.done @!p0 $0x0  }
0x2c2: {  	[sflag:s13] =	ssyncadd.s32 @!p0 $0xFFFD0000  }
0x2c3: {  	[bflag:$0x0] =	sbarrier.arrive $0xFFFF  }
0x2c4: {  	s31 =	sld [smem:$0x7F4];
	_ =	sdelay $0x1  }
0x2c5: {  	s0 =	rddreg [dreg:$0x5]  }
0x2c6: {  	[hbm:s0@s15], [sflag:s17] =	dma.strided [spmem:s31@s16], $0x1800, s14, $0x10   }
0x2c7: {  	s30 =	sld [smem:$0x7F5];
	_ =	sdelay $0x1  }
0x2c8: {  	s0 =	rddreg [dreg:$0x6]  }
0x2c9: {  	[hbm:s0@s15], [sflag:s17] =	dma.strided [spmem:s30@s16], $0x1800, s14, $0x10   }
0x2ca: {  	s0 =	sld [smem:$0x7F6];
	_ =	sdelay $0x2  }
0x2cb: {  	[hbm:s2@s15], [sflag:s17] =	dma.strided [spmem:s0@s16], $0x1800, s14, $0x10   }
0x2cc: {  	s31 =	sld [smem:$0x7F7];
	_ =	sdelay $0x1  }
0x2cd: {  	s0 =	rddreg [dreg:$0x7]  }
0x2ce: {  	[hbm:s0@s15], [sflag:s17] =	dma.strided [spmem:s31@s16], $0x1800, s14, $0x10   }
0x2cf: {  	s0 =	sld [smem:$0x7F8];
	_ =	sdelay $0x2  }
0x2d0: {  	[hbm:s3@s15], [sflag:s17] =	dma.strided [spmem:s0@s16], $0x1800, s14, $0x10   }
0x2d1: {  	s31 =	sld [smem:$0x7F9];
	_ =	sdelay $0x1  }
0x2d2: {  	s0 =	rddreg [dreg:$0x8]  }
0x2d3: {  	[hbm:s0@s15], [sflag:s17] =	dma.strided [spmem:s31@s16], $0x1800, s14, $0x10   }
0x2d4: {  	s0 =	sld [smem:$0x7FA];
	_ =	sdelay $0x2  }
0x2d5: {  	[hbm:s4@s15], [sflag:s17] =	dma.strided [spmem:s0@s16], $0x1800, s14, $0x10   }
0x2d6: {  	s31 =	sld [smem:$0x7FB];
	_ =	sdelay $0x1  }
0x2d7: {  	s0 =	rddreg [dreg:$0x9]  }
0x2d8: {  	[hbm:s0@s15], [sflag:s17] =	dma.strided [spmem:s31@s16], $0x1800, s14, $0x10   }
0x2d9: {  	s0 =	sld [smem:$0x7FC];
	_ =	sdelay $0x2  }
0x2da: {  	[hbm:s5@s15], [sflag:s17] =	dma.strided [spmem:s0@s16], $0x1800, s14, $0x10   }
0x2db: {  	s31 =	sld [smem:$0x7FD];
	_ =	sdelay $0x1  }
0x2dc: {  	s0 =	rddreg [dreg:$0xa]  }
0x2dd: {  	[hbm:s0@s15], [sflag:s17] =	dma.strided [spmem:s31@s16], $0x1800, s14, $0x10   }
0x2de: {  	[hbm:s6@s15], [sflag:s17] =	dma.strided [spmem:s18@s16], $0x1800, s14, $0x10   }
0x2df: {  	s31 =	rddreg [dreg:$0xb]  }
0x2e0: {  	[hbm:s31@s15], [sflag:s17] =	dma.strided [spmem:s19@s16], $0x1800, s14, $0x10   }
0x2e1: {  	[hbm:s7@s15], [sflag:s17] =	dma.strided [spmem:s20@s16], $0x1800, s14, $0x10   }
0x2e2: {  	s30 =	rddreg [dreg:$0xc]  }
0x2e3: {  	[hbm:s30@s15], [sflag:s17] =	dma.strided [spmem:s21@s16], $0x1800, s14, $0x10   }
0x2e4: {  	[hbm:s8@s15], [sflag:s17] =	dma.strided [spmem:s22@s16], $0x1800, s14, $0x10   }
0x2e5: {  	s31 =	rddreg [dreg:$0xd]  }
0x2e6: {  	[hbm:s31@s15], [sflag:s17] =	dma.strided [spmem:s23@s16], $0x1800, s14, $0x10   }
0x2e7: {  	_ =	swait.ge [sflag:s24], $0x18  }
0x2e8: {  	[sflag:s24] =	ssyncset.done $0x0  }
0x2e9: {  	[sflag:s24] =	ssyncadd.s32 $0xFFFFFFE8  }
0x2ea: {  	_ =	swait.ge [sflag:s24], $0x18  }
0x2eb: {  	[sflag:s24] =	ssyncset.done $0x0  }
0x2ec: {  	[sflag:s24] =	ssyncadd.s32 $0xFFFFFFE8  }
0x2ed: {  	_ =	swait.ge [sflag:s24], $0x18  }
0x2ee: {  	[sflag:s24] =	ssyncset.done $0x0  }
0x2ef: {  	[sflag:s24] =	ssyncadd.s32 $0xFFFFFFE8  }
0x2f0: {  	_ =	swait.ge [sflag:s24], $0x18  }
0x2f1: {  	[sflag:s24] =	ssyncset.done $0x0  }
0x2f2: {  	[sflag:s24] =	ssyncadd.s32 $0xFFFFFFE8  }
0x2f3: {  	_ =	swait.ge [sflag:s24], $0x18  }
0x2f4: {  	[sflag:s24] =	ssyncset.done $0x0  }
0x2f5: {  	[sflag:s24] =	ssyncadd.s32 $0xFFFFFFE8  }
0x2f6: {  	_ =	swait.ge [sflag:s24], $0x18  }
0x2f7: {  	[sflag:s24] =	ssyncset.done $0x0  }
0x2f8: {  	[sflag:s24] =	ssyncadd.s32 $0xFFFFFFE8  }
0x2f9: {  	_ =	swait.ge [sflag:s24], $0x18  }
0x2fa: {  	[sflag:s24] =	ssyncset.done $0x0  }
0x2fb: {  	[sflag:s24] =	ssyncadd.s32 $0xFFFFFFE8  }
0x2fc: {  	_ =	swait.ge [sflag:s24], $0x18  }
0x2fd: {  	[sflag:s24] =	ssyncset.done $0x0  }
0x2fe: {  	[sflag:s24] =	ssyncadd.s32 $0xFFFFFFE8  }
0x2ff: {  	_ =	swait.ge [sflag:s24], $0x18  }
0x300: {  	[sflag:s24] =	ssyncset.done $0x0  }
0x301: {  	[sflag:s24] =	ssyncadd.s32 $0xFFFFFFE8  }
0x302: {  	_ =	swait.ge [sflag:s24], $0x18  }
0x303: {  	[sflag:s24] =	ssyncset.done $0x0  }
0x304: {  	[sflag:s24] =	ssyncadd.s32 $0xFFFFFFE8  }
0x305: {  	_ =	swait.ge [sflag:s24], $0x18  }
0x306: {  	[sflag:s24] =	ssyncset.done $0x0  }
0x307: {  	[sflag:s24] =	ssyncadd.s32 $0xFFFFFFE8  }
0x308: {  	_ =	swait.ge [sflag:s24], $0x18  }
0x309: {  	[sflag:s24] =	ssyncset.done $0x0  }
0x30a: {  	[sflag:s24] =	ssyncadd.s32 $0xFFFFFFE8  }
0x30b: {  	_ =	swait.ge [sflag:s24], $0x18  }
0x30c: {  	[sflag:s24] =	ssyncset.done $0x0  }
0x30d: {  	[sflag:s24] =	ssyncadd.s32 $0xFFFFFFE8  }
0x30e: {  	_ =	swait.ge [sflag:s24], $0x18  }
0x30f: {  	[sflag:s24] =	ssyncset.done $0x0  }
0x310: {  	[sflag:s24] =	ssyncadd.s32 $0xFFFFFFE8  }
0x311: {  	_ =	swait.ge [sflag:s24], $0x18  }
0x312: {  	[sflag:s24] =	ssyncset.done $0x0  }
0x313: {  	[sflag:s24] =	ssyncadd.s32 $0xFFFFFFE8  }
0x314: {  	_ =	swait.ge [sflag:s24], $0x18  }
0x315: {  	[sflag:s24] =	ssyncset.done $0x0  }
0x316: {  	[sflag:s24] =	ssyncadd.s32 $0xFFFFFFE8  }
0x317: {  	_ =	swait.ge [sflag:s24], $0x18  }
0x318: {  	[sflag:s24] =	ssyncset.done $0x0  }
0x319: {  	[sflag:s24] =	ssyncadd.s32 $0xFFFFFFE8  }
0x31a: {  	_ =	swait.ge [sflag:s24], $0x18  }
0x31b: {  	[sflag:s24] =	ssyncset.done $0x0  }
0x31c: {  	[sflag:s24] =	ssyncadd.s32 $0xFFFFFFE8  }
0x31d: {  	_ =	swait.ge [sflag:s24], $0x18  }
0x31e: {  	[sflag:s24] =	ssyncset.done $0x0  }
0x31f: {  	[sflag:s24] =	ssyncadd.s32 $0xFFFFFFE8  }
0x320: {  	_ =	swait.ge [sflag:s24], $0x18  }
0x321: {  	[sflag:s24] =	ssyncset.done $0x0  }
0x322: {  	[sflag:s24] =	ssyncadd.s32 $0xFFFFFFE8  }
0x323: {  	_ =	swait.ge [sflag:s24], $0x18  }
0x324: {  	[sflag:s24] =	ssyncset.done $0x0  }
0x325: {  	[sflag:s24] =	ssyncadd.s32 $0xFFFFFFE8  }
0x326: {  	_ =	swait.ge [sflag:s24], $0x18  }
0x327: {  	[sflag:s24] =	ssyncset.done $0x0  }
0x328: {  	[sflag:s24] =	ssyncadd.s32 $0xFFFFFFE8  }
0x329: {  	_ =	swait.ge [sflag:s24], $0x18  }
0x32a: {  	[sflag:s24] =	ssyncset.done $0x0  }
0x32b: {  	[sflag:s24] =	ssyncadd.s32 $0xFFFFFFE8  }
0x32c: {  	_ =	swait.ge [sflag:s24], $0x18  }
0x32d: {  	[sflag:s24] =	ssyncset.done $0x0  }
0x32e: {  	[sflag:s24] =	ssyncadd.s32 $0xFFFFFFE8  }
0x32f: {  	_ =	swait.ge [sflag:s24], $0x18  }
0x330: {  	[sflag:s24] =	ssyncset.done $0x0  }
0x331: {  	[sflag:s24] =	ssyncadd.s32 $0xFFFFFFE8  }
0x332: {  	_ =	swait.ge [sflag:s24], $0x18  }
0x333: {  	[sflag:s24] =	ssyncset.done $0x0  }
0x334: {  	[sflag:s24] =	ssyncadd.s32 $0xFFFFFFE8  }
0x335: {  	_ =	swait.ge [sflag:s24], $0x18  }
0x336: {  	[sflag:s24] =	ssyncset.done $0x0  }
0x337: {  	[sflag:s24] =	ssyncadd.s32 $0xFFFFFFE8  }
0x338: {  	_ =	swait.ge [sflag:s24], $0x18  }
0x339: {  	[sflag:s24] =	ssyncset.done $0x0  }
0x33a: {  	[sflag:s24] =	ssyncadd.s32 $0xFFFFFFE8  }
0x33b: {  	_ =	swait.ge [sflag:s24], $0x18  }
0x33c: {  	[sflag:s24] =	ssyncset.done $0x0  }
0x33d: {  	[sflag:s24] =	ssyncadd.s32 $0xFFFFFFE8  }
0x33e: {  	_ =	swait.ge [sflag:s24], $0x18  }
0x33f: {  	[sflag:s24] =	ssyncset.done $0x0  }
0x340: {  	[sflag:s24] =	ssyncadd.s32 $0xFFFFFFE8  }
0x341: {  	_ =	swait.ge [sflag:s24], $0x18  }
0x342: {  	[sflag:s24] =	ssyncset.done $0x0  }
0x343: {  	[sflag:s24] =	ssyncadd.s32 $0xFFFFFFE8  }
0x344: {  	_ =	swait.ge [sflag:s24], $0x18  }
0x345: {  	[sflag:s24] =	ssyncset.done $0x0  }
0x346: {  	[sflag:s24] =	ssyncadd.s32 $0xFFFFFFE8  }
0x347: {  	_ =	swait.ge [sflag:s24], $0x18  }
0x348: {  	[sflag:s24] =	ssyncset.done $0x0  }
0x349: {  	[sflag:s24] =	ssyncadd.s32 $0xFFFFFFE8  }
0x34a: {  	_ =	swait.ge [sflag:s24], $0x18  }
0x34b: {  	[sflag:s24] =	ssyncset.done $0x0  }
0x34c: {  	[sflag:s24] =	ssyncadd.s32 $0xFFFFFFE8  }
0x34d: {  	_ =	swait.ge [sflag:s24], $0x18  }
0x34e: {  	[sflag:s24] =	ssyncset.done $0x0  }
0x34f: {  	[sflag:s24] =	ssyncadd.s32 $0xFFFFFFE8  }
0x350: {  	_ =	swait.ge [sflag:s24], $0x18  }
0x351: {  	[sflag:s24] =	ssyncset.done $0x0  }
0x352: {  	[sflag:s24] =	ssyncadd.s32 $0xFFFFFFE8  }
0x353: {  	_ =	swait.ge [sflag:s24], $0x18  }
0x354: {  	[sflag:s24] =	ssyncset.done $0x0  }
0x355: {  	[sflag:s24] =	ssyncadd.s32 $0xFFFFFFE8  }
0x356: {  	_ =	swait.ge [sflag:s24], $0x18  }
0x357: {  	[sflag:s24] =	ssyncset.done $0x0  }
0x358: {  	[sflag:s24] =	ssyncadd.s32 $0xFFFFFFE8  }
0x359: {  	_ =	swait.ge [sflag:s24], $0x18  }
0x35a: {  	[sflag:s24] =	ssyncset.done $0x0  }
0x35b: {  	[sflag:s24] =	ssyncadd.s32 $0xFFFFFFE8  }
0x35c: {  	_ =	swait.ge [sflag:s24], $0x18  }
0x35d: {  	[sflag:s24] =	ssyncset.done $0x0  }
0x35e: {  	[sflag:s24] =	ssyncadd.s32 $0xFFFFFFE8  }
0x35f: {  	_ =	swait.ge [sflag:s24], $0x18  }
0x360: {  	[sflag:s24] =	ssyncset.done $0x0  }
0x361: {  	[sflag:s24] =	ssyncadd.s32 $0xFFFFFFE8  }
0x362: {  	_ =	swait.ge [sflag:s24], $0x18  }
0x363: {  	[sflag:s24] =	ssyncset.done $0x0  }
0x364: {  	[sflag:s24] =	ssyncadd.s32 $0xFFFFFFE8  }
0x365: {  	_ =	swait.ge [sflag:s24], $0x18  }
0x366: {  	[sflag:s24] =	ssyncset.done $0x0  }
0x367: {  	[sflag:s24] =	ssyncadd.s32 $0xFFFFFFE8  }
0x368: {  	_ =	swait.ge [sflag:s24], $0x18  }
0x369: {  	[sflag:s24] =	ssyncset.done $0x0  }
0x36a: {  	[sflag:s24] =	ssyncadd.s32 $0xFFFFFFE8  }
0x36b: {  	_ =	swait.ge [sflag:s24], $0x18  }
0x36c: {  	[sflag:s24] =	ssyncset.done $0x0  }
0x36d: {  	[sflag:s24] =	ssyncadd.s32 $0xFFFFFFE8  }
0x36e: {  	_ =	swait.ge [sflag:s24], $0x18  }
0x36f: {  	[sflag:s24] =	ssyncset.done $0x0  }
0x370: {  	[sflag:s24] =	ssyncadd.s32 $0xFFFFFFE8  }
0x371: {  	_ =	swait.ge [sflag:s24], $0x18  }
0x372: {  	[sflag:s24] =	ssyncset.done $0x0  }
0x373: {  	[sflag:s24] =	ssyncadd.s32 $0xFFFFFFE8  }
0x374: {  	_ =	swait.ge [sflag:s24], $0x18  }
0x375: {  	[sflag:s24] =	ssyncset.done $0x0  }
0x376: {  	[sflag:s24] =	ssyncadd.s32 $0xFFFFFFE8  }
0x377: {  	_ =	swait.ge [sflag:s24], $0x18  }
0x378: {  	[sflag:s24] =	ssyncset.done $0x0  }
0x379: {  	[sflag:s24] =	ssyncadd.s32 $0xFFFFFFE8  }
0x37a: {  	_ =	swait.ge [sflag:s24], $0x18  }
0x37b: {  	[sflag:s24] =	ssyncset.done $0x0  }
0x37c: {  	[sflag:s24] =	ssyncadd.s32 $0xFFFFFFE8  }
0x37d: {  	_ =	swait.ge [sflag:s24], $0x18  }
0x37e: {  	[sflag:s24] =	ssyncset.done $0x0  }
0x37f: {  	[sflag:s24] =	ssyncadd.s32 $0xFFFFFFE8  }
0x380: {  	_ =	swait.ge [sflag:s24], $0x18  }
0x381: {  	[sflag:s24] =	ssyncset.done $0x0  }
0x382: {  	[sflag:s24] =	ssyncadd.s32 $0xFFFFFFE8  }
0x383: {  	_ =	swait.ge [sflag:s24], $0x18  }
0x384: {  	[sflag:s24] =	ssyncset.done $0x0  }
0x385: {  	[sflag:s24] =	ssyncadd.s32 $0xFFFFFFE8  }
0x386: {  	_ =	swait.ge [sflag:s24], $0x18  }
0x387: {  	[sflag:s24] =	ssyncset.done $0x0  }
0x388: {  	[sflag:s24] =	ssyncadd.s32 $0xFFFFFFE8  }
0x389: {  	_ =	swait.ge [sflag:s24], $0x18  }
0x38a: {  	[sflag:s24] =	ssyncset.done $0x0  }
0x38b: {  	[sflag:s24] =	ssyncadd.s32 $0xFFFFFFE8  }
0x38c: {  	_ =	swait.ge [sflag:s24], $0x18  }
0x38d: {  	[sflag:s24] =	ssyncset.done $0x0  }
0x38e: {  	[sflag:s24] =	ssyncadd.s32 $0xFFFFFFE8  }
0x38f: {  	_ =	swait.ge [sflag:s24], $0x18  }
0x390: {  	[sflag:s24] =	ssyncset.done $0x0  }
0x391: {  	[sflag:s24] =	ssyncadd.s32 $0xFFFFFFE8  }
0x392: {  	_ =	swait.ge [sflag:s24], $0x18  }
0x393: {  	[sflag:s24] =	ssyncset.done $0x0  }
0x394: {  	[sflag:s24] =	ssyncadd.s32 $0xFFFFFFE8  }
0x395: {  	_ =	swait.ge [sflag:s24], $0x18  }
0x396: {  	[sflag:s24] =	ssyncset.done $0x0  }
0x397: {  	[sflag:s24] =	ssyncadd.s32 $0xFFFFFFE8  }
0x398: {  	_ =	swait.ge [sflag:s24], $0x18  }
0x399: {  	[sflag:s24] =	ssyncset.done $0x0  }
0x39a: {  	[sflag:s24] =	ssyncadd.s32 $0xFFFFFFE8  }
0x39b: {  	_ =	swait.ge [sflag:s24], $0x18  }
0x39c: {  	[sflag:s24] =	ssyncset.done $0x0  }
0x39d: {  	[sflag:s24] =	ssyncadd.s32 $0xFFFFFFE8  }
0x39e: {  	_ =	swait.ge [sflag:s24], $0x18  }
0x39f: {  	[sflag:s24] =	ssyncset.done $0x0  }
0x3a0: {  	[sflag:s24] =	ssyncadd.s32 $0xFFFFFFE8  }
0x3a1: {  	_ =	swait.ge [sflag:s24], $0x18  }
0x3a2: {  	[sflag:s24] =	ssyncset.done $0x0  }
0x3a3: {  	[sflag:s24] =	ssyncadd.s32 $0xFFFFFFE8  }
0x3a4: {  	_ =	swait.ge [sflag:s24], $0x18  }
0x3a5: {  	[sflag:s24] =	ssyncset.done $0x0  }
0x3a6: {  	s0 =	rddreg [dreg:$0xe];
	[sflag:s24] =	ssyncadd.s32 $0xFFFFFFE8  }
0x3a7: {  	[hbm4b:s0+s25] =	stream.strided.scatter [tilespmem:s10], [sflag:$0x1], $0x600, s26, s25, $0x38;
	[tilespmem:$0x18600] =	vst v63  }
0x3a8: {  	s30 =	rddreg [dreg:$0xf]  }
0x3a9: {  	[hbm4b:s30+s25] =	stream.strided.scatter [tilespmem:s10], [sflag:$0x1], $0x600, s26, s25, $0x38;
	[tilespmem:$0x18600] =	vst v63  }
0x3aa: {  	s31 =	rddreg [dreg:$0x10]  }
0x3ab: {  	[hbm4b:s31+s25] =	stream.strided.scatter [tilespmem:s10], [sflag:$0x1], $0x600, s26, s25, $0x38;
	[tilespmem:$0x18600] =	vst v63  }
0x3ac: {  	s0 =	rddreg [dreg:$0x11]  }
0x3ad: {  	[hbm4b:s0+s25] =	stream.strided.scatter [tilespmem:s10], [sflag:$0x1], $0x600, s26, s25, $0x38;
	[tilespmem:$0x18600] =	vst v63  }
0x3ae: {  	s31 =	rddreg [dreg:$0x12]  }
0x3af: {  	[hbm4b:s31+s25] =	stream.strided.scatter [tilespmem:s10], [sflag:$0x1], $0x600, s26, s25, $0x38;
	[tilespmem:$0x18600] =	vst v63  }
0x3b0: {  	s30 =	rddreg [dreg:$0x13]  }
0x3b1: {  	[hbm4b:s30+s25] =	stream.strided.scatter [tilespmem:s10], [sflag:$0x1], $0x600, s26, s25, $0x38;
	[tilespmem:$0x18600] =	vst v63  }
0x3b2: {  	s0 =	rddreg [dreg:$0x14]  }
0x3b3: {  	[hbm4b:s0+s25] =	stream.strided.scatter [tilespmem:s10], [sflag:$0x1], $0x600, s26, s25, $0x38;
	[tilespmem:$0x18600] =	vst v63  }
0x3b4: {  	s31 =	rddreg [dreg:$0x15]  }
0x3b5: {  	[hbm4b:s31+s25] =	stream.strided.scatter [tilespmem:s10], [sflag:$0x1], $0x600, s26, s25, $0x38;
	[tilespmem:$0x18600] =	vst v63  }
0x3b6: {  	_ =	swait.ge [sflag:s28], $0x1800  }
0x3b7: {  	[sflag:s28] =	ssyncset.done $0x0  }
0x3b8: {  	[sflag:s28] =	ssyncadd.s32 $0xFFFFE800  }
0x3b9: {  	_ =	swait.ge [sflag:s28], $0x1800  }
0x3ba: {  	[sflag:s28] =	ssyncset.done $0x0  }
0x3bb: {  	[sflag:s28] =	ssyncadd.s32 $0xFFFFE800  }
0x3bc: {  	_ =	swait.ge [sflag:s28], $0x1800  }
0x3bd: {  	[sflag:s28] =	ssyncset.done $0x0  }
0x3be: {  	[sflag:s28] =	ssyncadd.s32 $0xFFFFE800  }
0x3bf: {  	_ =	swait.ge [sflag:s28], $0x1800  }
0x3c0: {  	[sflag:s28] =	ssyncset.done $0x0  }
0x3c1: {  	[sflag:s28] =	ssyncadd.s32 $0xFFFFE800  }
0x3c2: {  	_ =	swait.ge [sflag:s28], $0x1800  }
0x3c3: {  	[sflag:s28] =	ssyncset.done $0x0  }
0x3c4: {  	[sflag:s28] =	ssyncadd.s32 $0xFFFFE800  }
0x3c5: {  	_ =	swait.ge [sflag:s28], $0x1800  }
0x3c6: {  	[sflag:s28] =	ssyncset.done $0x0  }
0x3c7: {  	[sflag:s28] =	ssyncadd.s32 $0xFFFFE800  }
0x3c8: {  	_ =	swait.ge [sflag:s28], $0x1800  }
0x3c9: {  	[sflag:s28] =	ssyncset.done $0x0  }
0x3ca: {  	[sflag:s28] =	ssyncadd.s32 $0xFFFFE800  }
0x3cb: {  	_ =	swait.ge [sflag:s28], $0x1800  }
0x3cc: {  	[sflag:s28] =	ssyncset.done $0x0  }
0x3cd: {  	[sflag:s28] =	ssyncadd.s32 $0xFFFFE800  }
0x3ce: {  	_ =	swait.ge [sflag:s28], $0x1800  }
0x3cf: {  	[sflag:s28] =	ssyncset.done $0x0  }
0x3d0: {  	[sflag:s28] =	ssyncadd.s32 $0xFFFFE800  }
0x3d1: {  	_ =	swait.ge [sflag:s28], $0x1800  }
0x3d2: {  	[sflag:s28] =	ssyncset.done $0x0  }
0x3d3: {  	[sflag:s28] =	ssyncadd.s32 $0xFFFFE800  }
0x3d4: {  	_ =	swait.ge [sflag:s28], $0x1800  }
0x3d5: {  	[sflag:s28] =	ssyncset.done $0x0  }
0x3d6: {  	[sflag:s28] =	ssyncadd.s32 $0xFFFFE800  }
0x3d7: {  	_ =	swait.ge [sflag:s28], $0x1800  }
0x3d8: {  	[sflag:s28] =	ssyncset.done $0x0  }
0x3d9: {  	[sflag:s28] =	ssyncadd.s32 $0xFFFFE800  }
0x3da: {  	_ =	swait.ge [sflag:s28], $0x1800  }
0x3db: {  	[sflag:s28] =	ssyncset.done $0x0  }
0x3dc: {  	[sflag:s28] =	ssyncadd.s32 $0xFFFFE800  }
0x3dd: {  	_ =	swait.ge [sflag:s28], $0x1800  }
0x3de: {  	[sflag:s28] =	ssyncset.done $0x0  }
0x3df: {  	[sflag:s28] =	ssyncadd.s32 $0xFFFFE800  }
0x3e0: {  	_ =	swait.ge [sflag:s28], $0x1800  }
0x3e1: {  	[sflag:s28] =	ssyncset.done $0x0  }
0x3e2: {  	[sflag:s28] =	ssyncadd.s32 $0xFFFFE800  }
0x3e3: {  	_ =	swait.ge [sflag:s28], $0x1800  }
0x3e4: {  	[sflag:s28] =	ssyncset.done $0x0  }
0x3e5: {  	[sflag:s28] =	ssyncadd.s32 $0xFFFFE800  }
0x3e6: {  	_ =	swait.ge [sflag:s28], $0x600  }
0x3e7: {  	[sflag:s28] =	ssyncset.done $0x0  }
0x3e8: {  	[sflag:s28] =	ssyncadd.s32 $0xFFFFFA00  }
0x3e9: {  	_ =	swait.ge [sflag:s28], $0x600  }
0x3ea: {  	[sflag:s28] =	ssyncset.done $0x0  }
0x3eb: {  	[sflag:s28] =	ssyncadd.s32 $0xFFFFFA00  }
0x3ec: {  	_ =	swait.ge [sflag:s28], $0x600  }
0x3ed: {  	[sflag:s28] =	ssyncset.done $0x0  }
0x3ee: {  	s29 =	sadd.s32 $0xFFFFFFFF, s29;
	[sflag:s28] =	ssyncadd.s32 $0xFFFFFA00  }
0x3ef: {  	p1 =	sne.s32 s29, $0x0;
	_ =	swait.ge [sflag:s28], $0x600  }
.Ltmp1:
0x3f0: {  	[sflag:s28] =	ssyncset.done $0x0;
	(pc) =	sbr.rel @p1 .LBB2_1-.Ltmp1, $4  }
0x3f1: {  	[sflag:s28] =	ssyncadd.s32 $0xFFFFFA00  }
0x3f2: {  	_ =	swait.ge [sflag:s28], $0x600  }
0x3f3: {  	[sflag:s28] =	ssyncset.done $0x0  }
0x3f4: {  	[sflag:s28] =	ssyncadd.s32 $0xFFFFFA00  }
.LBB2_2:
0x3f5: {  	_ =	swait.ge [sflag:s28], $0x600  }
0x3f6: {  	[sflag:s28] =	ssyncset.done $0x0  }
0x3f7: {  	[sflag:s28] =	ssyncadd.s32 $0xFFFFFA00  }
0x3f8: {  	_ =	swait.ge [sflag:s28], $0x600  }
0x3f9: {  	[sflag:s28] =	ssyncset.done $0x0  }
0x3fa: {  	[sflag:s28] =	ssyncadd.s32 $0xFFFFFA00  }
0x3fb: {  	_ =	swait.ge [sflag:s28], $0x600  }
0x3fc: {  	[sflag:s28] =	ssyncset.done $0x0  }
0x3fd: {  	[sflag:s28] =	ssyncadd.s32 $0xFFFFFA00  }
0x3fe: {  	_ =	sfence.sel $0x180000  }
0x3ff: {  	[bflag:$0x0] =	sbarrier.arrive $0xFFFF  }
0x400: {  	_ =	strace $0x90000047  }
0x401: {  	[bflag:$0x2] =	sbarrier.arrive $0xFFFF  }
0x402: {  	s0 =	rddreg [dreg:$0x3]  }
0x403: {  	s0 =	sadd.s32 @!p0 $0x100000, s0  }
0x404: {  	[sflag:s0] =	ssyncadd.tile.s32 @!p0 $0x1;
	_ =	shalt  }
.Lfunc_end2:
_tile_overlayer_lowered:
.L_overlay_start_2:
0x405: {  	(tag) =	ssettag $0x2  }
0x406: {  	s0 =	rddreg [dreg:$0x0];
	s2 =	stileid.u32  }
0x407: {  	s1 =	rddreg [dreg:$0x1];
	p0 =	sne.s32 s2, $0x0  }
0x408: {  	s3 =	rddreg [dreg:$0x2];
	[bflag:$0x3] =	sbarrier.arrive $0xFFFF;
	s2 =	simm.s32 @!p0 $0x1C03  }
0x409: {  	[timem:s3], [sflag:s2] =	dma.local @!p0 [hbm:s0], s1  }
0x40a: {  	s0 =	simm.s32 @!p0 $0x3  }
0x40b: {  	_ =	swait.ge @!p0 [sflag:s0], s1  }
0x40c: {  	s1 =	ssub.s32 @!p0 $0x0, s1;
	[sflag:s0] =	ssyncset.done @!p0 $0x0  }
0x40d: {  	[sflag:s0] =	ssyncadd.s32 @!p0 s1  }
0x40e: {  	[bflag:$0x3] =	sbarrier.arrive $0xFFFF  }
0x40f: {  	_ =	shalt  }

// kernel: sparse-core-data-format-call.cloned.1.call-start
scs
called_computation_lowered:
.L_overlay_start_0:
0x0: {  	s2 =	sld [smem:$0x3FD9]  }
0x1: {  	s3 =	sld [smem:$0x3FFE];
	_ =	sdelay $0x1  }
0x2: {  	s1 =	srdreg.scid  }
0x3: {  	s0 =	sand.u32 $0x1, s1  }
0x4: {  	s18 =	sshll.u32 s0, $0xA;
	s2 =	sadd.s32 s3, s2  }
0x5: {  	s2 =	sadd.s32 s2, s18  }
0x6: {  	[smem:$0x3FC6] =	sst s2  }
0x7: {  	_ = 	snop  }
0x8: {  	s2 =	sld [smem:$0x3FD0];
	(tm) =	ssettm $0x1  }
0x9: {  	s19 =	sld [smem:$0x3FFB];
	_ =	sdelay $0x3  }
0xa: {  	_ =	strace s19  }
0xb: {  	s3 =	sld [smem:$0x3FFC];
	_ =	sdelay $0x3  }
0xc: {  	_ =	strace s3  }
0xd: {  	s3 =	sld [smem:$0x3FFD];
	_ =	sdelay $0x3  }
0xe: {  	_ =	strace s3  }
0xf: {  	_ =	strace $0x8FFFFFFF  }
0x10: {  	s20 =	sld [smem:$0x3FDB];
	_ =	sdelay $0x1  }
0x11: {  	s4 =	simm.s32 $_scs_section_size  }
0x12: {  	s5 =	simm.s32 $_size__tile_overlayer_lowered;
	s6 =	simm.s32 $_tile_overlayer_lowered  }
0x13: {  	s23 =	simm.s32 $0x1BFF;
	s22 =	sshll.u32 s6, $0x1;
	s3 =	sadd.s32 s4, s20  }
0x14: {  	s7 =	simm.s32 $0x0;
	s21 =	sshll.u32 s5, $0x1;
	s5 =	sadd.s32 s22, s3  }
0x15: {  	[timem:s7], [sflag:s23] =	dma.local [hbm:s5], s21  }
0x16: {  	_ =	swait.ge [sflag:s23], s21  }
0x17: {  	s4 =	ssub.s32 $0x0, s21;
	[sflag:s23] =	ssyncset.done $0x0  }
0x18: {  	[sflag:s23] =	ssyncadd.s32 s4;
	_ =	sdelay $0x1  }
0x19: {  	s24 =	simm.s32 $0x1B8B  }
0x1a: {  	_ =	swait.ge [sflag:s24], $0x1  }
0x1b: {  	[sflag:s24] =	ssyncset.done $0x0  }
0x1c: {  	s26 =	simm.s32 $0x1B8E;
	s25 =	sld [smem:$0x3FFE];
	[sflag:s24] =	ssyncadd.s32 $0xFFFFFFFF  }
0x1d: {  	s27 =	simm.s32 $execute0_lowered;
	[smem:$0x3FD2] =	sst s26  }
0x1e: {  	s5 =	sshll.u32 s27, $0x1;
	_ =	strace $0x80000049;
	[dreg:$0x1] =	wrdreg $0xFFFFFFFF  }
0x1f: {  	s28 =	simm.s32 $_size_execute0_lowered;
	s3 =	sadd.s32 s3, s5;
	[dreg:$0x0] =	wrdreg $0x0  }
0x20: {  	s5 =	sshll.u32 s28, $0x1;
	[dreg:$0x2] =	wrdreg s3  }
0x21: {  	[dreg:$0x3] =	wrdreg s5  }
0x22: {  	[dreg:$0x4] =	wrdreg $0xC0  }
0x23: {  	_ =	task [dreg:s7], $0x5FFFF  }
0x24: {  	[dreg:$0x1] =	wrdreg $0xFFFFFFFF  }
0x25: {  	[dreg:$0x0] =	wrdreg $0x60  }
0x26: {  	[dreg:$0x2] =	wrdreg s25  }
0x27: {  	[dreg:$0x3] =	wrdreg s2  }
0x28: {  	[dreg:$0x4] =	wrdreg $0x9  }
0x29: {  	_ =	task.clear_ibuf [dreg:s7], $0x5FFFF;
	_ =	strace $0x90000049  }
0x2a: {  	s29 =	simm.s32 $0x9;
	_ =	strace $0x8000004B  }
0x2b: {  	_ =	swait.ge [sflag:s29], $0x1  }
0x2c: {  	[sflag:s29] =	ssyncadd.s32 $0xFFFFFFFF  }
0x2d: {  	_ =	strace $0x9000004B  }
0x2e: {  	_ =	sfence  }
0x2f: {  	s30 =	sld [smem:$0x0];
	_ =	sdelay $0x2  }
0x30: {  	s31 =	sshll.u32 s1, $0xD;
	s1 =	sshrl.u32 s1, $0x2  }
0x31: {  	s3 =	sand.u32 $0x4000, s31;
	s1 =	sadd.s32 s1, s30  }
0x32: {  	s0 =	sor.u32 s3, s0;
	s1 =	sshll.u32 s1, $0x11  }
0x33: {  	s0 =	sor.u32 s1, s0  }
0x34: {  	s0 =	sadd.s32 $0x8F2B, s0  }
0x35: {  	[sflag:s0] =	ssyncadd.remote.s32 $0x1  }
0x36: {  	_ =	sfence.sel $0xFFFF  }
0x37: {  	[dreg:$0x0] =	wrdreg $0xFFFFFFFF;
	(pc) =	sbr.abs _section_cstart, $3  }
0x38: {  	[dreg:$0x1] =	wrdreg $0xFFFFFFFF  }
0x39: {  	_ =	task.clear_ibuf [dreg:s7], $0x2FFFF;
	_ =	strace $0x9FFFFFFF  }
0x3a: {  	(tm) =	ssettm $0x7FFFFFFF  }
0x3b: {  	_ =	shalt  }
tec
execute0_lowered:
.L_overlay_start_1:
0x0: {  	(tag) =	ssettag $0x1  }
0x1: {  	s0 =	rddreg [dreg:$0x0];
	s1 =	srdreg.scid;
	_ =	strace $0x8000004A  }
0x2: {  	s2 =	stileid.u32;
	s30 =	simm.s32 $0x1;
	s31 =	simm.s32 $0x2  }
0x3: {  	s13 =	simm.s32 $0x0;
	p0 =	por $0x0, $0x0;
	s17 =	simm.s32 $0x0  }
.Ltmp0:
0x4: {  	s8 =	simm.s32 $0x0;
	s1 =	sshll.u32 s1, $0x4;
	(pc) =	sbr.rel .LBB1_1-.Ltmp0, $4  }
0x5: {  	s9 =	simm.s32 $0x0;
	s10 =	simm.s32 $0x0;
	s1 =	sand.u32 $0x10, s1  }
0x6: {  	s7 =	simm.s32 $0x0;
	s5 =	sadd.s32 $0x64A400, s0;
	s29 =	sor.u32 s2, s1  }
0x7: {  	[sflag:s30] =	ssyncpa.u1 $0x0;
	[dreg:$0x3] =	wrdreg s5;
	s12 =	sshll.u32 s29, $0x7  }
0x8: {  	[sflag:s31] =	ssyncpa.u1 $0x0;
	s11 =	smov.u32 s12;
	[dreg:$0x4] =	wrdreg s12  }
.LBB1_12:
0x9: {  	s2 =	rddreg [dreg:$0x7]  }
0xa: {  	p1 =	sgt.s32 s8, $0x594;
	s0 =	smov.u32 s8;
	s3 =	rddreg [dreg:$0x6]  }
0xb: {  	s1 =	smov.u32 s9;
	s25 =	rddreg [dreg:$0x8];
	s26 =	sshrl.u32 s9, $0x3  }
0xc: {  	s28 =	sshll.u32 s8, $0xB;
	s4 =	rddreg [dreg:$0x1];
	s29 =	sand.u32 $0x7, s9  }
0xd: {  	s31 =	simm.s32 $0x4000;
	s0 =	simm.s32 @!p1 $0x594;
	p1 =	sgt.s32 s9, $0x3F80  }
0xe: {  	s5 =	rddreg [dreg:$0x3];
	s0 =	sadd.s32 s2, s0;
	s1 =	simm.s32 @!p1 $0x3F80  }
0xf: {  	s12 =	rddreg [dreg:$0x4];
	s2 =	sadd.s32 $0xFFFFFA6C, s0;
	s1 =	sadd.s32 s3, s1  }
0x10: {  	s0 =	ssub.s32 $0x614, s0;
	p1 =	sgt.s32 s2, $0x7F;
	s24 =	sadd.s32 $0xFFFFC080, s1  }
0x11: {  	s1 =	ssub.s32 $0x4000, s1;
	s0 =	simm.s32 @p1 $0x0;
	p1 =	sgt.s32 s24, $0x7F  }
0x12: {  	s17 =	rddreg [dreg:$0x5];
	s2 =	smul.u32 $0x10200, s25;
	s1 =	simm.s32 @p1 $0x0  }
0x13: {  	s27 =	sand.u32 $0x7FF, s26;
	s30 =	sshll.u32 s29, $0x12;
	s0 =	smul.u32 s1, s0  }
0x14: {  	s3 =	sor.u32 $0x80, s30;
	s2 =	sshrl.u32 s2, $0x2;
	s1 =	sadd.s32 s4, s27  }
0x15: {  	s2 =	sor.u32 $0x8000, s2;
	s1 =	sadd.s32 s28, s1;
	s0 =	sand.u32 $0x3FFFFFFF, s0  }
0x16: {  	[hbm4b:s1+s3] =	stream.strided.scatter [tilespmem:s2], [sflag:$0x2], s0, s31, s3, $0x20;
	[tilespmem:$0x10100] =	vst v63  }
.LBB1_13:
0x17: {  	p1 =	slt.u32 s7, $0x2  }
0x18: {  	s1 =	smov.u32 s13;
	s2 =	smov.u32 s17;
	p2 =	sgt.s32 @!p1 s13, $0x594  }
0x19: {  	s0 =	sshra.s32 @!p1 s13, $0x1F;
	p3 =	sgt.s32 @!p1 s17, $0x3F80;
	s3 =	sshra.s32 @!p1 s17, $0x1F  }
0x1a: {  	p2 =	por !p2, p1;
	s0 =	sand.u32 @!p1 s0, s13;
	p3 =	por !p3, p1  }
0x1b: {  	s3 =	sand.u32 @!p1 s3, s17;
	s1 =	simm.s32 @p2 $0x594;
	s2 =	simm.s32 @p3 $0x3F80  }
0x1c: {  	s0 =	ssub.s32 @!p1 s1, s0;
	s1 =	ssub.s32 @!p1 s2, s3  }
0x1d: {  	s2 =	sadd.s32 @!p1 $0xFFFFFA6C, s0;
	s3 =	sadd.s32 @!p1 $0xFFFFC080, s1  }
0x1e: {  	s0 =	ssub.s32 @!p1 $0x614, s0;
	p2 =	sgt.s32 @!p1 s2, $0x7F;
	p3 =	sgt.s32 @!p1 s3, $0x7F  }
0x1f: {  	s1 =	ssub.s32 @!p1 $0x4000, s1;
	p2 =	por !p2, p1;
	p3 =	por !p3, p1  }
0x20: {  	s0 =	simm.s32 @!p2 $0x0;
	s1 =	simm.s32 @!p3 $0x0  }
0x21: {  	s0 =	smul.u32 @!p1 s1, s0;
	s1 =	sadd.s32 $0x80, s10  }
0x22: {  	s4 =	smov.u32 s11;
	s3 =	sadd.s32 $0x1000, s11;
	p2 =	sgt.s32 s1, $0x613  }
0x23: {  	s4 =	smov.u32 @p2 s3  }
0x24: {  	s7 =	sadd.s32 $0x1, s7;
	s1 =	simm.s32 @p2 $0x0;
	p2 =	sgt.s32 s4, $0x3FE3  }
0x25: {  	s4 =	smov.u32 @p2 s12;
	p2 =	sne.s32 s7, $0x36  }
.Ltmp1:
0x26: {  	p0 =	por !p0, !p0;
	(pc) =	sbr.rel @!p2 .LBB1_14-.Ltmp1, $4  }
0x27: {  	s13 =	smov.u32 s8;
	s2 =	simm.s32 @!p1 $0x2;
	s0 =	sand.u32 @!p1 $0x3FFFFFFF, s0  }
0x28: {  	s17 =	smov.u32 s9;
	s8 =	smov.u32 s10;
	_ =	swait.ge @!p1 [sflag:s2], s0  }
0x29: {  	s9 =	smov.u32 s11;
	s0 =	ssub.s32 @!p1 $0x0, s0;
	[sflag:s2] =	ssyncset.done @!p1 $0x0  }
0x2a: {  	s10 =	smov.u32 s1;
	[sflag:s2] =	ssyncadd.s32 @!p1 s0;
	s11 =	smov.u32 s4  }
.LBB1_1:
0x2b: {  	p1 =	sgt.u32 s7, $0x33  }
0x2c: {  	s6 =	smov.u32 s11;
	s15 =	smov.u32 s10;
	s0 =	sshrl.u32 @!p1 s11, $0x3  }
0x2d: {  	s1 =	sshll.u32 @!p1 s10, $0x3;
	s2 =	sshll.u32 @!p1 s11, $0x7;
	s0 =	smul.u32 @!p1 $0x3400, s0  }
0x2e: {  	p2 =	sgt.s32 @!p1 s11, $0x3F68;
	s14 =	sshra.s32 @!p1 s11, $0x1F;
	s1 =	sand.u32 @!p1 $0xFFFFFC00, s1  }
0x2f: {  	s16 =	sshra.s32 @!p1 s10, $0x1F;
	s0 =	sadd.s32 @!p1 s0, s1;
	s1 =	sand.u32 @!p1 $0x380, s2  }
0x30: {  	p2 =	por !p2, p1;
	s2 =	sand.u32 @!p1 $0x7F, s10;
	s0 =	sor.u32 @!p1 s1, s0  }
0x31: {  	s6 =	simm.s32 @p2 $0x3F68;
	p2 =	sgt.s32 @!p1 s10, $0x600;
	s1 =	sor.u32 @!p1 s2, s0  }
0x32: {  	s14 =	sand.u32 @!p1 s14, s11;
	p2 =	por !p2, p1;
	s2 =	smulhi.u32 @!p1 $0x4EC4EC4F, s1  }
0x33: {  	s16 =	sand.u32 @!p1 s16, s10;
	s15 =	simm.s32 @p2 $0x600;
	s0 =	smulhi.u32 @!p1 $0x4EC4EC4F, s0  }
0x34: {  	s6 =	ssub.s32 @!p1 s6, s14;
	s15 =	ssub.s32 @!p1 s15, s16;
	s2 =	sshrl.u32 @!p1 s2, $0x9  }
0x35: {  	s16 =	sadd.s32 @!p1 $0xFFFFFA00, s15;
	s0 =	sshrl.u32 @!p1 s0, $0x9;
	s2 =	smul.u32 @!p1 $0x680, s2  }
0x36: {  	s15 =	ssub.s32 @!p1 $0x680, s15;
	p3 =	sgt.s32 @!p1 s16, $0x7F;
	s14 =	smulhi.u32 @!p1 $0x200C05, s0  }
0x37: {  	p3 =	por !p3, p1;
	s1 =	ssub.s32 @!p1 s1, s2;
	s2 =	sadd.s32 @!p1 $0xFFFFC098, s6  }
0x38: {  	s6 =	ssub.s32 @!p1 $0x3FE8, s6;
	p2 =	sgt.s32 @!p1 s2, $0x7F;
	s2 =	sshrl.u32 @!p1 s14, $0x3  }
0x39: {  	s14 =	sxor.u32 @!p1 $0xFFFFFFFF, s7;
	s2 =	smul.u32 @!p1 $0x3FE8, s2;
	p2 =	por !p2, p1  }
0x3a: {  	s15 =	simm.s32 @!p3 $0x0;
	s14 =	sshll.u32 @!p1 s14, $0xE;
	s6 =	simm.s32 @!p2 $0x0  }
0x3b: {  	s14 =	sand.u32 @!p1 $0x4000, s14;
	s0 =	ssub.s32 @!p1 s0, s2;
	s2 =	smul.u32 @!p1 s6, s15  }
0x3c: {  	s6 =	sshrl.u32 @!p1 s1, $0x3;
	s1 =	sand.u32 @!p1 $0x7, s1;
	s0 =	smul.u32 @!p1 $0xD0, s0  }
0x3d: {  	s6 =	sadd.s32 @!p1 s5, s6;
	s1 =	sshll.u32 @!p1 s1, $0x12;
	s2 =	sand.u32 @!p1 $0x3FFFFFFF, s2  }
0x3e: {  	s1 =	sor.u32 @!p1 $0x400, s1;
	s0 =	sadd.s32 @!p1 s0, s6;
	s6 =	simm.s32 @!p1 $0x3400  }
0x3f: {  	[tilespmem:s14], [sflag:$0x1] =	stream.strided.gather @!p1 [hbm4b:s0+s1], s2, s6, s1, $0x38;
	[tilespmem:$0x10100] =	vst v63  }
0x40: {  	p1 =	seq.s32 s7, $0x0  }
0x41: {  	p2 =	seq.s32 @!p1 s7, $0x35  }
0x42: {  	p1 =	por p1, p2  }
.Ltmp2:
0x43: {  	_ = 	snop;
	(pc) =	sbr.rel @p1 .LBB1_13-.Ltmp2, $1  }
0x44: {  	_ =	sdelay $0x3  }
0x45: {  	s0 =	ssub.s32 $0x0, s9;
	s1 =	sshra.s32 s9, $0x1F;
	p1 =	sgt.s32 s9, $0x3F68  }
0x46: {  	s2 =	smov.u32 s9;
	s26 =	ssub.s32 $0x0, s8;
	s27 =	sshra.s32 s8, $0x1F  }
0x47: {  	s6 =	smov.u32 s8;
	s3 =	sand.u32 s0, s1;
	s2 =	simm.s32 @!p1 $0x3F68  }
0x48: {  	p1 =	sgt.s32 s8, $0x600;
	s1 =	sand.u32 s26, s27;
	s2 =	sadd.s32 s3, s2  }
0x49: {  	s6 =	simm.s32 @!p1 $0x600;
	[dreg:$0x7] =	wrdreg s1;
	s28 =	sadd.s32 $0xFFFFC098, s2  }
0x4a: {  	s1 =	sadd.s32 s1, s6;
	s2 =	ssub.s32 $0x3FE8, s2;
	p1 =	sgt.s32 s28, $0x7F  }
0x4b: {  	s29 =	sadd.s32 $0xFFFFFA00, s1;
	s0 =	ssub.s32 $0x680, s1;
	s1 =	sadd.s32 $0x80, s9  }
0x4c: {  	s2 =	simm.s32 @p1 $0x0;
	p1 =	slt.s32 s1, $0x3FE4  }
0x4d: {  	p2 =	sgt.s32 s29, $0x7F;
	s1 =	simm.s32 @!p1 $0x3FE4  }
0x4e: {  	[dreg:$0x5] =	wrdreg s17;
	s0 =	simm.s32 @p2 $0x0;
	s17 =	ssub.s32 s1, s9  }
0x4f: {  	s0 =	smul.u32 s2, s0;
	p1 =	slt.s32 s17, $0x1  }
.Ltmp3:
0x50: {  	_ = 	snop;
	(pc) =	sbr.rel @p1 .LBB1_12-.Ltmp3, $4  }
0x51: {  	s30 =	simm.s32 $0x1;
	[dreg:$0x6] =	wrdreg s3;
	s0 =	sand.u32 $0x3FFFFFFF, s0  }
0x52: {  	_ =	swait.ge [sflag:s30], s0  }
0x53: {  	s31 =	sand.u32 $0x1, s7;
	s0 =	ssub.s32 $0x0, s0;
	[sflag:s30] =	ssyncset.done $0x0  }
0x54: {  	[dreg:$0x8] =	wrdreg s31;
	[sflag:s30] =	ssyncadd.s32 s0  }
0x55: {  	s0 =	sadd.s32 $0x80, s8  }
0x56: {  	p1 =	slt.s32 s0, $0x614  }
0x57: {  	s0 =	simm.s32 @!p1 $0x614  }
0x58: {  	s1 =	simm.s32 $0x1;
	s0 =	ssub.s32 s0, s8  }
0x59: {  	s1 =	simm.s32 @!p0 $0x0;
	s0 =	sadd.s32 $0xF, s0  }
0x5a: {  	s1 =	smul.u32 $0x10200, s1;
	s2 =	sshrl.u32 s0, $0x8  }
0x5b: {  	s3 =	rddreg [dreg:$0x8];
	s6 =	smul.u32 $0x20400, s2  }
.Ltmp4:
0x5c: {  	s24 =	simm.s32 $0x0;
	s25 =	simm.s32 $0x0;
	(pc) =	sbr.rel .LBB1_4-.Ltmp4, $4  }
0x5d: {  	s26 =	simm.s32 $0x0;
	s20 =	sshll.u32 s3, $0xE;
	s18 =	sand.u32 $0xFFFFFFF0, s0  }
0x5e: {  	s19 =	sand.u32 $0xFFFFFF00, s0;
	p1 =	slt.s32 s0, $0x100;
	s6 =	sadd.s32 s1, s6  }
0x5f: {  	s23 =	sshll.u32 s2, $0xB;
	s1 =	sshrl.u32 s1, $0x2;
	s6 =	sshra.s32 s6, $0x2  }
0x60: {  	p2 =	sge.s32 s19, s18;
	s21 =	sadd.s32 $0xF8F0, s1;
	s22 =	sadd.s32 $0x8000, s6  }
.LBB1_11:
0x61: {  	s26 =	sadd.s32 $0x1, s26  }
0x62: {  	p3 =	sne.s32 s26, s17  }
.Ltmp5:
0x63: {  	_ = 	snop;
	(pc) =	sbr.rel @!p3 .LBB1_12-.Ltmp5, $2  }
0x64: {  	_ =	sdelay $0x2  }
0x65: {  	s25 =	sadd.s32 $0x80, s25;
	s24 =	sadd.s32 $0x1, s24  }
.LBB1_4:
.Ltmp6:
0x66: {  	(pc) =	sbr.rel @p1 .LBB1_8-.Ltmp6, $2  }
0x67: {  	_ =	sdelay $0x2  }
0x68: {  	s28 =	sand.u32 $0x7F, s24;
	s27 =	sshll.u32 s26, $0x7  }
0x69: {  	s0 =	sand.u32 $0x380, s27  }
0x6a: {  	s1 =	sadd.s32 s0, s20  }
0x6b: {  	s5 =	simm.s32 $0x480;
	s2 =	simm.s32 $0x700;
	s6 =	simm.s32 $0x500;
	v0 =	vmov s1  }
0x6c: {  	s30 =	simm.s32 $0x580;
	s31 =	simm.s32 $0x600;
	s4 =	simm.s32 $0x680  }
0x6d: {  	p3 =	sgt.s32 s19, $0x100;
	s0 =	simm.s32 $0x780;
	s2 =	sand.u32 $0x3C00, s2  }
0x6e: {  	s6 =	sand.u32 $0x3C00, s6;
	s2 =	sadd.s32 s27, s2;
	s1 =	sand.u32 $0x3C00, s5  }
0x6f: {  	s30 =	sand.u32 $0x3C00, s30;
	s2 =	sand.u32 $0x3C00, s2;
	s1 =	sadd.s32 s27, s1  }
0x70: {  	s14 =	sand.u32 $0x3C00, s31;
	s12 =	sadd.s32 s27, s6;
	s1 =	sand.u32 $0x3C00, s1;
	v3 =	vld.idx.msk [tilespmem:v0+s2+$0x60 ss:$0x1], $0xffff  }
0x71: {  	s16 =	sand.u32 $0x3C00, s4;
	s30 =	sadd.s32 s27, s30;
	s15 =	sand.u32 $0x3C00, s12;
	v7 =	vld.idx.msk [tilespmem:v0+s1+$0x10 ss:$0x1], $0xffff  }
0x72: {  	s3 =	sadd.s32 s27, s14;
	s5 =	sand.u32 $0x3C00, s30;
	s12 =	sadd.s32 $0x780, s25;
	v1 =	vld.idx.msk [tilespmem:v0+s15+$0x20 ss:$0x1], $0xffff  }
.Ltmp7:
0x73: {  	s4 =	sand.u32 $0x3C00, s3;
	s14 =	sadd.s32 $0xFFFFF880, s12;
	v6 =	vld.idx.msk [tilespmem:v0+s5+$0x30 ss:$0x1], $0xffff;
	(pc) =	sbr.rel @!p3 .LBB1_7-.Ltmp7, $4  }
0x74: {  	s2 =	sadd.s32 s27, s16;
	v4 =	vld.idx.msk [tilespmem:v0+s4+$0x40 ss:$0x1], $0xffff;
	s15 =	sand.u32 $0x3C00, s0;
	s0 =	sand.u32 $0x3C00, s14  }
0x75: {  	s29 =	sadd.s32 s28, s21;
	s31 =	simm.s32 $0x100;
	s2 =	sand.u32 $0x3C00, s2;
	v5 =	vld.idx.msk [tilespmem:v0+s0+$0x10 ss:$0x1], $0xffff  }
0x76: {  	s30 =	smov.u32 s29;
	s1 =	sadd.s32 $0xFFFFFC80, s12;
	s16 =	sadd.s32 s27, s15;
	v2 =	vld.idx.msk [tilespmem:v0+s2+$0x50 ss:$0x1], $0xffff;
	[tilespmem:s29+$0xFFFFF7F0 ss:$0x81] =	vst.msk $0xffff, v3  }
0x77: {  	s6 =	sand.u32 $0x3C00, s1;
	s1 =	sand.u32 $0x3C00, s16;
	s2 =	simm.s32 $0xF80;
	v3 =	vld.idx.msk [tilespmem:v0+s0+$0x0 ss:$0x1], $0xffff;
	[tilespmem:s29+$0xFFFFCFA0 ss:$0x81] =	vst.msk $0xffff, v7  }
.LBB1_6:
0x78: {  	s4 =	sadd.s32 $0xFFFFFD00, s2;
	s3 =	sadd.s32 $0xFFFFFF80, s2;
	s31 =	sadd.s32 $0x100, s31;
	v7 =	vld.idx.msk [tilespmem:v0+s0+$0x20 ss:$0x1], $0xffff;
	[tilespmem:s29+$0xFFFFD7B0 ss:$0x81] =	vst.msk $0xffff, v1  }
0x79: {  	s5 =	sadd.s32 $0xFFFFFD80, s2;
	s3 =	sand.u32 $0x3C00, s3;
	p3 =	slt.s32 s31, s19;
	v1 =	vld.idx.msk [tilespmem:v0+s0+$0x30 ss:$0x1], $0xffff;
	[tilespmem:s29+$0xFFFFDFC0 ss:$0x81] =	vst.msk $0xffff, v6  }
0x7a: {  	s16 =	sadd.s32 $0xFFFFFE00, s2;
	s14 =	sadd.s32 $0xFFFFFE80, s2;
	s3 =	sadd.s32 s27, s3;
	v6 =	vld.idx.msk [tilespmem:v0+s0+$0x40 ss:$0x1], $0xffff;
	[tilespmem:s29+$0xFFFFE7D0 ss:$0x81] =	vst.msk $0xffff, v4  }
0x7b: {  	s15 =	sadd.s32 $0xFFFFFF00, s2;
	s4 =	sand.u32 $0x3C00, s4;
	s3 =	sand.u32 $0x3C00, s3;
	v4 =	vld.idx.msk [tilespmem:v0+s0+$0x50 ss:$0x1], $0xffff;
	[tilespmem:s29+$0xFFFFEFE0 ss:$0x81] =	vst.msk $0xffff, v2  }
0x7c: {  	s5 =	sand.u32 $0x3C00, s5;
	s16 =	sand.u32 $0x3C00, s16;
	s14 =	sand.u32 $0x3C00, s14;
	v2 =	vld.idx.msk [tilespmem:v0+s3+$0x60 ss:$0x1], $0xffff;
	[tilespmem:s29+$0xFFFF8710 ss:$0x81] =	vst.msk $0xffff, v3  }
0x7d: {  	s12 =	sand.u32 $0x3C00, s2;
	s15 =	sand.u32 $0x3C00, s15;
	s3 =	sadd.s32 s2, s25;
	[tilespmem:s29+$0xFFFF8F20 ss:$0x81] =	vst.msk $0xffff, v5;
	v3 =	vld.idx.msk [tilespmem:v0+s0+$0x60 ss:$0x1], $0xffff  }
0x7e: {  	s4 =	sadd.s32 s27, s4;
	s5 =	sadd.s32 s27, s5;
	s16 =	sadd.s32 s27, s16;
	[tilespmem:s29+$0xFFFF9730 ss:$0x81] =	vst.msk $0xffff, v7;
	v5 =	vld.idx.msk [tilespmem:v0+s0+$0x70 ss:$0x1], $0xffff  }
0x7f: {  	s14 =	sadd.s32 s27, s14;
	s15 =	sadd.s32 s27, s15;
	s0 =	sadd.s32 $0xFFFFF880, s3;
	[tilespmem:s29+$0xFFFF9F40 ss:$0x81] =	vst.msk $0xffff, v1;
	v7 =	vld.idx.msk [tilespmem:v0+s6+$0x0 ss:$0x1], $0xffff  }
0x80: {  	s12 =	sadd.s32 s27, s12;
	s4 =	sand.u32 $0x3C00, s4;
	s3 =	sadd.s32 $0xFFFFFC80, s3;
	[tilespmem:s29+$0xFFFFA750 ss:$0x81] =	vst.msk $0xffff, v6;
	v8 =	vld.idx.msk [tilespmem:v0+s1+$0x70 ss:$0x1], $0xffff  }
0x81: {  	s1 =	sand.u32 $0x3C00, s5;
	s29 =	sadd.s32 $0x8100, s29;
	v9 =	vld.idx.msk [tilespmem:v0+s4+$0x10 ss:$0x1], $0xffff;
	s4 =	sand.u32 $0x3C00, s16;
	[tilespmem:s30+$0xFFFFAF60 ss:$0x81] =	vst.msk $0xffff, v4  }
0x82: {  	s0 =	sand.u32 $0x3C00, s0;
	s5 =	sand.u32 $0x3C00, s14;
	s14 =	sand.u32 $0x3C00, s15;
	v1 =	vld.idx.msk [tilespmem:v0+s1+$0x20 ss:$0x1], $0xffff;
	[tilespmem:s29+$0xFFFFF7F0 ss:$0x81] =	vst.msk $0xffff, v2  }
.Ltmp8:
0x83: {  	s6 =	sand.u32 $0x3C00, s3;
	s1 =	sand.u32 $0x3C00, s12;
	v6 =	vld.idx.msk [tilespmem:v0+s4+$0x30 ss:$0x1], $0xffff;
	[tilespmem:s30+$0xFFFFB770 ss:$0x81] =	vst.msk $0xffff, v3;
	(pc) =	sbr.rel @p3 .LBB1_6-.Ltmp8, $4  }
0x84: {  	v4 =	vld.idx.msk [tilespmem:v0+s5+$0x40 ss:$0x1], $0xffff;
	[tilespmem:s30+$0xFFFFBF80 ss:$0x81] =	vst.msk $0xffff, v5  }
0x85: {  	v2 =	vld.idx.msk [tilespmem:v0+s14+$0x50 ss:$0x1], $0xffff;
	[tilespmem:s30+$0xFFFFC790 ss:$0x81] =	vst.msk $0xffff, v7  }
0x86: {  	v3 =	vld.idx.msk [tilespmem:v0+s0+$0x0 ss:$0x1], $0xffff;
	[tilespmem:s30+$0x0 ss:$0x81] =	vst.msk $0xffff, v8;
	s30 =	smov.u32 s29  }
0x87: {  	s2 =	sadd.s32 $0x800, s2;
	v5 =	vld.idx.msk [tilespmem:v0+s0+$0x10 ss:$0x1], $0xffff;
	[tilespmem:s29+$0xFFFFCFA0 ss:$0x81] =	vst.msk $0xffff, v9  }
.LBB1_7:
0x88: {  	_ =	sdelay $0x2  }
0x89: {  	[tilespmem:s29+$0xFFFFD7B0 ss:$0x81] =	vst.msk $0xffff, v1  }
0x8a: {  	v56 =	vld.idx.msk [tilespmem:v0+s0+$0x20 ss:$0x1], $0xffff;
	[tilespmem:s29+$0xFFFFDFC0 ss:$0x81] =	vst.msk $0xffff, v6  }
0x8b: {  	v57 =	vld.idx.msk [tilespmem:v0+s0+$0x30 ss:$0x1], $0xffff;
	[tilespmem:s29+$0xFFFFE7D0 ss:$0x81] =	vst.msk $0xffff, v4  }
0x8c: {  	v58 =	vld.idx.msk [tilespmem:v0+s0+$0x40 ss:$0x1], $0xffff;
	[tilespmem:s29+$0xFFFFEFE0 ss:$0x81] =	vst.msk $0xffff, v2  }
0x8d: {  	v59 =	vld.idx.msk [tilespmem:v0+s0+$0x50 ss:$0x1], $0xffff;
	[tilespmem:s29+$0xFFFF8710 ss:$0x81] =	vst.msk $0xffff, v3  }
0x8e: {  	v60 =	vld.idx.msk [tilespmem:v0+s0+$0x60 ss:$0x1], $0xffff;
	[tilespmem:s29+$0xFFFF8F20 ss:$0x81] =	vst.msk $0xffff, v5  }
0x8f: {  	v61 =	vld.idx.msk [tilespmem:v0+s0+$0x70 ss:$0x1], $0xffff;
	[tilespmem:s29+$0xFFFF9730 ss:$0x81] =	vst.msk $0xffff, v56  }
0x90: {  	v62 =	vld.idx.msk [tilespmem:v0+s6+$0x0 ss:$0x1], $0xffff;
	[tilespmem:s29+$0xFFFF9F40 ss:$0x81] =	vst.msk $0xffff, v57  }
0x91: {  	v63 =	vld.idx.msk [tilespmem:v0+s1+$0x70 ss:$0x1], $0xffff;
	[tilespmem:s29+$0xFFFFA750 ss:$0x81] =	vst.msk $0xffff, v58  }
0x92: {  	[tilespmem:s30+$0xFFFFAF60 ss:$0x81] =	vst.msk $0xffff, v59  }
0x93: {  	[tilespmem:s30+$0xFFFFB770 ss:$0x81] =	vst.msk $0xffff, v60  }
0x94: {  	[tilespmem:s30+$0xFFFFBF80 ss:$0x81] =	vst.msk $0xffff, v61  }
0x95: {  	[tilespmem:s30+$0xFFFFC790 ss:$0x81] =	vst.msk $0xffff, v62  }
0x96: {  	[tilespmem:s30+$0x0 ss:$0x81] =	vst.msk $0xffff, v63  }
.LBB1_8:
.Ltmp9:
0x97: {  	(pc) =	sbr.rel @p2 .LBB1_11-.Ltmp9, $1  }
0x98: {  	_ =	sdelay $0x3  }
0x99: {  	s1 =	sand.u32 $0x380, s27;
	s0 =	sadd.s32 s28, s22  }
0x9a: {  	s2 =	smov.u32 s23;
	s6 =	smov.u32 s19;
	s1 =	sadd.s32 s1, s20  }
.LBB1_10:
0x9b: {  	s3 =	sand.u32 $0x3C00, s2  }
0x9c: {  	s3 =	sadd.s32 s27, s3  }
0x9d: {  	s3 =	sand.u32 $0x3C00, s3  }
0x9e: {  	s4 =	sand.u32 $0x70, s6;
	s3 =	sadd.s32 s3, s1  }
0x9f: {  	s6 =	sadd.s32 $0x10, s6;
	s3 =	sadd.s32 s4, s3  }
0xa0: {  	p3 =	slt.s32 s6, s18;
	v0 =	vld [tilespmem:s3+$0x0]  }
.Ltmp10:
0xa1: {  	_ = 	snop;
	(pc) =	sbr.rel @p3 .LBB1_10-.Ltmp10, $2  }
0xa2: {  	_ =	sdelay $0x2  }
0xa3: {  	s2 =	sadd.s32 $0x80, s2;
	[tilespmem:s0+$0x0 ss:$0x81] =	vst.msk $0xffff, v0;
	s0 =	sadd.s32 $0x810, s0  }
.Ltmp11:
0xa4: {  	_ = 	snop;
	(pc) =	sbr.rel .LBB1_11-.Ltmp11, $1  }
0xa5: {  	_ =	sdelay $0x3  }
.LBB1_14:
0xa6: {  	_ =	sfence.sel $0x180000  }
0xa7: {  	s0 =	simm.s32 $0x1;
	[bflag:$0x0] =	sbarrier.arrive $0xFFFF  }
0xa8: {  	s30 =	simm.s32 $0x2;
	[sflag:s0] =	ssyncpa.u1 $0x1  }
0xa9: {  	[sflag:s30] =	ssyncpa.u1 $0x1  }
0xaa: {  	_ =	strace $0x9000004A  }
0xab: {  	s31 =	stileid.u32;
	[bflag:$0x2] =	sbarrier.arrive $0xFFFF  }
0xac: {  	p0 =	sne.s32 s31, $0x0;
	s0 =	rddreg [dreg:$0x2]  }
0xad: {  	s0 =	sadd.s32 @!p0 $0x100000, s0  }
0xae: {  	[sflag:s0] =	ssyncadd.tile.s32 @!p0 $0x1;
	_ =	shalt  }
.Lfunc_end1:
_tile_overlayer_lowered:
.L_overlay_start_2:
0xaf: {  	(tag) =	ssettag $0x2  }
0xb0: {  	s0 =	rddreg [dreg:$0x0];
	s2 =	stileid.u32  }
0xb1: {  	s1 =	rddreg [dreg:$0x1];
	p0 =	sne.s32 s2, $0x0  }
0xb2: {  	s3 =	rddreg [dreg:$0x2];
	[bflag:$0x3] =	sbarrier.arrive $0xFFFF;
	s2 =	simm.s32 @!p0 $0x1C01  }
0xb3: {  	[timem:s3], [sflag:s2] =	dma.local @!p0 [hbm:s0], s1  }
0xb4: {  	s0 =	simm.s32 @!p0 $0x1  }
0xb5: {  	_ =	swait.ge @!p0 [sflag:s0], s1  }
0xb6: {  	s1 =	ssub.s32 @!p0 $0x0, s1;
	[sflag:s0] =	ssyncset.done @!p0 $0x0  }
0xb7: {  	[sflag:s0] =	ssyncadd.s32 @!p0 s1  }
0xb8: {  	[bflag:$0x3] =	sbarrier.arrive $0xFFFF  }
0xb9: {  	_ =	shalt  }

</sc_bundles>
